<compile_context>
chip_gen: v7x
topology: tpu7x:2x2x1
jax: 0.10.2.dev20260603
libtpu: 0.0.44.dev20260713+nightly
codegen_flags: <defaults>
</compile_context>

<pallas_src>
import functools

import jax
import jax.numpy as jnp
from jax import lax
from jax.experimental import pallas as pl
from jax.experimental.pallas import tpu as pltpu
from jax.experimental.pallas import tpu_sc as plsc

NUM_CORES = 2
NUM_SUBCORES = 16
NUM_TILES = NUM_CORES * NUM_SUBCORES
CHUNK = 128


NBUF = 4
NC_FAST = 128
NC_SLOW = 32


def _make_spmm(n_pad, d):
  rows_per_tile = n_pad // NUM_SUBCORES
  mesh = plsc.VectorSubcoreMesh(core_axis_name="c", subcore_axis_name="s")

  @functools.partial(
      pl.kernel,
      out_type=jax.ShapeDtypeStruct((NUM_CORES, n_pad, d), jnp.float32),
      mesh=mesh,
      compiler_params=pltpu.CompilerParams(use_tc_tiling_on_sc=False),
      scratch_types=[
          pltpu.VMEM_SHARED((n_pad, d), jnp.float32),
          pltpu.VMEM((NC_FAST * CHUNK,), jnp.int32),
          pltpu.VMEM((NC_FAST, 1, CHUNK), jnp.int32),
          [pltpu.VMEM((CHUNK, d), jnp.float32) for _ in range(NBUF)],
          [pltpu.SemaphoreType.DMA for _ in range(NBUF)],
          [pltpu.SemaphoreType.DMA for _ in range(NBUF)],
          pltpu.SemaphoreType.DMA,
      ],
  )
  def spmm(src_hbm, dst_hbm, v_hbm, zeros_hbm, out_hbm,
           acc, src_v, dst_v, bufs, gsems, ssems, sem):
    c = lax.axis_index("c")
    s = lax.axis_index("s")
    row0 = s * rows_per_tile
    base_fast = s * NC_FAST
    base_slow = NUM_SUBCORES * NC_FAST + s * NC_SLOW

    @pl.when(c == 0)
    def _():
      pltpu.async_copy(
          src_hbm.at[pl.ds(base_fast * CHUNK, NC_FAST * CHUNK)], src_v, sem)
      pltpu.async_copy(dst_hbm.at[pl.ds(base_fast, NC_FAST)], dst_v, sem)

    @pl.when(c == 1)
    def _():
      pltpu.async_copy(
          src_hbm.at[pl.ds(base_slow * CHUNK, NC_SLOW * CHUNK)],
          src_v.at[pl.ds(0, NC_SLOW * CHUNK)], sem)
      pltpu.async_copy(dst_hbm.at[pl.ds(base_slow, NC_SLOW)],
                       dst_v.at[pl.ds(0, NC_SLOW)], sem)

    pltpu.sync_copy(zeros_hbm.at[pl.ds(row0, rows_per_tile)],
                    acc.at[pl.ds(row0, rows_per_tile)])

    @pl.when(c == 0)
    def _():
      pltpu.make_async_copy(
          src_hbm.at[pl.ds(base_fast * CHUNK, NC_FAST * CHUNK)], src_v,
          sem).wait()
      pltpu.make_async_copy(dst_hbm.at[pl.ds(base_fast, NC_FAST)], dst_v,
                            sem).wait()

    @pl.when(c == 1)
    def _():
      pltpu.make_async_copy(
          src_hbm.at[pl.ds(base_slow * CHUNK, NC_SLOW * CHUNK)],
          src_v.at[pl.ds(0, NC_SLOW * CHUNK)], sem).wait()
      pltpu.make_async_copy(dst_hbm.at[pl.ds(base_slow, NC_SLOW)],
                            dst_v.at[pl.ds(0, NC_SLOW)], sem).wait()

    plsc.subcore_barrier()

    def gather(i, k):
      pltpu.async_copy(v_hbm.at[src_v.at[pl.ds(i * CHUNK, CHUNK)]],
                       bufs[k], gsems[k])

    def gather_wait(k):
      pltpu.make_async_copy(v_hbm.at[src_v.at[pl.ds(0, CHUNK)]],
                            bufs[k], gsems[k]).wait()

    def scatter(i, k):
      pltpu.async_copy(bufs[k], acc.at[dst_v.at[i, 0]], ssems[k], add=True)

    def scatter_wait(k):
      pltpu.make_async_copy(bufs[k], acc.at[dst_v.at[0, 0]], ssems[k]).wait()

    my_nc = jnp.where(c == 0, NC_FAST, NC_SLOW)
    n_iters = my_nc // NBUF

    for k in range(NBUF):
      gather(k, k)

    def body(j, _):
      for k in range(NBUF):
        gather_wait(k)
        scatter(j * NBUF + k, k)
      for k in range(NBUF):
        scatter_wait(k)
        gather((j + 1) * NBUF + k, k)
      return 0

    lax.fori_loop(0, n_iters - 1, body, 0)
    for k in range(NBUF):
      gather_wait(k)
      scatter((n_iters - 1) * NBUF + k, k)
    for k in range(NBUF):
      scatter_wait(k)

    plsc.subcore_barrier()
    pltpu.sync_copy(acc.at[pl.ds(row0, rows_per_tile)],
                    out_hbm.at[c, pl.ds(row0, rows_per_tile)])

  return spmm


def _mm_split(pa, pb, wa, wb, b):
  def body(pa_ref, pb_ref, wa_ref, wb_ref, b_ref, o_ref):
    ya = jnp.dot(pa_ref[0] + pa_ref[1], wa_ref[...],
                 preferred_element_type=jnp.float32)
    yb = jnp.dot(pb_ref[0] + pb_ref[1], wb_ref[...],
                 preferred_element_type=jnp.float32)
    o_ref[...] = jnp.maximum(ya + yb + b_ref[...], 0.0)
  return pl.pallas_call(
      body,
      out_shape=jax.ShapeDtypeStruct((pa.shape[1], wa.shape[1]),
                                     jnp.float32),
  )(pa, pb, wa, wb, b)


def _mm_fused(parts, wt, b, activation):
  def body(p_ref, w_ref, b_ref, o_ref):
    h = p_ref[0] + p_ref[1]
    if activation == "relu":
      y = jnp.dot(h, w_ref[...], preferred_element_type=jnp.float32)
      y = jnp.maximum(y + b_ref[...], 0.0)
    else:
      y = jnp.dot(h, w_ref[...], preferred_element_type=jnp.float32,
                  precision=jax.lax.Precision.HIGHEST)
      y = jax.nn.softplus(y + b_ref[...])
    o_ref[...] = y
  return pl.pallas_call(
      body,
      out_shape=jax.ShapeDtypeStruct((parts.shape[1], wt.shape[1]),
                                     jnp.float32),
  )(parts, wt, b)


def kernel(x, edge_index, W1, b1, W2, b2, W_out, b_out):
  n, d_in = x.shape
  e = edge_index.shape[1]
  d_h = W1.shape[0]

  align = NUM_SUBCORES * 8
  n_pad = ((n + align - 1) // align) * align
  if n_pad == n:
    n_pad += align
  total_chunks = NUM_SUBCORES * (NC_FAST + NC_SLOW)
  e_pad = total_chunks * CHUNK
  assert e <= e_pad

  src = jnp.concatenate(
      [edge_index[0], jnp.zeros((e_pad - e,), jnp.int32)])
  pad_dst = (n + jnp.arange(e_pad - e, dtype=jnp.int32) % (n_pad - n))
  dst = jnp.concatenate([edge_index[1], pad_dst])
  dst = dst.reshape(total_chunks, 1, CHUNK)

  zeros_h = jnp.zeros((n_pad, d_h), jnp.float32)

  wt1 = W1.T
  wt2 = W2.T
  wt_out = jnp.pad(W_out, ((0, 15), (0, 0))).T
  b1r = b1.reshape(1, d_h)
  b2r = b2.reshape(1, d_h)
  b_out_r = jnp.broadcast_to(b_out.reshape(1, 1), (1, 16))

  spmm_h = _make_spmm(n_pad, d_h)

  half = d_in // 2
  p1a = spmm_h(src, dst, x[:, :half], zeros_h)
  p1b = spmm_h(src, dst, x[:, half:], zeros_h)
  h1 = _mm_split(p1a, p1b, wt1[:half], wt1[half:], b1r)
  p2 = spmm_h(src, dst, h1, zeros_h)
  h2 = _mm_fused(p2, wt2, b2r, "relu")
  p3 = spmm_h(src, dst, h2, zeros_h)
  out16 = _mm_fused(p3, wt_out, b_out_r, "softplus")
  return out16[:n, :1]

# --- scband reference (transcript-rebuilt; emitter-appended) ---
"""Pipeline reference for scband-simple-gnn-13580686590510 (READ-ONLY COPY).

The authoritative reference and input builder live on the scoring server;
editing this copy changes nothing except your own understanding.
"""

import jax, jax.numpy as jnp
import numpy as np

N = 10000
E = 320000
D_IN = 128
D_H = 64


def setup_inputs(seed: int = 0) -> dict:
    key = jax.random.key(seed)
    ks = jax.random.split(key, 8)
    x = jax.random.normal(ks[0], (N, D_IN), dtype=jnp.float32)
    edge_index = jax.random.randint(ks[1], (2, E), 0, N, dtype=jnp.int32)
    W1 = jax.random.normal(ks[2], (D_H, D_IN), dtype=jnp.float32) * (1.0 / np.sqrt(D_IN))
    b1 = jnp.zeros((D_H,), dtype=jnp.float32)
    W2 = jax.random.normal(ks[3], (D_H, D_H), dtype=jnp.float32) * (1.0 / np.sqrt(D_H))
    b2 = jnp.zeros((D_H,), dtype=jnp.float32)
    W_out = jax.random.normal(ks[4], (1, D_H), dtype=jnp.float32) * (1.0 / np.sqrt(D_H))
    b_out = jnp.zeros((1,), dtype=jnp.float32)
    return {"x": x, "edge_index": edge_index, "W1": W1, "b1": b1, "W2": W2, "b2": b2, "W_out": W_out, "b_out": b_out}


def _spmm(edge_index, h):
    # adj is a binary sparse [N, N] matrix given as an edge list (src, dst):
    # out[dst] += h[src]  ==  torch.sparse.mm(adj, h)
    src = edge_index[0]
    dst = edge_index[1]
    gathered = jnp.take(h, src, axis=0)
    return jax.ops.segment_sum(gathered, dst, num_segments=N)


def reference(x, edge_index, W1, b1, W2, b2, W_out, b_out):
    # Layer 1: spmm -> linear -> relu (dropout=0.0 -> identity)
    h = _spmm(edge_index, x)
    h = jax.nn.relu(h @ W1.T + b1)
    # Layer 2
    h = _spmm(edge_index, h)
    h = jax.nn.relu(h @ W2.T + b2)
    # Final aggregation + output head + Softplus (regression)
    h = _spmm(edge_index, h)
    out = h @ W_out.T + b_out
    return jax.nn.softplus(out)

if __name__ == "__main__":
    import jax
    _d = setup_inputs()
    print(jax.jit(kernel)(*tuple(_d.values())))

</pallas_src>

<mosaic_0001>
#map = affine_map<(d0, d1) -> (0)>
#map1 = affine_map<(d0, d1) -> (0, 0, 0)>
#map2 = affine_map<(d0, d1) -> (0, 0)>
module attributes {stable_mosaic.version = 14 : i64} {
  func.func @spmm(%arg0: i32, %arg1: i32, %arg2: memref<327680xi32, #tpu.memory_space<hbm>>, %arg3: memref<2560x1x128xi32, #tpu.memory_space<hbm>>, %arg4: memref<10000x64xf32, #tpu.memory_space<hbm>>, %arg5: memref<10112x64xf32, #tpu.memory_space<hbm>>, %arg6: memref<2x10112x64xf32, #tpu.memory_space<hbm>>, %arg7: memref<10112x64xf32, #tpu.memory_space<vmem_shared>>, %arg8: memref<16384xi32, #tpu.memory_space<vmem>>, %arg9: memref<128x1x128xi32, #tpu.memory_space<vmem>>, %arg10: memref<128x64xf32, #tpu.memory_space<vmem>>, %arg11: memref<128x64xf32, #tpu.memory_space<vmem>>, %arg12: memref<128x64xf32, #tpu.memory_space<vmem>>, %arg13: memref<128x64xf32, #tpu.memory_space<vmem>>, %arg14: memref<!tpu.dma_semaphore, #tpu.memory_space<semaphore_mem>>, %arg15: memref<!tpu.dma_semaphore, #tpu.memory_space<semaphore_mem>>, %arg16: memref<!tpu.dma_semaphore, #tpu.memory_space<semaphore_mem>>, %arg17: memref<!tpu.dma_semaphore, #tpu.memory_space<semaphore_mem>>, %arg18: memref<!tpu.dma_semaphore, #tpu.memory_space<semaphore_mem>>, %arg19: memref<!tpu.dma_semaphore, #tpu.memory_space<semaphore_mem>>, %arg20: memref<!tpu.dma_semaphore, #tpu.memory_space<semaphore_mem>>, %arg21: memref<!tpu.dma_semaphore, #tpu.memory_space<semaphore_mem>>, %arg22: memref<!tpu.dma_semaphore, #tpu.memory_space<semaphore_mem>>) attributes {dimension_semantics = [#tpu.dimension_semantics<core_parallel>, #tpu.dimension_semantics<subcore_parallel>], iteration_bounds = array<i64: 2, 16>, scalar_prefetch = 0 : i64, scratch_operands = 16 : i64, tpu.core_type = #tpu.core_type<sc_vector_subcore>, window_params = [{transform_indices = #map}, {transform_indices = #map1}, {transform_indices = #map2}, {transform_indices = #map2}, {transform_indices = #map1}]} {
    %mul3A = arith.constant 632 : i32
    %mul3A_0 = arith.muli %arg1, %mul3A : i32
    %mul3A_1 = arith.constant 128 : i32
    %mul3A_2 = arith.muli %arg1, %mul3A_1 : i32
    %mul3A_3 = arith.constant 32 : i32
    %mul3A_4 = arith.muli %arg1, %mul3A_3 : i32
    %add3A = arith.constant 2048 : i32
    %add3A_5 = arith.addi %add3A, %mul3A_4 : i32
    %eq3A = arith.constant 0 : i32
    %eq3A_6 = arith.cmpi eq, %arg0, %eq3A : i32
    %convert_element_type3A = arith.extui %eq3A_6 : i1 to i32
    %cond3A = arith.constant 0 : i32
    %cond3A_7 = arith.cmpi ne, %convert_element_type3A, %cond3A : i32
    scf.if %cond3A_7 {
      %mul3A_180 = arith.constant 128 : i32
      %mul3A_181 = arith.muli %mul3A_2, %mul3A_180 : i32
      %dma_start3A_182 = tpu.memref_slice %arg2[%mul3A_181] : memref<327680xi32, #tpu.memory_space<hbm>> -> memref<16384xi32, #tpu.memory_space<hbm>>
      %dma_start3A_183 = tpu.memref_slice %arg2[%mul3A_181] : memref<327680xi32, #tpu.memory_space<hbm>> -> memref<16384xi32, #tpu.memory_space<hbm>>
      tpu.enqueue_dma source(%dma_start3A_183 : memref<16384xi32, #tpu.memory_space<hbm>>) target(%arg8 : memref<16384xi32, #tpu.memory_space<vmem>>) target_semaphore(%arg22 : memref<!tpu.dma_semaphore, #tpu.memory_space<semaphore_mem>>)
      %dma_start3A_184 = arith.constant 0 : i32
      %dma_start3A_185 = arith.constant 0 : i32
      %dma_start3A_186 = tpu.memref_slice %arg3[%mul3A_2, %dma_start3A_184, %dma_start3A_185] : memref<2560x1x128xi32, #tpu.memory_space<hbm>> -> memref<128x1x128xi32, #tpu.memory_space<hbm>>
      %dma_start3A_187 = arith.constant 0 : i32
      %dma_start3A_188 = arith.constant 0 : i32
      %dma_start3A_189 = tpu.memref_slice %arg3[%mul3A_2, %dma_start3A_187, %dma_start3A_188] : memref<2560x1x128xi32, #tpu.memory_space<hbm>> -> memref<128x1x128xi32, #tpu.memory_space<hbm>>
      tpu.enqueue_dma source(%dma_start3A_189 : memref<128x1x128xi32, #tpu.memory_space<hbm>>) target(%arg9 : memref<128x1x128xi32, #tpu.memory_space<vmem>>) target_semaphore(%arg22 : memref<!tpu.dma_semaphore, #tpu.memory_space<semaphore_mem>>)
    } else {
    }
    %eq3A_8 = arith.constant 1 : i32
    %eq3A_9 = arith.cmpi eq, %arg0, %eq3A_8 : i32
    %convert_element_type3A_10 = arith.extui %eq3A_9 : i1 to i32
    %cond3A_11 = arith.constant 0 : i32
    %cond3A_12 = arith.cmpi ne, %convert_element_type3A_10, %cond3A_11 : i32
    scf.if %cond3A_12 {
      %mul3A_180 = arith.constant 128 : i32
      %mul3A_181 = arith.muli %add3A_5, %mul3A_180 : i32
      %dma_start3A_182 = arith.constant 0 : i32
      %dma_start3A_183 = tpu.memref_slice %arg8[%dma_start3A_182] : memref<16384xi32, #tpu.memory_space<vmem>> -> memref<4096xi32, #tpu.memory_space<vmem>>
      %dma_start3A_184 = tpu.memref_slice %arg2[%mul3A_181] : memref<327680xi32, #tpu.memory_space<hbm>> -> memref<4096xi32, #tpu.memory_space<hbm>>
      %dma_start3A_185 = arith.constant 0 : i32
      %dma_start3A_186 = tpu.memref_slice %arg8[%dma_start3A_185] : memref<16384xi32, #tpu.memory_space<vmem>> -> memref<4096xi32, #tpu.memory_space<vmem>>
      %dma_start3A_187 = tpu.memref_slice %arg2[%mul3A_181] : memref<327680xi32, #tpu.memory_space<hbm>> -> memref<4096xi32, #tpu.memory_space<hbm>>
      tpu.enqueue_dma source(%dma_start3A_187 : memref<4096xi32, #tpu.memory_space<hbm>>) target(%dma_start3A_186 : memref<4096xi32, #tpu.memory_space<vmem>>) target_semaphore(%arg22 : memref<!tpu.dma_semaphore, #tpu.memory_space<semaphore_mem>>)
      %dma_start3A_188 = arith.constant 0 : i32
      %dma_start3A_189 = arith.constant 0 : i32
      %dma_start3A_190 = arith.constant 0 : i32
      %dma_start3A_191 = tpu.memref_slice %arg9[%dma_start3A_188, %dma_start3A_189, %dma_start3A_190] : memref<128x1x128xi32, #tpu.memory_space<vmem>> -> memref<32x1x128xi32, #tpu.memory_space<vmem>>
      %dma_start3A_192 = arith.constant 0 : i32
      %dma_start3A_193 = arith.constant 0 : i32
      %dma_start3A_194 = tpu.memref_slice %arg3[%add3A_5, %dma_start3A_192, %dma_start3A_193] : memref<2560x1x128xi32, #tpu.memory_space<hbm>> -> memref<32x1x128xi32, #tpu.memory_space<hbm>>
      %dma_start3A_195 = arith.constant 0 : i32
      %dma_start3A_196 = arith.constant 0 : i32
      %dma_start3A_197 = arith.constant 0 : i32
      %dma_start3A_198 = tpu.memref_slice %arg9[%dma_start3A_195, %dma_start3A_196, %dma_start3A_197] : memref<128x1x128xi32, #tpu.memory_space<vmem>> -> memref<32x1x128xi32, #tpu.memory_space<vmem>>
      %dma_start3A_199 = arith.constant 0 : i32
      %dma_start3A_200 = arith.constant 0 : i32
      %dma_start3A_201 = tpu.memref_slice %arg3[%add3A_5, %dma_start3A_199, %dma_start3A_200] : memref<2560x1x128xi32, #tpu.memory_space<hbm>> -> memref<32x1x128xi32, #tpu.memory_space<hbm>>
      tpu.enqueue_dma source(%dma_start3A_201 : memref<32x1x128xi32, #tpu.memory_space<hbm>>) target(%dma_start3A_198 : memref<32x1x128xi32, #tpu.memory_space<vmem>>) target_semaphore(%arg22 : memref<!tpu.dma_semaphore, #tpu.memory_space<semaphore_mem>>)
    } else {
    }
    "tpu.region"() ({
      %run_scoped3A = tpu.sem_alloc : memref<!tpu.dma_semaphore, #tpu.memory_space<semaphore_mem>>
      %dma_start3A_180 = arith.constant 0 : i32
      %dma_start3A_181 = tpu.memref_slice %arg7[%mul3A_0, %dma_start3A_180] : memref<10112x64xf32, #tpu.memory_space<vmem_shared>> -> memref<632x64xf32, #tpu.memory_space<vmem_shared>>
      %dma_start3A_182 = arith.constant 0 : i32
      %dma_start3A_183 = tpu.memref_slice %arg5[%mul3A_0, %dma_start3A_182] : memref<10112x64xf32, #tpu.memory_space<hbm>> -> memref<632x64xf32, #tpu.memory_space<hbm>>
      tpu.enqueue_dma source(%dma_start3A_183 : memref<632x64xf32, #tpu.memory_space<hbm>>) target(%dma_start3A_181 : memref<632x64xf32, #tpu.memory_space<vmem_shared>>) target_semaphore(%run_scoped3A : memref<!tpu.dma_semaphore, #tpu.memory_space<semaphore_mem>>)
      %dma_wait3A_184 = arith.constant 0 : i32
      %dma_wait3A_185 = tpu.memref_slice %arg7[%mul3A_0, %dma_wait3A_184] : memref<10112x64xf32, #tpu.memory_space<vmem_shared>> -> memref<632x64xf32, #tpu.memory_space<vmem_shared>>
      %dma_wait3A_186 = arith.constant 0 : i32
      %dma_wait3A_187 = tpu.memref_slice %arg5[%mul3A_0, %dma_wait3A_186] : memref<10112x64xf32, #tpu.memory_space<hbm>> -> memref<632x64xf32, #tpu.memory_space<hbm>>
      tpu.wait_dma2 semaphore(%run_scoped3A : memref<!tpu.dma_semaphore, #tpu.memory_space<semaphore_mem>>) src(%dma_wait3A_187 : memref<632x64xf32, #tpu.memory_space<hbm>>) dst(%dma_wait3A_185 : memref<632x64xf32, #tpu.memory_space<vmem_shared>>)
      tpu.yield
    }) : () -> ()
    %eq3A_13 = arith.constant 0 : i32
    %eq3A_14 = arith.cmpi eq, %arg0, %eq3A_13 : i32
    %convert_element_type3A_15 = arith.extui %eq3A_14 : i1 to i32
    %cond3A_16 = arith.constant 0 : i32
    %cond3A_17 = arith.cmpi ne, %convert_element_type3A_15, %cond3A_16 : i32
    scf.if %cond3A_17 {
      %mul3A_180 = arith.constant 128 : i32
      %mul3A_181 = arith.muli %mul3A_2, %mul3A_180 : i32
      %dma_wait3A_182 = tpu.memref_slice %arg2[%mul3A_181] : memref<327680xi32, #tpu.memory_space<hbm>> -> memref<16384xi32, #tpu.memory_space<hbm>>
      %dma_wait3A_183 = tpu.memref_slice %arg2[%mul3A_181] : memref<327680xi32, #tpu.memory_space<hbm>> -> memref<16384xi32, #tpu.memory_space<hbm>>
      tpu.wait_dma2 semaphore(%arg22 : memref<!tpu.dma_semaphore, #tpu.memory_space<semaphore_mem>>) src(%dma_wait3A_183 : memref<16384xi32, #tpu.memory_space<hbm>>) dst(%arg8 : memref<16384xi32, #tpu.memory_space<vmem>>)
      %dma_wait3A_184 = arith.constant 0 : i32
      %dma_wait3A_185 = arith.constant 0 : i32
      %dma_wait3A_186 = tpu.memref_slice %arg3[%mul3A_2, %dma_wait3A_184, %dma_wait3A_185] : memref<2560x1x128xi32, #tpu.memory_space<hbm>> -> memref<128x1x128xi32, #tpu.memory_space<hbm>>
      %dma_wait3A_187 = arith.constant 0 : i32
      %dma_wait3A_188 = arith.constant 0 : i32
      %dma_wait3A_189 = tpu.memref_slice %arg3[%mul3A_2, %dma_wait3A_187, %dma_wait3A_188] : memref<2560x1x128xi32, #tpu.memory_space<hbm>> -> memref<128x1x128xi32, #tpu.memory_space<hbm>>
      tpu.wait_dma2 semaphore(%arg22 : memref<!tpu.dma_semaphore, #tpu.memory_space<semaphore_mem>>) src(%dma_wait3A_189 : memref<128x1x128xi32, #tpu.memory_space<hbm>>) dst(%arg9 : memref<128x1x128xi32, #tpu.memory_space<vmem>>)
    } else {
    }
    %eq3A_18 = arith.constant 1 : i32
    %eq3A_19 = arith.cmpi eq, %arg0, %eq3A_18 : i32
    %convert_element_type3A_20 = arith.extui %eq3A_19 : i1 to i32
    %cond3A_21 = arith.constant 0 : i32
    %cond3A_22 = arith.cmpi ne, %convert_element_type3A_20, %cond3A_21 : i32
    scf.if %cond3A_22 {
      %mul3A_180 = arith.constant 128 : i32
      %mul3A_181 = arith.muli %add3A_5, %mul3A_180 : i32
      %dma_wait3A_182 = arith.constant 0 : i32
      %dma_wait3A_183 = tpu.memref_slice %arg8[%dma_wait3A_182] : memref<16384xi32, #tpu.memory_space<vmem>> -> memref<4096xi32, #tpu.memory_space<vmem>>
      %dma_wait3A_184 = tpu.memref_slice %arg2[%mul3A_181] : memref<327680xi32, #tpu.memory_space<hbm>> -> memref<4096xi32, #tpu.memory_space<hbm>>
      %dma_wait3A_185 = arith.constant 0 : i32
      %dma_wait3A_186 = tpu.memref_slice %arg8[%dma_wait3A_185] : memref<16384xi32, #tpu.memory_space<vmem>> -> memref<4096xi32, #tpu.memory_space<vmem>>
      %dma_wait3A_187 = tpu.memref_slice %arg2[%mul3A_181] : memref<327680xi32, #tpu.memory_space<hbm>> -> memref<4096xi32, #tpu.memory_space<hbm>>
      tpu.wait_dma2 semaphore(%arg22 : memref<!tpu.dma_semaphore, #tpu.memory_space<semaphore_mem>>) src(%dma_wait3A_187 : memref<4096xi32, #tpu.memory_space<hbm>>) dst(%dma_wait3A_186 : memref<4096xi32, #tpu.memory_space<vmem>>)
      %dma_wait3A_188 = arith.constant 0 : i32
      %dma_wait3A_189 = arith.constant 0 : i32
      %dma_wait3A_190 = arith.constant 0 : i32
      %dma_wait3A_191 = tpu.memref_slice %arg9[%dma_wait3A_188, %dma_wait3A_189, %dma_wait3A_190] : memref<128x1x128xi32, #tpu.memory_space<vmem>> -> memref<32x1x128xi32, #tpu.memory_space<vmem>>
      %dma_wait3A_192 = arith.constant 0 : i32
      %dma_wait3A_193 = arith.constant 0 : i32
      %dma_wait3A_194 = tpu.memref_slice %arg3[%add3A_5, %dma_wait3A_192, %dma_wait3A_193] : memref<2560x1x128xi32, #tpu.memory_space<hbm>> -> memref<32x1x128xi32, #tpu.memory_space<hbm>>
      %dma_wait3A_195 = arith.constant 0 : i32
      %dma_wait3A_196 = arith.constant 0 : i32
      %dma_wait3A_197 = arith.constant 0 : i32
      %dma_wait3A_198 = tpu.memref_slice %arg9[%dma_wait3A_195, %dma_wait3A_196, %dma_wait3A_197] : memref<128x1x128xi32, #tpu.memory_space<vmem>> -> memref<32x1x128xi32, #tpu.memory_space<vmem>>
      %dma_wait3A_199 = arith.constant 0 : i32
      %dma_wait3A_200 = arith.constant 0 : i32
      %dma_wait3A_201 = tpu.memref_slice %arg3[%add3A_5, %dma_wait3A_199, %dma_wait3A_200] : memref<2560x1x128xi32, #tpu.memory_space<hbm>> -> memref<32x1x128xi32, #tpu.memory_space<hbm>>
      tpu.wait_dma2 semaphore(%arg22 : memref<!tpu.dma_semaphore, #tpu.memory_space<semaphore_mem>>) src(%dma_wait3A_201 : memref<32x1x128xi32, #tpu.memory_space<hbm>>) dst(%dma_wait3A_198 : memref<32x1x128xi32, #tpu.memory_space<vmem>>)
    } else {
    }
    %barrier3A = arith.constant 0 : index
    tpu.barrier barrier_id(%barrier3A)
    %eq3A_23 = arith.constant 0 : i32
    %eq3A_24 = arith.cmpi eq, %arg0, %eq3A_23 : i32
    %jit3A = arith.constant 128 : i32
    %jit3A_25 = arith.constant 32 : i32
    %select_n3A = arith.select %eq3A_24, %jit3A, %jit3A_25 : i32
    %jit3A_26 = arith.constant 4 : i32
    %div3A = arith.divsi %select_n3A, %jit3A_26 : i32
    %sign3A = arith.constant 0 : i32
    %sign3A_27 = arith.cmpi sgt, %select_n3A, %sign3A : i32
    %sign3A_28 = arith.extui %sign3A_27 : i1 to i32
    %sign3A_29 = arith.constant 0 : i32
    %sign3A_30 = arith.cmpi slt, %select_n3A, %sign3A_29 : i32
    %sign3A_31 = arith.extui %sign3A_30 : i1 to i32
    %sign3A_32 = arith.subi %sign3A_28, %sign3A_31 : i32
    %sign3A_33 = arith.constant 0 : i32
    %sign3A_34 = arith.cmpi sgt, %jit3A_26, %sign3A_33 : i32
    %sign3A_35 = arith.extui %sign3A_34 : i1 to i32
    %sign3A_36 = arith.constant 0 : i32
    %sign3A_37 = arith.cmpi slt, %jit3A_26, %sign3A_36 : i32
    %sign3A_38 = arith.extui %sign3A_37 : i1 to i32
    %sign3A_39 = arith.subi %sign3A_35, %sign3A_38 : i32
    %ne3A = arith.cmpi ne, %sign3A_32, %sign3A_39 : i32
    %rem3A = arith.remsi %select_n3A, %jit3A_26 : i32
    %ne3A_40 = arith.constant 0 : i32
    %ne3A_41 = arith.cmpi ne, %rem3A, %ne3A_40 : i32
    %and3A = arith.andi %ne3A, %ne3A_41 : i1
    %sub3A = arith.constant 1 : i32
    %sub3A_42 = arith.subi %div3A, %sub3A : i32
    %select_n3A_43 = arith.select %and3A, %sub3A_42, %div3A : i32
    %dma_start3A = arith.constant 0 : i32
    %dma_start3A_44 = tpu.memref_slice %arg8[%dma_start3A] : memref<16384xi32, #tpu.memory_space<vmem>> -> memref<128xi32, #tpu.memory_space<vmem>>
    %dma_start3A_45 = arith.constant 0 : i32
    %dma_start3A_46 = arith.constant 0 : i32
    %dma_start3A_47 = tpu.memref_slice %arg4[%dma_start3A_45, %dma_start3A_46] : memref<10000x64xf32, #tpu.memory_space<hbm>> -> memref<10000x64xf32, #tpu.memory_space<hbm>>
    tpu.enqueue_indirect_dma source(%dma_start3A_47 : memref<10000x64xf32, #tpu.memory_space<hbm>>) target(%arg10 : memref<128x64xf32, #tpu.memory_space<vmem>>) offsets(%dma_start3A_44 : memref<128xi32, #tpu.memory_space<vmem>>) semaphore(%arg14 : memref<!tpu.dma_semaphore, #tpu.memory_space<semaphore_mem>>)
    %dma_start3A_48 = arith.constant 128 : i32
    %dma_start3A_49 = tpu.memref_slice %arg8[%dma_start3A_48] : memref<16384xi32, #tpu.memory_space<vmem>> -> memref<128xi32, #tpu.memory_space<vmem>>
    %dma_start3A_50 = arith.constant 0 : i32
    %dma_start3A_51 = arith.constant 0 : i32
    %dma_start3A_52 = tpu.memref_slice %arg4[%dma_start3A_50, %dma_start3A_51] : memref<10000x64xf32, #tpu.memory_space<hbm>> -> memref<10000x64xf32, #tpu.memory_space<hbm>>
    tpu.enqueue_indirect_dma source(%dma_start3A_52 : memref<10000x64xf32, #tpu.memory_space<hbm>>) target(%arg11 : memref<128x64xf32, #tpu.memory_space<vmem>>) offsets(%dma_start3A_49 : memref<128xi32, #tpu.memory_space<vmem>>) semaphore(%arg15 : memref<!tpu.dma_semaphore, #tpu.memory_space<semaphore_mem>>)
    %dma_start3A_53 = arith.constant 256 : i32
    %dma_start3A_54 = tpu.memref_slice %arg8[%dma_start3A_53] : memref<16384xi32, #tpu.memory_space<vmem>> -> memref<128xi32, #tpu.memory_space<vmem>>
    %dma_start3A_55 = arith.constant 0 : i32
    %dma_start3A_56 = arith.constant 0 : i32
    %dma_start3A_57 = tpu.memref_slice %arg4[%dma_start3A_55, %dma_start3A_56] : memref<10000x64xf32, #tpu.memory_space<hbm>> -> memref<10000x64xf32, #tpu.memory_space<hbm>>
    tpu.enqueue_indirect_dma source(%dma_start3A_57 : memref<10000x64xf32, #tpu.memory_space<hbm>>) target(%arg12 : memref<128x64xf32, #tpu.memory_space<vmem>>) offsets(%dma_start3A_54 : memref<128xi32, #tpu.memory_space<vmem>>) semaphore(%arg16 : memref<!tpu.dma_semaphore, #tpu.memory_space<semaphore_mem>>)
    %dma_start3A_58 = arith.constant 384 : i32
    %dma_start3A_59 = tpu.memref_slice %arg8[%dma_start3A_58] : memref<16384xi32, #tpu.memory_space<vmem>> -> memref<128xi32, #tpu.memory_space<vmem>>
    %dma_start3A_60 = arith.constant 0 : i32
    %dma_start3A_61 = arith.constant 0 : i32
    %dma_start3A_62 = tpu.memref_slice %arg4[%dma_start3A_60, %dma_start3A_61] : memref<10000x64xf32, #tpu.memory_space<hbm>> -> memref<10000x64xf32, #tpu.memory_space<hbm>>
    tpu.enqueue_indirect_dma source(%dma_start3A_62 : memref<10000x64xf32, #tpu.memory_space<hbm>>) target(%arg13 : memref<128x64xf32, #tpu.memory_space<vmem>>) offsets(%dma_start3A_59 : memref<128xi32, #tpu.memory_space<vmem>>) semaphore(%arg17 : memref<!tpu.dma_semaphore, #tpu.memory_space<semaphore_mem>>)
    %sub3A_63 = arith.constant 1 : i32
    %sub3A_64 = arith.subi %select_n3A_43, %sub3A_63 : i32
    %while3A = arith.constant 0 : i32
    %while3A_65 = arith.constant 0 : i32
    %while3A_66 = arith.subi %sub3A_64, %while3A : i32
    %while3A_67 = arith.addi %while3A, %while3A_66 : i32
    %while3A_68 = arith.constant 1 : i32
    %while3A_69 = arith.divsi %while3A_66, %while3A_68 : i32
    %while3A_70 = arith.muli %while3A_69, %while3A_68 : i32
    %while3A_71 = arith.addi %while3A, %while3A_70 : i32
    %while3A_72 = arith.constant 1 : i32
    %while3A_73 = scf.for %while3A_180 = %while3A to %while3A_71 step %while3A_72 iter_args(%while3A_181 = %while3A_65) -> (i32)  : i32 {
      %dma_wait3A_182 = arith.constant 0 : i32
      %dma_wait3A_183 = tpu.memref_slice %arg8[%dma_wait3A_182] : memref<16384xi32, #tpu.memory_space<vmem>> -> memref<128xi32, #tpu.memory_space<vmem>>
      %dma_wait3A_184 = arith.constant 0 : i32
      %dma_wait3A_185 = arith.constant 0 : i32
      %dma_wait3A_186 = tpu.memref_slice %arg4[%dma_wait3A_184, %dma_wait3A_185] : memref<10000x64xf32, #tpu.memory_space<hbm>> -> memref<10000x64xf32, #tpu.memory_space<hbm>>
      tpu.wait_indirect_dma semaphore(%arg14 : memref<!tpu.dma_semaphore, #tpu.memory_space<semaphore_mem>>) src(%dma_wait3A_186 : memref<10000x64xf32, #tpu.memory_space<hbm>>) dst(%arg10 : memref<128x64xf32, #tpu.memory_space<vmem>>)
      %mul3A_187 = arith.constant 4 : i32
      %mul3A_188 = arith.muli %while3A_180, %mul3A_187 : i32
      %add3A_189 = arith.constant 0 : i32
      %add3A_190 = arith.addi %mul3A_188, %add3A_189 : i32
      %dma_start3A_191 = arith.constant 0 : i32
      %dma_start3A_192 = arith.constant 0 : i32
      %dma_start3A_193 = tpu.memref_slice %arg9[%add3A_190, %dma_start3A_191, %dma_start3A_192] : memref<128x1x128xi32, #tpu.memory_space<vmem>> -> memref<1x1x128xi32, #tpu.memory_space<vmem>>
      %dma_start3A_194 = tpu.memref_squeeze %dma_start3A_193 : memref<1x1x128xi32, #tpu.memory_space<vmem>> -> memref<128xi32, #tpu.memory_space<vmem>>
      %dma_start3A_195 = arith.constant 0 : i32
      %dma_start3A_196 = arith.constant 0 : i32
      %dma_start3A_197 = tpu.memref_slice %arg7[%dma_start3A_195, %dma_start3A_196] : memref<10112x64xf32, #tpu.memory_space<vmem_shared>> -> memref<10112x64xf32, #tpu.memory_space<vmem_shared>>
      tpu.enqueue_indirect_dma source(%arg10 : memref<128x64xf32, #tpu.memory_space<vmem>>) target(%dma_start3A_197 : memref<10112x64xf32, #tpu.memory_space<vmem_shared>>) offsets(%dma_start3A_194 : memref<128xi32, #tpu.memory_space<vmem>>) semaphore(%arg18 : memref<!tpu.dma_semaphore, #tpu.memory_space<semaphore_mem>>) {add = true}
      %dma_wait3A_198 = arith.constant 0 : i32
      %dma_wait3A_199 = tpu.memref_slice %arg8[%dma_wait3A_198] : memref<16384xi32, #tpu.memory_space<vmem>> -> memref<128xi32, #tpu.memory_space<vmem>>
      %dma_wait3A_200 = arith.constant 0 : i32
      %dma_wait3A_201 = arith.constant 0 : i32
      %dma_wait3A_202 = tpu.memref_slice %arg4[%dma_wait3A_200, %dma_wait3A_201] : memref<10000x64xf32, #tpu.memory_space<hbm>> -> memref<10000x64xf32, #tpu.memory_space<hbm>>
      tpu.wait_indirect_dma semaphore(%arg15 : memref<!tpu.dma_semaphore, #tpu.memory_space<semaphore_mem>>) src(%dma_wait3A_202 : memref<10000x64xf32, #tpu.memory_space<hbm>>) dst(%arg11 : memref<128x64xf32, #tpu.memory_space<vmem>>)
      %mul3A_203 = arith.constant 4 : i32
      %mul3A_204 = arith.muli %while3A_180, %mul3A_203 : i32
      %add3A_205 = arith.constant 1 : i32
      %add3A_206 = arith.addi %mul3A_204, %add3A_205 : i32
      %dma_start3A_207 = arith.constant 0 : i32
      %dma_start3A_208 = arith.constant 0 : i32
      %dma_start3A_209 = tpu.memref_slice %arg9[%add3A_206, %dma_start3A_207, %dma_start3A_208] : memref<128x1x128xi32, #tpu.memory_space<vmem>> -> memref<1x1x128xi32, #tpu.memory_space<vmem>>
      %dma_start3A_210 = tpu.memref_squeeze %dma_start3A_209 : memref<1x1x128xi32, #tpu.memory_space<vmem>> -> memref<128xi32, #tpu.memory_space<vmem>>
      %dma_start3A_211 = arith.constant 0 : i32
      %dma_start3A_212 = arith.constant 0 : i32
      %dma_start3A_213 = tpu.memref_slice %arg7[%dma_start3A_211, %dma_start3A_212] : memref<10112x64xf32, #tpu.memory_space<vmem_shared>> -> memref<10112x64xf32, #tpu.memory_space<vmem_shared>>
      tpu.enqueue_indirect_dma source(%arg11 : memref<128x64xf32, #tpu.memory_space<vmem>>) target(%dma_start3A_213 : memref<10112x64xf32, #tpu.memory_space<vmem_shared>>) offsets(%dma_start3A_210 : memref<128xi32, #tpu.memory_space<vmem>>) semaphore(%arg19 : memref<!tpu.dma_semaphore, #tpu.memory_space<semaphore_mem>>) {add = true}
      %dma_wait3A_214 = arith.constant 0 : i32
      %dma_wait3A_215 = tpu.memref_slice %arg8[%dma_wait3A_214] : memref<16384xi32, #tpu.memory_space<vmem>> -> memref<128xi32, #tpu.memory_space<vmem>>
      %dma_wait3A_216 = arith.constant 0 : i32
      %dma_wait3A_217 = arith.constant 0 : i32
      %dma_wait3A_218 = tpu.memref_slice %arg4[%dma_wait3A_216, %dma_wait3A_217] : memref<10000x64xf32, #tpu.memory_space<hbm>> -> memref<10000x64xf32, #tpu.memory_space<hbm>>
      tpu.wait_indirect_dma semaphore(%arg16 : memref<!tpu.dma_semaphore, #tpu.memory_space<semaphore_mem>>) src(%dma_wait3A_218 : memref<10000x64xf32, #tpu.memory_space<hbm>>) dst(%arg12 : memref<128x64xf32, #tpu.memory_space<vmem>>)
      %mul3A_219 = arith.constant 4 : i32
      %mul3A_220 = arith.muli %while3A_180, %mul3A_219 : i32
      %add3A_221 = arith.constant 2 : i32
      %add3A_222 = arith.addi %mul3A_220, %add3A_221 : i32
      %dma_start3A_223 = arith.constant 0 : i32
      %dma_start3A_224 = arith.constant 0 : i32
      %dma_start3A_225 = tpu.memref_slice %arg9[%add3A_222, %dma_start3A_223, %dma_start3A_224] : memref<128x1x128xi32, #tpu.memory_space<vmem>> -> memref<1x1x128xi32, #tpu.memory_space<vmem>>
      %dma_start3A_226 = tpu.memref_squeeze %dma_start3A_225 : memref<1x1x128xi32, #tpu.memory_space<vmem>> -> memref<128xi32, #tpu.memory_space<vmem>>
      %dma_start3A_227 = arith.constant 0 : i32
      %dma_start3A_228 = arith.constant 0 : i32
      %dma_start3A_229 = tpu.memref_slice %arg7[%dma_start3A_227, %dma_start3A_228] : memref<10112x64xf32, #tpu.memory_space<vmem_shared>> -> memref<10112x64xf32, #tpu.memory_space<vmem_shared>>
      tpu.enqueue_indirect_dma source(%arg12 : memref<128x64xf32, #tpu.memory_space<vmem>>) target(%dma_start3A_229 : memref<10112x64xf32, #tpu.memory_space<vmem_shared>>) offsets(%dma_start3A_226 : memref<128xi32, #tpu.memory_space<vmem>>) semaphore(%arg20 : memref<!tpu.dma_semaphore, #tpu.memory_space<semaphore_mem>>) {add = true}
      %dma_wait3A_230 = arith.constant 0 : i32
      %dma_wait3A_231 = tpu.memref_slice %arg8[%dma_wait3A_230] : memref<16384xi32, #tpu.memory_space<vmem>> -> memref<128xi32, #tpu.memory_space<vmem>>
      %dma_wait3A_232 = arith.constant 0 : i32
      %dma_wait3A_233 = arith.constant 0 : i32
      %dma_wait3A_234 = tpu.memref_slice %arg4[%dma_wait3A_232, %dma_wait3A_233] : memref<10000x64xf32, #tpu.memory_space<hbm>> -> memref<10000x64xf32, #tpu.memory_space<hbm>>
      tpu.wait_indirect_dma semaphore(%arg17 : memref<!tpu.dma_semaphore, #tpu.memory_space<semaphore_mem>>) src(%dma_wait3A_234 : memref<10000x64xf32, #tpu.memory_space<hbm>>) dst(%arg13 : memref<128x64xf32, #tpu.memory_space<vmem>>)
      %mul3A_235 = arith.constant 4 : i32
      %mul3A_236 = arith.muli %while3A_180, %mul3A_235 : i32
      %add3A_237 = arith.constant 3 : i32
      %add3A_238 = arith.addi %mul3A_236, %add3A_237 : i32
      %dma_start3A_239 = arith.constant 0 : i32
      %dma_start3A_240 = arith.constant 0 : i32
      %dma_start3A_241 = tpu.memref_slice %arg9[%add3A_238, %dma_start3A_239, %dma_start3A_240] : memref<128x1x128xi32, #tpu.memory_space<vmem>> -> memref<1x1x128xi32, #tpu.memory_space<vmem>>
      %dma_start3A_242 = tpu.memref_squeeze %dma_start3A_241 : memref<1x1x128xi32, #tpu.memory_space<vmem>> -> memref<128xi32, #tpu.memory_space<vmem>>
      %dma_start3A_243 = arith.constant 0 : i32
      %dma_start3A_244 = arith.constant 0 : i32
      %dma_start3A_245 = tpu.memref_slice %arg7[%dma_start3A_243, %dma_start3A_244] : memref<10112x64xf32, #tpu.memory_space<vmem_shared>> -> memref<10112x64xf32, #tpu.memory_space<vmem_shared>>
      tpu.enqueue_indirect_dma source(%arg13 : memref<128x64xf32, #tpu.memory_space<vmem>>) target(%dma_start3A_245 : memref<10112x64xf32, #tpu.memory_space<vmem_shared>>) offsets(%dma_start3A_242 : memref<128xi32, #tpu.memory_space<vmem>>) semaphore(%arg21 : memref<!tpu.dma_semaphore, #tpu.memory_space<semaphore_mem>>) {add = true}
      %dma_wait3A_246 = arith.constant 0 : i32
      %dma_wait3A_247 = arith.constant 0 : i32
      %dma_wait3A_248 = arith.constant 0 : i32
      %dma_wait3A_249 = tpu.memref_slice %arg9[%dma_wait3A_246, %dma_wait3A_247, %dma_wait3A_248] : memref<128x1x128xi32, #tpu.memory_space<vmem>> -> memref<1x1x128xi32, #tpu.memory_space<vmem>>
      %dma_wait3A_250 = tpu.memref_squeeze %dma_wait3A_249 : memref<1x1x128xi32, #tpu.memory_space<vmem>> -> memref<128xi32, #tpu.memory_space<vmem>>
      %dma_wait3A_251 = arith.constant 0 : i32
      %dma_wait3A_252 = arith.constant 0 : i32
      %dma_wait3A_253 = tpu.memref_slice %arg7[%dma_wait3A_251, %dma_wait3A_252] : memref<10112x64xf32, #tpu.memory_space<vmem_shared>> -> memref<10112x64xf32, #tpu.memory_space<vmem_shared>>
      tpu.wait_indirect_dma semaphore(%arg18 : memref<!tpu.dma_semaphore, #tpu.memory_space<semaphore_mem>>) src(%arg10 : memref<128x64xf32, #tpu.memory_space<vmem>>) dst(%dma_wait3A_253 : memref<10112x64xf32, #tpu.memory_space<vmem_shared>>)
      %add3A_254 = arith.constant 1 : i32
      %add3A_255 = arith.addi %while3A_180, %add3A_254 : i32
      %mul3A_256 = arith.constant 4 : i32
      %mul3A_257 = arith.muli %add3A_255, %mul3A_256 : i32
      %add3A_258 = arith.constant 0 : i32
      %add3A_259 = arith.addi %mul3A_257, %add3A_258 : i32
      %mul3A_260 = arith.constant 128 : i32
      %mul3A_261 = arith.muli %add3A_259, %mul3A_260 : i32
      %dma_start3A_262 = tpu.memref_slice %arg8[%mul3A_261] : memref<16384xi32, #tpu.memory_space<vmem>> -> memref<128xi32, #tpu.memory_space<vmem>>
      %dma_start3A_263 = arith.constant 0 : i32
      %dma_start3A_264 = arith.constant 0 : i32
      %dma_start3A_265 = tpu.memref_slice %arg4[%dma_start3A_263, %dma_start3A_264] : memref<10000x64xf32, #tpu.memory_space<hbm>> -> memref<10000x64xf32, #tpu.memory_space<hbm>>
      tpu.enqueue_indirect_dma source(%dma_start3A_265 : memref<10000x64xf32, #tpu.memory_space<hbm>>) target(%arg10 : memref<128x64xf32, #tpu.memory_space<vmem>>) offsets(%dma_start3A_262 : memref<128xi32, #tpu.memory_space<vmem>>) semaphore(%arg14 : memref<!tpu.dma_semaphore, #tpu.memory_space<semaphore_mem>>)
      %dma_wait3A_266 = arith.constant 0 : i32
      %dma_wait3A_267 = arith.constant 0 : i32
      %dma_wait3A_268 = arith.constant 0 : i32
      %dma_wait3A_269 = tpu.memref_slice %arg9[%dma_wait3A_266, %dma_wait3A_267, %dma_wait3A_268] : memref<128x1x128xi32, #tpu.memory_space<vmem>> -> memref<1x1x128xi32, #tpu.memory_space<vmem>>
      %dma_wait3A_270 = tpu.memref_squeeze %dma_wait3A_269 : memref<1x1x128xi32, #tpu.memory_space<vmem>> -> memref<128xi32, #tpu.memory_space<vmem>>
      %dma_wait3A_271 = arith.constant 0 : i32
      %dma_wait3A_272 = arith.constant 0 : i32
      %dma_wait3A_273 = tpu.memref_slice %arg7[%dma_wait3A_271, %dma_wait3A_272] : memref<10112x64xf32, #tpu.memory_space<vmem_shared>> -> memref<10112x64xf32, #tpu.memory_space<vmem_shared>>
      tpu.wait_indirect_dma semaphore(%arg19 : memref<!tpu.dma_semaphore, #tpu.memory_space<semaphore_mem>>) src(%arg11 : memref<128x64xf32, #tpu.memory_space<vmem>>) dst(%dma_wait3A_273 : memref<10112x64xf32, #tpu.memory_space<vmem_shared>>)
      %add3A_274 = arith.constant 1 : i32
      %add3A_275 = arith.addi %while3A_180, %add3A_274 : i32
      %mul3A_276 = arith.constant 4 : i32
      %mul3A_277 = arith.muli %add3A_275, %mul3A_276 : i32
      %add3A_278 = arith.constant 1 : i32
      %add3A_279 = arith.addi %mul3A_277, %add3A_278 : i32
      %mul3A_280 = arith.constant 128 : i32
      %mul3A_281 = arith.muli %add3A_279, %mul3A_280 : i32
      %dma_start3A_282 = tpu.memref_slice %arg8[%mul3A_281] : memref<16384xi32, #tpu.memory_space<vmem>> -> memref<128xi32, #tpu.memory_space<vmem>>
      %dma_start3A_283 = arith.constant 0 : i32
      %dma_start3A_284 = arith.constant 0 : i32
      %dma_start3A_285 = tpu.memref_slice %arg4[%dma_start3A_283, %dma_start3A_284] : memref<10000x64xf32, #tpu.memory_space<hbm>> -> memref<10000x64xf32, #tpu.memory_space<hbm>>
      tpu.enqueue_indirect_dma source(%dma_start3A_285 : memref<10000x64xf32, #tpu.memory_space<hbm>>) target(%arg11 : memref<128x64xf32, #tpu.memory_space<vmem>>) offsets(%dma_start3A_282 : memref<128xi32, #tpu.memory_space<vmem>>) semaphore(%arg15 : memref<!tpu.dma_semaphore, #tpu.memory_space<semaphore_mem>>)
      %dma_wait3A_286 = arith.constant 0 : i32
      %dma_wait3A_287 = arith.constant 0 : i32
      %dma_wait3A_288 = arith.constant 0 : i32
      %dma_wait3A_289 = tpu.memref_slice %arg9[%dma_wait3A_286, %dma_wait3A_287, %dma_wait3A_288] : memref<128x1x128xi32, #tpu.memory_space<vmem>> -> memref<1x1x128xi32, #tpu.memory_space<vmem>>
      %dma_wait3A_290 = tpu.memref_squeeze %dma_wait3A_289 : memref<1x1x128xi32, #tpu.memory_space<vmem>> -> memref<128xi32, #tpu.memory_space<vmem>>
      %dma_wait3A_291 = arith.constant 0 : i32
      %dma_wait3A_292 = arith.constant 0 : i32
      %dma_wait3A_293 = tpu.memref_slice %arg7[%dma_wait3A_291, %dma_wait3A_292] : memref<10112x64xf32, #tpu.memory_space<vmem_shared>> -> memref<10112x64xf32, #tpu.memory_space<vmem_shared>>
      tpu.wait_indirect_dma semaphore(%arg20 : memref<!tpu.dma_semaphore, #tpu.memory_space<semaphore_mem>>) src(%arg12 : memref<128x64xf32, #tpu.memory_space<vmem>>) dst(%dma_wait3A_293 : memref<10112x64xf32, #tpu.memory_space<vmem_shared>>)
      %add3A_294 = arith.constant 1 : i32
      %add3A_295 = arith.addi %while3A_180, %add3A_294 : i32
      %mul3A_296 = arith.constant 4 : i32
      %mul3A_297 = arith.muli %add3A_295, %mul3A_296 : i32
      %add3A_298 = arith.constant 2 : i32
      %add3A_299 = arith.addi %mul3A_297, %add3A_298 : i32
      %mul3A_300 = arith.constant 128 : i32
      %mul3A_301 = arith.muli %add3A_299, %mul3A_300 : i32
      %dma_start3A_302 = tpu.memref_slice %arg8[%mul3A_301] : memref<16384xi32, #tpu.memory_space<vmem>> -> memref<128xi32, #tpu.memory_space<vmem>>
      %dma_start3A_303 = arith.constant 0 : i32
      %dma_start3A_304 = arith.constant 0 : i32
      %dma_start3A_305 = tpu.memref_slice %arg4[%dma_start3A_303, %dma_start3A_304] : memref<10000x64xf32, #tpu.memory_space<hbm>> -> memref<10000x64xf32, #tpu.memory_space<hbm>>
      tpu.enqueue_indirect_dma source(%dma_start3A_305 : memref<10000x64xf32, #tpu.memory_space<hbm>>) target(%arg12 : memref<128x64xf32, #tpu.memory_space<vmem>>) offsets(%dma_start3A_302 : memref<128xi32, #tpu.memory_space<vmem>>) semaphore(%arg16 : memref<!tpu.dma_semaphore, #tpu.memory_space<semaphore_mem>>)
      %dma_wait3A_306 = arith.constant 0 : i32
      %dma_wait3A_307 = arith.constant 0 : i32
      %dma_wait3A_308 = arith.constant 0 : i32
      %dma_wait3A_309 = tpu.memref_slice %arg9[%dma_wait3A_306, %dma_wait3A_307, %dma_wait3A_308] : memref<128x1x128xi32, #tpu.memory_space<vmem>> -> memref<1x1x128xi32, #tpu.memory_space<vmem>>
      %dma_wait3A_310 = tpu.memref_squeeze %dma_wait3A_309 : memref<1x1x128xi32, #tpu.memory_space<vmem>> -> memref<128xi32, #tpu.memory_space<vmem>>
      %dma_wait3A_311 = arith.constant 0 : i32
      %dma_wait3A_312 = arith.constant 0 : i32
      %dma_wait3A_313 = tpu.memref_slice %arg7[%dma_wait3A_311, %dma_wait3A_312] : memref<10112x64xf32, #tpu.memory_space<vmem_shared>> -> memref<10112x64xf32, #tpu.memory_space<vmem_shared>>
      tpu.wait_indirect_dma semaphore(%arg21 : memref<!tpu.dma_semaphore, #tpu.memory_space<semaphore_mem>>) src(%arg13 : memref<128x64xf32, #tpu.memory_space<vmem>>) dst(%dma_wait3A_313 : memref<10112x64xf32, #tpu.memory_space<vmem_shared>>)
      %add3A_314 = arith.constant 1 : i32
      %add3A_315 = arith.addi %while3A_180, %add3A_314 : i32
      %mul3A_316 = arith.constant 4 : i32
      %mul3A_317 = arith.muli %add3A_315, %mul3A_316 : i32
      %add3A_318 = arith.constant 3 : i32
      %add3A_319 = arith.addi %mul3A_317, %add3A_318 : i32
      %mul3A_320 = arith.constant 128 : i32
      %mul3A_321 = arith.muli %add3A_319, %mul3A_320 : i32
      %dma_start3A_322 = tpu.memref_slice %arg8[%mul3A_321] : memref<16384xi32, #tpu.memory_space<vmem>> -> memref<128xi32, #tpu.memory_space<vmem>>
      %dma_start3A_323 = arith.constant 0 : i32
      %dma_start3A_324 = arith.constant 0 : i32
      %dma_start3A_325 = tpu.memref_slice %arg4[%dma_start3A_323, %dma_start3A_324] : memref<10000x64xf32, #tpu.memory_space<hbm>> -> memref<10000x64xf32, #tpu.memory_space<hbm>>
      tpu.enqueue_indirect_dma source(%dma_start3A_325 : memref<10000x64xf32, #tpu.memory_space<hbm>>) target(%arg13 : memref<128x64xf32, #tpu.memory_space<vmem>>) offsets(%dma_start3A_322 : memref<128xi32, #tpu.memory_space<vmem>>) semaphore(%arg17 : memref<!tpu.dma_semaphore, #tpu.memory_space<semaphore_mem>>)
      %while3A_326 = arith.constant 0 : i32
      scf.yield %while3A_326 : i32
    }
    %while3A_74 = arith.constant 1 : i32
    %while3A_75 = scf.for %while3A_180 = %while3A_71 to %while3A_67 step %while3A_74 iter_args(%while3A_181 = %while3A_73) -> (i32)  : i32 {
      %dma_wait3A_182 = arith.constant 0 : i32
      %dma_wait3A_183 = tpu.memref_slice %arg8[%dma_wait3A_182] : memref<16384xi32, #tpu.memory_space<vmem>> -> memref<128xi32, #tpu.memory_space<vmem>>
      %dma_wait3A_184 = arith.constant 0 : i32
      %dma_wait3A_185 = arith.constant 0 : i32
      %dma_wait3A_186 = tpu.memref_slice %arg4[%dma_wait3A_184, %dma_wait3A_185] : memref<10000x64xf32, #tpu.memory_space<hbm>> -> memref<10000x64xf32, #tpu.memory_space<hbm>>
      tpu.wait_indirect_dma semaphore(%arg14 : memref<!tpu.dma_semaphore, #tpu.memory_space<semaphore_mem>>) src(%dma_wait3A_186 : memref<10000x64xf32, #tpu.memory_space<hbm>>) dst(%arg10 : memref<128x64xf32, #tpu.memory_space<vmem>>)
      %mul3A_187 = arith.constant 4 : i32
      %mul3A_188 = arith.muli %while3A_180, %mul3A_187 : i32
      %add3A_189 = arith.constant 0 : i32
      %add3A_190 = arith.addi %mul3A_188, %add3A_189 : i32
      %dma_start3A_191 = arith.constant 0 : i32
      %dma_start3A_192 = arith.constant 0 : i32
      %dma_start3A_193 = tpu.memref_slice %arg9[%add3A_190, %dma_start3A_191, %dma_start3A_192] : memref<128x1x128xi32, #tpu.memory_space<vmem>> -> memref<1x1x128xi32, #tpu.memory_space<vmem>>
      %dma_start3A_194 = tpu.memref_squeeze %dma_start3A_193 : memref<1x1x128xi32, #tpu.memory_space<vmem>> -> memref<128xi32, #tpu.memory_space<vmem>>
      %dma_start3A_195 = arith.constant 0 : i32
      %dma_start3A_196 = arith.constant 0 : i32
      %dma_start3A_197 = tpu.memref_slice %arg7[%dma_start3A_195, %dma_start3A_196] : memref<10112x64xf32, #tpu.memory_space<vmem_shared>> -> memref<10112x64xf32, #tpu.memory_space<vmem_shared>>
      tpu.enqueue_indirect_dma source(%arg10 : memref<128x64xf32, #tpu.memory_space<vmem>>) target(%dma_start3A_197 : memref<10112x64xf32, #tpu.memory_space<vmem_shared>>) offsets(%dma_start3A_194 : memref<128xi32, #tpu.memory_space<vmem>>) semaphore(%arg18 : memref<!tpu.dma_semaphore, #tpu.memory_space<semaphore_mem>>) {add = true}
      %dma_wait3A_198 = arith.constant 0 : i32
      %dma_wait3A_199 = tpu.memref_slice %arg8[%dma_wait3A_198] : memref<16384xi32, #tpu.memory_space<vmem>> -> memref<128xi32, #tpu.memory_space<vmem>>
      %dma_wait3A_200 = arith.constant 0 : i32
      %dma_wait3A_201 = arith.constant 0 : i32
      %dma_wait3A_202 = tpu.memref_slice %arg4[%dma_wait3A_200, %dma_wait3A_201] : memref<10000x64xf32, #tpu.memory_space<hbm>> -> memref<10000x64xf32, #tpu.memory_space<hbm>>
      tpu.wait_indirect_dma semaphore(%arg15 : memref<!tpu.dma_semaphore, #tpu.memory_space<semaphore_mem>>) src(%dma_wait3A_202 : memref<10000x64xf32, #tpu.memory_space<hbm>>) dst(%arg11 : memref<128x64xf32, #tpu.memory_space<vmem>>)
      %mul3A_203 = arith.constant 4 : i32
      %mul3A_204 = arith.muli %while3A_180, %mul3A_203 : i32
      %add3A_205 = arith.constant 1 : i32
      %add3A_206 = arith.addi %mul3A_204, %add3A_205 : i32
      %dma_start3A_207 = arith.constant 0 : i32
      %dma_start3A_208 = arith.constant 0 : i32
      %dma_start3A_209 = tpu.memref_slice %arg9[%add3A_206, %dma_start3A_207, %dma_start3A_208] : memref<128x1x128xi32, #tpu.memory_space<vmem>> -> memref<1x1x128xi32, #tpu.memory_space<vmem>>
      %dma_start3A_210 = tpu.memref_squeeze %dma_start3A_209 : memref<1x1x128xi32, #tpu.memory_space<vmem>> -> memref<128xi32, #tpu.memory_space<vmem>>
      %dma_start3A_211 = arith.constant 0 : i32
      %dma_start3A_212 = arith.constant 0 : i32
      %dma_start3A_213 = tpu.memref_slice %arg7[%dma_start3A_211, %dma_start3A_212] : memref<10112x64xf32, #tpu.memory_space<vmem_shared>> -> memref<10112x64xf32, #tpu.memory_space<vmem_shared>>
      tpu.enqueue_indirect_dma source(%arg11 : memref<128x64xf32, #tpu.memory_space<vmem>>) target(%dma_start3A_213 : memref<10112x64xf32, #tpu.memory_space<vmem_shared>>) offsets(%dma_start3A_210 : memref<128xi32, #tpu.memory_space<vmem>>) semaphore(%arg19 : memref<!tpu.dma_semaphore, #tpu.memory_space<semaphore_mem>>) {add = true}
      %dma_wait3A_214 = arith.constant 0 : i32
      %dma_wait3A_215 = tpu.memref_slice %arg8[%dma_wait3A_214] : memref<16384xi32, #tpu.memory_space<vmem>> -> memref<128xi32, #tpu.memory_space<vmem>>
      %dma_wait3A_216 = arith.constant 0 : i32
      %dma_wait3A_217 = arith.constant 0 : i32
      %dma_wait3A_218 = tpu.memref_slice %arg4[%dma_wait3A_216, %dma_wait3A_217] : memref<10000x64xf32, #tpu.memory_space<hbm>> -> memref<10000x64xf32, #tpu.memory_space<hbm>>
      tpu.wait_indirect_dma semaphore(%arg16 : memref<!tpu.dma_semaphore, #tpu.memory_space<semaphore_mem>>) src(%dma_wait3A_218 : memref<10000x64xf32, #tpu.memory_space<hbm>>) dst(%arg12 : memref<128x64xf32, #tpu.memory_space<vmem>>)
      %mul3A_219 = arith.constant 4 : i32
      %mul3A_220 = arith.muli %while3A_180, %mul3A_219 : i32
      %add3A_221 = arith.constant 2 : i32
      %add3A_222 = arith.addi %mul3A_220, %add3A_221 : i32
      %dma_start3A_223 = arith.constant 0 : i32
      %dma_start3A_224 = arith.constant 0 : i32
      %dma_start3A_225 = tpu.memref_slice %arg9[%add3A_222, %dma_start3A_223, %dma_start3A_224] : memref<128x1x128xi32, #tpu.memory_space<vmem>> -> memref<1x1x128xi32, #tpu.memory_space<vmem>>
      %dma_start3A_226 = tpu.memref_squeeze %dma_start3A_225 : memref<1x1x128xi32, #tpu.memory_space<vmem>> -> memref<128xi32, #tpu.memory_space<vmem>>
      %dma_start3A_227 = arith.constant 0 : i32
      %dma_start3A_228 = arith.constant 0 : i32
      %dma_start3A_229 = tpu.memref_slice %arg7[%dma_start3A_227, %dma_start3A_228] : memref<10112x64xf32, #tpu.memory_space<vmem_shared>> -> memref<10112x64xf32, #tpu.memory_space<vmem_shared>>
      tpu.enqueue_indirect_dma source(%arg12 : memref<128x64xf32, #tpu.memory_space<vmem>>) target(%dma_start3A_229 : memref<10112x64xf32, #tpu.memory_space<vmem_shared>>) offsets(%dma_start3A_226 : memref<128xi32, #tpu.memory_space<vmem>>) semaphore(%arg20 : memref<!tpu.dma_semaphore, #tpu.memory_space<semaphore_mem>>) {add = true}
      %dma_wait3A_230 = arith.constant 0 : i32
      %dma_wait3A_231 = tpu.memref_slice %arg8[%dma_wait3A_230] : memref<16384xi32, #tpu.memory_space<vmem>> -> memref<128xi32, #tpu.memory_space<vmem>>
      %dma_wait3A_232 = arith.constant 0 : i32
      %dma_wait3A_233 = arith.constant 0 : i32
      %dma_wait3A_234 = tpu.memref_slice %arg4[%dma_wait3A_232, %dma_wait3A_233] : memref<10000x64xf32, #tpu.memory_space<hbm>> -> memref<10000x64xf32, #tpu.memory_space<hbm>>
      tpu.wait_indirect_dma semaphore(%arg17 : memref<!tpu.dma_semaphore, #tpu.memory_space<semaphore_mem>>) src(%dma_wait3A_234 : memref<10000x64xf32, #tpu.memory_space<hbm>>) dst(%arg13 : memref<128x64xf32, #tpu.memory_space<vmem>>)
      %mul3A_235 = arith.constant 4 : i32
      %mul3A_236 = arith.muli %while3A_180, %mul3A_235 : i32
      %add3A_237 = arith.constant 3 : i32
      %add3A_238 = arith.addi %mul3A_236, %add3A_237 : i32
      %dma_start3A_239 = arith.constant 0 : i32
      %dma_start3A_240 = arith.constant 0 : i32
      %dma_start3A_241 = tpu.memref_slice %arg9[%add3A_238, %dma_start3A_239, %dma_start3A_240] : memref<128x1x128xi32, #tpu.memory_space<vmem>> -> memref<1x1x128xi32, #tpu.memory_space<vmem>>
      %dma_start3A_242 = tpu.memref_squeeze %dma_start3A_241 : memref<1x1x128xi32, #tpu.memory_space<vmem>> -> memref<128xi32, #tpu.memory_space<vmem>>
      %dma_start3A_243 = arith.constant 0 : i32
      %dma_start3A_244 = arith.constant 0 : i32
      %dma_start3A_245 = tpu.memref_slice %arg7[%dma_start3A_243, %dma_start3A_244] : memref<10112x64xf32, #tpu.memory_space<vmem_shared>> -> memref<10112x64xf32, #tpu.memory_space<vmem_shared>>
      tpu.enqueue_indirect_dma source(%arg13 : memref<128x64xf32, #tpu.memory_space<vmem>>) target(%dma_start3A_245 : memref<10112x64xf32, #tpu.memory_space<vmem_shared>>) offsets(%dma_start3A_242 : memref<128xi32, #tpu.memory_space<vmem>>) semaphore(%arg21 : memref<!tpu.dma_semaphore, #tpu.memory_space<semaphore_mem>>) {add = true}
      %dma_wait3A_246 = arith.constant 0 : i32
      %dma_wait3A_247 = arith.constant 0 : i32
      %dma_wait3A_248 = arith.constant 0 : i32
      %dma_wait3A_249 = tpu.memref_slice %arg9[%dma_wait3A_246, %dma_wait3A_247, %dma_wait3A_248] : memref<128x1x128xi32, #tpu.memory_space<vmem>> -> memref<1x1x128xi32, #tpu.memory_space<vmem>>
      %dma_wait3A_250 = tpu.memref_squeeze %dma_wait3A_249 : memref<1x1x128xi32, #tpu.memory_space<vmem>> -> memref<128xi32, #tpu.memory_space<vmem>>
      %dma_wait3A_251 = arith.constant 0 : i32
      %dma_wait3A_252 = arith.constant 0 : i32
      %dma_wait3A_253 = tpu.memref_slice %arg7[%dma_wait3A_251, %dma_wait3A_252] : memref<10112x64xf32, #tpu.memory_space<vmem_shared>> -> memref<10112x64xf32, #tpu.memory_space<vmem_shared>>
      tpu.wait_indirect_dma semaphore(%arg18 : memref<!tpu.dma_semaphore, #tpu.memory_space<semaphore_mem>>) src(%arg10 : memref<128x64xf32, #tpu.memory_space<vmem>>) dst(%dma_wait3A_253 : memref<10112x64xf32, #tpu.memory_space<vmem_shared>>)
      %add3A_254 = arith.constant 1 : i32
      %add3A_255 = arith.addi %while3A_180, %add3A_254 : i32
      %mul3A_256 = arith.constant 4 : i32
      %mul3A_257 = arith.muli %add3A_255, %mul3A_256 : i32
      %add3A_258 = arith.constant 0 : i32
      %add3A_259 = arith.addi %mul3A_257, %add3A_258 : i32
      %mul3A_260 = arith.constant 128 : i32
      %mul3A_261 = arith.muli %add3A_259, %mul3A_260 : i32
      %dma_start3A_262 = tpu.memref_slice %arg8[%mul3A_261] : memref<16384xi32, #tpu.memory_space<vmem>> -> memref<128xi32, #tpu.memory_space<vmem>>
      %dma_start3A_263 = arith.constant 0 : i32
      %dma_start3A_264 = arith.constant 0 : i32
      %dma_start3A_265 = tpu.memref_slice %arg4[%dma_start3A_263, %dma_start3A_264] : memref<10000x64xf32, #tpu.memory_space<hbm>> -> memref<10000x64xf32, #tpu.memory_space<hbm>>
      tpu.enqueue_indirect_dma source(%dma_start3A_265 : memref<10000x64xf32, #tpu.memory_space<hbm>>) target(%arg10 : memref<128x64xf32, #tpu.memory_space<vmem>>) offsets(%dma_start3A_262 : memref<128xi32, #tpu.memory_space<vmem>>) semaphore(%arg14 : memref<!tpu.dma_semaphore, #tpu.memory_space<semaphore_mem>>)
      %dma_wait3A_266 = arith.constant 0 : i32
      %dma_wait3A_267 = arith.constant 0 : i32
      %dma_wait3A_268 = arith.constant 0 : i32
      %dma_wait3A_269 = tpu.memref_slice %arg9[%dma_wait3A_266, %dma_wait3A_267, %dma_wait3A_268] : memref<128x1x128xi32, #tpu.memory_space<vmem>> -> memref<1x1x128xi32, #tpu.memory_space<vmem>>
      %dma_wait3A_270 = tpu.memref_squeeze %dma_wait3A_269 : memref<1x1x128xi32, #tpu.memory_space<vmem>> -> memref<128xi32, #tpu.memory_space<vmem>>
      %dma_wait3A_271 = arith.constant 0 : i32
      %dma_wait3A_272 = arith.constant 0 : i32
      %dma_wait3A_273 = tpu.memref_slice %arg7[%dma_wait3A_271, %dma_wait3A_272] : memref<10112x64xf32, #tpu.memory_space<vmem_shared>> -> memref<10112x64xf32, #tpu.memory_space<vmem_shared>>
      tpu.wait_indirect_dma semaphore(%arg19 : memref<!tpu.dma_semaphore, #tpu.memory_space<semaphore_mem>>) src(%arg11 : memref<128x64xf32, #tpu.memory_space<vmem>>) dst(%dma_wait3A_273 : memref<10112x64xf32, #tpu.memory_space<vmem_shared>>)
      %add3A_274 = arith.constant 1 : i32
      %add3A_275 = arith.addi %while3A_180, %add3A_274 : i32
      %mul3A_276 = arith.constant 4 : i32
      %mul3A_277 = arith.muli %add3A_275, %mul3A_276 : i32
      %add3A_278 = arith.constant 1 : i32
      %add3A_279 = arith.addi %mul3A_277, %add3A_278 : i32
      %mul3A_280 = arith.constant 128 : i32
      %mul3A_281 = arith.muli %add3A_279, %mul3A_280 : i32
      %dma_start3A_282 = tpu.memref_slice %arg8[%mul3A_281] : memref<16384xi32, #tpu.memory_space<vmem>> -> memref<128xi32, #tpu.memory_space<vmem>>
      %dma_start3A_283 = arith.constant 0 : i32
      %dma_start3A_284 = arith.constant 0 : i32
      %dma_start3A_285 = tpu.memref_slice %arg4[%dma_start3A_283, %dma_start3A_284] : memref<10000x64xf32, #tpu.memory_space<hbm>> -> memref<10000x64xf32, #tpu.memory_space<hbm>>
      tpu.enqueue_indirect_dma source(%dma_start3A_285 : memref<10000x64xf32, #tpu.memory_space<hbm>>) target(%arg11 : memref<128x64xf32, #tpu.memory_space<vmem>>) offsets(%dma_start3A_282 : memref<128xi32, #tpu.memory_space<vmem>>) semaphore(%arg15 : memref<!tpu.dma_semaphore, #tpu.memory_space<semaphore_mem>>)
      %dma_wait3A_286 = arith.constant 0 : i32
      %dma_wait3A_287 = arith.constant 0 : i32
      %dma_wait3A_288 = arith.constant 0 : i32
      %dma_wait3A_289 = tpu.memref_slice %arg9[%dma_wait3A_286, %dma_wait3A_287, %dma_wait3A_288] : memref<128x1x128xi32, #tpu.memory_space<vmem>> -> memref<1x1x128xi32, #tpu.memory_space<vmem>>
      %dma_wait3A_290 = tpu.memref_squeeze %dma_wait3A_289 : memref<1x1x128xi32, #tpu.memory_space<vmem>> -> memref<128xi32, #tpu.memory_space<vmem>>
      %dma_wait3A_291 = arith.constant 0 : i32
      %dma_wait3A_292 = arith.constant 0 : i32
      %dma_wait3A_293 = tpu.memref_slice %arg7[%dma_wait3A_291, %dma_wait3A_292] : memref<10112x64xf32, #tpu.memory_space<vmem_shared>> -> memref<10112x64xf32, #tpu.memory_space<vmem_shared>>
      tpu.wait_indirect_dma semaphore(%arg20 : memref<!tpu.dma_semaphore, #tpu.memory_space<semaphore_mem>>) src(%arg12 : memref<128x64xf32, #tpu.memory_space<vmem>>) dst(%dma_wait3A_293 : memref<10112x64xf32, #tpu.memory_space<vmem_shared>>)
      %add3A_294 = arith.constant 1 : i32
      %add3A_295 = arith.addi %while3A_180, %add3A_294 : i32
      %mul3A_296 = arith.constant 4 : i32
      %mul3A_297 = arith.muli %add3A_295, %mul3A_296 : i32
      %add3A_298 = arith.constant 2 : i32
      %add3A_299 = arith.addi %mul3A_297, %add3A_298 : i32
      %mul3A_300 = arith.constant 128 : i32
      %mul3A_301 = arith.muli %add3A_299, %mul3A_300 : i32
      %dma_start3A_302 = tpu.memref_slice %arg8[%mul3A_301] : memref<16384xi32, #tpu.memory_space<vmem>> -> memref<128xi32, #tpu.memory_space<vmem>>
      %dma_start3A_303 = arith.constant 0 : i32
      %dma_start3A_304 = arith.constant 0 : i32
      %dma_start3A_305 = tpu.memref_slice %arg4[%dma_start3A_303, %dma_start3A_304] : memref<10000x64xf32, #tpu.memory_space<hbm>> -> memref<10000x64xf32, #tpu.memory_space<hbm>>
      tpu.enqueue_indirect_dma source(%dma_start3A_305 : memref<10000x64xf32, #tpu.memory_space<hbm>>) target(%arg12 : memref<128x64xf32, #tpu.memory_space<vmem>>) offsets(%dma_start3A_302 : memref<128xi32, #tpu.memory_space<vmem>>) semaphore(%arg16 : memref<!tpu.dma_semaphore, #tpu.memory_space<semaphore_mem>>)
      %dma_wait3A_306 = arith.constant 0 : i32
      %dma_wait3A_307 = arith.constant 0 : i32
      %dma_wait3A_308 = arith.constant 0 : i32
      %dma_wait3A_309 = tpu.memref_slice %arg9[%dma_wait3A_306, %dma_wait3A_307, %dma_wait3A_308] : memref<128x1x128xi32, #tpu.memory_space<vmem>> -> memref<1x1x128xi32, #tpu.memory_space<vmem>>
      %dma_wait3A_310 = tpu.memref_squeeze %dma_wait3A_309 : memref<1x1x128xi32, #tpu.memory_space<vmem>> -> memref<128xi32, #tpu.memory_space<vmem>>
      %dma_wait3A_311 = arith.constant 0 : i32
      %dma_wait3A_312 = arith.constant 0 : i32
      %dma_wait3A_313 = tpu.memref_slice %arg7[%dma_wait3A_311, %dma_wait3A_312] : memref<10112x64xf32, #tpu.memory_space<vmem_shared>> -> memref<10112x64xf32, #tpu.memory_space<vmem_shared>>
      tpu.wait_indirect_dma semaphore(%arg21 : memref<!tpu.dma_semaphore, #tpu.memory_space<semaphore_mem>>) src(%arg13 : memref<128x64xf32, #tpu.memory_space<vmem>>) dst(%dma_wait3A_313 : memref<10112x64xf32, #tpu.memory_space<vmem_shared>>)
      %add3A_314 = arith.constant 1 : i32
      %add3A_315 = arith.addi %while3A_180, %add3A_314 : i32
      %mul3A_316 = arith.constant 4 : i32
      %mul3A_317 = arith.muli %add3A_315, %mul3A_316 : i32
      %add3A_318 = arith.constant 3 : i32
      %add3A_319 = arith.addi %mul3A_317, %add3A_318 : i32
      %mul3A_320 = arith.constant 128 : i32
      %mul3A_321 = arith.muli %add3A_319, %mul3A_320 : i32
      %dma_start3A_322 = tpu.memref_slice %arg8[%mul3A_321] : memref<16384xi32, #tpu.memory_space<vmem>> -> memref<128xi32, #tpu.memory_space<vmem>>
      %dma_start3A_323 = arith.constant 0 : i32
      %dma_start3A_324 = arith.constant 0 : i32
      %dma_start3A_325 = tpu.memref_slice %arg4[%dma_start3A_323, %dma_start3A_324] : memref<10000x64xf32, #tpu.memory_space<hbm>> -> memref<10000x64xf32, #tpu.memory_space<hbm>>
      tpu.enqueue_indirect_dma source(%dma_start3A_325 : memref<10000x64xf32, #tpu.memory_space<hbm>>) target(%arg13 : memref<128x64xf32, #tpu.memory_space<vmem>>) offsets(%dma_start3A_322 : memref<128xi32, #tpu.memory_space<vmem>>) semaphore(%arg17 : memref<!tpu.dma_semaphore, #tpu.memory_space<semaphore_mem>>)
      %while3A_326 = arith.constant 0 : i32
      scf.yield %while3A_326 : i32
    }
    %dma_wait3A = arith.constant 0 : i32
    %dma_wait3A_76 = tpu.memref_slice %arg8[%dma_wait3A] : memref<16384xi32, #tpu.memory_space<vmem>> -> memref<128xi32, #tpu.memory_space<vmem>>
    %dma_wait3A_77 = arith.constant 0 : i32
    %dma_wait3A_78 = arith.constant 0 : i32
    %dma_wait3A_79 = tpu.memref_slice %arg4[%dma_wait3A_77, %dma_wait3A_78] : memref<10000x64xf32, #tpu.memory_space<hbm>> -> memref<10000x64xf32, #tpu.memory_space<hbm>>
    tpu.wait_indirect_dma semaphore(%arg14 : memref<!tpu.dma_semaphore, #tpu.memory_space<semaphore_mem>>) src(%dma_wait3A_79 : memref<10000x64xf32, #tpu.memory_space<hbm>>) dst(%arg10 : memref<128x64xf32, #tpu.memory_space<vmem>>)
    %sub3A_80 = arith.constant 1 : i32
    %sub3A_81 = arith.subi %select_n3A_43, %sub3A_80 : i32
    %mul3A_82 = arith.constant 4 : i32
    %mul3A_83 = arith.muli %sub3A_81, %mul3A_82 : i32
    %add3A_84 = arith.constant 0 : i32
    %add3A_85 = arith.addi %mul3A_83, %add3A_84 : i32
    %dma_start3A_86 = arith.constant 0 : i32
    %dma_start3A_87 = arith.constant 0 : i32
    %dma_start3A_88 = tpu.memref_slice %arg9[%add3A_85, %dma_start3A_86, %dma_start3A_87] : memref<128x1x128xi32, #tpu.memory_space<vmem>> -> memref<1x1x128xi32, #tpu.memory_space<vmem>>
    %dma_start3A_89 = tpu.memref_squeeze %dma_start3A_88 : memref<1x1x128xi32, #tpu.memory_space<vmem>> -> memref<128xi32, #tpu.memory_space<vmem>>
    %dma_start3A_90 = arith.constant 0 : i32
    %dma_start3A_91 = arith.constant 0 : i32
    %dma_start3A_92 = tpu.memref_slice %arg7[%dma_start3A_90, %dma_start3A_91] : memref<10112x64xf32, #tpu.memory_space<vmem_shared>> -> memref<10112x64xf32, #tpu.memory_space<vmem_shared>>
    tpu.enqueue_indirect_dma source(%arg10 : memref<128x64xf32, #tpu.memory_space<vmem>>) target(%dma_start3A_92 : memref<10112x64xf32, #tpu.memory_space<vmem_shared>>) offsets(%dma_start3A_89 : memref<128xi32, #tpu.memory_space<vmem>>) semaphore(%arg18 : memref<!tpu.dma_semaphore, #tpu.memory_space<semaphore_mem>>) {add = true}
    %dma_wait3A_93 = arith.constant 0 : i32
    %dma_wait3A_94 = tpu.memref_slice %arg8[%dma_wait3A_93] : memref<16384xi32, #tpu.memory_space<vmem>> -> memref<128xi32, #tpu.memory_space<vmem>>
    %dma_wait3A_95 = arith.constant 0 : i32
    %dma_wait3A_96 = arith.constant 0 : i32
    %dma_wait3A_97 = tpu.memref_slice %arg4[%dma_wait3A_95, %dma_wait3A_96] : memref<10000x64xf32, #tpu.memory_space<hbm>> -> memref<10000x64xf32, #tpu.memory_space<hbm>>
    tpu.wait_indirect_dma semaphore(%arg15 : memref<!tpu.dma_semaphore, #tpu.memory_space<semaphore_mem>>) src(%dma_wait3A_97 : memref<10000x64xf32, #tpu.memory_space<hbm>>) dst(%arg11 : memref<128x64xf32, #tpu.memory_space<vmem>>)
    %sub3A_98 = arith.constant 1 : i32
    %sub3A_99 = arith.subi %select_n3A_43, %sub3A_98 : i32
    %mul3A_100 = arith.constant 4 : i32
    %mul3A_101 = arith.muli %sub3A_99, %mul3A_100 : i32
    %add3A_102 = arith.constant 1 : i32
    %add3A_103 = arith.addi %mul3A_101, %add3A_102 : i32
    %dma_start3A_104 = arith.constant 0 : i32
    %dma_start3A_105 = arith.constant 0 : i32
    %dma_start3A_106 = tpu.memref_slice %arg9[%add3A_103, %dma_start3A_104, %dma_start3A_105] : memref<128x1x128xi32, #tpu.memory_space<vmem>> -> memref<1x1x128xi32, #tpu.memory_space<vmem>>
    %dma_start3A_107 = tpu.memref_squeeze %dma_start3A_106 : memref<1x1x128xi32, #tpu.memory_space<vmem>> -> memref<128xi32, #tpu.memory_space<vmem>>
    %dma_start3A_108 = arith.constant 0 : i32
    %dma_start3A_109 = arith.constant 0 : i32
    %dma_start3A_110 = tpu.memref_slice %arg7[%dma_start3A_108, %dma_start3A_109] : memref<10112x64xf32, #tpu.memory_space<vmem_shared>> -> memref<10112x64xf32, #tpu.memory_space<vmem_shared>>
    tpu.enqueue_indirect_dma source(%arg11 : memref<128x64xf32, #tpu.memory_space<vmem>>) target(%dma_start3A_110 : memref<10112x64xf32, #tpu.memory_space<vmem_shared>>) offsets(%dma_start3A_107 : memref<128xi32, #tpu.memory_space<vmem>>) semaphore(%arg19 : memref<!tpu.dma_semaphore, #tpu.memory_space<semaphore_mem>>) {add = true}
    %dma_wait3A_111 = arith.constant 0 : i32
    %dma_wait3A_112 = tpu.memref_slice %arg8[%dma_wait3A_111] : memref<16384xi32, #tpu.memory_space<vmem>> -> memref<128xi32, #tpu.memory_space<vmem>>
    %dma_wait3A_113 = arith.constant 0 : i32
    %dma_wait3A_114 = arith.constant 0 : i32
    %dma_wait3A_115 = tpu.memref_slice %arg4[%dma_wait3A_113, %dma_wait3A_114] : memref<10000x64xf32, #tpu.memory_space<hbm>> -> memref<10000x64xf32, #tpu.memory_space<hbm>>
    tpu.wait_indirect_dma semaphore(%arg16 : memref<!tpu.dma_semaphore, #tpu.memory_space<semaphore_mem>>) src(%dma_wait3A_115 : memref<10000x64xf32, #tpu.memory_space<hbm>>) dst(%arg12 : memref<128x64xf32, #tpu.memory_space<vmem>>)
    %sub3A_116 = arith.constant 1 : i32
    %sub3A_117 = arith.subi %select_n3A_43, %sub3A_116 : i32
    %mul3A_118 = arith.constant 4 : i32
    %mul3A_119 = arith.muli %sub3A_117, %mul3A_118 : i32
    %add3A_120 = arith.constant 2 : i32
    %add3A_121 = arith.addi %mul3A_119, %add3A_120 : i32
    %dma_start3A_122 = arith.constant 0 : i32
    %dma_start3A_123 = arith.constant 0 : i32
    %dma_start3A_124 = tpu.memref_slice %arg9[%add3A_121, %dma_start3A_122, %dma_start3A_123] : memref<128x1x128xi32, #tpu.memory_space<vmem>> -> memref<1x1x128xi32, #tpu.memory_space<vmem>>
    %dma_start3A_125 = tpu.memref_squeeze %dma_start3A_124 : memref<1x1x128xi32, #tpu.memory_space<vmem>> -> memref<128xi32, #tpu.memory_space<vmem>>
    %dma_start3A_126 = arith.constant 0 : i32
    %dma_start3A_127 = arith.constant 0 : i32
    %dma_start3A_128 = tpu.memref_slice %arg7[%dma_start3A_126, %dma_start3A_127] : memref<10112x64xf32, #tpu.memory_space<vmem_shared>> -> memref<10112x64xf32, #tpu.memory_space<vmem_shared>>
    tpu.enqueue_indirect_dma source(%arg12 : memref<128x64xf32, #tpu.memory_space<vmem>>) target(%dma_start3A_128 : memref<10112x64xf32, #tpu.memory_space<vmem_shared>>) offsets(%dma_start3A_125 : memref<128xi32, #tpu.memory_space<vmem>>) semaphore(%arg20 : memref<!tpu.dma_semaphore, #tpu.memory_space<semaphore_mem>>) {add = true}
    %dma_wait3A_129 = arith.constant 0 : i32
    %dma_wait3A_130 = tpu.memref_slice %arg8[%dma_wait3A_129] : memref<16384xi32, #tpu.memory_space<vmem>> -> memref<128xi32, #tpu.memory_space<vmem>>
    %dma_wait3A_131 = arith.constant 0 : i32
    %dma_wait3A_132 = arith.constant 0 : i32
    %dma_wait3A_133 = tpu.memref_slice %arg4[%dma_wait3A_131, %dma_wait3A_132] : memref<10000x64xf32, #tpu.memory_space<hbm>> -> memref<10000x64xf32, #tpu.memory_space<hbm>>
    tpu.wait_indirect_dma semaphore(%arg17 : memref<!tpu.dma_semaphore, #tpu.memory_space<semaphore_mem>>) src(%dma_wait3A_133 : memref<10000x64xf32, #tpu.memory_space<hbm>>) dst(%arg13 : memref<128x64xf32, #tpu.memory_space<vmem>>)
    %sub3A_134 = arith.constant 1 : i32
    %sub3A_135 = arith.subi %select_n3A_43, %sub3A_134 : i32
    %mul3A_136 = arith.constant 4 : i32
    %mul3A_137 = arith.muli %sub3A_135, %mul3A_136 : i32
    %add3A_138 = arith.constant 3 : i32
    %add3A_139 = arith.addi %mul3A_137, %add3A_138 : i32
    %dma_start3A_140 = arith.constant 0 : i32
    %dma_start3A_141 = arith.constant 0 : i32
    %dma_start3A_142 = tpu.memref_slice %arg9[%add3A_139, %dma_start3A_140, %dma_start3A_141] : memref<128x1x128xi32, #tpu.memory_space<vmem>> -> memref<1x1x128xi32, #tpu.memory_space<vmem>>
    %dma_start3A_143 = tpu.memref_squeeze %dma_start3A_142 : memref<1x1x128xi32, #tpu.memory_space<vmem>> -> memref<128xi32, #tpu.memory_space<vmem>>
    %dma_start3A_144 = arith.constant 0 : i32
    %dma_start3A_145 = arith.constant 0 : i32
    %dma_start3A_146 = tpu.memref_slice %arg7[%dma_start3A_144, %dma_start3A_145] : memref<10112x64xf32, #tpu.memory_space<vmem_shared>> -> memref<10112x64xf32, #tpu.memory_space<vmem_shared>>
    tpu.enqueue_indirect_dma source(%arg13 : memref<128x64xf32, #tpu.memory_space<vmem>>) target(%dma_start3A_146 : memref<10112x64xf32, #tpu.memory_space<vmem_shared>>) offsets(%dma_start3A_143 : memref<128xi32, #tpu.memory_space<vmem>>) semaphore(%arg21 : memref<!tpu.dma_semaphore, #tpu.memory_space<semaphore_mem>>) {add = true}
    %dma_wait3A_147 = arith.constant 0 : i32
    %dma_wait3A_148 = arith.constant 0 : i32
    %dma_wait3A_149 = arith.constant 0 : i32
    %dma_wait3A_150 = tpu.memref_slice %arg9[%dma_wait3A_147, %dma_wait3A_148, %dma_wait3A_149] : memref<128x1x128xi32, #tpu.memory_space<vmem>> -> memref<1x1x128xi32, #tpu.memory_space<vmem>>
    %dma_wait3A_151 = tpu.memref_squeeze %dma_wait3A_150 : memref<1x1x128xi32, #tpu.memory_space<vmem>> -> memref<128xi32, #tpu.memory_space<vmem>>
    %dma_wait3A_152 = arith.constant 0 : i32
    %dma_wait3A_153 = arith.constant 0 : i32
    %dma_wait3A_154 = tpu.memref_slice %arg7[%dma_wait3A_152, %dma_wait3A_153] : memref<10112x64xf32, #tpu.memory_space<vmem_shared>> -> memref<10112x64xf32, #tpu.memory_space<vmem_shared>>
    tpu.wait_indirect_dma semaphore(%arg18 : memref<!tpu.dma_semaphore, #tpu.memory_space<semaphore_mem>>) src(%arg10 : memref<128x64xf32, #tpu.memory_space<vmem>>) dst(%dma_wait3A_154 : memref<10112x64xf32, #tpu.memory_space<vmem_shared>>)
    %dma_wait3A_155 = arith.constant 0 : i32
    %dma_wait3A_156 = arith.constant 0 : i32
    %dma_wait3A_157 = arith.constant 0 : i32
    %dma_wait3A_158 = tpu.memref_slice %arg9[%dma_wait3A_155, %dma_wait3A_156, %dma_wait3A_157] : memref<128x1x128xi32, #tpu.memory_space<vmem>> -> memref<1x1x128xi32, #tpu.memory_space<vmem>>
    %dma_wait3A_159 = tpu.memref_squeeze %dma_wait3A_158 : memref<1x1x128xi32, #tpu.memory_space<vmem>> -> memref<128xi32, #tpu.memory_space<vmem>>
    %dma_wait3A_160 = arith.constant 0 : i32
    %dma_wait3A_161 = arith.constant 0 : i32
    %dma_wait3A_162 = tpu.memref_slice %arg7[%dma_wait3A_160, %dma_wait3A_161] : memref<10112x64xf32, #tpu.memory_space<vmem_shared>> -> memref<10112x64xf32, #tpu.memory_space<vmem_shared>>
    tpu.wait_indirect_dma semaphore(%arg19 : memref<!tpu.dma_semaphore, #tpu.memory_space<semaphore_mem>>) src(%arg11 : memref<128x64xf32, #tpu.memory_space<vmem>>) dst(%dma_wait3A_162 : memref<10112x64xf32, #tpu.memory_space<vmem_shared>>)
    %dma_wait3A_163 = arith.constant 0 : i32
    %dma_wait3A_164 = arith.constant 0 : i32
    %dma_wait3A_165 = arith.constant 0 : i32
    %dma_wait3A_166 = tpu.memref_slice %arg9[%dma_wait3A_163, %dma_wait3A_164, %dma_wait3A_165] : memref<128x1x128xi32, #tpu.memory_space<vmem>> -> memref<1x1x128xi32, #tpu.memory_space<vmem>>
    %dma_wait3A_167 = tpu.memref_squeeze %dma_wait3A_166 : memref<1x1x128xi32, #tpu.memory_space<vmem>> -> memref<128xi32, #tpu.memory_space<vmem>>
    %dma_wait3A_168 = arith.constant 0 : i32
    %dma_wait3A_169 = arith.constant 0 : i32
    %dma_wait3A_170 = tpu.memref_slice %arg7[%dma_wait3A_168, %dma_wait3A_169] : memref<10112x64xf32, #tpu.memory_space<vmem_shared>> -> memref<10112x64xf32, #tpu.memory_space<vmem_shared>>
    tpu.wait_indirect_dma semaphore(%arg20 : memref<!tpu.dma_semaphore, #tpu.memory_space<semaphore_mem>>) src(%arg12 : memref<128x64xf32, #tpu.memory_space<vmem>>) dst(%dma_wait3A_170 : memref<10112x64xf32, #tpu.memory_space<vmem_shared>>)
    %dma_wait3A_171 = arith.constant 0 : i32
    %dma_wait3A_172 = arith.constant 0 : i32
    %dma_wait3A_173 = arith.constant 0 : i32
    %dma_wait3A_174 = tpu.memref_slice %arg9[%dma_wait3A_171, %dma_wait3A_172, %dma_wait3A_173] : memref<128x1x128xi32, #tpu.memory_space<vmem>> -> memref<1x1x128xi32, #tpu.memory_space<vmem>>
    %dma_wait3A_175 = tpu.memref_squeeze %dma_wait3A_174 : memref<1x1x128xi32, #tpu.memory_space<vmem>> -> memref<128xi32, #tpu.memory_space<vmem>>
    %dma_wait3A_176 = arith.constant 0 : i32
    %dma_wait3A_177 = arith.constant 0 : i32
    %dma_wait3A_178 = tpu.memref_slice %arg7[%dma_wait3A_176, %dma_wait3A_177] : memref<10112x64xf32, #tpu.memory_space<vmem_shared>> -> memref<10112x64xf32, #tpu.memory_space<vmem_shared>>
    tpu.wait_indirect_dma semaphore(%arg21 : memref<!tpu.dma_semaphore, #tpu.memory_space<semaphore_mem>>) src(%arg13 : memref<128x64xf32, #tpu.memory_space<vmem>>) dst(%dma_wait3A_178 : memref<10112x64xf32, #tpu.memory_space<vmem_shared>>)
    %barrier3A_179 = arith.constant 0 : index
    tpu.barrier barrier_id(%barrier3A_179)
    "tpu.region"() ({
      %run_scoped3A = tpu.sem_alloc : memref<!tpu.dma_semaphore, #tpu.memory_space<semaphore_mem>>
      %dma_start3A_180 = arith.constant 0 : i32
      %dma_start3A_181 = tpu.memref_slice %arg6[%arg0, %mul3A_0, %dma_start3A_180] : memref<2x10112x64xf32, #tpu.memory_space<hbm>> -> memref<1x632x64xf32, #tpu.memory_space<hbm>>
      %dma_start3A_182 = tpu.memref_squeeze %dma_start3A_181 : memref<1x632x64xf32, #tpu.memory_space<hbm>> -> memref<632x64xf32, #tpu.memory_space<hbm>>
      %dma_start3A_183 = arith.constant 0 : i32
      %dma_start3A_184 = tpu.memref_slice %arg7[%mul3A_0, %dma_start3A_183] : memref<10112x64xf32, #tpu.memory_space<vmem_shared>> -> memref<632x64xf32, #tpu.memory_space<vmem_shared>>
      tpu.enqueue_dma source(%dma_start3A_184 : memref<632x64xf32, #tpu.memory_space<vmem_shared>>) target(%dma_start3A_182 : memref<632x64xf32, #tpu.memory_space<hbm>>) target_semaphore(%run_scoped3A : memref<!tpu.dma_semaphore, #tpu.memory_space<semaphore_mem>>)
      %dma_wait3A_185 = arith.constant 0 : i32
      %dma_wait3A_186 = tpu.memref_slice %arg6[%arg0, %mul3A_0, %dma_wait3A_185] : memref<2x10112x64xf32, #tpu.memory_space<hbm>> -> memref<1x632x64xf32, #tpu.memory_space<hbm>>
      %dma_wait3A_187 = tpu.memref_squeeze %dma_wait3A_186 : memref<1x632x64xf32, #tpu.memory_space<hbm>> -> memref<632x64xf32, #tpu.memory_space<hbm>>
      %dma_wait3A_188 = arith.constant 0 : i32
      %dma_wait3A_189 = tpu.memref_slice %arg7[%mul3A_0, %dma_wait3A_188] : memref<10112x64xf32, #tpu.memory_space<vmem_shared>> -> memref<632x64xf32, #tpu.memory_space<vmem_shared>>
      tpu.wait_dma2 semaphore(%run_scoped3A : memref<!tpu.dma_semaphore, #tpu.memory_space<semaphore_mem>>) src(%dma_wait3A_189 : memref<632x64xf32, #tpu.memory_space<vmem_shared>>) dst(%dma_wait3A_187 : memref<632x64xf32, #tpu.memory_space<hbm>>)
      tpu.yield
    }) : () -> ()
    return
  }
}

#map = affine_map<(d0, d1) -> (0)>
#map1 = affine_map<(d0, d1) -> (0, 0, 0)>
#map2 = affine_map<(d0, d1) -> (0, 0)>
module attributes {stable_mosaic.version = 14 : i64} {
  func.func @spmm(%arg0: i32, %arg1: i32, %arg2: memref<327680xi32, #tpu.memory_space<hbm>>, %arg3: memref<2560x1x128xi32, #tpu.memory_space<hbm>>, %arg4: memref<10112x64xf32, #tpu.memory_space<hbm>>, %arg5: memref<10112x64xf32, #tpu.memory_space<hbm>>, %arg6: memref<2x10112x64xf32, #tpu.memory_space<hbm>>, %arg7: memref<10112x64xf32, #tpu.memory_space<vmem_shared>>, %arg8: memref<16384xi32, #tpu.memory_space<vmem>>, %arg9: memref<128x1x128xi32, #tpu.memory_space<vmem>>, %arg10: memref<128x64xf32, #tpu.memory_space<vmem>>, %arg11: memref<128x64xf32, #tpu.memory_space<vmem>>, %arg12: memref<128x64xf32, #tpu.memory_space<vmem>>, %arg13: memref<128x64xf32, #tpu.memory_space<vmem>>, %arg14: memref<!tpu.dma_semaphore, #tpu.memory_space<semaphore_mem>>, %arg15: memref<!tpu.dma_semaphore, #tpu.memory_space<semaphore_mem>>, %arg16: memref<!tpu.dma_semaphore, #tpu.memory_space<semaphore_mem>>, %arg17: memref<!tpu.dma_semaphore, #tpu.memory_space<semaphore_mem>>, %arg18: memref<!tpu.dma_semaphore, #tpu.memory_space<semaphore_mem>>, %arg19: memref<!tpu.dma_semaphore, #tpu.memory_space<semaphore_mem>>, %arg20: memref<!tpu.dma_semaphore, #tpu.memory_space<semaphore_mem>>, %arg21: memref<!tpu.dma_semaphore, #tpu.memory_space<semaphore_mem>>, %arg22: memref<!tpu.dma_semaphore, #tpu.memory_space<semaphore_mem>>) attributes {dimension_semantics = [#tpu.dimension_semantics<core_parallel>, #tpu.dimension_semantics<subcore_parallel>], iteration_bounds = array<i64: 2, 16>, scalar_prefetch = 0 : i64, scratch_operands = 16 : i64, tpu.core_type = #tpu.core_type<sc_vector_subcore>, window_params = [{transform_indices = #map}, {transform_indices = #map1}, {transform_indices = #map2}, {transform_indices = #map2}, {transform_indices = #map1}]} {
    %mul3A = arith.constant 632 : i32
    %mul3A_0 = arith.muli %arg1, %mul3A : i32
    %mul3A_1 = arith.constant 128 : i32
    %mul3A_2 = arith.muli %arg1, %mul3A_1 : i32
    %mul3A_3 = arith.constant 32 : i32
    %mul3A_4 = arith.muli %arg1, %mul3A_3 : i32
    %add3A = arith.constant 2048 : i32
    %add3A_5 = arith.addi %add3A, %mul3A_4 : i32
    %eq3A = arith.constant 0 : i32
    %eq3A_6 = arith.cmpi eq, %arg0, %eq3A : i32
    %convert_element_type3A = arith.extui %eq3A_6 : i1 to i32
    %cond3A = arith.constant 0 : i32
    %cond3A_7 = arith.cmpi ne, %convert_element_type3A, %cond3A : i32
    scf.if %cond3A_7 {
      %mul3A_180 = arith.constant 128 : i32
      %mul3A_181 = arith.muli %mul3A_2, %mul3A_180 : i32
      %dma_start3A_182 = tpu.memref_slice %arg2[%mul3A_181] : memref<327680xi32, #tpu.memory_space<hbm>> -> memref<16384xi32, #tpu.memory_space<hbm>>
      %dma_start3A_183 = tpu.memref_slice %arg2[%mul3A_181] : memref<327680xi32, #tpu.memory_space<hbm>> -> memref<16384xi32, #tpu.memory_space<hbm>>
      tpu.enqueue_dma source(%dma_start3A_183 : memref<16384xi32, #tpu.memory_space<hbm>>) target(%arg8 : memref<16384xi32, #tpu.memory_space<vmem>>) target_semaphore(%arg22 : memref<!tpu.dma_semaphore, #tpu.memory_space<semaphore_mem>>)
      %dma_start3A_184 = arith.constant 0 : i32
      %dma_start3A_185 = arith.constant 0 : i32
      %dma_start3A_186 = tpu.memref_slice %arg3[%mul3A_2, %dma_start3A_184, %dma_start3A_185] : memref<2560x1x128xi32, #tpu.memory_space<hbm>> -> memref<128x1x128xi32, #tpu.memory_space<hbm>>
      %dma_start3A_187 = arith.constant 0 : i32
      %dma_start3A_188 = arith.constant 0 : i32
      %dma_start3A_189 = tpu.memref_slice %arg3[%mul3A_2, %dma_start3A_187, %dma_start3A_188] : memref<2560x1x128xi32, #tpu.memory_space<hbm>> -> memref<128x1x128xi32, #tpu.memory_space<hbm>>
      tpu.enqueue_dma source(%dma_start3A_189 : memref<128x1x128xi32, #tpu.memory_space<hbm>>) target(%arg9 : memref<128x1x128xi32, #tpu.memory_space<vmem>>) target_semaphore(%arg22 : memref<!tpu.dma_semaphore, #tpu.memory_space<semaphore_mem>>)
    } else {
    }
    %eq3A_8 = arith.constant 1 : i32
    %eq3A_9 = arith.cmpi eq, %arg0, %eq3A_8 : i32
    %convert_element_type3A_10 = arith.extui %eq3A_9 : i1 to i32
    %cond3A_11 = arith.constant 0 : i32
    %cond3A_12 = arith.cmpi ne, %convert_element_type3A_10, %cond3A_11 : i32
    scf.if %cond3A_12 {
      %mul3A_180 = arith.constant 128 : i32
      %mul3A_181 = arith.muli %add3A_5, %mul3A_180 : i32
      %dma_start3A_182 = arith.constant 0 : i32
      %dma_start3A_183 = tpu.memref_slice %arg8[%dma_start3A_182] : memref<16384xi32, #tpu.memory_space<vmem>> -> memref<4096xi32, #tpu.memory_space<vmem>>
      %dma_start3A_184 = tpu.memref_slice %arg2[%mul3A_181] : memref<327680xi32, #tpu.memory_space<hbm>> -> memref<4096xi32, #tpu.memory_space<hbm>>
      %dma_start3A_185 = arith.constant 0 : i32
      %dma_start3A_186 = tpu.memref_slice %arg8[%dma_start3A_185] : memref<16384xi32, #tpu.memory_space<vmem>> -> memref<4096xi32, #tpu.memory_space<vmem>>
      %dma_start3A_187 = tpu.memref_slice %arg2[%mul3A_181] : memref<327680xi32, #tpu.memory_space<hbm>> -> memref<4096xi32, #tpu.memory_space<hbm>>
      tpu.enqueue_dma source(%dma_start3A_187 : memref<4096xi32, #tpu.memory_space<hbm>>) target(%dma_start3A_186 : memref<4096xi32, #tpu.memory_space<vmem>>) target_semaphore(%arg22 : memref<!tpu.dma_semaphore, #tpu.memory_space<semaphore_mem>>)
      %dma_start3A_188 = arith.constant 0 : i32
      %dma_start3A_189 = arith.constant 0 : i32
      %dma_start3A_190 = arith.constant 0 : i32
      %dma_start3A_191 = tpu.memref_slice %arg9[%dma_start3A_188, %dma_start3A_189, %dma_start3A_190] : memref<128x1x128xi32, #tpu.memory_space<vmem>> -> memref<32x1x128xi32, #tpu.memory_space<vmem>>
      %dma_start3A_192 = arith.constant 0 : i32
      %dma_start3A_193 = arith.constant 0 : i32
      %dma_start3A_194 = tpu.memref_slice %arg3[%add3A_5, %dma_start3A_192, %dma_start3A_193] : memref<2560x1x128xi32, #tpu.memory_space<hbm>> -> memref<32x1x128xi32, #tpu.memory_space<hbm>>
      %dma_start3A_195 = arith.constant 0 : i32
      %dma_start3A_196 = arith.constant 0 : i32
      %dma_start3A_197 = arith.constant 0 : i32
      %dma_start3A_198 = tpu.memref_slice %arg9[%dma_start3A_195, %dma_start3A_196, %dma_start3A_197] : memref<128x1x128xi32, #tpu.memory_space<vmem>> -> memref<32x1x128xi32, #tpu.memory_space<vmem>>
      %dma_start3A_199 = arith.constant 0 : i32
      %dma_start3A_200 = arith.constant 0 : i32
      %dma_start3A_201 = tpu.memref_slice %arg3[%add3A_5, %dma_start3A_199, %dma_start3A_200] : memref<2560x1x128xi32, #tpu.memory_space<hbm>> -> memref<32x1x128xi32, #tpu.memory_space<hbm>>
      tpu.enqueue_dma source(%dma_start3A_201 : memref<32x1x128xi32, #tpu.memory_space<hbm>>) target(%dma_start3A_198 : memref<32x1x128xi32, #tpu.memory_space<vmem>>) target_semaphore(%arg22 : memref<!tpu.dma_semaphore, #tpu.memory_space<semaphore_mem>>)
    } else {
    }
    "tpu.region"() ({
      %run_scoped3A = tpu.sem_alloc : memref<!tpu.dma_semaphore, #tpu.memory_space<semaphore_mem>>
      %dma_start3A_180 = arith.constant 0 : i32
      %dma_start3A_181 = tpu.memref_slice %arg7[%mul3A_0, %dma_start3A_180] : memref<10112x64xf32, #tpu.memory_space<vmem_shared>> -> memref<632x64xf32, #tpu.memory_space<vmem_shared>>
      %dma_start3A_182 = arith.constant 0 : i32
      %dma_start3A_183 = tpu.memref_slice %arg5[%mul3A_0, %dma_start3A_182] : memref<10112x64xf32, #tpu.memory_space<hbm>> -> memref<632x64xf32, #tpu.memory_space<hbm>>
      tpu.enqueue_dma source(%dma_start3A_183 : memref<632x64xf32, #tpu.memory_space<hbm>>) target(%dma_start3A_181 : memref<632x64xf32, #tpu.memory_space<vmem_shared>>) target_semaphore(%run_scoped3A : memref<!tpu.dma_semaphore, #tpu.memory_space<semaphore_mem>>)
      %dma_wait3A_184 = arith.constant 0 : i32
      %dma_wait3A_185 = tpu.memref_slice %arg7[%mul3A_0, %dma_wait3A_184] : memref<10112x64xf32, #tpu.memory_space<vmem_shared>> -> memref<632x64xf32, #tpu.memory_space<vmem_shared>>
      %dma_wait3A_186 = arith.constant 0 : i32
      %dma_wait3A_187 = tpu.memref_slice %arg5[%mul3A_0, %dma_wait3A_186] : memref<10112x64xf32, #tpu.memory_space<hbm>> -> memref<632x64xf32, #tpu.memory_space<hbm>>
      tpu.wait_dma2 semaphore(%run_scoped3A : memref<!tpu.dma_semaphore, #tpu.memory_space<semaphore_mem>>) src(%dma_wait3A_187 : memref<632x64xf32, #tpu.memory_space<hbm>>) dst(%dma_wait3A_185 : memref<632x64xf32, #tpu.memory_space<vmem_shared>>)
      tpu.yield
    }) : () -> ()
    %eq3A_13 = arith.constant 0 : i32
    %eq3A_14 = arith.cmpi eq, %arg0, %eq3A_13 : i32
    %convert_element_type3A_15 = arith.extui %eq3A_14 : i1 to i32
    %cond3A_16 = arith.constant 0 : i32
    %cond3A_17 = arith.cmpi ne, %convert_element_type3A_15, %cond3A_16 : i32
    scf.if %cond3A_17 {
      %mul3A_180 = arith.constant 128 : i32
      %mul3A_181 = arith.muli %mul3A_2, %mul3A_180 : i32
      %dma_wait3A_182 = tpu.memref_slice %arg2[%mul3A_181] : memref<327680xi32, #tpu.memory_space<hbm>> -> memref<16384xi32, #tpu.memory_space<hbm>>
      %dma_wait3A_183 = tpu.memref_slice %arg2[%mul3A_181] : memref<327680xi32, #tpu.memory_space<hbm>> -> memref<16384xi32, #tpu.memory_space<hbm>>
      tpu.wait_dma2 semaphore(%arg22 : memref<!tpu.dma_semaphore, #tpu.memory_space<semaphore_mem>>) src(%dma_wait3A_183 : memref<16384xi32, #tpu.memory_space<hbm>>) dst(%arg8 : memref<16384xi32, #tpu.memory_space<vmem>>)
      %dma_wait3A_184 = arith.constant 0 : i32
      %dma_wait3A_185 = arith.constant 0 : i32
      %dma_wait3A_186 = tpu.memref_slice %arg3[%mul3A_2, %dma_wait3A_184, %dma_wait3A_185] : memref<2560x1x128xi32, #tpu.memory_space<hbm>> -> memref<128x1x128xi32, #tpu.memory_space<hbm>>
      %dma_wait3A_187 = arith.constant 0 : i32
      %dma_wait3A_188 = arith.constant 0 : i32
      %dma_wait3A_189 = tpu.memref_slice %arg3[%mul3A_2, %dma_wait3A_187, %dma_wait3A_188] : memref<2560x1x128xi32, #tpu.memory_space<hbm>> -> memref<128x1x128xi32, #tpu.memory_space<hbm>>
      tpu.wait_dma2 semaphore(%arg22 : memref<!tpu.dma_semaphore, #tpu.memory_space<semaphore_mem>>) src(%dma_wait3A_189 : memref<128x1x128xi32, #tpu.memory_space<hbm>>) dst(%arg9 : memref<128x1x128xi32, #tpu.memory_space<vmem>>)
    } else {
    }
    %eq3A_18 = arith.constant 1 : i32
    %eq3A_19 = arith.cmpi eq, %arg0, %eq3A_18 : i32
    %convert_element_type3A_20 = arith.extui %eq3A_19 : i1 to i32
    %cond3A_21 = arith.constant 0 : i32
    %cond3A_22 = arith.cmpi ne, %convert_element_type3A_20, %cond3A_21 : i32
    scf.if %cond3A_22 {
      %mul3A_180 = arith.constant 128 : i32
      %mul3A_181 = arith.muli %add3A_5, %mul3A_180 : i32
      %dma_wait3A_182 = arith.constant 0 : i32
      %dma_wait3A_183 = tpu.memref_slice %arg8[%dma_wait3A_182] : memref<16384xi32, #tpu.memory_space<vmem>> -> memref<4096xi32, #tpu.memory_space<vmem>>
      %dma_wait3A_184 = tpu.memref_slice %arg2[%mul3A_181] : memref<327680xi32, #tpu.memory_space<hbm>> -> memref<4096xi32, #tpu.memory_space<hbm>>
      %dma_wait3A_185 = arith.constant 0 : i32
      %dma_wait3A_186 = tpu.memref_slice %arg8[%dma_wait3A_185] : memref<16384xi32, #tpu.memory_space<vmem>> -> memref<4096xi32, #tpu.memory_space<vmem>>
      %dma_wait3A_187 = tpu.memref_slice %arg2[%mul3A_181] : memref<327680xi32, #tpu.memory_space<hbm>> -> memref<4096xi32, #tpu.memory_space<hbm>>
      tpu.wait_dma2 semaphore(%arg22 : memref<!tpu.dma_semaphore, #tpu.memory_space<semaphore_mem>>) src(%dma_wait3A_187 : memref<4096xi32, #tpu.memory_space<hbm>>) dst(%dma_wait3A_186 : memref<4096xi32, #tpu.memory_space<vmem>>)
      %dma_wait3A_188 = arith.constant 0 : i32
      %dma_wait3A_189 = arith.constant 0 : i32
      %dma_wait3A_190 = arith.constant 0 : i32
      %dma_wait3A_191 = tpu.memref_slice %arg9[%dma_wait3A_188, %dma_wait3A_189, %dma_wait3A_190] : memref<128x1x128xi32, #tpu.memory_space<vmem>> -> memref<32x1x128xi32, #tpu.memory_space<vmem>>
      %dma_wait3A_192 = arith.constant 0 : i32
      %dma_wait3A_193 = arith.constant 0 : i32
      %dma_wait3A_194 = tpu.memref_slice %arg3[%add3A_5, %dma_wait3A_192, %dma_wait3A_193] : memref<2560x1x128xi32, #tpu.memory_space<hbm>> -> memref<32x1x128xi32, #tpu.memory_space<hbm>>
      %dma_wait3A_195 = arith.constant 0 : i32
      %dma_wait3A_196 = arith.constant 0 : i32
      %dma_wait3A_197 = arith.constant 0 : i32
      %dma_wait3A_198 = tpu.memref_slice %arg9[%dma_wait3A_195, %dma_wait3A_196, %dma_wait3A_197] : memref<128x1x128xi32, #tpu.memory_space<vmem>> -> memref<32x1x128xi32, #tpu.memory_space<vmem>>
      %dma_wait3A_199 = arith.constant 0 : i32
      %dma_wait3A_200 = arith.constant 0 : i32
      %dma_wait3A_201 = tpu.memref_slice %arg3[%add3A_5, %dma_wait3A_199, %dma_wait3A_200] : memref<2560x1x128xi32, #tpu.memory_space<hbm>> -> memref<32x1x128xi32, #tpu.memory_space<hbm>>
      tpu.wait_dma2 semaphore(%arg22 : memref<!tpu.dma_semaphore, #tpu.memory_space<semaphore_mem>>) src(%dma_wait3A_201 : memref<32x1x128xi32, #tpu.memory_space<hbm>>) dst(%dma_wait3A_198 : memref<32x1x128xi32, #tpu.memory_space<vmem>>)
    } else {
    }
    %barrier3A = arith.constant 0 : index
    tpu.barrier barrier_id(%barrier3A)
    %eq3A_23 = arith.constant 0 : i32
    %eq3A_24 = arith.cmpi eq, %arg0, %eq3A_23 : i32
    %jit3A = arith.constant 128 : i32
    %jit3A_25 = arith.constant 32 : i32
    %select_n3A = arith.select %eq3A_24, %jit3A, %jit3A_25 : i32
    %jit3A_26 = arith.constant 4 : i32
    %div3A = arith.divsi %select_n3A, %jit3A_26 : i32
    %sign3A = arith.constant 0 : i32
    %sign3A_27 = arith.cmpi sgt, %select_n3A, %sign3A : i32
    %sign3A_28 = arith.extui %sign3A_27 : i1 to i32
    %sign3A_29 = arith.constant 0 : i32
    %sign3A_30 = arith.cmpi slt, %select_n3A, %sign3A_29 : i32
    %sign3A_31 = arith.extui %sign3A_30 : i1 to i32
    %sign3A_32 = arith.subi %sign3A_28, %sign3A_31 : i32
    %sign3A_33 = arith.constant 0 : i32
    %sign3A_34 = arith.cmpi sgt, %jit3A_26, %sign3A_33 : i32
    %sign3A_35 = arith.extui %sign3A_34 : i1 to i32
    %sign3A_36 = arith.constant 0 : i32
    %sign3A_37 = arith.cmpi slt, %jit3A_26, %sign3A_36 : i32
    %sign3A_38 = arith.extui %sign3A_37 : i1 to i32
    %sign3A_39 = arith.subi %sign3A_35, %sign3A_38 : i32
    %ne3A = arith.cmpi ne, %sign3A_32, %sign3A_39 : i32
    %rem3A = arith.remsi %select_n3A, %jit3A_26 : i32
    %ne3A_40 = arith.constant 0 : i32
    %ne3A_41 = arith.cmpi ne, %rem3A, %ne3A_40 : i32
    %and3A = arith.andi %ne3A, %ne3A_41 : i1
    %sub3A = arith.constant 1 : i32
    %sub3A_42 = arith.subi %div3A, %sub3A : i32
    %select_n3A_43 = arith.select %and3A, %sub3A_42, %div3A : i32
    %dma_start3A = arith.constant 0 : i32
    %dma_start3A_44 = tpu.memref_slice %arg8[%dma_start3A] : memref<16384xi32, #tpu.memory_space<vmem>> -> memref<128xi32, #tpu.memory_space<vmem>>
    %dma_start3A_45 = arith.constant 0 : i32
    %dma_start3A_46 = arith.constant 0 : i32
    %dma_start3A_47 = tpu.memref_slice %arg4[%dma_start3A_45, %dma_start3A_46] : memref<10112x64xf32, #tpu.memory_space<hbm>> -> memref<10112x64xf32, #tpu.memory_space<hbm>>
    tpu.enqueue_indirect_dma source(%dma_start3A_47 : memref<10112x64xf32, #tpu.memory_space<hbm>>) target(%arg10 : memref<128x64xf32, #tpu.memory_space<vmem>>) offsets(%dma_start3A_44 : memref<128xi32, #tpu.memory_space<vmem>>) semaphore(%arg14 : memref<!tpu.dma_semaphore, #tpu.memory_space<semaphore_mem>>)
    %dma_start3A_48 = arith.constant 128 : i32
    %dma_start3A_49 = tpu.memref_slice %arg8[%dma_start3A_48] : memref<16384xi32, #tpu.memory_space<vmem>> -> memref<128xi32, #tpu.memory_space<vmem>>
    %dma_start3A_50 = arith.constant 0 : i32
    %dma_start3A_51 = arith.constant 0 : i32
    %dma_start3A_52 = tpu.memref_slice %arg4[%dma_start3A_50, %dma_start3A_51] : memref<10112x64xf32, #tpu.memory_space<hbm>> -> memref<10112x64xf32, #tpu.memory_space<hbm>>
    tpu.enqueue_indirect_dma source(%dma_start3A_52 : memref<10112x64xf32, #tpu.memory_space<hbm>>) target(%arg11 : memref<128x64xf32, #tpu.memory_space<vmem>>) offsets(%dma_start3A_49 : memref<128xi32, #tpu.memory_space<vmem>>) semaphore(%arg15 : memref<!tpu.dma_semaphore, #tpu.memory_space<semaphore_mem>>)
    %dma_start3A_53 = arith.constant 256 : i32
    %dma_start3A_54 = tpu.memref_slice %arg8[%dma_start3A_53] : memref<16384xi32, #tpu.memory_space<vmem>> -> memref<128xi32, #tpu.memory_space<vmem>>
    %dma_start3A_55 = arith.constant 0 : i32
    %dma_start3A_56 = arith.constant 0 : i32
    %dma_start3A_57 = tpu.memref_slice %arg4[%dma_start3A_55, %dma_start3A_56] : memref<10112x64xf32, #tpu.memory_space<hbm>> -> memref<10112x64xf32, #tpu.memory_space<hbm>>
    tpu.enqueue_indirect_dma source(%dma_start3A_57 : memref<10112x64xf32, #tpu.memory_space<hbm>>) target(%arg12 : memref<128x64xf32, #tpu.memory_space<vmem>>) offsets(%dma_start3A_54 : memref<128xi32, #tpu.memory_space<vmem>>) semaphore(%arg16 : memref<!tpu.dma_semaphore, #tpu.memory_space<semaphore_mem>>)
    %dma_start3A_58 = arith.constant 384 : i32
    %dma_start3A_59 = tpu.memref_slice %arg8[%dma_start3A_58] : memref<16384xi32, #tpu.memory_space<vmem>> -> memref<128xi32, #tpu.memory_space<vmem>>
    %dma_start3A_60 = arith.constant 0 : i32
    %dma_start3A_61 = arith.constant 0 : i32
    %dma_start3A_62 = tpu.memref_slice %arg4[%dma_start3A_60, %dma_start3A_61] : memref<10112x64xf32, #tpu.memory_space<hbm>> -> memref<10112x64xf32, #tpu.memory_space<hbm>>
    tpu.enqueue_indirect_dma source(%dma_start3A_62 : memref<10112x64xf32, #tpu.memory_space<hbm>>) target(%arg13 : memref<128x64xf32, #tpu.memory_space<vmem>>) offsets(%dma_start3A_59 : memref<128xi32, #tpu.memory_space<vmem>>) semaphore(%arg17 : memref<!tpu.dma_semaphore, #tpu.memory_space<semaphore_mem>>)
    %sub3A_63 = arith.constant 1 : i32
    %sub3A_64 = arith.subi %select_n3A_43, %sub3A_63 : i32
    %while3A = arith.constant 0 : i32
    %while3A_65 = arith.constant 0 : i32
    %while3A_66 = arith.subi %sub3A_64, %while3A : i32
    %while3A_67 = arith.addi %while3A, %while3A_66 : i32
    %while3A_68 = arith.constant 1 : i32
    %while3A_69 = arith.divsi %while3A_66, %while3A_68 : i32
    %while3A_70 = arith.muli %while3A_69, %while3A_68 : i32
    %while3A_71 = arith.addi %while3A, %while3A_70 : i32
    %while3A_72 = arith.constant 1 : i32
    %while3A_73 = scf.for %while3A_180 = %while3A to %while3A_71 step %while3A_72 iter_args(%while3A_181 = %while3A_65) -> (i32)  : i32 {
      %dma_wait3A_182 = arith.constant 0 : i32
      %dma_wait3A_183 = tpu.memref_slice %arg8[%dma_wait3A_182] : memref<16384xi32, #tpu.memory_space<vmem>> -> memref<128xi32, #tpu.memory_space<vmem>>
      %dma_wait3A_184 = arith.constant 0 : i32
      %dma_wait3A_185 = arith.constant 0 : i32
      %dma_wait3A_186 = tpu.memref_slice %arg4[%dma_wait3A_184, %dma_wait3A_185] : memref<10112x64xf32, #tpu.memory_space<hbm>> -> memref<10112x64xf32, #tpu.memory_space<hbm>>
      tpu.wait_indirect_dma semaphore(%arg14 : memref<!tpu.dma_semaphore, #tpu.memory_space<semaphore_mem>>) src(%dma_wait3A_186 : memref<10112x64xf32, #tpu.memory_space<hbm>>) dst(%arg10 : memref<128x64xf32, #tpu.memory_space<vmem>>)
      %mul3A_187 = arith.constant 4 : i32
      %mul3A_188 = arith.muli %while3A_180, %mul3A_187 : i32
      %add3A_189 = arith.constant 0 : i32
      %add3A_190 = arith.addi %mul3A_188, %add3A_189 : i32
      %dma_start3A_191 = arith.constant 0 : i32
      %dma_start3A_192 = arith.constant 0 : i32
      %dma_start3A_193 = tpu.memref_slice %arg9[%add3A_190, %dma_start3A_191, %dma_start3A_192] : memref<128x1x128xi32, #tpu.memory_space<vmem>> -> memref<1x1x128xi32, #tpu.memory_space<vmem>>
      %dma_start3A_194 = tpu.memref_squeeze %dma_start3A_193 : memref<1x1x128xi32, #tpu.memory_space<vmem>> -> memref<128xi32, #tpu.memory_space<vmem>>
      %dma_start3A_195 = arith.constant 0 : i32
      %dma_start3A_196 = arith.constant 0 : i32
      %dma_start3A_197 = tpu.memref_slice %arg7[%dma_start3A_195, %dma_start3A_196] : memref<10112x64xf32, #tpu.memory_space<vmem_shared>> -> memref<10112x64xf32, #tpu.memory_space<vmem_shared>>
      tpu.enqueue_indirect_dma source(%arg10 : memref<128x64xf32, #tpu.memory_space<vmem>>) target(%dma_start3A_197 : memref<10112x64xf32, #tpu.memory_space<vmem_shared>>) offsets(%dma_start3A_194 : memref<128xi32, #tpu.memory_space<vmem>>) semaphore(%arg18 : memref<!tpu.dma_semaphore, #tpu.memory_space<semaphore_mem>>) {add = true}
      %dma_wait3A_198 = arith.constant 0 : i32
      %dma_wait3A_199 = tpu.memref_slice %arg8[%dma_wait3A_198] : memref<16384xi32, #tpu.memory_space<vmem>> -> memref<128xi32, #tpu.memory_space<vmem>>
      %dma_wait3A_200 = arith.constant 0 : i32
      %dma_wait3A_201 = arith.constant 0 : i32
      %dma_wait3A_202 = tpu.memref_slice %arg4[%dma_wait3A_200, %dma_wait3A_201] : memref<10112x64xf32, #tpu.memory_space<hbm>> -> memref<10112x64xf32, #tpu.memory_space<hbm>>
      tpu.wait_indirect_dma semaphore(%arg15 : memref<!tpu.dma_semaphore, #tpu.memory_space<semaphore_mem>>) src(%dma_wait3A_202 : memref<10112x64xf32, #tpu.memory_space<hbm>>) dst(%arg11 : memref<128x64xf32, #tpu.memory_space<vmem>>)
      %mul3A_203 = arith.constant 4 : i32
      %mul3A_204 = arith.muli %while3A_180, %mul3A_203 : i32
      %add3A_205 = arith.constant 1 : i32
      %add3A_206 = arith.addi %mul3A_204, %add3A_205 : i32
      %dma_start3A_207 = arith.constant 0 : i32
      %dma_start3A_208 = arith.constant 0 : i32
      %dma_start3A_209 = tpu.memref_slice %arg9[%add3A_206, %dma_start3A_207, %dma_start3A_208] : memref<128x1x128xi32, #tpu.memory_space<vmem>> -> memref<1x1x128xi32, #tpu.memory_space<vmem>>
      %dma_start3A_210 = tpu.memref_squeeze %dma_start3A_209 : memref<1x1x128xi32, #tpu.memory_space<vmem>> -> memref<128xi32, #tpu.memory_space<vmem>>
      %dma_start3A_211 = arith.constant 0 : i32
      %dma_start3A_212 = arith.constant 0 : i32
      %dma_start3A_213 = tpu.memref_slice %arg7[%dma_start3A_211, %dma_start3A_212] : memref<10112x64xf32, #tpu.memory_space<vmem_shared>> -> memref<10112x64xf32, #tpu.memory_space<vmem_shared>>
      tpu.enqueue_indirect_dma source(%arg11 : memref<128x64xf32, #tpu.memory_space<vmem>>) target(%dma_start3A_213 : memref<10112x64xf32, #tpu.memory_space<vmem_shared>>) offsets(%dma_start3A_210 : memref<128xi32, #tpu.memory_space<vmem>>) semaphore(%arg19 : memref<!tpu.dma_semaphore, #tpu.memory_space<semaphore_mem>>) {add = true}
      %dma_wait3A_214 = arith.constant 0 : i32
      %dma_wait3A_215 = tpu.memref_slice %arg8[%dma_wait3A_214] : memref<16384xi32, #tpu.memory_space<vmem>> -> memref<128xi32, #tpu.memory_space<vmem>>
      %dma_wait3A_216 = arith.constant 0 : i32
      %dma_wait3A_217 = arith.constant 0 : i32
      %dma_wait3A_218 = tpu.memref_slice %arg4[%dma_wait3A_216, %dma_wait3A_217] : memref<10112x64xf32, #tpu.memory_space<hbm>> -> memref<10112x64xf32, #tpu.memory_space<hbm>>
      tpu.wait_indirect_dma semaphore(%arg16 : memref<!tpu.dma_semaphore, #tpu.memory_space<semaphore_mem>>) src(%dma_wait3A_218 : memref<10112x64xf32, #tpu.memory_space<hbm>>) dst(%arg12 : memref<128x64xf32, #tpu.memory_space<vmem>>)
      %mul3A_219 = arith.constant 4 : i32
      %mul3A_220 = arith.muli %while3A_180, %mul3A_219 : i32
      %add3A_221 = arith.constant 2 : i32
      %add3A_222 = arith.addi %mul3A_220, %add3A_221 : i32
      %dma_start3A_223 = arith.constant 0 : i32
      %dma_start3A_224 = arith.constant 0 : i32
      %dma_start3A_225 = tpu.memref_slice %arg9[%add3A_222, %dma_start3A_223, %dma_start3A_224] : memref<128x1x128xi32, #tpu.memory_space<vmem>> -> memref<1x1x128xi32, #tpu.memory_space<vmem>>
      %dma_start3A_226 = tpu.memref_squeeze %dma_start3A_225 : memref<1x1x128xi32, #tpu.memory_space<vmem>> -> memref<128xi32, #tpu.memory_space<vmem>>
      %dma_start3A_227 = arith.constant 0 : i32
      %dma_start3A_228 = arith.constant 0 : i32
      %dma_start3A_229 = tpu.memref_slice %arg7[%dma_start3A_227, %dma_start3A_228] : memref<10112x64xf32, #tpu.memory_space<vmem_shared>> -> memref<10112x64xf32, #tpu.memory_space<vmem_shared>>
      tpu.enqueue_indirect_dma source(%arg12 : memref<128x64xf32, #tpu.memory_space<vmem>>) target(%dma_start3A_229 : memref<10112x64xf32, #tpu.memory_space<vmem_shared>>) offsets(%dma_start3A_226 : memref<128xi32, #tpu.memory_space<vmem>>) semaphore(%arg20 : memref<!tpu.dma_semaphore, #tpu.memory_space<semaphore_mem>>) {add = true}
      %dma_wait3A_230 = arith.constant 0 : i32
      %dma_wait3A_231 = tpu.memref_slice %arg8[%dma_wait3A_230] : memref<16384xi32, #tpu.memory_space<vmem>> -> memref<128xi32, #tpu.memory_space<vmem>>
      %dma_wait3A_232 = arith.constant 0 : i32
      %dma_wait3A_233 = arith.constant 0 : i32
      %dma_wait3A_234 = tpu.memref_slice %arg4[%dma_wait3A_232, %dma_wait3A_233] : memref<10112x64xf32, #tpu.memory_space<hbm>> -> memref<10112x64xf32, #tpu.memory_space<hbm>>
      tpu.wait_indirect_dma semaphore(%arg17 : memref<!tpu.dma_semaphore, #tpu.memory_space<semaphore_mem>>) src(%dma_wait3A_234 : memref<10112x64xf32, #tpu.memory_space<hbm>>) dst(%arg13 : memref<128x64xf32, #tpu.memory_space<vmem>>)
      %mul3A_235 = arith.constant 4 : i32
      %mul3A_236 = arith.muli %while3A_180, %mul3A_235 : i32
      %add3A_237 = arith.constant 3 : i32
      %add3A_238 = arith.addi %mul3A_236, %add3A_237 : i32
      %dma_start3A_239 = arith.constant 0 : i32
      %dma_start3A_240 = arith.constant 0 : i32
      %dma_start3A_241 = tpu.memref_slice %arg9[%add3A_238, %dma_start3A_239, %dma_start3A_240] : memref<128x1x128xi32, #tpu.memory_space<vmem>> -> memref<1x1x128xi32, #tpu.memory_space<vmem>>
      %dma_start3A_242 = tpu.memref_squeeze %dma_start3A_241 : memref<1x1x128xi32, #tpu.memory_space<vmem>> -> memref<128xi32, #tpu.memory_space<vmem>>
      %dma_start3A_243 = arith.constant 0 : i32
      %dma_start3A_244 = arith.constant 0 : i32
      %dma_start3A_245 = tpu.memref_slice %arg7[%dma_start3A_243, %dma_start3A_244] : memref<10112x64xf32, #tpu.memory_space<vmem_shared>> -> memref<10112x64xf32, #tpu.memory_space<vmem_shared>>
      tpu.enqueue_indirect_dma source(%arg13 : memref<128x64xf32, #tpu.memory_space<vmem>>) target(%dma_start3A_245 : memref<10112x64xf32, #tpu.memory_space<vmem_shared>>) offsets(%dma_start3A_242 : memref<128xi32, #tpu.memory_space<vmem>>) semaphore(%arg21 : memref<!tpu.dma_semaphore, #tpu.memory_space<semaphore_mem>>) {add = true}
      %dma_wait3A_246 = arith.constant 0 : i32
      %dma_wait3A_247 = arith.constant 0 : i32
      %dma_wait3A_248 = arith.constant 0 : i32
      %dma_wait3A_249 = tpu.memref_slice %arg9[%dma_wait3A_246, %dma_wait3A_247, %dma_wait3A_248] : memref<128x1x128xi32, #tpu.memory_space<vmem>> -> memref<1x1x128xi32, #tpu.memory_space<vmem>>
      %dma_wait3A_250 = tpu.memref_squeeze %dma_wait3A_249 : memref<1x1x128xi32, #tpu.memory_space<vmem>> -> memref<128xi32, #tpu.memory_space<vmem>>
      %dma_wait3A_251 = arith.constant 0 : i32
      %dma_wait3A_252 = arith.constant 0 : i32
      %dma_wait3A_253 = tpu.memref_slice %arg7[%dma_wait3A_251, %dma_wait3A_252] : memref<10112x64xf32, #tpu.memory_space<vmem_shared>> -> memref<10112x64xf32, #tpu.memory_space<vmem_shared>>
      tpu.wait_indirect_dma semaphore(%arg18 : memref<!tpu.dma_semaphore, #tpu.memory_space<semaphore_mem>>) src(%arg10 : memref<128x64xf32, #tpu.memory_space<vmem>>) dst(%dma_wait3A_253 : memref<10112x64xf32, #tpu.memory_space<vmem_shared>>)
      %add3A_254 = arith.constant 1 : i32
      %add3A_255 = arith.addi %while3A_180, %add3A_254 : i32
      %mul3A_256 = arith.constant 4 : i32
      %mul3A_257 = arith.muli %add3A_255, %mul3A_256 : i32
      %add3A_258 = arith.constant 0 : i32
      %add3A_259 = arith.addi %mul3A_257, %add3A_258 : i32
      %mul3A_260 = arith.constant 128 : i32
      %mul3A_261 = arith.muli %add3A_259, %mul3A_260 : i32
      %dma_start3A_262 = tpu.memref_slice %arg8[%mul3A_261] : memref<16384xi32, #tpu.memory_space<vmem>> -> memref<128xi32, #tpu.memory_space<vmem>>
      %dma_start3A_263 = arith.constant 0 : i32
      %dma_start3A_264 = arith.constant 0 : i32
      %dma_start3A_265 = tpu.memref_slice %arg4[%dma_start3A_263, %dma_start3A_264] : memref<10112x64xf32, #tpu.memory_space<hbm>> -> memref<10112x64xf32, #tpu.memory_space<hbm>>
      tpu.enqueue_indirect_dma source(%dma_start3A_265 : memref<10112x64xf32, #tpu.memory_space<hbm>>) target(%arg10 : memref<128x64xf32, #tpu.memory_space<vmem>>) offsets(%dma_start3A_262 : memref<128xi32, #tpu.memory_space<vmem>>) semaphore(%arg14 : memref<!tpu.dma_semaphore, #tpu.memory_space<semaphore_mem>>)
      %dma_wait3A_266 = arith.constant 0 : i32
      %dma_wait3A_267 = arith.constant 0 : i32
      %dma_wait3A_268 = arith.constant 0 : i32
      %dma_wait3A_269 = tpu.memref_slice %arg9[%dma_wait3A_266, %dma_wait3A_267, %dma_wait3A_268] : memref<128x1x128xi32, #tpu.memory_space<vmem>> -> memref<1x1x128xi32, #tpu.memory_space<vmem>>
      %dma_wait3A_270 = tpu.memref_squeeze %dma_wait3A_269 : memref<1x1x128xi32, #tpu.memory_space<vmem>> -> memref<128xi32, #tpu.memory_space<vmem>>
      %dma_wait3A_271 = arith.constant 0 : i32
      %dma_wait3A_272 = arith.constant 0 : i32
      %dma_wait3A_273 = tpu.memref_slice %arg7[%dma_wait3A_271, %dma_wait3A_272] : memref<10112x64xf32, #tpu.memory_space<vmem_shared>> -> memref<10112x64xf32, #tpu.memory_space<vmem_shared>>
      tpu.wait_indirect_dma semaphore(%arg19 : memref<!tpu.dma_semaphore, #tpu.memory_space<semaphore_mem>>) src(%arg11 : memref<128x64xf32, #tpu.memory_space<vmem>>) dst(%dma_wait3A_273 : memref<10112x64xf32, #tpu.memory_space<vmem_shared>>)
      %add3A_274 = arith.constant 1 : i32
      %add3A_275 = arith.addi %while3A_180, %add3A_274 : i32
      %mul3A_276 = arith.constant 4 : i32
      %mul3A_277 = arith.muli %add3A_275, %mul3A_276 : i32
      %add3A_278 = arith.constant 1 : i32
      %add3A_279 = arith.addi %mul3A_277, %add3A_278 : i32
      %mul3A_280 = arith.constant 128 : i32
      %mul3A_281 = arith.muli %add3A_279, %mul3A_280 : i32
      %dma_start3A_282 = tpu.memref_slice %arg8[%mul3A_281] : memref<16384xi32, #tpu.memory_space<vmem>> -> memref<128xi32, #tpu.memory_space<vmem>>
      %dma_start3A_283 = arith.constant 0 : i32
      %dma_start3A_284 = arith.constant 0 : i32
      %dma_start3A_285 = tpu.memref_slice %arg4[%dma_start3A_283, %dma_start3A_284] : memref<10112x64xf32, #tpu.memory_space<hbm>> -> memref<10112x64xf32, #tpu.memory_space<hbm>>
      tpu.enqueue_indirect_dma source(%dma_start3A_285 : memref<10112x64xf32, #tpu.memory_space<hbm>>) target(%arg11 : memref<128x64xf32, #tpu.memory_space<vmem>>) offsets(%dma_start3A_282 : memref<128xi32, #tpu.memory_space<vmem>>) semaphore(%arg15 : memref<!tpu.dma_semaphore, #tpu.memory_space<semaphore_mem>>)
      %dma_wait3A_286 = arith.constant 0 : i32
      %dma_wait3A_287 = arith.constant 0 : i32
      %dma_wait3A_288 = arith.constant 0 : i32
      %dma_wait3A_289 = tpu.memref_slice %arg9[%dma_wait3A_286, %dma_wait3A_287, %dma_wait3A_288] : memref<128x1x128xi32, #tpu.memory_space<vmem>> -> memref<1x1x128xi32, #tpu.memory_space<vmem>>
      %dma_wait3A_290 = tpu.memref_squeeze %dma_wait3A_289 : memref<1x1x128xi32, #tpu.memory_space<vmem>> -> memref<128xi32, #tpu.memory_space<vmem>>
      %dma_wait3A_291 = arith.constant 0 : i32
      %dma_wait3A_292 = arith.constant 0 : i32
      %dma_wait3A_293 = tpu.memref_slice %arg7[%dma_wait3A_291, %dma_wait3A_292] : memref<10112x64xf32, #tpu.memory_space<vmem_shared>> -> memref<10112x64xf32, #tpu.memory_space<vmem_shared>>
      tpu.wait_indirect_dma semaphore(%arg20 : memref<!tpu.dma_semaphore, #tpu.memory_space<semaphore_mem>>) src(%arg12 : memref<128x64xf32, #tpu.memory_space<vmem>>) dst(%dma_wait3A_293 : memref<10112x64xf32, #tpu.memory_space<vmem_shared>>)
      %add3A_294 = arith.constant 1 : i32
      %add3A_295 = arith.addi %while3A_180, %add3A_294 : i32
      %mul3A_296 = arith.constant 4 : i32
      %mul3A_297 = arith.muli %add3A_295, %mul3A_296 : i32
      %add3A_298 = arith.constant 2 : i32
      %add3A_299 = arith.addi %mul3A_297, %add3A_298 : i32
      %mul3A_300 = arith.constant 128 : i32
      %mul3A_301 = arith.muli %add3A_299, %mul3A_300 : i32
      %dma_start3A_302 = tpu.memref_slice %arg8[%mul3A_301] : memref<16384xi32, #tpu.memory_space<vmem>> -> memref<128xi32, #tpu.memory_space<vmem>>
      %dma_start3A_303 = arith.constant 0 : i32
      %dma_start3A_304 = arith.constant 0 : i32
      %dma_start3A_305 = tpu.memref_slice %arg4[%dma_start3A_303, %dma_start3A_304] : memref<10112x64xf32, #tpu.memory_space<hbm>> -> memref<10112x64xf32, #tpu.memory_space<hbm>>
      tpu.enqueue_indirect_dma source(%dma_start3A_305 : memref<10112x64xf32, #tpu.memory_space<hbm>>) target(%arg12 : memref<128x64xf32, #tpu.memory_space<vmem>>) offsets(%dma_start3A_302 : memref<128xi32, #tpu.memory_space<vmem>>) semaphore(%arg16 : memref<!tpu.dma_semaphore, #tpu.memory_space<semaphore_mem>>)
      %dma_wait3A_306 = arith.constant 0 : i32
      %dma_wait3A_307 = arith.constant 0 : i32
      %dma_wait3A_308 = arith.constant 0 : i32
      %dma_wait3A_309 = tpu.memref_slice %arg9[%dma_wait3A_306, %dma_wait3A_307, %dma_wait3A_308] : memref<128x1x128xi32, #tpu.memory_space<vmem>> -> memref<1x1x128xi32, #tpu.memory_space<vmem>>
      %dma_wait3A_310 = tpu.memref_squeeze %dma_wait3A_309 : memref<1x1x128xi32, #tpu.memory_space<vmem>> -> memref<128xi32, #tpu.memory_space<vmem>>
      %dma_wait3A_311 = arith.constant 0 : i32
      %dma_wait3A_312 = arith.constant 0 : i32
      %dma_wait3A_313 = tpu.memref_slice %arg7[%dma_wait3A_311, %dma_wait3A_312] : memref<10112x64xf32, #tpu.memory_space<vmem_shared>> -> memref<10112x64xf32, #tpu.memory_space<vmem_shared>>
      tpu.wait_indirect_dma semaphore(%arg21 : memref<!tpu.dma_semaphore, #tpu.memory_space<semaphore_mem>>) src(%arg13 : memref<128x64xf32, #tpu.memory_space<vmem>>) dst(%dma_wait3A_313 : memref<10112x64xf32, #tpu.memory_space<vmem_shared>>)
      %add3A_314 = arith.constant 1 : i32
      %add3A_315 = arith.addi %while3A_180, %add3A_314 : i32
      %mul3A_316 = arith.constant 4 : i32
      %mul3A_317 = arith.muli %add3A_315, %mul3A_316 : i32
      %add3A_318 = arith.constant 3 : i32
      %add3A_319 = arith.addi %mul3A_317, %add3A_318 : i32
      %mul3A_320 = arith.constant 128 : i32
      %mul3A_321 = arith.muli %add3A_319, %mul3A_320 : i32
      %dma_start3A_322 = tpu.memref_slice %arg8[%mul3A_321] : memref<16384xi32, #tpu.memory_space<vmem>> -> memref<128xi32, #tpu.memory_space<vmem>>
      %dma_start3A_323 = arith.constant 0 : i32
      %dma_start3A_324 = arith.constant 0 : i32
      %dma_start3A_325 = tpu.memref_slice %arg4[%dma_start3A_323, %dma_start3A_324] : memref<10112x64xf32, #tpu.memory_space<hbm>> -> memref<10112x64xf32, #tpu.memory_space<hbm>>
      tpu.enqueue_indirect_dma source(%dma_start3A_325 : memref<10112x64xf32, #tpu.memory_space<hbm>>) target(%arg13 : memref<128x64xf32, #tpu.memory_space<vmem>>) offsets(%dma_start3A_322 : memref<128xi32, #tpu.memory_space<vmem>>) semaphore(%arg17 : memref<!tpu.dma_semaphore, #tpu.memory_space<semaphore_mem>>)
      %while3A_326 = arith.constant 0 : i32
      scf.yield %while3A_326 : i32
    }
    %while3A_74 = arith.constant 1 : i32
    %while3A_75 = scf.for %while3A_180 = %while3A_71 to %while3A_67 step %while3A_74 iter_args(%while3A_181 = %while3A_73) -> (i32)  : i32 {
      %dma_wait3A_182 = arith.constant 0 : i32
      %dma_wait3A_183 = tpu.memref_slice %arg8[%dma_wait3A_182] : memref<16384xi32, #tpu.memory_space<vmem>> -> memref<128xi32, #tpu.memory_space<vmem>>
      %dma_wait3A_184 = arith.constant 0 : i32
      %dma_wait3A_185 = arith.constant 0 : i32
      %dma_wait3A_186 = tpu.memref_slice %arg4[%dma_wait3A_184, %dma_wait3A_185] : memref<10112x64xf32, #tpu.memory_space<hbm>> -> memref<10112x64xf32, #tpu.memory_space<hbm>>
      tpu.wait_indirect_dma semaphore(%arg14 : memref<!tpu.dma_semaphore, #tpu.memory_space<semaphore_mem>>) src(%dma_wait3A_186 : memref<10112x64xf32, #tpu.memory_space<hbm>>) dst(%arg10 : memref<128x64xf32, #tpu.memory_space<vmem>>)
      %mul3A_187 = arith.constant 4 : i32
      %mul3A_188 = arith.muli %while3A_180, %mul3A_187 : i32
      %add3A_189 = arith.constant 0 : i32
      %add3A_190 = arith.addi %mul3A_188, %add3A_189 : i32
      %dma_start3A_191 = arith.constant 0 : i32
      %dma_start3A_192 = arith.constant 0 : i32
      %dma_start3A_193 = tpu.memref_slice %arg9[%add3A_190, %dma_start3A_191, %dma_start3A_192] : memref<128x1x128xi32, #tpu.memory_space<vmem>> -> memref<1x1x128xi32, #tpu.memory_space<vmem>>
      %dma_start3A_194 = tpu.memref_squeeze %dma_start3A_193 : memref<1x1x128xi32, #tpu.memory_space<vmem>> -> memref<128xi32, #tpu.memory_space<vmem>>
      %dma_start3A_195 = arith.constant 0 : i32
      %dma_start3A_196 = arith.constant 0 : i32
      %dma_start3A_197 = tpu.memref_slice %arg7[%dma_start3A_195, %dma_start3A_196] : memref<10112x64xf32, #tpu.memory_space<vmem_shared>> -> memref<10112x64xf32, #tpu.memory_space<vmem_shared>>
      tpu.enqueue_indirect_dma source(%arg10 : memref<128x64xf32, #tpu.memory_space<vmem>>) target(%dma_start3A_197 : memref<10112x64xf32, #tpu.memory_space<vmem_shared>>) offsets(%dma_start3A_194 : memref<128xi32, #tpu.memory_space<vmem>>) semaphore(%arg18 : memref<!tpu.dma_semaphore, #tpu.memory_space<semaphore_mem>>) {add = true}
      %dma_wait3A_198 = arith.constant 0 : i32
      %dma_wait3A_199 = tpu.memref_slice %arg8[%dma_wait3A_198] : memref<16384xi32, #tpu.memory_space<vmem>> -> memref<128xi32, #tpu.memory_space<vmem>>
      %dma_wait3A_200 = arith.constant 0 : i32
      %dma_wait3A_201 = arith.constant 0 : i32
      %dma_wait3A_202 = tpu.memref_slice %arg4[%dma_wait3A_200, %dma_wait3A_201] : memref<10112x64xf32, #tpu.memory_space<hbm>> -> memref<10112x64xf32, #tpu.memory_space<hbm>>
      tpu.wait_indirect_dma semaphore(%arg15 : memref<!tpu.dma_semaphore, #tpu.memory_space<semaphore_mem>>) src(%dma_wait3A_202 : memref<10112x64xf32, #tpu.memory_space<hbm>>) dst(%arg11 : memref<128x64xf32, #tpu.memory_space<vmem>>)
      %mul3A_203 = arith.constant 4 : i32
      %mul3A_204 = arith.muli %while3A_180, %mul3A_203 : i32
      %add3A_205 = arith.constant 1 : i32
      %add3A_206 = arith.addi %mul3A_204, %add3A_205 : i32
      %dma_start3A_207 = arith.constant 0 : i32
      %dma_start3A_208 = arith.constant 0 : i32
      %dma_start3A_209 = tpu.memref_slice %arg9[%add3A_206, %dma_start3A_207, %dma_start3A_208] : memref<128x1x128xi32, #tpu.memory_space<vmem>> -> memref<1x1x128xi32, #tpu.memory_space<vmem>>
      %dma_start3A_210 = tpu.memref_squeeze %dma_start3A_209 : memref<1x1x128xi32, #tpu.memory_space<vmem>> -> memref<128xi32, #tpu.memory_space<vmem>>
      %dma_start3A_211 = arith.constant 0 : i32
      %dma_start3A_212 = arith.constant 0 : i32
      %dma_start3A_213 = tpu.memref_slice %arg7[%dma_start3A_211, %dma_start3A_212] : memref<10112x64xf32, #tpu.memory_space<vmem_shared>> -> memref<10112x64xf32, #tpu.memory_space<vmem_shared>>
      tpu.enqueue_indirect_dma source(%arg11 : memref<128x64xf32, #tpu.memory_space<vmem>>) target(%dma_start3A_213 : memref<10112x64xf32, #tpu.memory_space<vmem_shared>>) offsets(%dma_start3A_210 : memref<128xi32, #tpu.memory_space<vmem>>) semaphore(%arg19 : memref<!tpu.dma_semaphore, #tpu.memory_space<semaphore_mem>>) {add = true}
      %dma_wait3A_214 = arith.constant 0 : i32
      %dma_wait3A_215 = tpu.memref_slice %arg8[%dma_wait3A_214] : memref<16384xi32, #tpu.memory_space<vmem>> -> memref<128xi32, #tpu.memory_space<vmem>>
      %dma_wait3A_216 = arith.constant 0 : i32
      %dma_wait3A_217 = arith.constant 0 : i32
      %dma_wait3A_218 = tpu.memref_slice %arg4[%dma_wait3A_216, %dma_wait3A_217] : memref<10112x64xf32, #tpu.memory_space<hbm>> -> memref<10112x64xf32, #tpu.memory_space<hbm>>
      tpu.wait_indirect_dma semaphore(%arg16 : memref<!tpu.dma_semaphore, #tpu.memory_space<semaphore_mem>>) src(%dma_wait3A_218 : memref<10112x64xf32, #tpu.memory_space<hbm>>) dst(%arg12 : memref<128x64xf32, #tpu.memory_space<vmem>>)
      %mul3A_219 = arith.constant 4 : i32
      %mul3A_220 = arith.muli %while3A_180, %mul3A_219 : i32
      %add3A_221 = arith.constant 2 : i32
      %add3A_222 = arith.addi %mul3A_220, %add3A_221 : i32
      %dma_start3A_223 = arith.constant 0 : i32
      %dma_start3A_224 = arith.constant 0 : i32
      %dma_start3A_225 = tpu.memref_slice %arg9[%add3A_222, %dma_start3A_223, %dma_start3A_224] : memref<128x1x128xi32, #tpu.memory_space<vmem>> -> memref<1x1x128xi32, #tpu.memory_space<vmem>>
      %dma_start3A_226 = tpu.memref_squeeze %dma_start3A_225 : memref<1x1x128xi32, #tpu.memory_space<vmem>> -> memref<128xi32, #tpu.memory_space<vmem>>
      %dma_start3A_227 = arith.constant 0 : i32
      %dma_start3A_228 = arith.constant 0 : i32
      %dma_start3A_229 = tpu.memref_slice %arg7[%dma_start3A_227, %dma_start3A_228] : memref<10112x64xf32, #tpu.memory_space<vmem_shared>> -> memref<10112x64xf32, #tpu.memory_space<vmem_shared>>
      tpu.enqueue_indirect_dma source(%arg12 : memref<128x64xf32, #tpu.memory_space<vmem>>) target(%dma_start3A_229 : memref<10112x64xf32, #tpu.memory_space<vmem_shared>>) offsets(%dma_start3A_226 : memref<128xi32, #tpu.memory_space<vmem>>) semaphore(%arg20 : memref<!tpu.dma_semaphore, #tpu.memory_space<semaphore_mem>>) {add = true}
      %dma_wait3A_230 = arith.constant 0 : i32
      %dma_wait3A_231 = tpu.memref_slice %arg8[%dma_wait3A_230] : memref<16384xi32, #tpu.memory_space<vmem>> -> memref<128xi32, #tpu.memory_space<vmem>>
      %dma_wait3A_232 = arith.constant 0 : i32
      %dma_wait3A_233 = arith.constant 0 : i32
      %dma_wait3A_234 = tpu.memref_slice %arg4[%dma_wait3A_232, %dma_wait3A_233] : memref<10112x64xf32, #tpu.memory_space<hbm>> -> memref<10112x64xf32, #tpu.memory_space<hbm>>
      tpu.wait_indirect_dma semaphore(%arg17 : memref<!tpu.dma_semaphore, #tpu.memory_space<semaphore_mem>>) src(%dma_wait3A_234 : memref<10112x64xf32, #tpu.memory_space<hbm>>) dst(%arg13 : memref<128x64xf32, #tpu.memory_space<vmem>>)
      %mul3A_235 = arith.constant 4 : i32
      %mul3A_236 = arith.muli %while3A_180, %mul3A_235 : i32
      %add3A_237 = arith.constant 3 : i32
      %add3A_238 = arith.addi %mul3A_236, %add3A_237 : i32
      %dma_start3A_239 = arith.constant 0 : i32
      %dma_start3A_240 = arith.constant 0 : i32
      %dma_start3A_241 = tpu.memref_slice %arg9[%add3A_238, %dma_start3A_239, %dma_start3A_240] : memref<128x1x128xi32, #tpu.memory_space<vmem>> -> memref<1x1x128xi32, #tpu.memory_space<vmem>>
      %dma_start3A_242 = tpu.memref_squeeze %dma_start3A_241 : memref<1x1x128xi32, #tpu.memory_space<vmem>> -> memref<128xi32, #tpu.memory_space<vmem>>
      %dma_start3A_243 = arith.constant 0 : i32
      %dma_start3A_244 = arith.constant 0 : i32
      %dma_start3A_245 = tpu.memref_slice %arg7[%dma_start3A_243, %dma_start3A_244] : memref<10112x64xf32, #tpu.memory_space<vmem_shared>> -> memref<10112x64xf32, #tpu.memory_space<vmem_shared>>
      tpu.enqueue_indirect_dma source(%arg13 : memref<128x64xf32, #tpu.memory_space<vmem>>) target(%dma_start3A_245 : memref<10112x64xf32, #tpu.memory_space<vmem_shared>>) offsets(%dma_start3A_242 : memref<128xi32, #tpu.memory_space<vmem>>) semaphore(%arg21 : memref<!tpu.dma_semaphore, #tpu.memory_space<semaphore_mem>>) {add = true}
      %dma_wait3A_246 = arith.constant 0 : i32
      %dma_wait3A_247 = arith.constant 0 : i32
      %dma_wait3A_248 = arith.constant 0 : i32
      %dma_wait3A_249 = tpu.memref_slice %arg9[%dma_wait3A_246, %dma_wait3A_247, %dma_wait3A_248] : memref<128x1x128xi32, #tpu.memory_space<vmem>> -> memref<1x1x128xi32, #tpu.memory_space<vmem>>
      %dma_wait3A_250 = tpu.memref_squeeze %dma_wait3A_249 : memref<1x1x128xi32, #tpu.memory_space<vmem>> -> memref<128xi32, #tpu.memory_space<vmem>>
      %dma_wait3A_251 = arith.constant 0 : i32
      %dma_wait3A_252 = arith.constant 0 : i32
      %dma_wait3A_253 = tpu.memref_slice %arg7[%dma_wait3A_251, %dma_wait3A_252] : memref<10112x64xf32, #tpu.memory_space<vmem_shared>> -> memref<10112x64xf32, #tpu.memory_space<vmem_shared>>
      tpu.wait_indirect_dma semaphore(%arg18 : memref<!tpu.dma_semaphore, #tpu.memory_space<semaphore_mem>>) src(%arg10 : memref<128x64xf32, #tpu.memory_space<vmem>>) dst(%dma_wait3A_253 : memref<10112x64xf32, #tpu.memory_space<vmem_shared>>)
      %add3A_254 = arith.constant 1 : i32
      %add3A_255 = arith.addi %while3A_180, %add3A_254 : i32
      %mul3A_256 = arith.constant 4 : i32
      %mul3A_257 = arith.muli %add3A_255, %mul3A_256 : i32
      %add3A_258 = arith.constant 0 : i32
      %add3A_259 = arith.addi %mul3A_257, %add3A_258 : i32
      %mul3A_260 = arith.constant 128 : i32
      %mul3A_261 = arith.muli %add3A_259, %mul3A_260 : i32
      %dma_start3A_262 = tpu.memref_slice %arg8[%mul3A_261] : memref<16384xi32, #tpu.memory_space<vmem>> -> memref<128xi32, #tpu.memory_space<vmem>>
      %dma_start3A_263 = arith.constant 0 : i32
      %dma_start3A_264 = arith.constant 0 : i32
      %dma_start3A_265 = tpu.memref_slice %arg4[%dma_start3A_263, %dma_start3A_264] : memref<10112x64xf32, #tpu.memory_space<hbm>> -> memref<10112x64xf32, #tpu.memory_space<hbm>>
      tpu.enqueue_indirect_dma source(%dma_start3A_265 : memref<10112x64xf32, #tpu.memory_space<hbm>>) target(%arg10 : memref<128x64xf32, #tpu.memory_space<vmem>>) offsets(%dma_start3A_262 : memref<128xi32, #tpu.memory_space<vmem>>) semaphore(%arg14 : memref<!tpu.dma_semaphore, #tpu.memory_space<semaphore_mem>>)
      %dma_wait3A_266 = arith.constant 0 : i32
      %dma_wait3A_267 = arith.constant 0 : i32
      %dma_wait3A_268 = arith.constant 0 : i32
      %dma_wait3A_269 = tpu.memref_slice %arg9[%dma_wait3A_266, %dma_wait3A_267, %dma_wait3A_268] : memref<128x1x128xi32, #tpu.memory_space<vmem>> -> memref<1x1x128xi32, #tpu.memory_space<vmem>>
      %dma_wait3A_270 = tpu.memref_squeeze %dma_wait3A_269 : memref<1x1x128xi32, #tpu.memory_space<vmem>> -> memref<128xi32, #tpu.memory_space<vmem>>
      %dma_wait3A_271 = arith.constant 0 : i32
      %dma_wait3A_272 = arith.constant 0 : i32
      %dma_wait3A_273 = tpu.memref_slice %arg7[%dma_wait3A_271, %dma_wait3A_272] : memref<10112x64xf32, #tpu.memory_space<vmem_shared>> -> memref<10112x64xf32, #tpu.memory_space<vmem_shared>>
      tpu.wait_indirect_dma semaphore(%arg19 : memref<!tpu.dma_semaphore, #tpu.memory_space<semaphore_mem>>) src(%arg11 : memref<128x64xf32, #tpu.memory_space<vmem>>) dst(%dma_wait3A_273 : memref<10112x64xf32, #tpu.memory_space<vmem_shared>>)
      %add3A_274 = arith.constant 1 : i32
      %add3A_275 = arith.addi %while3A_180, %add3A_274 : i32
      %mul3A_276 = arith.constant 4 : i32
      %mul3A_277 = arith.muli %add3A_275, %mul3A_276 : i32
      %add3A_278 = arith.constant 1 : i32
      %add3A_279 = arith.addi %mul3A_277, %add3A_278 : i32
      %mul3A_280 = arith.constant 128 : i32
      %mul3A_281 = arith.muli %add3A_279, %mul3A_280 : i32
      %dma_start3A_282 = tpu.memref_slice %arg8[%mul3A_281] : memref<16384xi32, #tpu.memory_space<vmem>> -> memref<128xi32, #tpu.memory_space<vmem>>
      %dma_start3A_283 = arith.constant 0 : i32
      %dma_start3A_284 = arith.constant 0 : i32
      %dma_start3A_285 = tpu.memref_slice %arg4[%dma_start3A_283, %dma_start3A_284] : memref<10112x64xf32, #tpu.memory_space<hbm>> -> memref<10112x64xf32, #tpu.memory_space<hbm>>
      tpu.enqueue_indirect_dma source(%dma_start3A_285 : memref<10112x64xf32, #tpu.memory_space<hbm>>) target(%arg11 : memref<128x64xf32, #tpu.memory_space<vmem>>) offsets(%dma_start3A_282 : memref<128xi32, #tpu.memory_space<vmem>>) semaphore(%arg15 : memref<!tpu.dma_semaphore, #tpu.memory_space<semaphore_mem>>)
      %dma_wait3A_286 = arith.constant 0 : i32
      %dma_wait3A_287 = arith.constant 0 : i32
      %dma_wait3A_288 = arith.constant 0 : i32
      %dma_wait3A_289 = tpu.memref_slice %arg9[%dma_wait3A_286, %dma_wait3A_287, %dma_wait3A_288] : memref<128x1x128xi32, #tpu.memory_space<vmem>> -> memref<1x1x128xi32, #tpu.memory_space<vmem>>
      %dma_wait3A_290 = tpu.memref_squeeze %dma_wait3A_289 : memref<1x1x128xi32, #tpu.memory_space<vmem>> -> memref<128xi32, #tpu.memory_space<vmem>>
      %dma_wait3A_291 = arith.constant 0 : i32
      %dma_wait3A_292 = arith.constant 0 : i32
      %dma_wait3A_293 = tpu.memref_slice %arg7[%dma_wait3A_291, %dma_wait3A_292] : memref<10112x64xf32, #tpu.memory_space<vmem_shared>> -> memref<10112x64xf32, #tpu.memory_space<vmem_shared>>
      tpu.wait_indirect_dma semaphore(%arg20 : memref<!tpu.dma_semaphore, #tpu.memory_space<semaphore_mem>>) src(%arg12 : memref<128x64xf32, #tpu.memory_space<vmem>>) dst(%dma_wait3A_293 : memref<10112x64xf32, #tpu.memory_space<vmem_shared>>)
      %add3A_294 = arith.constant 1 : i32
      %add3A_295 = arith.addi %while3A_180, %add3A_294 : i32
      %mul3A_296 = arith.constant 4 : i32
      %mul3A_297 = arith.muli %add3A_295, %mul3A_296 : i32
      %add3A_298 = arith.constant 2 : i32
      %add3A_299 = arith.addi %mul3A_297, %add3A_298 : i32
      %mul3A_300 = arith.constant 128 : i32
      %mul3A_301 = arith.muli %add3A_299, %mul3A_300 : i32
      %dma_start3A_302 = tpu.memref_slice %arg8[%mul3A_301] : memref<16384xi32, #tpu.memory_space<vmem>> -> memref<128xi32, #tpu.memory_space<vmem>>
      %dma_start3A_303 = arith.constant 0 : i32
      %dma_start3A_304 = arith.constant 0 : i32
      %dma_start3A_305 = tpu.memref_slice %arg4[%dma_start3A_303, %dma_start3A_304] : memref<10112x64xf32, #tpu.memory_space<hbm>> -> memref<10112x64xf32, #tpu.memory_space<hbm>>
      tpu.enqueue_indirect_dma source(%dma_start3A_305 : memref<10112x64xf32, #tpu.memory_space<hbm>>) target(%arg12 : memref<128x64xf32, #tpu.memory_space<vmem>>) offsets(%dma_start3A_302 : memref<128xi32, #tpu.memory_space<vmem>>) semaphore(%arg16 : memref<!tpu.dma_semaphore, #tpu.memory_space<semaphore_mem>>)
      %dma_wait3A_306 = arith.constant 0 : i32
      %dma_wait3A_307 = arith.constant 0 : i32
      %dma_wait3A_308 = arith.constant 0 : i32
      %dma_wait3A_309 = tpu.memref_slice %arg9[%dma_wait3A_306, %dma_wait3A_307, %dma_wait3A_308] : memref<128x1x128xi32, #tpu.memory_space<vmem>> -> memref<1x1x128xi32, #tpu.memory_space<vmem>>
      %dma_wait3A_310 = tpu.memref_squeeze %dma_wait3A_309 : memref<1x1x128xi32, #tpu.memory_space<vmem>> -> memref<128xi32, #tpu.memory_space<vmem>>
      %dma_wait3A_311 = arith.constant 0 : i32
      %dma_wait3A_312 = arith.constant 0 : i32
      %dma_wait3A_313 = tpu.memref_slice %arg7[%dma_wait3A_311, %dma_wait3A_312] : memref<10112x64xf32, #tpu.memory_space<vmem_shared>> -> memref<10112x64xf32, #tpu.memory_space<vmem_shared>>
      tpu.wait_indirect_dma semaphore(%arg21 : memref<!tpu.dma_semaphore, #tpu.memory_space<semaphore_mem>>) src(%arg13 : memref<128x64xf32, #tpu.memory_space<vmem>>) dst(%dma_wait3A_313 : memref<10112x64xf32, #tpu.memory_space<vmem_shared>>)
      %add3A_314 = arith.constant 1 : i32
      %add3A_315 = arith.addi %while3A_180, %add3A_314 : i32
      %mul3A_316 = arith.constant 4 : i32
      %mul3A_317 = arith.muli %add3A_315, %mul3A_316 : i32
      %add3A_318 = arith.constant 3 : i32
      %add3A_319 = arith.addi %mul3A_317, %add3A_318 : i32
      %mul3A_320 = arith.constant 128 : i32
      %mul3A_321 = arith.muli %add3A_319, %mul3A_320 : i32
      %dma_start3A_322 = tpu.memref_slice %arg8[%mul3A_321] : memref<16384xi32, #tpu.memory_space<vmem>> -> memref<128xi32, #tpu.memory_space<vmem>>
      %dma_start3A_323 = arith.constant 0 : i32
      %dma_start3A_324 = arith.constant 0 : i32
      %dma_start3A_325 = tpu.memref_slice %arg4[%dma_start3A_323, %dma_start3A_324] : memref<10112x64xf32, #tpu.memory_space<hbm>> -> memref<10112x64xf32, #tpu.memory_space<hbm>>
      tpu.enqueue_indirect_dma source(%dma_start3A_325 : memref<10112x64xf32, #tpu.memory_space<hbm>>) target(%arg13 : memref<128x64xf32, #tpu.memory_space<vmem>>) offsets(%dma_start3A_322 : memref<128xi32, #tpu.memory_space<vmem>>) semaphore(%arg17 : memref<!tpu.dma_semaphore, #tpu.memory_space<semaphore_mem>>)
      %while3A_326 = arith.constant 0 : i32
      scf.yield %while3A_326 : i32
    }
    %dma_wait3A = arith.constant 0 : i32
    %dma_wait3A_76 = tpu.memref_slice %arg8[%dma_wait3A] : memref<16384xi32, #tpu.memory_space<vmem>> -> memref<128xi32, #tpu.memory_space<vmem>>
    %dma_wait3A_77 = arith.constant 0 : i32
    %dma_wait3A_78 = arith.constant 0 : i32
    %dma_wait3A_79 = tpu.memref_slice %arg4[%dma_wait3A_77, %dma_wait3A_78] : memref<10112x64xf32, #tpu.memory_space<hbm>> -> memref<10112x64xf32, #tpu.memory_space<hbm>>
    tpu.wait_indirect_dma semaphore(%arg14 : memref<!tpu.dma_semaphore, #tpu.memory_space<semaphore_mem>>) src(%dma_wait3A_79 : memref<10112x64xf32, #tpu.memory_space<hbm>>) dst(%arg10 : memref<128x64xf32, #tpu.memory_space<vmem>>)
    %sub3A_80 = arith.constant 1 : i32
    %sub3A_81 = arith.subi %select_n3A_43, %sub3A_80 : i32
    %mul3A_82 = arith.constant 4 : i32
    %mul3A_83 = arith.muli %sub3A_81, %mul3A_82 : i32
    %add3A_84 = arith.constant 0 : i32
    %add3A_85 = arith.addi %mul3A_83, %add3A_84 : i32
    %dma_start3A_86 = arith.constant 0 : i32
    %dma_start3A_87 = arith.constant 0 : i32
    %dma_start3A_88 = tpu.memref_slice %arg9[%add3A_85, %dma_start3A_86, %dma_start3A_87] : memref<128x1x128xi32, #tpu.memory_space<vmem>> -> memref<1x1x128xi32, #tpu.memory_space<vmem>>
    %dma_start3A_89 = tpu.memref_squeeze %dma_start3A_88 : memref<1x1x128xi32, #tpu.memory_space<vmem>> -> memref<128xi32, #tpu.memory_space<vmem>>
    %dma_start3A_90 = arith.constant 0 : i32
    %dma_start3A_91 = arith.constant 0 : i32
    %dma_start3A_92 = tpu.memref_slice %arg7[%dma_start3A_90, %dma_start3A_91] : memref<10112x64xf32, #tpu.memory_space<vmem_shared>> -> memref<10112x64xf32, #tpu.memory_space<vmem_shared>>
    tpu.enqueue_indirect_dma source(%arg10 : memref<128x64xf32, #tpu.memory_space<vmem>>) target(%dma_start3A_92 : memref<10112x64xf32, #tpu.memory_space<vmem_shared>>) offsets(%dma_start3A_89 : memref<128xi32, #tpu.memory_space<vmem>>) semaphore(%arg18 : memref<!tpu.dma_semaphore, #tpu.memory_space<semaphore_mem>>) {add = true}
    %dma_wait3A_93 = arith.constant 0 : i32
    %dma_wait3A_94 = tpu.memref_slice %arg8[%dma_wait3A_93] : memref<16384xi32, #tpu.memory_space<vmem>> -> memref<128xi32, #tpu.memory_space<vmem>>
    %dma_wait3A_95 = arith.constant 0 : i32
    %dma_wait3A_96 = arith.constant 0 : i32
    %dma_wait3A_97 = tpu.memref_slice %arg4[%dma_wait3A_95, %dma_wait3A_96] : memref<10112x64xf32, #tpu.memory_space<hbm>> -> memref<10112x64xf32, #tpu.memory_space<hbm>>
    tpu.wait_indirect_dma semaphore(%arg15 : memref<!tpu.dma_semaphore, #tpu.memory_space<semaphore_mem>>) src(%dma_wait3A_97 : memref<10112x64xf32, #tpu.memory_space<hbm>>) dst(%arg11 : memref<128x64xf32, #tpu.memory_space<vmem>>)
    %sub3A_98 = arith.constant 1 : i32
    %sub3A_99 = arith.subi %select_n3A_43, %sub3A_98 : i32
    %mul3A_100 = arith.constant 4 : i32
    %mul3A_101 = arith.muli %sub3A_99, %mul3A_100 : i32
    %add3A_102 = arith.constant 1 : i32
    %add3A_103 = arith.addi %mul3A_101, %add3A_102 : i32
    %dma_start3A_104 = arith.constant 0 : i32
    %dma_start3A_105 = arith.constant 0 : i32
    %dma_start3A_106 = tpu.memref_slice %arg9[%add3A_103, %dma_start3A_104, %dma_start3A_105] : memref<128x1x128xi32, #tpu.memory_space<vmem>> -> memref<1x1x128xi32, #tpu.memory_space<vmem>>
    %dma_start3A_107 = tpu.memref_squeeze %dma_start3A_106 : memref<1x1x128xi32, #tpu.memory_space<vmem>> -> memref<128xi32, #tpu.memory_space<vmem>>
    %dma_start3A_108 = arith.constant 0 : i32
    %dma_start3A_109 = arith.constant 0 : i32
    %dma_start3A_110 = tpu.memref_slice %arg7[%dma_start3A_108, %dma_start3A_109] : memref<10112x64xf32, #tpu.memory_space<vmem_shared>> -> memref<10112x64xf32, #tpu.memory_space<vmem_shared>>
    tpu.enqueue_indirect_dma source(%arg11 : memref<128x64xf32, #tpu.memory_space<vmem>>) target(%dma_start3A_110 : memref<10112x64xf32, #tpu.memory_space<vmem_shared>>) offsets(%dma_start3A_107 : memref<128xi32, #tpu.memory_space<vmem>>) semaphore(%arg19 : memref<!tpu.dma_semaphore, #tpu.memory_space<semaphore_mem>>) {add = true}
    %dma_wait3A_111 = arith.constant 0 : i32
    %dma_wait3A_112 = tpu.memref_slice %arg8[%dma_wait3A_111] : memref<16384xi32, #tpu.memory_space<vmem>> -> memref<128xi32, #tpu.memory_space<vmem>>
    %dma_wait3A_113 = arith.constant 0 : i32
    %dma_wait3A_114 = arith.constant 0 : i32
    %dma_wait3A_115 = tpu.memref_slice %arg4[%dma_wait3A_113, %dma_wait3A_114] : memref<10112x64xf32, #tpu.memory_space<hbm>> -> memref<10112x64xf32, #tpu.memory_space<hbm>>
    tpu.wait_indirect_dma semaphore(%arg16 : memref<!tpu.dma_semaphore, #tpu.memory_space<semaphore_mem>>) src(%dma_wait3A_115 : memref<10112x64xf32, #tpu.memory_space<hbm>>) dst(%arg12 : memref<128x64xf32, #tpu.memory_space<vmem>>)
    %sub3A_116 = arith.constant 1 : i32
    %sub3A_117 = arith.subi %select_n3A_43, %sub3A_116 : i32
    %mul3A_118 = arith.constant 4 : i32
    %mul3A_119 = arith.muli %sub3A_117, %mul3A_118 : i32
    %add3A_120 = arith.constant 2 : i32
    %add3A_121 = arith.addi %mul3A_119, %add3A_120 : i32
    %dma_start3A_122 = arith.constant 0 : i32
    %dma_start3A_123 = arith.constant 0 : i32
    %dma_start3A_124 = tpu.memref_slice %arg9[%add3A_121, %dma_start3A_122, %dma_start3A_123] : memref<128x1x128xi32, #tpu.memory_space<vmem>> -> memref<1x1x128xi32, #tpu.memory_space<vmem>>
    %dma_start3A_125 = tpu.memref_squeeze %dma_start3A_124 : memref<1x1x128xi32, #tpu.memory_space<vmem>> -> memref<128xi32, #tpu.memory_space<vmem>>
    %dma_start3A_126 = arith.constant 0 : i32
    %dma_start3A_127 = arith.constant 0 : i32
    %dma_start3A_128 = tpu.memref_slice %arg7[%dma_start3A_126, %dma_start3A_127] : memref<10112x64xf32, #tpu.memory_space<vmem_shared>> -> memref<10112x64xf32, #tpu.memory_space<vmem_shared>>
    tpu.enqueue_indirect_dma source(%arg12 : memref<128x64xf32, #tpu.memory_space<vmem>>) target(%dma_start3A_128 : memref<10112x64xf32, #tpu.memory_space<vmem_shared>>) offsets(%dma_start3A_125 : memref<128xi32, #tpu.memory_space<vmem>>) semaphore(%arg20 : memref<!tpu.dma_semaphore, #tpu.memory_space<semaphore_mem>>) {add = true}
    %dma_wait3A_129 = arith.constant 0 : i32
    %dma_wait3A_130 = tpu.memref_slice %arg8[%dma_wait3A_129] : memref<16384xi32, #tpu.memory_space<vmem>> -> memref<128xi32, #tpu.memory_space<vmem>>
    %dma_wait3A_131 = arith.constant 0 : i32
    %dma_wait3A_132 = arith.constant 0 : i32
    %dma_wait3A_133 = tpu.memref_slice %arg4[%dma_wait3A_131, %dma_wait3A_132] : memref<10112x64xf32, #tpu.memory_space<hbm>> -> memref<10112x64xf32, #tpu.memory_space<hbm>>
    tpu.wait_indirect_dma semaphore(%arg17 : memref<!tpu.dma_semaphore, #tpu.memory_space<semaphore_mem>>) src(%dma_wait3A_133 : memref<10112x64xf32, #tpu.memory_space<hbm>>) dst(%arg13 : memref<128x64xf32, #tpu.memory_space<vmem>>)
    %sub3A_134 = arith.constant 1 : i32
    %sub3A_135 = arith.subi %select_n3A_43, %sub3A_134 : i32
    %mul3A_136 = arith.constant 4 : i32
    %mul3A_137 = arith.muli %sub3A_135, %mul3A_136 : i32
    %add3A_138 = arith.constant 3 : i32
    %add3A_139 = arith.addi %mul3A_137, %add3A_138 : i32
    %dma_start3A_140 = arith.constant 0 : i32
    %dma_start3A_141 = arith.constant 0 : i32
    %dma_start3A_142 = tpu.memref_slice %arg9[%add3A_139, %dma_start3A_140, %dma_start3A_141] : memref<128x1x128xi32, #tpu.memory_space<vmem>> -> memref<1x1x128xi32, #tpu.memory_space<vmem>>
    %dma_start3A_143 = tpu.memref_squeeze %dma_start3A_142 : memref<1x1x128xi32, #tpu.memory_space<vmem>> -> memref<128xi32, #tpu.memory_space<vmem>>
    %dma_start3A_144 = arith.constant 0 : i32
    %dma_start3A_145 = arith.constant 0 : i32
    %dma_start3A_146 = tpu.memref_slice %arg7[%dma_start3A_144, %dma_start3A_145] : memref<10112x64xf32, #tpu.memory_space<vmem_shared>> -> memref<10112x64xf32, #tpu.memory_space<vmem_shared>>
    tpu.enqueue_indirect_dma source(%arg13 : memref<128x64xf32, #tpu.memory_space<vmem>>) target(%dma_start3A_146 : memref<10112x64xf32, #tpu.memory_space<vmem_shared>>) offsets(%dma_start3A_143 : memref<128xi32, #tpu.memory_space<vmem>>) semaphore(%arg21 : memref<!tpu.dma_semaphore, #tpu.memory_space<semaphore_mem>>) {add = true}
    %dma_wait3A_147 = arith.constant 0 : i32
    %dma_wait3A_148 = arith.constant 0 : i32
    %dma_wait3A_149 = arith.constant 0 : i32
    %dma_wait3A_150 = tpu.memref_slice %arg9[%dma_wait3A_147, %dma_wait3A_148, %dma_wait3A_149] : memref<128x1x128xi32, #tpu.memory_space<vmem>> -> memref<1x1x128xi32, #tpu.memory_space<vmem>>
    %dma_wait3A_151 = tpu.memref_squeeze %dma_wait3A_150 : memref<1x1x128xi32, #tpu.memory_space<vmem>> -> memref<128xi32, #tpu.memory_space<vmem>>
    %dma_wait3A_152 = arith.constant 0 : i32
    %dma_wait3A_153 = arith.constant 0 : i32
    %dma_wait3A_154 = tpu.memref_slice %arg7[%dma_wait3A_152, %dma_wait3A_153] : memref<10112x64xf32, #tpu.memory_space<vmem_shared>> -> memref<10112x64xf32, #tpu.memory_space<vmem_shared>>
    tpu.wait_indirect_dma semaphore(%arg18 : memref<!tpu.dma_semaphore, #tpu.memory_space<semaphore_mem>>) src(%arg10 : memref<128x64xf32, #tpu.memory_space<vmem>>) dst(%dma_wait3A_154 : memref<10112x64xf32, #tpu.memory_space<vmem_shared>>)
    %dma_wait3A_155 = arith.constant 0 : i32
    %dma_wait3A_156 = arith.constant 0 : i32
    %dma_wait3A_157 = arith.constant 0 : i32
    %dma_wait3A_158 = tpu.memref_slice %arg9[%dma_wait3A_155, %dma_wait3A_156, %dma_wait3A_157] : memref<128x1x128xi32, #tpu.memory_space<vmem>> -> memref<1x1x128xi32, #tpu.memory_space<vmem>>
    %dma_wait3A_159 = tpu.memref_squeeze %dma_wait3A_158 : memref<1x1x128xi32, #tpu.memory_space<vmem>> -> memref<128xi32, #tpu.memory_space<vmem>>
    %dma_wait3A_160 = arith.constant 0 : i32
    %dma_wait3A_161 = arith.constant 0 : i32
    %dma_wait3A_162 = tpu.memref_slice %arg7[%dma_wait3A_160, %dma_wait3A_161] : memref<10112x64xf32, #tpu.memory_space<vmem_shared>> -> memref<10112x64xf32, #tpu.memory_space<vmem_shared>>
    tpu.wait_indirect_dma semaphore(%arg19 : memref<!tpu.dma_semaphore, #tpu.memory_space<semaphore_mem>>) src(%arg11 : memref<128x64xf32, #tpu.memory_space<vmem>>) dst(%dma_wait3A_162 : memref<10112x64xf32, #tpu.memory_space<vmem_shared>>)
    %dma_wait3A_163 = arith.constant 0 : i32
    %dma_wait3A_164 = arith.constant 0 : i32
    %dma_wait3A_165 = arith.constant 0 : i32
    %dma_wait3A_166 = tpu.memref_slice %arg9[%dma_wait3A_163, %dma_wait3A_164, %dma_wait3A_165] : memref<128x1x128xi32, #tpu.memory_space<vmem>> -> memref<1x1x128xi32, #tpu.memory_space<vmem>>
    %dma_wait3A_167 = tpu.memref_squeeze %dma_wait3A_166 : memref<1x1x128xi32, #tpu.memory_space<vmem>> -> memref<128xi32, #tpu.memory_space<vmem>>
    %dma_wait3A_168 = arith.constant 0 : i32
    %dma_wait3A_169 = arith.constant 0 : i32
    %dma_wait3A_170 = tpu.memref_slice %arg7[%dma_wait3A_168, %dma_wait3A_169] : memref<10112x64xf32, #tpu.memory_space<vmem_shared>> -> memref<10112x64xf32, #tpu.memory_space<vmem_shared>>
    tpu.wait_indirect_dma semaphore(%arg20 : memref<!tpu.dma_semaphore, #tpu.memory_space<semaphore_mem>>) src(%arg12 : memref<128x64xf32, #tpu.memory_space<vmem>>) dst(%dma_wait3A_170 : memref<10112x64xf32, #tpu.memory_space<vmem_shared>>)
    %dma_wait3A_171 = arith.constant 0 : i32
    %dma_wait3A_172 = arith.constant 0 : i32
    %dma_wait3A_173 = arith.constant 0 : i32
    %dma_wait3A_174 = tpu.memref_slice %arg9[%dma_wait3A_171, %dma_wait3A_172, %dma_wait3A_173] : memref<128x1x128xi32, #tpu.memory_space<vmem>> -> memref<1x1x128xi32, #tpu.memory_space<vmem>>
    %dma_wait3A_175 = tpu.memref_squeeze %dma_wait3A_174 : memref<1x1x128xi32, #tpu.memory_space<vmem>> -> memref<128xi32, #tpu.memory_space<vmem>>
    %dma_wait3A_176 = arith.constant 0 : i32
    %dma_wait3A_177 = arith.constant 0 : i32
    %dma_wait3A_178 = tpu.memref_slice %arg7[%dma_wait3A_176, %dma_wait3A_177] : memref<10112x64xf32, #tpu.memory_space<vmem_shared>> -> memref<10112x64xf32, #tpu.memory_space<vmem_shared>>
    tpu.wait_indirect_dma semaphore(%arg21 : memref<!tpu.dma_semaphore, #tpu.memory_space<semaphore_mem>>) src(%arg13 : memref<128x64xf32, #tpu.memory_space<vmem>>) dst(%dma_wait3A_178 : memref<10112x64xf32, #tpu.memory_space<vmem_shared>>)
    %barrier3A_179 = arith.constant 0 : index
    tpu.barrier barrier_id(%barrier3A_179)
    "tpu.region"() ({
      %run_scoped3A = tpu.sem_alloc : memref<!tpu.dma_semaphore, #tpu.memory_space<semaphore_mem>>
      %dma_start3A_180 = arith.constant 0 : i32
      %dma_start3A_181 = tpu.memref_slice %arg6[%arg0, %mul3A_0, %dma_start3A_180] : memref<2x10112x64xf32, #tpu.memory_space<hbm>> -> memref<1x632x64xf32, #tpu.memory_space<hbm>>
      %dma_start3A_182 = tpu.memref_squeeze %dma_start3A_181 : memref<1x632x64xf32, #tpu.memory_space<hbm>> -> memref<632x64xf32, #tpu.memory_space<hbm>>
      %dma_start3A_183 = arith.constant 0 : i32
      %dma_start3A_184 = tpu.memref_slice %arg7[%mul3A_0, %dma_start3A_183] : memref<10112x64xf32, #tpu.memory_space<vmem_shared>> -> memref<632x64xf32, #tpu.memory_space<vmem_shared>>
      tpu.enqueue_dma source(%dma_start3A_184 : memref<632x64xf32, #tpu.memory_space<vmem_shared>>) target(%dma_start3A_182 : memref<632x64xf32, #tpu.memory_space<hbm>>) target_semaphore(%run_scoped3A : memref<!tpu.dma_semaphore, #tpu.memory_space<semaphore_mem>>)
      %dma_wait3A_185 = arith.constant 0 : i32
      %dma_wait3A_186 = tpu.memref_slice %arg6[%arg0, %mul3A_0, %dma_wait3A_185] : memref<2x10112x64xf32, #tpu.memory_space<hbm>> -> memref<1x632x64xf32, #tpu.memory_space<hbm>>
      %dma_wait3A_187 = tpu.memref_squeeze %dma_wait3A_186 : memref<1x632x64xf32, #tpu.memory_space<hbm>> -> memref<632x64xf32, #tpu.memory_space<hbm>>
      %dma_wait3A_188 = arith.constant 0 : i32
      %dma_wait3A_189 = tpu.memref_slice %arg7[%mul3A_0, %dma_wait3A_188] : memref<10112x64xf32, #tpu.memory_space<vmem_shared>> -> memref<632x64xf32, #tpu.memory_space<vmem_shared>>
      tpu.wait_dma2 semaphore(%run_scoped3A : memref<!tpu.dma_semaphore, #tpu.memory_space<semaphore_mem>>) src(%dma_wait3A_189 : memref<632x64xf32, #tpu.memory_space<vmem_shared>>) dst(%dma_wait3A_187 : memref<632x64xf32, #tpu.memory_space<hbm>>)
      tpu.yield
    }) : () -> ()
    return
  }
}

#map = affine_map<(d0, d1) -> (0)>
#map1 = affine_map<(d0, d1) -> (0, 0, 0)>
#map2 = affine_map<(d0, d1) -> (0, 0)>
module attributes {stable_mosaic.version = 14 : i64} {
  func.func @spmm(%arg0: i32, %arg1: i32, %arg2: memref<327680xi32, #tpu.memory_space<hbm>>, %arg3: memref<2560x1x128xi32, #tpu.memory_space<hbm>>, %arg4: memref<10000x64xf32, #tpu.memory_space<hbm>>, %arg5: memref<10112x64xf32, #tpu.memory_space<hbm>>, %arg6: memref<2x10112x64xf32, #tpu.memory_space<hbm>>, %arg7: memref<10112x64xf32, #tpu.memory_space<vmem_shared>>, %arg8: memref<16384xi32, #tpu.memory_space<vmem>>, %arg9: memref<128x1x128xi32, #tpu.memory_space<vmem>>, %arg10: memref<128x64xf32, #tpu.memory_space<vmem>>, %arg11: memref<128x64xf32, #tpu.memory_space<vmem>>, %arg12: memref<128x64xf32, #tpu.memory_space<vmem>>, %arg13: memref<128x64xf32, #tpu.memory_space<vmem>>, %arg14: memref<!tpu.dma_semaphore, #tpu.memory_space<semaphore_mem>>, %arg15: memref<!tpu.dma_semaphore, #tpu.memory_space<semaphore_mem>>, %arg16: memref<!tpu.dma_semaphore, #tpu.memory_space<semaphore_mem>>, %arg17: memref<!tpu.dma_semaphore, #tpu.memory_space<semaphore_mem>>, %arg18: memref<!tpu.dma_semaphore, #tpu.memory_space<semaphore_mem>>, %arg19: memref<!tpu.dma_semaphore, #tpu.memory_space<semaphore_mem>>, %arg20: memref<!tpu.dma_semaphore, #tpu.memory_space<semaphore_mem>>, %arg21: memref<!tpu.dma_semaphore, #tpu.memory_space<semaphore_mem>>, %arg22: memref<!tpu.dma_semaphore, #tpu.memory_space<semaphore_mem>>) attributes {dimension_semantics = [#tpu.dimension_semantics<core_parallel>, #tpu.dimension_semantics<subcore_parallel>], iteration_bounds = array<i64: 2, 16>, scalar_prefetch = 0 : i64, scratch_operands = 16 : i64, tpu.core_type = #tpu.core_type<sc_vector_subcore>, window_params = [{transform_indices = #map}, {transform_indices = #map1}, {transform_indices = #map2}, {transform_indices = #map2}, {transform_indices = #map1}]} {
    %mul3A = arith.constant 632 : i32
    %mul3A_0 = arith.muli %arg1, %mul3A : i32
    %mul3A_1 = arith.constant 128 : i32
    %mul3A_2 = arith.muli %arg1, %mul3A_1 : i32
    %mul3A_3 = arith.constant 32 : i32
    %mul3A_4 = arith.muli %arg1, %mul3A_3 : i32
    %add3A = arith.constant 2048 : i32
    %add3A_5 = arith.addi %add3A, %mul3A_4 : i32
    %eq3A = arith.constant 0 : i32
    %eq3A_6 = arith.cmpi eq, %arg0, %eq3A : i32
    %convert_element_type3A = arith.extui %eq3A_6 : i1 to i32
    %cond3A = arith.constant 0 : i32
    %cond3A_7 = arith.cmpi ne, %convert_element_type3A, %cond3A : i32
    scf.if %cond3A_7 {
      %mul3A_180 = arith.constant 128 : i32
      %mul3A_181 = arith.muli %mul3A_2, %mul3A_180 : i32
      %dma_start3A_182 = tpu.memref_slice %arg2[%mul3A_181] : memref<327680xi32, #tpu.memory_space<hbm>> -> memref<16384xi32, #tpu.memory_space<hbm>>
      %dma_start3A_183 = tpu.memref_slice %arg2[%mul3A_181] : memref<327680xi32, #tpu.memory_space<hbm>> -> memref<16384xi32, #tpu.memory_space<hbm>>
      tpu.enqueue_dma source(%dma_start3A_183 : memref<16384xi32, #tpu.memory_space<hbm>>) target(%arg8 : memref<16384xi32, #tpu.memory_space<vmem>>) target_semaphore(%arg22 : memref<!tpu.dma_semaphore, #tpu.memory_space<semaphore_mem>>)
      %dma_start3A_184 = arith.constant 0 : i32
      %dma_start3A_185 = arith.constant 0 : i32
      %dma_start3A_186 = tpu.memref_slice %arg3[%mul3A_2, %dma_start3A_184, %dma_start3A_185] : memref<2560x1x128xi32, #tpu.memory_space<hbm>> -> memref<128x1x128xi32, #tpu.memory_space<hbm>>
      %dma_start3A_187 = arith.constant 0 : i32
      %dma_start3A_188 = arith.constant 0 : i32
      %dma_start3A_189 = tpu.memref_slice %arg3[%mul3A_2, %dma_start3A_187, %dma_start3A_188] : memref<2560x1x128xi32, #tpu.memory_space<hbm>> -> memref<128x1x128xi32, #tpu.memory_space<hbm>>
      tpu.enqueue_dma source(%dma_start3A_189 : memref<128x1x128xi32, #tpu.memory_space<hbm>>) target(%arg9 : memref<128x1x128xi32, #tpu.memory_space<vmem>>) target_semaphore(%arg22 : memref<!tpu.dma_semaphore, #tpu.memory_space<semaphore_mem>>)
    } else {
    }
    %eq3A_8 = arith.constant 1 : i32
    %eq3A_9 = arith.cmpi eq, %arg0, %eq3A_8 : i32
    %convert_element_type3A_10 = arith.extui %eq3A_9 : i1 to i32
    %cond3A_11 = arith.constant 0 : i32
    %cond3A_12 = arith.cmpi ne, %convert_element_type3A_10, %cond3A_11 : i32
    scf.if %cond3A_12 {
      %mul3A_180 = arith.constant 128 : i32
      %mul3A_181 = arith.muli %add3A_5, %mul3A_180 : i32
      %dma_start3A_182 = arith.constant 0 : i32
      %dma_start3A_183 = tpu.memref_slice %arg8[%dma_start3A_182] : memref<16384xi32, #tpu.memory_space<vmem>> -> memref<4096xi32, #tpu.memory_space<vmem>>
      %dma_start3A_184 = tpu.memref_slice %arg2[%mul3A_181] : memref<327680xi32, #tpu.memory_space<hbm>> -> memref<4096xi32, #tpu.memory_space<hbm>>
      %dma_start3A_185 = arith.constant 0 : i32
      %dma_start3A_186 = tpu.memref_slice %arg8[%dma_start3A_185] : memref<16384xi32, #tpu.memory_space<vmem>> -> memref<4096xi32, #tpu.memory_space<vmem>>
      %dma_start3A_187 = tpu.memref_slice %arg2[%mul3A_181] : memref<327680xi32, #tpu.memory_space<hbm>> -> memref<4096xi32, #tpu.memory_space<hbm>>
      tpu.enqueue_dma source(%dma_start3A_187 : memref<4096xi32, #tpu.memory_space<hbm>>) target(%dma_start3A_186 : memref<4096xi32, #tpu.memory_space<vmem>>) target_semaphore(%arg22 : memref<!tpu.dma_semaphore, #tpu.memory_space<semaphore_mem>>)
      %dma_start3A_188 = arith.constant 0 : i32
      %dma_start3A_189 = arith.constant 0 : i32
      %dma_start3A_190 = arith.constant 0 : i32
      %dma_start3A_191 = tpu.memref_slice %arg9[%dma_start3A_188, %dma_start3A_189, %dma_start3A_190] : memref<128x1x128xi32, #tpu.memory_space<vmem>> -> memref<32x1x128xi32, #tpu.memory_space<vmem>>
      %dma_start3A_192 = arith.constant 0 : i32
      %dma_start3A_193 = arith.constant 0 : i32
      %dma_start3A_194 = tpu.memref_slice %arg3[%add3A_5, %dma_start3A_192, %dma_start3A_193] : memref<2560x1x128xi32, #tpu.memory_space<hbm>> -> memref<32x1x128xi32, #tpu.memory_space<hbm>>
      %dma_start3A_195 = arith.constant 0 : i32
      %dma_start3A_196 = arith.constant 0 : i32
      %dma_start3A_197 = arith.constant 0 : i32
      %dma_start3A_198 = tpu.memref_slice %arg9[%dma_start3A_195, %dma_start3A_196, %dma_start3A_197] : memref<128x1x128xi32, #tpu.memory_space<vmem>> -> memref<32x1x128xi32, #tpu.memory_space<vmem>>
      %dma_start3A_199 = arith.constant 0 : i32
      %dma_start3A_200 = arith.constant 0 : i32
      %dma_start3A_201 = tpu.memref_slice %arg3[%add3A_5, %dma_start3A_199, %dma_start3A_200] : memref<2560x1x128xi32, #tpu.memory_space<hbm>> -> memref<32x1x128xi32, #tpu.memory_space<hbm>>
      tpu.enqueue_dma source(%dma_start3A_201 : memref<32x1x128xi32, #tpu.memory_space<hbm>>) target(%dma_start3A_198 : memref<32x1x128xi32, #tpu.memory_space<vmem>>) target_semaphore(%arg22 : memref<!tpu.dma_semaphore, #tpu.memory_space<semaphore_mem>>)
    } else {
    }
    "tpu.region"() ({
      %run_scoped3A = tpu.sem_alloc : memref<!tpu.dma_semaphore, #tpu.memory_space<semaphore_mem>>
      %dma_start3A_180 = arith.constant 0 : i32
      %dma_start3A_181 = tpu.memref_slice %arg7[%mul3A_0, %dma_start3A_180] : memref<10112x64xf32, #tpu.memory_space<vmem_shared>> -> memref<632x64xf32, #tpu.memory_space<vmem_shared>>
      %dma_start3A_182 = arith.constant 0 : i32
      %dma_start3A_183 = tpu.memref_slice %arg5[%mul3A_0, %dma_start3A_182] : memref<10112x64xf32, #tpu.memory_space<hbm>> -> memref<632x64xf32, #tpu.memory_space<hbm>>
      tpu.enqueue_dma source(%dma_start3A_183 : memref<632x64xf32, #tpu.memory_space<hbm>>) target(%dma_start3A_181 : memref<632x64xf32, #tpu.memory_space<vmem_shared>>) target_semaphore(%run_scoped3A : memref<!tpu.dma_semaphore, #tpu.memory_space<semaphore_mem>>)
      %dma_wait3A_184 = arith.constant 0 : i32
      %dma_wait3A_185 = tpu.memref_slice %arg7[%mul3A_0, %dma_wait3A_184] : memref<10112x64xf32, #tpu.memory_space<vmem_shared>> -> memref<632x64xf32, #tpu.memory_space<vmem_shared>>
      %dma_wait3A_186 = arith.constant 0 : i32
      %dma_wait3A_187 = tpu.memref_slice %arg5[%mul3A_0, %dma_wait3A_186] : memref<10112x64xf32, #tpu.memory_space<hbm>> -> memref<632x64xf32, #tpu.memory_space<hbm>>
      tpu.wait_dma2 semaphore(%run_scoped3A : memref<!tpu.dma_semaphore, #tpu.memory_space<semaphore_mem>>) src(%dma_wait3A_187 : memref<632x64xf32, #tpu.memory_space<hbm>>) dst(%dma_wait3A_185 : memref<632x64xf32, #tpu.memory_space<vmem_shared>>)
      tpu.yield
    }) : () -> ()
    %eq3A_13 = arith.constant 0 : i32
    %eq3A_14 = arith.cmpi eq, %arg0, %eq3A_13 : i32
    %convert_element_type3A_15 = arith.extui %eq3A_14 : i1 to i32
    %cond3A_16 = arith.constant 0 : i32
    %cond3A_17 = arith.cmpi ne, %convert_element_type3A_15, %cond3A_16 : i32
    scf.if %cond3A_17 {
      %mul3A_180 = arith.constant 128 : i32
      %mul3A_181 = arith.muli %mul3A_2, %mul3A_180 : i32
      %dma_wait3A_182 = tpu.memref_slice %arg2[%mul3A_181] : memref<327680xi32, #tpu.memory_space<hbm>> -> memref<16384xi32, #tpu.memory_space<hbm>>
      %dma_wait3A_183 = tpu.memref_slice %arg2[%mul3A_181] : memref<327680xi32, #tpu.memory_space<hbm>> -> memref<16384xi32, #tpu.memory_space<hbm>>
      tpu.wait_dma2 semaphore(%arg22 : memref<!tpu.dma_semaphore, #tpu.memory_space<semaphore_mem>>) src(%dma_wait3A_183 : memref<16384xi32, #tpu.memory_space<hbm>>) dst(%arg8 : memref<16384xi32, #tpu.memory_space<vmem>>)
      %dma_wait3A_184 = arith.constant 0 : i32
      %dma_wait3A_185 = arith.constant 0 : i32
      %dma_wait3A_186 = tpu.memref_slice %arg3[%mul3A_2, %dma_wait3A_184, %dma_wait3A_185] : memref<2560x1x128xi32, #tpu.memory_space<hbm>> -> memref<128x1x128xi32, #tpu.memory_space<hbm>>
      %dma_wait3A_187 = arith.constant 0 : i32
      %dma_wait3A_188 = arith.constant 0 : i32
      %dma_wait3A_189 = tpu.memref_slice %arg3[%mul3A_2, %dma_wait3A_187, %dma_wait3A_188] : memref<2560x1x128xi32, #tpu.memory_space<hbm>> -> memref<128x1x128xi32, #tpu.memory_space<hbm>>
      tpu.wait_dma2 semaphore(%arg22 : memref<!tpu.dma_semaphore, #tpu.memory_space<semaphore_mem>>) src(%dma_wait3A_189 : memref<128x1x128xi32, #tpu.memory_space<hbm>>) dst(%arg9 : memref<128x1x128xi32, #tpu.memory_space<vmem>>)
    } else {
    }
    %eq3A_18 = arith.constant 1 : i32
    %eq3A_19 = arith.cmpi eq, %arg0, %eq3A_18 : i32
    %convert_element_type3A_20 = arith.extui %eq3A_19 : i1 to i32
    %cond3A_21 = arith.constant 0 : i32
    %cond3A_22 = arith.cmpi ne, %convert_element_type3A_20, %cond3A_21 : i32
    scf.if %cond3A_22 {
      %mul3A_180 = arith.constant 128 : i32
      %mul3A_181 = arith.muli %add3A_5, %mul3A_180 : i32
      %dma_wait3A_182 = arith.constant 0 : i32
      %dma_wait3A_183 = tpu.memref_slice %arg8[%dma_wait3A_182] : memref<16384xi32, #tpu.memory_space<vmem>> -> memref<4096xi32, #tpu.memory_space<vmem>>
      %dma_wait3A_184 = tpu.memref_slice %arg2[%mul3A_181] : memref<327680xi32, #tpu.memory_space<hbm>> -> memref<4096xi32, #tpu.memory_space<hbm>>
      %dma_wait3A_185 = arith.constant 0 : i32
      %dma_wait3A_186 = tpu.memref_slice %arg8[%dma_wait3A_185] : memref<16384xi32, #tpu.memory_space<vmem>> -> memref<4096xi32, #tpu.memory_space<vmem>>
      %dma_wait3A_187 = tpu.memref_slice %arg2[%mul3A_181] : memref<327680xi32, #tpu.memory_space<hbm>> -> memref<4096xi32, #tpu.memory_space<hbm>>
      tpu.wait_dma2 semaphore(%arg22 : memref<!tpu.dma_semaphore, #tpu.memory_space<semaphore_mem>>) src(%dma_wait3A_187 : memref<4096xi32, #tpu.memory_space<hbm>>) dst(%dma_wait3A_186 : memref<4096xi32, #tpu.memory_space<vmem>>)
      %dma_wait3A_188 = arith.constant 0 : i32
      %dma_wait3A_189 = arith.constant 0 : i32
      %dma_wait3A_190 = arith.constant 0 : i32
      %dma_wait3A_191 = tpu.memref_slice %arg9[%dma_wait3A_188, %dma_wait3A_189, %dma_wait3A_190] : memref<128x1x128xi32, #tpu.memory_space<vmem>> -> memref<32x1x128xi32, #tpu.memory_space<vmem>>
      %dma_wait3A_192 = arith.constant 0 : i32
      %dma_wait3A_193 = arith.constant 0 : i32
      %dma_wait3A_194 = tpu.memref_slice %arg3[%add3A_5, %dma_wait3A_192, %dma_wait3A_193] : memref<2560x1x128xi32, #tpu.memory_space<hbm>> -> memref<32x1x128xi32, #tpu.memory_space<hbm>>
      %dma_wait3A_195 = arith.constant 0 : i32
      %dma_wait3A_196 = arith.constant 0 : i32
      %dma_wait3A_197 = arith.constant 0 : i32
      %dma_wait3A_198 = tpu.memref_slice %arg9[%dma_wait3A_195, %dma_wait3A_196, %dma_wait3A_197] : memref<128x1x128xi32, #tpu.memory_space<vmem>> -> memref<32x1x128xi32, #tpu.memory_space<vmem>>
      %dma_wait3A_199 = arith.constant 0 : i32
      %dma_wait3A_200 = arith.constant 0 : i32
      %dma_wait3A_201 = tpu.memref_slice %arg3[%add3A_5, %dma_wait3A_199, %dma_wait3A_200] : memref<2560x1x128xi32, #tpu.memory_space<hbm>> -> memref<32x1x128xi32, #tpu.memory_space<hbm>>
      tpu.wait_dma2 semaphore(%arg22 : memref<!tpu.dma_semaphore, #tpu.memory_space<semaphore_mem>>) src(%dma_wait3A_201 : memref<32x1x128xi32, #tpu.memory_space<hbm>>) dst(%dma_wait3A_198 : memref<32x1x128xi32, #tpu.memory_space<vmem>>)
    } else {
    }
    %barrier3A = arith.constant 0 : index
    tpu.barrier barrier_id(%barrier3A)
    %eq3A_23 = arith.constant 0 : i32
    %eq3A_24 = arith.cmpi eq, %arg0, %eq3A_23 : i32
    %jit3A = arith.constant 128 : i32
    %jit3A_25 = arith.constant 32 : i32
    %select_n3A = arith.select %eq3A_24, %jit3A, %jit3A_25 : i32
    %jit3A_26 = arith.constant 4 : i32
    %div3A = arith.divsi %select_n3A, %jit3A_26 : i32
    %sign3A = arith.constant 0 : i32
    %sign3A_27 = arith.cmpi sgt, %select_n3A, %sign3A : i32
    %sign3A_28 = arith.extui %sign3A_27 : i1 to i32
    %sign3A_29 = arith.constant 0 : i32
    %sign3A_30 = arith.cmpi slt, %select_n3A, %sign3A_29 : i32
    %sign3A_31 = arith.extui %sign3A_30 : i1 to i32
    %sign3A_32 = arith.subi %sign3A_28, %sign3A_31 : i32
    %sign3A_33 = arith.constant 0 : i32
    %sign3A_34 = arith.cmpi sgt, %jit3A_26, %sign3A_33 : i32
    %sign3A_35 = arith.extui %sign3A_34 : i1 to i32
    %sign3A_36 = arith.constant 0 : i32
    %sign3A_37 = arith.cmpi slt, %jit3A_26, %sign3A_36 : i32
    %sign3A_38 = arith.extui %sign3A_37 : i1 to i32
    %sign3A_39 = arith.subi %sign3A_35, %sign3A_38 : i32
    %ne3A = arith.cmpi ne, %sign3A_32, %sign3A_39 : i32
    %rem3A = arith.remsi %select_n3A, %jit3A_26 : i32
    %ne3A_40 = arith.constant 0 : i32
    %ne3A_41 = arith.cmpi ne, %rem3A, %ne3A_40 : i32
    %and3A = arith.andi %ne3A, %ne3A_41 : i1
    %sub3A = arith.constant 1 : i32
    %sub3A_42 = arith.subi %div3A, %sub3A : i32
    %select_n3A_43 = arith.select %and3A, %sub3A_42, %div3A : i32
    %dma_start3A = arith.constant 0 : i32
    %dma_start3A_44 = tpu.memref_slice %arg8[%dma_start3A] : memref<16384xi32, #tpu.memory_space<vmem>> -> memref<128xi32, #tpu.memory_space<vmem>>
    %dma_start3A_45 = arith.constant 0 : i32
    %dma_start3A_46 = arith.constant 0 : i32
    %dma_start3A_47 = tpu.memref_slice %arg4[%dma_start3A_45, %dma_start3A_46] : memref<10000x64xf32, #tpu.memory_space<hbm>> -> memref<10000x64xf32, #tpu.memory_space<hbm>>
    tpu.enqueue_indirect_dma source(%dma_start3A_47 : memref<10000x64xf32, #tpu.memory_space<hbm>>) target(%arg10 : memref<128x64xf32, #tpu.memory_space<vmem>>) offsets(%dma_start3A_44 : memref<128xi32, #tpu.memory_space<vmem>>) semaphore(%arg14 : memref<!tpu.dma_semaphore, #tpu.memory_space<semaphore_mem>>)
    %dma_start3A_48 = arith.constant 128 : i32
    %dma_start3A_49 = tpu.memref_slice %arg8[%dma_start3A_48] : memref<16384xi32, #tpu.memory_space<vmem>> -> memref<128xi32, #tpu.memory_space<vmem>>
    %dma_start3A_50 = arith.constant 0 : i32
    %dma_start3A_51 = arith.constant 0 : i32
    %dma_start3A_52 = tpu.memref_slice %arg4[%dma_start3A_50, %dma_start3A_51] : memref<10000x64xf32, #tpu.memory_space<hbm>> -> memref<10000x64xf32, #tpu.memory_space<hbm>>
    tpu.enqueue_indirect_dma source(%dma_start3A_52 : memref<10000x64xf32, #tpu.memory_space<hbm>>) target(%arg11 : memref<128x64xf32, #tpu.memory_space<vmem>>) offsets(%dma_start3A_49 : memref<128xi32, #tpu.memory_space<vmem>>) semaphore(%arg15 : memref<!tpu.dma_semaphore, #tpu.memory_space<semaphore_mem>>)
    %dma_start3A_53 = arith.constant 256 : i32
    %dma_start3A_54 = tpu.memref_slice %arg8[%dma_start3A_53] : memref<16384xi32, #tpu.memory_space<vmem>> -> memref<128xi32, #tpu.memory_space<vmem>>
    %dma_start3A_55 = arith.constant 0 : i32
    %dma_start3A_56 = arith.constant 0 : i32
    %dma_start3A_57 = tpu.memref_slice %arg4[%dma_start3A_55, %dma_start3A_56] : memref<10000x64xf32, #tpu.memory_space<hbm>> -> memref<10000x64xf32, #tpu.memory_space<hbm>>
    tpu.enqueue_indirect_dma source(%dma_start3A_57 : memref<10000x64xf32, #tpu.memory_space<hbm>>) target(%arg12 : memref<128x64xf32, #tpu.memory_space<vmem>>) offsets(%dma_start3A_54 : memref<128xi32, #tpu.memory_space<vmem>>) semaphore(%arg16 : memref<!tpu.dma_semaphore, #tpu.memory_space<semaphore_mem>>)
    %dma_start3A_58 = arith.constant 384 : i32
    %dma_start3A_59 = tpu.memref_slice %arg8[%dma_start3A_58] : memref<16384xi32, #tpu.memory_space<vmem>> -> memref<128xi32, #tpu.memory_space<vmem>>
    %dma_start3A_60 = arith.constant 0 : i32
    %dma_start3A_61 = arith.constant 0 : i32
    %dma_start3A_62 = tpu.memref_slice %arg4[%dma_start3A_60, %dma_start3A_61] : memref<10000x64xf32, #tpu.memory_space<hbm>> -> memref<10000x64xf32, #tpu.memory_space<hbm>>
    tpu.enqueue_indirect_dma source(%dma_start3A_62 : memref<10000x64xf32, #tpu.memory_space<hbm>>) target(%arg13 : memref<128x64xf32, #tpu.memory_space<vmem>>) offsets(%dma_start3A_59 : memref<128xi32, #tpu.memory_space<vmem>>) semaphore(%arg17 : memref<!tpu.dma_semaphore, #tpu.memory_space<semaphore_mem>>)
    %sub3A_63 = arith.constant 1 : i32
    %sub3A_64 = arith.subi %select_n3A_43, %sub3A_63 : i32
    %while3A = arith.constant 0 : i32
    %while3A_65 = arith.constant 0 : i32
    %while3A_66 = arith.subi %sub3A_64, %while3A : i32
    %while3A_67 = arith.addi %while3A, %while3A_66 : i32
    %while3A_68 = arith.constant 1 : i32
    %while3A_69 = arith.divsi %while3A_66, %while3A_68 : i32
    %while3A_70 = arith.muli %while3A_69, %while3A_68 : i32
    %while3A_71 = arith.addi %while3A, %while3A_70 : i32
    %while3A_72 = arith.constant 1 : i32
    %while3A_73 = scf.for %while3A_180 = %while3A to %while3A_71 step %while3A_72 iter_args(%while3A_181 = %while3A_65) -> (i32)  : i32 {
      %dma_wait3A_182 = arith.constant 0 : i32
      %dma_wait3A_183 = tpu.memref_slice %arg8[%dma_wait3A_182] : memref<16384xi32, #tpu.memory_space<vmem>> -> memref<128xi32, #tpu.memory_space<vmem>>
      %dma_wait3A_184 = arith.constant 0 : i32
      %dma_wait3A_185 = arith.constant 0 : i32
      %dma_wait3A_186 = tpu.memref_slice %arg4[%dma_wait3A_184, %dma_wait3A_185] : memref<10000x64xf32, #tpu.memory_space<hbm>> -> memref<10000x64xf32, #tpu.memory_space<hbm>>
      tpu.wait_indirect_dma semaphore(%arg14 : memref<!tpu.dma_semaphore, #tpu.memory_space<semaphore_mem>>) src(%dma_wait3A_186 : memref<10000x64xf32, #tpu.memory_space<hbm>>) dst(%arg10 : memref<128x64xf32, #tpu.memory_space<vmem>>)
      %mul3A_187 = arith.constant 4 : i32
      %mul3A_188 = arith.muli %while3A_180, %mul3A_187 : i32
      %add3A_189 = arith.constant 0 : i32
      %add3A_190 = arith.addi %mul3A_188, %add3A_189 : i32
      %dma_start3A_191 = arith.constant 0 : i32
      %dma_start3A_192 = arith.constant 0 : i32
      %dma_start3A_193 = tpu.memref_slice %arg9[%add3A_190, %dma_start3A_191, %dma_start3A_192] : memref<128x1x128xi32, #tpu.memory_space<vmem>> -> memref<1x1x128xi32, #tpu.memory_space<vmem>>
      %dma_start3A_194 = tpu.memref_squeeze %dma_start3A_193 : memref<1x1x128xi32, #tpu.memory_space<vmem>> -> memref<128xi32, #tpu.memory_space<vmem>>
      %dma_start3A_195 = arith.constant 0 : i32
      %dma_start3A_196 = arith.constant 0 : i32
      %dma_start3A_197 = tpu.memref_slice %arg7[%dma_start3A_195, %dma_start3A_196] : memref<10112x64xf32, #tpu.memory_space<vmem_shared>> -> memref<10112x64xf32, #tpu.memory_space<vmem_shared>>
      tpu.enqueue_indirect_dma source(%arg10 : memref<128x64xf32, #tpu.memory_space<vmem>>) target(%dma_start3A_197 : memref<10112x64xf32, #tpu.memory_space<vmem_shared>>) offsets(%dma_start3A_194 : memref<128xi32, #tpu.memory_space<vmem>>) semaphore(%arg18 : memref<!tpu.dma_semaphore, #tpu.memory_space<semaphore_mem>>) {add = true}
      %dma_wait3A_198 = arith.constant 0 : i32
      %dma_wait3A_199 = tpu.memref_slice %arg8[%dma_wait3A_198] : memref<16384xi32, #tpu.memory_space<vmem>> -> memref<128xi32, #tpu.memory_space<vmem>>
      %dma_wait3A_200 = arith.constant 0 : i32
      %dma_wait3A_201 = arith.constant 0 : i32
      %dma_wait3A_202 = tpu.memref_slice %arg4[%dma_wait3A_200, %dma_wait3A_201] : memref<10000x64xf32, #tpu.memory_space<hbm>> -> memref<10000x64xf32, #tpu.memory_space<hbm>>
      tpu.wait_indirect_dma semaphore(%arg15 : memref<!tpu.dma_semaphore, #tpu.memory_space<semaphore_mem>>) src(%dma_wait3A_202 : memref<10000x64xf32, #tpu.memory_space<hbm>>) dst(%arg11 : memref<128x64xf32, #tpu.memory_space<vmem>>)
      %mul3A_203 = arith.constant 4 : i32
      %mul3A_204 = arith.muli %while3A_180, %mul3A_203 : i32
      %add3A_205 = arith.constant 1 : i32
      %add3A_206 = arith.addi %mul3A_204, %add3A_205 : i32
      %dma_start3A_207 = arith.constant 0 : i32
      %dma_start3A_208 = arith.constant 0 : i32
      %dma_start3A_209 = tpu.memref_slice %arg9[%add3A_206, %dma_start3A_207, %dma_start3A_208] : memref<128x1x128xi32, #tpu.memory_space<vmem>> -> memref<1x1x128xi32, #tpu.memory_space<vmem>>
      %dma_start3A_210 = tpu.memref_squeeze %dma_start3A_209 : memref<1x1x128xi32, #tpu.memory_space<vmem>> -> memref<128xi32, #tpu.memory_space<vmem>>
      %dma_start3A_211 = arith.constant 0 : i32
      %dma_start3A_212 = arith.constant 0 : i32
      %dma_start3A_213 = tpu.memref_slice %arg7[%dma_start3A_211, %dma_start3A_212] : memref<10112x64xf32, #tpu.memory_space<vmem_shared>> -> memref<10112x64xf32, #tpu.memory_space<vmem_shared>>
      tpu.enqueue_indirect_dma source(%arg11 : memref<128x64xf32, #tpu.memory_space<vmem>>) target(%dma_start3A_213 : memref<10112x64xf32, #tpu.memory_space<vmem_shared>>) offsets(%dma_start3A_210 : memref<128xi32, #tpu.memory_space<vmem>>) semaphore(%arg19 : memref<!tpu.dma_semaphore, #tpu.memory_space<semaphore_mem>>) {add = true}
      %dma_wait3A_214 = arith.constant 0 : i32
      %dma_wait3A_215 = tpu.memref_slice %arg8[%dma_wait3A_214] : memref<16384xi32, #tpu.memory_space<vmem>> -> memref<128xi32, #tpu.memory_space<vmem>>
      %dma_wait3A_216 = arith.constant 0 : i32
      %dma_wait3A_217 = arith.constant 0 : i32
      %dma_wait3A_218 = tpu.memref_slice %arg4[%dma_wait3A_216, %dma_wait3A_217] : memref<10000x64xf32, #tpu.memory_space<hbm>> -> memref<10000x64xf32, #tpu.memory_space<hbm>>
      tpu.wait_indirect_dma semaphore(%arg16 : memref<!tpu.dma_semaphore, #tpu.memory_space<semaphore_mem>>) src(%dma_wait3A_218 : memref<10000x64xf32, #tpu.memory_space<hbm>>) dst(%arg12 : memref<128x64xf32, #tpu.memory_space<vmem>>)
      %mul3A_219 = arith.constant 4 : i32
      %mul3A_220 = arith.muli %while3A_180, %mul3A_219 : i32
      %add3A_221 = arith.constant 2 : i32
      %add3A_222 = arith.addi %mul3A_220, %add3A_221 : i32
      %dma_start3A_223 = arith.constant 0 : i32
      %dma_start3A_224 = arith.constant 0 : i32
      %dma_start3A_225 = tpu.memref_slice %arg9[%add3A_222, %dma_start3A_223, %dma_start3A_224] : memref<128x1x128xi32, #tpu.memory_space<vmem>> -> memref<1x1x128xi32, #tpu.memory_space<vmem>>
      %dma_start3A_226 = tpu.memref_squeeze %dma_start3A_225 : memref<1x1x128xi32, #tpu.memory_space<vmem>> -> memref<128xi32, #tpu.memory_space<vmem>>
      %dma_start3A_227 = arith.constant 0 : i32
      %dma_start3A_228 = arith.constant 0 : i32
      %dma_start3A_229 = tpu.memref_slice %arg7[%dma_start3A_227, %dma_start3A_228] : memref<10112x64xf32, #tpu.memory_space<vmem_shared>> -> memref<10112x64xf32, #tpu.memory_space<vmem_shared>>
      tpu.enqueue_indirect_dma source(%arg12 : memref<128x64xf32, #tpu.memory_space<vmem>>) target(%dma_start3A_229 : memref<10112x64xf32, #tpu.memory_space<vmem_shared>>) offsets(%dma_start3A_226 : memref<128xi32, #tpu.memory_space<vmem>>) semaphore(%arg20 : memref<!tpu.dma_semaphore, #tpu.memory_space<semaphore_mem>>) {add = true}
      %dma_wait3A_230 = arith.constant 0 : i32
      %dma_wait3A_231 = tpu.memref_slice %arg8[%dma_wait3A_230] : memref<16384xi32, #tpu.memory_space<vmem>> -> memref<128xi32, #tpu.memory_space<vmem>>
      %dma_wait3A_232 = arith.constant 0 : i32
      %dma_wait3A_233 = arith.constant 0 : i32
      %dma_wait3A_234 = tpu.memref_slice %arg4[%dma_wait3A_232, %dma_wait3A_233] : memref<10000x64xf32, #tpu.memory_space<hbm>> -> memref<10000x64xf32, #tpu.memory_space<hbm>>
      tpu.wait_indirect_dma semaphore(%arg17 : memref<!tpu.dma_semaphore, #tpu.memory_space<semaphore_mem>>) src(%dma_wait3A_234 : memref<10000x64xf32, #tpu.memory_space<hbm>>) dst(%arg13 : memref<128x64xf32, #tpu.memory_space<vmem>>)
      %mul3A_235 = arith.constant 4 : i32
      %mul3A_236 = arith.muli %while3A_180, %mul3A_235 : i32
      %add3A_237 = arith.constant 3 : i32
      %add3A_238 = arith.addi %mul3A_236, %add3A_237 : i32
      %dma_start3A_239 = arith.constant 0 : i32
      %dma_start3A_240 = arith.constant 0 : i32
      %dma_start3A_241 = tpu.memref_slice %arg9[%add3A_238, %dma_start3A_239, %dma_start3A_240] : memref<128x1x128xi32, #tpu.memory_space<vmem>> -> memref<1x1x128xi32, #tpu.memory_space<vmem>>
      %dma_start3A_242 = tpu.memref_squeeze %dma_start3A_241 : memref<1x1x128xi32, #tpu.memory_space<vmem>> -> memref<128xi32, #tpu.memory_space<vmem>>
      %dma_start3A_243 = arith.constant 0 : i32
      %dma_start3A_244 = arith.constant 0 : i32
      %dma_start3A_245 = tpu.memref_slice %arg7[%dma_start3A_243, %dma_start3A_244] : memref<10112x64xf32, #tpu.memory_space<vmem_shared>> -> memref<10112x64xf32, #tpu.memory_space<vmem_shared>>
      tpu.enqueue_indirect_dma source(%arg13 : memref<128x64xf32, #tpu.memory_space<vmem>>) target(%dma_start3A_245 : memref<10112x64xf32, #tpu.memory_space<vmem_shared>>) offsets(%dma_start3A_242 : memref<128xi32, #tpu.memory_space<vmem>>) semaphore(%arg21 : memref<!tpu.dma_semaphore, #tpu.memory_space<semaphore_mem>>) {add = true}
      %dma_wait3A_246 = arith.constant 0 : i32
      %dma_wait3A_247 = arith.constant 0 : i32
      %dma_wait3A_248 = arith.constant 0 : i32
      %dma_wait3A_249 = tpu.memref_slice %arg9[%dma_wait3A_246, %dma_wait3A_247, %dma_wait3A_248] : memref<128x1x128xi32, #tpu.memory_space<vmem>> -> memref<1x1x128xi32, #tpu.memory_space<vmem>>
      %dma_wait3A_250 = tpu.memref_squeeze %dma_wait3A_249 : memref<1x1x128xi32, #tpu.memory_space<vmem>> -> memref<128xi32, #tpu.memory_space<vmem>>
      %dma_wait3A_251 = arith.constant 0 : i32
      %dma_wait3A_252 = arith.constant 0 : i32
      %dma_wait3A_253 = tpu.memref_slice %arg7[%dma_wait3A_251, %dma_wait3A_252] : memref<10112x64xf32, #tpu.memory_space<vmem_shared>> -> memref<10112x64xf32, #tpu.memory_space<vmem_shared>>
      tpu.wait_indirect_dma semaphore(%arg18 : memref<!tpu.dma_semaphore, #tpu.memory_space<semaphore_mem>>) src(%arg10 : memref<128x64xf32, #tpu.memory_space<vmem>>) dst(%dma_wait3A_253 : memref<10112x64xf32, #tpu.memory_space<vmem_shared>>)
      %add3A_254 = arith.constant 1 : i32
      %add3A_255 = arith.addi %while3A_180, %add3A_254 : i32
      %mul3A_256 = arith.constant 4 : i32
      %mul3A_257 = arith.muli %add3A_255, %mul3A_256 : i32
      %add3A_258 = arith.constant 0 : i32
      %add3A_259 = arith.addi %mul3A_257, %add3A_258 : i32
      %mul3A_260 = arith.constant 128 : i32
      %mul3A_261 = arith.muli %add3A_259, %mul3A_260 : i32
      %dma_start3A_262 = tpu.memref_slice %arg8[%mul3A_261] : memref<16384xi32, #tpu.memory_space<vmem>> -> memref<128xi32, #tpu.memory_space<vmem>>
      %dma_start3A_263 = arith.constant 0 : i32
      %dma_start3A_264 = arith.constant 0 : i32
      %dma_start3A_265 = tpu.memref_slice %arg4[%dma_start3A_263, %dma_start3A_264] : memref<10000x64xf32, #tpu.memory_space<hbm>> -> memref<10000x64xf32, #tpu.memory_space<hbm>>
      tpu.enqueue_indirect_dma source(%dma_start3A_265 : memref<10000x64xf32, #tpu.memory_space<hbm>>) target(%arg10 : memref<128x64xf32, #tpu.memory_space<vmem>>) offsets(%dma_start3A_262 : memref<128xi32, #tpu.memory_space<vmem>>) semaphore(%arg14 : memref<!tpu.dma_semaphore, #tpu.memory_space<semaphore_mem>>)
      %dma_wait3A_266 = arith.constant 0 : i32
      %dma_wait3A_267 = arith.constant 0 : i32
      %dma_wait3A_268 = arith.constant 0 : i32
      %dma_wait3A_269 = tpu.memref_slice %arg9[%dma_wait3A_266, %dma_wait3A_267, %dma_wait3A_268] : memref<128x1x128xi32, #tpu.memory_space<vmem>> -> memref<1x1x128xi32, #tpu.memory_space<vmem>>
      %dma_wait3A_270 = tpu.memref_squeeze %dma_wait3A_269 : memref<1x1x128xi32, #tpu.memory_space<vmem>> -> memref<128xi32, #tpu.memory_space<vmem>>
      %dma_wait3A_271 = arith.constant 0 : i32
      %dma_wait3A_272 = arith.constant 0 : i32
      %dma_wait3A_273 = tpu.memref_slice %arg7[%dma_wait3A_271, %dma_wait3A_272] : memref<10112x64xf32, #tpu.memory_space<vmem_shared>> -> memref<10112x64xf32, #tpu.memory_space<vmem_shared>>
      tpu.wait_indirect_dma semaphore(%arg19 : memref<!tpu.dma_semaphore, #tpu.memory_space<semaphore_mem>>) src(%arg11 : memref<128x64xf32, #tpu.memory_space<vmem>>) dst(%dma_wait3A_273 : memref<10112x64xf32, #tpu.memory_space<vmem_shared>>)
      %add3A_274 = arith.constant 1 : i32
      %add3A_275 = arith.addi %while3A_180, %add3A_274 : i32
      %mul3A_276 = arith.constant 4 : i32
      %mul3A_277 = arith.muli %add3A_275, %mul3A_276 : i32
      %add3A_278 = arith.constant 1 : i32
      %add3A_279 = arith.addi %mul3A_277, %add3A_278 : i32
      %mul3A_280 = arith.constant 128 : i32
      %mul3A_281 = arith.muli %add3A_279, %mul3A_280 : i32
      %dma_start3A_282 = tpu.memref_slice %arg8[%mul3A_281] : memref<16384xi32, #tpu.memory_space<vmem>> -> memref<128xi32, #tpu.memory_space<vmem>>
      %dma_start3A_283 = arith.constant 0 : i32
      %dma_start3A_284 = arith.constant 0 : i32
      %dma_start3A_285 = tpu.memref_slice %arg4[%dma_start3A_283, %dma_start3A_284] : memref<10000x64xf32, #tpu.memory_space<hbm>> -> memref<10000x64xf32, #tpu.memory_space<hbm>>
      tpu.enqueue_indirect_dma source(%dma_start3A_285 : memref<10000x64xf32, #tpu.memory_space<hbm>>) target(%arg11 : memref<128x64xf32, #tpu.memory_space<vmem>>) offsets(%dma_start3A_282 : memref<128xi32, #tpu.memory_space<vmem>>) semaphore(%arg15 : memref<!tpu.dma_semaphore, #tpu.memory_space<semaphore_mem>>)
      %dma_wait3A_286 = arith.constant 0 : i32
      %dma_wait3A_287 = arith.constant 0 : i32
      %dma_wait3A_288 = arith.constant 0 : i32
      %dma_wait3A_289 = tpu.memref_slice %arg9[%dma_wait3A_286, %dma_wait3A_287, %dma_wait3A_288] : memref<128x1x128xi32, #tpu.memory_space<vmem>> -> memref<1x1x128xi32, #tpu.memory_space<vmem>>
      %dma_wait3A_290 = tpu.memref_squeeze %dma_wait3A_289 : memref<1x1x128xi32, #tpu.memory_space<vmem>> -> memref<128xi32, #tpu.memory_space<vmem>>
      %dma_wait3A_291 = arith.constant 0 : i32
      %dma_wait3A_292 = arith.constant 0 : i32
      %dma_wait3A_293 = tpu.memref_slice %arg7[%dma_wait3A_291, %dma_wait3A_292] : memref<10112x64xf32, #tpu.memory_space<vmem_shared>> -> memref<10112x64xf32, #tpu.memory_space<vmem_shared>>
      tpu.wait_indirect_dma semaphore(%arg20 : memref<!tpu.dma_semaphore, #tpu.memory_space<semaphore_mem>>) src(%arg12 : memref<128x64xf32, #tpu.memory_space<vmem>>) dst(%dma_wait3A_293 : memref<10112x64xf32, #tpu.memory_space<vmem_shared>>)
      %add3A_294 = arith.constant 1 : i32
      %add3A_295 = arith.addi %while3A_180, %add3A_294 : i32
      %mul3A_296 = arith.constant 4 : i32
      %mul3A_297 = arith.muli %add3A_295, %mul3A_296 : i32
      %add3A_298 = arith.constant 2 : i32
      %add3A_299 = arith.addi %mul3A_297, %add3A_298 : i32
      %mul3A_300 = arith.constant 128 : i32
      %mul3A_301 = arith.muli %add3A_299, %mul3A_300 : i32
      %dma_start3A_302 = tpu.memref_slice %arg8[%mul3A_301] : memref<16384xi32, #tpu.memory_space<vmem>> -> memref<128xi32, #tpu.memory_space<vmem>>
      %dma_start3A_303 = arith.constant 0 : i32
      %dma_start3A_304 = arith.constant 0 : i32
      %dma_start3A_305 = tpu.memref_slice %arg4[%dma_start3A_303, %dma_start3A_304] : memref<10000x64xf32, #tpu.memory_space<hbm>> -> memref<10000x64xf32, #tpu.memory_space<hbm>>
      tpu.enqueue_indirect_dma source(%dma_start3A_305 : memref<10000x64xf32, #tpu.memory_space<hbm>>) target(%arg12 : memref<128x64xf32, #tpu.memory_space<vmem>>) offsets(%dma_start3A_302 : memref<128xi32, #tpu.memory_space<vmem>>) semaphore(%arg16 : memref<!tpu.dma_semaphore, #tpu.memory_space<semaphore_mem>>)
      %dma_wait3A_306 = arith.constant 0 : i32
      %dma_wait3A_307 = arith.constant 0 : i32
      %dma_wait3A_308 = arith.constant 0 : i32
      %dma_wait3A_309 = tpu.memref_slice %arg9[%dma_wait3A_306, %dma_wait3A_307, %dma_wait3A_308] : memref<128x1x128xi32, #tpu.memory_space<vmem>> -> memref<1x1x128xi32, #tpu.memory_space<vmem>>
      %dma_wait3A_310 = tpu.memref_squeeze %dma_wait3A_309 : memref<1x1x128xi32, #tpu.memory_space<vmem>> -> memref<128xi32, #tpu.memory_space<vmem>>
      %dma_wait3A_311 = arith.constant 0 : i32
      %dma_wait3A_312 = arith.constant 0 : i32
      %dma_wait3A_313 = tpu.memref_slice %arg7[%dma_wait3A_311, %dma_wait3A_312] : memref<10112x64xf32, #tpu.memory_space<vmem_shared>> -> memref<10112x64xf32, #tpu.memory_space<vmem_shared>>
      tpu.wait_indirect_dma semaphore(%arg21 : memref<!tpu.dma_semaphore, #tpu.memory_space<semaphore_mem>>) src(%arg13 : memref<128x64xf32, #tpu.memory_space<vmem>>) dst(%dma_wait3A_313 : memref<10112x64xf32, #tpu.memory_space<vmem_shared>>)
      %add3A_314 = arith.constant 1 : i32
      %add3A_315 = arith.addi %while3A_180, %add3A_314 : i32
      %mul3A_316 = arith.constant 4 : i32
      %mul3A_317 = arith.muli %add3A_315, %mul3A_316 : i32
      %add3A_318 = arith.constant 3 : i32
      %add3A_319 = arith.addi %mul3A_317, %add3A_318 : i32
      %mul3A_320 = arith.constant 128 : i32
      %mul3A_321 = arith.muli %add3A_319, %mul3A_320 : i32
      %dma_start3A_322 = tpu.memref_slice %arg8[%mul3A_321] : memref<16384xi32, #tpu.memory_space<vmem>> -> memref<128xi32, #tpu.memory_space<vmem>>
      %dma_start3A_323 = arith.constant 0 : i32
      %dma_start3A_324 = arith.constant 0 : i32
      %dma_start3A_325 = tpu.memref_slice %arg4[%dma_start3A_323, %dma_start3A_324] : memref<10000x64xf32, #tpu.memory_space<hbm>> -> memref<10000x64xf32, #tpu.memory_space<hbm>>
      tpu.enqueue_indirect_dma source(%dma_start3A_325 : memref<10000x64xf32, #tpu.memory_space<hbm>>) target(%arg13 : memref<128x64xf32, #tpu.memory_space<vmem>>) offsets(%dma_start3A_322 : memref<128xi32, #tpu.memory_space<vmem>>) semaphore(%arg17 : memref<!tpu.dma_semaphore, #tpu.memory_space<semaphore_mem>>)
      %while3A_326 = arith.constant 0 : i32
      scf.yield %while3A_326 : i32
    }
    %while3A_74 = arith.constant 1 : i32
    %while3A_75 = scf.for %while3A_180 = %while3A_71 to %while3A_67 step %while3A_74 iter_args(%while3A_181 = %while3A_73) -> (i32)  : i32 {
      %dma_wait3A_182 = arith.constant 0 : i32
      %dma_wait3A_183 = tpu.memref_slice %arg8[%dma_wait3A_182] : memref<16384xi32, #tpu.memory_space<vmem>> -> memref<128xi32, #tpu.memory_space<vmem>>
      %dma_wait3A_184 = arith.constant 0 : i32
      %dma_wait3A_185 = arith.constant 0 : i32
      %dma_wait3A_186 = tpu.memref_slice %arg4[%dma_wait3A_184, %dma_wait3A_185] : memref<10000x64xf32, #tpu.memory_space<hbm>> -> memref<10000x64xf32, #tpu.memory_space<hbm>>
      tpu.wait_indirect_dma semaphore(%arg14 : memref<!tpu.dma_semaphore, #tpu.memory_space<semaphore_mem>>) src(%dma_wait3A_186 : memref<10000x64xf32, #tpu.memory_space<hbm>>) dst(%arg10 : memref<128x64xf32, #tpu.memory_space<vmem>>)
      %mul3A_187 = arith.constant 4 : i32
      %mul3A_188 = arith.muli %while3A_180, %mul3A_187 : i32
      %add3A_189 = arith.constant 0 : i32
      %add3A_190 = arith.addi %mul3A_188, %add3A_189 : i32
      %dma_start3A_191 = arith.constant 0 : i32
      %dma_start3A_192 = arith.constant 0 : i32
      %dma_start3A_193 = tpu.memref_slice %arg9[%add3A_190, %dma_start3A_191, %dma_start3A_192] : memref<128x1x128xi32, #tpu.memory_space<vmem>> -> memref<1x1x128xi32, #tpu.memory_space<vmem>>
      %dma_start3A_194 = tpu.memref_squeeze %dma_start3A_193 : memref<1x1x128xi32, #tpu.memory_space<vmem>> -> memref<128xi32, #tpu.memory_space<vmem>>
      %dma_start3A_195 = arith.constant 0 : i32
      %dma_start3A_196 = arith.constant 0 : i32
      %dma_start3A_197 = tpu.memref_slice %arg7[%dma_start3A_195, %dma_start3A_196] : memref<10112x64xf32, #tpu.memory_space<vmem_shared>> -> memref<10112x64xf32, #tpu.memory_space<vmem_shared>>
      tpu.enqueue_indirect_dma source(%arg10 : memref<128x64xf32, #tpu.memory_space<vmem>>) target(%dma_start3A_197 : memref<10112x64xf32, #tpu.memory_space<vmem_shared>>) offsets(%dma_start3A_194 : memref<128xi32, #tpu.memory_space<vmem>>) semaphore(%arg18 : memref<!tpu.dma_semaphore, #tpu.memory_space<semaphore_mem>>) {add = true}
      %dma_wait3A_198 = arith.constant 0 : i32
      %dma_wait3A_199 = tpu.memref_slice %arg8[%dma_wait3A_198] : memref<16384xi32, #tpu.memory_space<vmem>> -> memref<128xi32, #tpu.memory_space<vmem>>
      %dma_wait3A_200 = arith.constant 0 : i32
      %dma_wait3A_201 = arith.constant 0 : i32
      %dma_wait3A_202 = tpu.memref_slice %arg4[%dma_wait3A_200, %dma_wait3A_201] : memref<10000x64xf32, #tpu.memory_space<hbm>> -> memref<10000x64xf32, #tpu.memory_space<hbm>>
      tpu.wait_indirect_dma semaphore(%arg15 : memref<!tpu.dma_semaphore, #tpu.memory_space<semaphore_mem>>) src(%dma_wait3A_202 : memref<10000x64xf32, #tpu.memory_space<hbm>>) dst(%arg11 : memref<128x64xf32, #tpu.memory_space<vmem>>)
      %mul3A_203 = arith.constant 4 : i32
      %mul3A_204 = arith.muli %while3A_180, %mul3A_203 : i32
      %add3A_205 = arith.constant 1 : i32
      %add3A_206 = arith.addi %mul3A_204, %add3A_205 : i32
      %dma_start3A_207 = arith.constant 0 : i32
      %dma_start3A_208 = arith.constant 0 : i32
      %dma_start3A_209 = tpu.memref_slice %arg9[%add3A_206, %dma_start3A_207, %dma_start3A_208] : memref<128x1x128xi32, #tpu.memory_space<vmem>> -> memref<1x1x128xi32, #tpu.memory_space<vmem>>
      %dma_start3A_210 = tpu.memref_squeeze %dma_start3A_209 : memref<1x1x128xi32, #tpu.memory_space<vmem>> -> memref<128xi32, #tpu.memory_space<vmem>>
      %dma_start3A_211 = arith.constant 0 : i32
      %dma_start3A_212 = arith.constant 0 : i32
      %dma_start3A_213 = tpu.memref_slice %arg7[%dma_start3A_211, %dma_start3A_212] : memref<10112x64xf32, #tpu.memory_space<vmem_shared>> -> memref<10112x64xf32, #tpu.memory_space<vmem_shared>>
      tpu.enqueue_indirect_dma source(%arg11 : memref<128x64xf32, #tpu.memory_space<vmem>>) target(%dma_start3A_213 : memref<10112x64xf32, #tpu.memory_space<vmem_shared>>) offsets(%dma_start3A_210 : memref<128xi32, #tpu.memory_space<vmem>>) semaphore(%arg19 : memref<!tpu.dma_semaphore, #tpu.memory_space<semaphore_mem>>) {add = true}
      %dma_wait3A_214 = arith.constant 0 : i32
      %dma_wait3A_215 = tpu.memref_slice %arg8[%dma_wait3A_214] : memref<16384xi32, #tpu.memory_space<vmem>> -> memref<128xi32, #tpu.memory_space<vmem>>
      %dma_wait3A_216 = arith.constant 0 : i32
      %dma_wait3A_217 = arith.constant 0 : i32
      %dma_wait3A_218 = tpu.memref_slice %arg4[%dma_wait3A_216, %dma_wait3A_217] : memref<10000x64xf32, #tpu.memory_space<hbm>> -> memref<10000x64xf32, #tpu.memory_space<hbm>>
      tpu.wait_indirect_dma semaphore(%arg16 : memref<!tpu.dma_semaphore, #tpu.memory_space<semaphore_mem>>) src(%dma_wait3A_218 : memref<10000x64xf32, #tpu.memory_space<hbm>>) dst(%arg12 : memref<128x64xf32, #tpu.memory_space<vmem>>)
      %mul3A_219 = arith.constant 4 : i32
      %mul3A_220 = arith.muli %while3A_180, %mul3A_219 : i32
      %add3A_221 = arith.constant 2 : i32
      %add3A_222 = arith.addi %mul3A_220, %add3A_221 : i32
      %dma_start3A_223 = arith.constant 0 : i32
      %dma_start3A_224 = arith.constant 0 : i32
      %dma_start3A_225 = tpu.memref_slice %arg9[%add3A_222, %dma_start3A_223, %dma_start3A_224] : memref<128x1x128xi32, #tpu.memory_space<vmem>> -> memref<1x1x128xi32, #tpu.memory_space<vmem>>
      %dma_start3A_226 = tpu.memref_squeeze %dma_start3A_225 : memref<1x1x128xi32, #tpu.memory_space<vmem>> -> memref<128xi32, #tpu.memory_space<vmem>>
      %dma_start3A_227 = arith.constant 0 : i32
      %dma_start3A_228 = arith.constant 0 : i32
      %dma_start3A_229 = tpu.memref_slice %arg7[%dma_start3A_227, %dma_start3A_228] : memref<10112x64xf32, #tpu.memory_space<vmem_shared>> -> memref<10112x64xf32, #tpu.memory_space<vmem_shared>>
      tpu.enqueue_indirect_dma source(%arg12 : memref<128x64xf32, #tpu.memory_space<vmem>>) target(%dma_start3A_229 : memref<10112x64xf32, #tpu.memory_space<vmem_shared>>) offsets(%dma_start3A_226 : memref<128xi32, #tpu.memory_space<vmem>>) semaphore(%arg20 : memref<!tpu.dma_semaphore, #tpu.memory_space<semaphore_mem>>) {add = true}
      %dma_wait3A_230 = arith.constant 0 : i32
      %dma_wait3A_231 = tpu.memref_slice %arg8[%dma_wait3A_230] : memref<16384xi32, #tpu.memory_space<vmem>> -> memref<128xi32, #tpu.memory_space<vmem>>
      %dma_wait3A_232 = arith.constant 0 : i32
      %dma_wait3A_233 = arith.constant 0 : i32
      %dma_wait3A_234 = tpu.memref_slice %arg4[%dma_wait3A_232, %dma_wait3A_233] : memref<10000x64xf32, #tpu.memory_space<hbm>> -> memref<10000x64xf32, #tpu.memory_space<hbm>>
      tpu.wait_indirect_dma semaphore(%arg17 : memref<!tpu.dma_semaphore, #tpu.memory_space<semaphore_mem>>) src(%dma_wait3A_234 : memref<10000x64xf32, #tpu.memory_space<hbm>>) dst(%arg13 : memref<128x64xf32, #tpu.memory_space<vmem>>)
      %mul3A_235 = arith.constant 4 : i32
      %mul3A_236 = arith.muli %while3A_180, %mul3A_235 : i32
      %add3A_237 = arith.constant 3 : i32
      %add3A_238 = arith.addi %mul3A_236, %add3A_237 : i32
      %dma_start3A_239 = arith.constant 0 : i32
      %dma_start3A_240 = arith.constant 0 : i32
      %dma_start3A_241 = tpu.memref_slice %arg9[%add3A_238, %dma_start3A_239, %dma_start3A_240] : memref<128x1x128xi32, #tpu.memory_space<vmem>> -> memref<1x1x128xi32, #tpu.memory_space<vmem>>
      %dma_start3A_242 = tpu.memref_squeeze %dma_start3A_241 : memref<1x1x128xi32, #tpu.memory_space<vmem>> -> memref<128xi32, #tpu.memory_space<vmem>>
      %dma_start3A_243 = arith.constant 0 : i32
      %dma_start3A_244 = arith.constant 0 : i32
      %dma_start3A_245 = tpu.memref_slice %arg7[%dma_start3A_243, %dma_start3A_244] : memref<10112x64xf32, #tpu.memory_space<vmem_shared>> -> memref<10112x64xf32, #tpu.memory_space<vmem_shared>>
      tpu.enqueue_indirect_dma source(%arg13 : memref<128x64xf32, #tpu.memory_space<vmem>>) target(%dma_start3A_245 : memref<10112x64xf32, #tpu.memory_space<vmem_shared>>) offsets(%dma_start3A_242 : memref<128xi32, #tpu.memory_space<vmem>>) semaphore(%arg21 : memref<!tpu.dma_semaphore, #tpu.memory_space<semaphore_mem>>) {add = true}
      %dma_wait3A_246 = arith.constant 0 : i32
      %dma_wait3A_247 = arith.constant 0 : i32
      %dma_wait3A_248 = arith.constant 0 : i32
      %dma_wait3A_249 = tpu.memref_slice %arg9[%dma_wait3A_246, %dma_wait3A_247, %dma_wait3A_248] : memref<128x1x128xi32, #tpu.memory_space<vmem>> -> memref<1x1x128xi32, #tpu.memory_space<vmem>>
      %dma_wait3A_250 = tpu.memref_squeeze %dma_wait3A_249 : memref<1x1x128xi32, #tpu.memory_space<vmem>> -> memref<128xi32, #tpu.memory_space<vmem>>
      %dma_wait3A_251 = arith.constant 0 : i32
      %dma_wait3A_252 = arith.constant 0 : i32
      %dma_wait3A_253 = tpu.memref_slice %arg7[%dma_wait3A_251, %dma_wait3A_252] : memref<10112x64xf32, #tpu.memory_space<vmem_shared>> -> memref<10112x64xf32, #tpu.memory_space<vmem_shared>>
      tpu.wait_indirect_dma semaphore(%arg18 : memref<!tpu.dma_semaphore, #tpu.memory_space<semaphore_mem>>) src(%arg10 : memref<128x64xf32, #tpu.memory_space<vmem>>) dst(%dma_wait3A_253 : memref<10112x64xf32, #tpu.memory_space<vmem_shared>>)
      %add3A_254 = arith.constant 1 : i32
      %add3A_255 = arith.addi %while3A_180, %add3A_254 : i32
      %mul3A_256 = arith.constant 4 : i32
      %mul3A_257 = arith.muli %add3A_255, %mul3A_256 : i32
      %add3A_258 = arith.constant 0 : i32
      %add3A_259 = arith.addi %mul3A_257, %add3A_258 : i32
      %mul3A_260 = arith.constant 128 : i32
      %mul3A_261 = arith.muli %add3A_259, %mul3A_260 : i32
      %dma_start3A_262 = tpu.memref_slice %arg8[%mul3A_261] : memref<16384xi32, #tpu.memory_space<vmem>> -> memref<128xi32, #tpu.memory_space<vmem>>
      %dma_start3A_263 = arith.constant 0 : i32
      %dma_start3A_264 = arith.constant 0 : i32
      %dma_start3A_265 = tpu.memref_slice %arg4[%dma_start3A_263, %dma_start3A_264] : memref<10000x64xf32, #tpu.memory_space<hbm>> -> memref<10000x64xf32, #tpu.memory_space<hbm>>
      tpu.enqueue_indirect_dma source(%dma_start3A_265 : memref<10000x64xf32, #tpu.memory_space<hbm>>) target(%arg10 : memref<128x64xf32, #tpu.memory_space<vmem>>) offsets(%dma_start3A_262 : memref<128xi32, #tpu.memory_space<vmem>>) semaphore(%arg14 : memref<!tpu.dma_semaphore, #tpu.memory_space<semaphore_mem>>)
      %dma_wait3A_266 = arith.constant 0 : i32
      %dma_wait3A_267 = arith.constant 0 : i32
      %dma_wait3A_268 = arith.constant 0 : i32
      %dma_wait3A_269 = tpu.memref_slice %arg9[%dma_wait3A_266, %dma_wait3A_267, %dma_wait3A_268] : memref<128x1x128xi32, #tpu.memory_space<vmem>> -> memref<1x1x128xi32, #tpu.memory_space<vmem>>
      %dma_wait3A_270 = tpu.memref_squeeze %dma_wait3A_269 : memref<1x1x128xi32, #tpu.memory_space<vmem>> -> memref<128xi32, #tpu.memory_space<vmem>>
      %dma_wait3A_271 = arith.constant 0 : i32
      %dma_wait3A_272 = arith.constant 0 : i32
      %dma_wait3A_273 = tpu.memref_slice %arg7[%dma_wait3A_271, %dma_wait3A_272] : memref<10112x64xf32, #tpu.memory_space<vmem_shared>> -> memref<10112x64xf32, #tpu.memory_space<vmem_shared>>
      tpu.wait_indirect_dma semaphore(%arg19 : memref<!tpu.dma_semaphore, #tpu.memory_space<semaphore_mem>>) src(%arg11 : memref<128x64xf32, #tpu.memory_space<vmem>>) dst(%dma_wait3A_273 : memref<10112x64xf32, #tpu.memory_space<vmem_shared>>)
      %add3A_274 = arith.constant 1 : i32
      %add3A_275 = arith.addi %while3A_180, %add3A_274 : i32
      %mul3A_276 = arith.constant 4 : i32
      %mul3A_277 = arith.muli %add3A_275, %mul3A_276 : i32
      %add3A_278 = arith.constant 1 : i32
      %add3A_279 = arith.addi %mul3A_277, %add3A_278 : i32
      %mul3A_280 = arith.constant 128 : i32
      %mul3A_281 = arith.muli %add3A_279, %mul3A_280 : i32
      %dma_start3A_282 = tpu.memref_slice %arg8[%mul3A_281] : memref<16384xi32, #tpu.memory_space<vmem>> -> memref<128xi32, #tpu.memory_space<vmem>>
      %dma_start3A_283 = arith.constant 0 : i32
      %dma_start3A_284 = arith.constant 0 : i32
      %dma_start3A_285 = tpu.memref_slice %arg4[%dma_start3A_283, %dma_start3A_284] : memref<10000x64xf32, #tpu.memory_space<hbm>> -> memref<10000x64xf32, #tpu.memory_space<hbm>>
      tpu.enqueue_indirect_dma source(%dma_start3A_285 : memref<10000x64xf32, #tpu.memory_space<hbm>>) target(%arg11 : memref<128x64xf32, #tpu.memory_space<vmem>>) offsets(%dma_start3A_282 : memref<128xi32, #tpu.memory_space<vmem>>) semaphore(%arg15 : memref<!tpu.dma_semaphore, #tpu.memory_space<semaphore_mem>>)
      %dma_wait3A_286 = arith.constant 0 : i32
      %dma_wait3A_287 = arith.constant 0 : i32
      %dma_wait3A_288 = arith.constant 0 : i32
      %dma_wait3A_289 = tpu.memref_slice %arg9[%dma_wait3A_286, %dma_wait3A_287, %dma_wait3A_288] : memref<128x1x128xi32, #tpu.memory_space<vmem>> -> memref<1x1x128xi32, #tpu.memory_space<vmem>>
      %dma_wait3A_290 = tpu.memref_squeeze %dma_wait3A_289 : memref<1x1x128xi32, #tpu.memory_space<vmem>> -> memref<128xi32, #tpu.memory_space<vmem>>
      %dma_wait3A_291 = arith.constant 0 : i32
      %dma_wait3A_292 = arith.constant 0 : i32
      %dma_wait3A_293 = tpu.memref_slice %arg7[%dma_wait3A_291, %dma_wait3A_292] : memref<10112x64xf32, #tpu.memory_space<vmem_shared>> -> memref<10112x64xf32, #tpu.memory_space<vmem_shared>>
      tpu.wait_indirect_dma semaphore(%arg20 : memref<!tpu.dma_semaphore, #tpu.memory_space<semaphore_mem>>) src(%arg12 : memref<128x64xf32, #tpu.memory_space<vmem>>) dst(%dma_wait3A_293 : memref<10112x64xf32, #tpu.memory_space<vmem_shared>>)
      %add3A_294 = arith.constant 1 : i32
      %add3A_295 = arith.addi %while3A_180, %add3A_294 : i32
      %mul3A_296 = arith.constant 4 : i32
      %mul3A_297 = arith.muli %add3A_295, %mul3A_296 : i32
      %add3A_298 = arith.constant 2 : i32
      %add3A_299 = arith.addi %mul3A_297, %add3A_298 : i32
      %mul3A_300 = arith.constant 128 : i32
      %mul3A_301 = arith.muli %add3A_299, %mul3A_300 : i32
      %dma_start3A_302 = tpu.memref_slice %arg8[%mul3A_301] : memref<16384xi32, #tpu.memory_space<vmem>> -> memref<128xi32, #tpu.memory_space<vmem>>
      %dma_start3A_303 = arith.constant 0 : i32
      %dma_start3A_304 = arith.constant 0 : i32
      %dma_start3A_305 = tpu.memref_slice %arg4[%dma_start3A_303, %dma_start3A_304] : memref<10000x64xf32, #tpu.memory_space<hbm>> -> memref<10000x64xf32, #tpu.memory_space<hbm>>
      tpu.enqueue_indirect_dma source(%dma_start3A_305 : memref<10000x64xf32, #tpu.memory_space<hbm>>) target(%arg12 : memref<128x64xf32, #tpu.memory_space<vmem>>) offsets(%dma_start3A_302 : memref<128xi32, #tpu.memory_space<vmem>>) semaphore(%arg16 : memref<!tpu.dma_semaphore, #tpu.memory_space<semaphore_mem>>)
      %dma_wait3A_306 = arith.constant 0 : i32
      %dma_wait3A_307 = arith.constant 0 : i32
      %dma_wait3A_308 = arith.constant 0 : i32
      %dma_wait3A_309 = tpu.memref_slice %arg9[%dma_wait3A_306, %dma_wait3A_307, %dma_wait3A_308] : memref<128x1x128xi32, #tpu.memory_space<vmem>> -> memref<1x1x128xi32, #tpu.memory_space<vmem>>
      %dma_wait3A_310 = tpu.memref_squeeze %dma_wait3A_309 : memref<1x1x128xi32, #tpu.memory_space<vmem>> -> memref<128xi32, #tpu.memory_space<vmem>>
      %dma_wait3A_311 = arith.constant 0 : i32
      %dma_wait3A_312 = arith.constant 0 : i32
      %dma_wait3A_313 = tpu.memref_slice %arg7[%dma_wait3A_311, %dma_wait3A_312] : memref<10112x64xf32, #tpu.memory_space<vmem_shared>> -> memref<10112x64xf32, #tpu.memory_space<vmem_shared>>
      tpu.wait_indirect_dma semaphore(%arg21 : memref<!tpu.dma_semaphore, #tpu.memory_space<semaphore_mem>>) src(%arg13 : memref<128x64xf32, #tpu.memory_space<vmem>>) dst(%dma_wait3A_313 : memref<10112x64xf32, #tpu.memory_space<vmem_shared>>)
      %add3A_314 = arith.constant 1 : i32
      %add3A_315 = arith.addi %while3A_180, %add3A_314 : i32
      %mul3A_316 = arith.constant 4 : i32
      %mul3A_317 = arith.muli %add3A_315, %mul3A_316 : i32
      %add3A_318 = arith.constant 3 : i32
      %add3A_319 = arith.addi %mul3A_317, %add3A_318 : i32
      %mul3A_320 = arith.constant 128 : i32
      %mul3A_321 = arith.muli %add3A_319, %mul3A_320 : i32
      %dma_start3A_322 = tpu.memref_slice %arg8[%mul3A_321] : memref<16384xi32, #tpu.memory_space<vmem>> -> memref<128xi32, #tpu.memory_space<vmem>>
      %dma_start3A_323 = arith.constant 0 : i32
      %dma_start3A_324 = arith.constant 0 : i32
      %dma_start3A_325 = tpu.memref_slice %arg4[%dma_start3A_323, %dma_start3A_324] : memref<10000x64xf32, #tpu.memory_space<hbm>> -> memref<10000x64xf32, #tpu.memory_space<hbm>>
      tpu.enqueue_indirect_dma source(%dma_start3A_325 : memref<10000x64xf32, #tpu.memory_space<hbm>>) target(%arg13 : memref<128x64xf32, #tpu.memory_space<vmem>>) offsets(%dma_start3A_322 : memref<128xi32, #tpu.memory_space<vmem>>) semaphore(%arg17 : memref<!tpu.dma_semaphore, #tpu.memory_space<semaphore_mem>>)
      %while3A_326 = arith.constant 0 : i32
      scf.yield %while3A_326 : i32
    }
    %dma_wait3A = arith.constant 0 : i32
    %dma_wait3A_76 = tpu.memref_slice %arg8[%dma_wait3A] : memref<16384xi32, #tpu.memory_space<vmem>> -> memref<128xi32, #tpu.memory_space<vmem>>
    %dma_wait3A_77 = arith.constant 0 : i32
    %dma_wait3A_78 = arith.constant 0 : i32
    %dma_wait3A_79 = tpu.memref_slice %arg4[%dma_wait3A_77, %dma_wait3A_78] : memref<10000x64xf32, #tpu.memory_space<hbm>> -> memref<10000x64xf32, #tpu.memory_space<hbm>>
    tpu.wait_indirect_dma semaphore(%arg14 : memref<!tpu.dma_semaphore, #tpu.memory_space<semaphore_mem>>) src(%dma_wait3A_79 : memref<10000x64xf32, #tpu.memory_space<hbm>>) dst(%arg10 : memref<128x64xf32, #tpu.memory_space<vmem>>)
    %sub3A_80 = arith.constant 1 : i32
    %sub3A_81 = arith.subi %select_n3A_43, %sub3A_80 : i32
    %mul3A_82 = arith.constant 4 : i32
    %mul3A_83 = arith.muli %sub3A_81, %mul3A_82 : i32
    %add3A_84 = arith.constant 0 : i32
    %add3A_85 = arith.addi %mul3A_83, %add3A_84 : i32
    %dma_start3A_86 = arith.constant 0 : i32
    %dma_start3A_87 = arith.constant 0 : i32
    %dma_start3A_88 = tpu.memref_slice %arg9[%add3A_85, %dma_start3A_86, %dma_start3A_87] : memref<128x1x128xi32, #tpu.memory_space<vmem>> -> memref<1x1x128xi32, #tpu.memory_space<vmem>>
    %dma_start3A_89 = tpu.memref_squeeze %dma_start3A_88 : memref<1x1x128xi32, #tpu.memory_space<vmem>> -> memref<128xi32, #tpu.memory_space<vmem>>
    %dma_start3A_90 = arith.constant 0 : i32
    %dma_start3A_91 = arith.constant 0 : i32
    %dma_start3A_92 = tpu.memref_slice %arg7[%dma_start3A_90, %dma_start3A_91] : memref<10112x64xf32, #tpu.memory_space<vmem_shared>> -> memref<10112x64xf32, #tpu.memory_space<vmem_shared>>
    tpu.enqueue_indirect_dma source(%arg10 : memref<128x64xf32, #tpu.memory_space<vmem>>) target(%dma_start3A_92 : memref<10112x64xf32, #tpu.memory_space<vmem_shared>>) offsets(%dma_start3A_89 : memref<128xi32, #tpu.memory_space<vmem>>) semaphore(%arg18 : memref<!tpu.dma_semaphore, #tpu.memory_space<semaphore_mem>>) {add = true}
    %dma_wait3A_93 = arith.constant 0 : i32
    %dma_wait3A_94 = tpu.memref_slice %arg8[%dma_wait3A_93] : memref<16384xi32, #tpu.memory_space<vmem>> -> memref<128xi32, #tpu.memory_space<vmem>>
    %dma_wait3A_95 = arith.constant 0 : i32
    %dma_wait3A_96 = arith.constant 0 : i32
    %dma_wait3A_97 = tpu.memref_slice %arg4[%dma_wait3A_95, %dma_wait3A_96] : memref<10000x64xf32, #tpu.memory_space<hbm>> -> memref<10000x64xf32, #tpu.memory_space<hbm>>
    tpu.wait_indirect_dma semaphore(%arg15 : memref<!tpu.dma_semaphore, #tpu.memory_space<semaphore_mem>>) src(%dma_wait3A_97 : memref<10000x64xf32, #tpu.memory_space<hbm>>) dst(%arg11 : memref<128x64xf32, #tpu.memory_space<vmem>>)
    %sub3A_98 = arith.constant 1 : i32
    %sub3A_99 = arith.subi %select_n3A_43, %sub3A_98 : i32
    %mul3A_100 = arith.constant 4 : i32
    %mul3A_101 = arith.muli %sub3A_99, %mul3A_100 : i32
    %add3A_102 = arith.constant 1 : i32
    %add3A_103 = arith.addi %mul3A_101, %add3A_102 : i32
    %dma_start3A_104 = arith.constant 0 : i32
    %dma_start3A_105 = arith.constant 0 : i32
    %dma_start3A_106 = tpu.memref_slice %arg9[%add3A_103, %dma_start3A_104, %dma_start3A_105] : memref<128x1x128xi32, #tpu.memory_space<vmem>> -> memref<1x1x128xi32, #tpu.memory_space<vmem>>
    %dma_start3A_107 = tpu.memref_squeeze %dma_start3A_106 : memref<1x1x128xi32, #tpu.memory_space<vmem>> -> memref<128xi32, #tpu.memory_space<vmem>>
    %dma_start3A_108 = arith.constant 0 : i32
    %dma_start3A_109 = arith.constant 0 : i32
    %dma_start3A_110 = tpu.memref_slice %arg7[%dma_start3A_108, %dma_start3A_109] : memref<10112x64xf32, #tpu.memory_space<vmem_shared>> -> memref<10112x64xf32, #tpu.memory_space<vmem_shared>>
    tpu.enqueue_indirect_dma source(%arg11 : memref<128x64xf32, #tpu.memory_space<vmem>>) target(%dma_start3A_110 : memref<10112x64xf32, #tpu.memory_space<vmem_shared>>) offsets(%dma_start3A_107 : memref<128xi32, #tpu.memory_space<vmem>>) semaphore(%arg19 : memref<!tpu.dma_semaphore, #tpu.memory_space<semaphore_mem>>) {add = true}
    %dma_wait3A_111 = arith.constant 0 : i32
    %dma_wait3A_112 = tpu.memref_slice %arg8[%dma_wait3A_111] : memref<16384xi32, #tpu.memory_space<vmem>> -> memref<128xi32, #tpu.memory_space<vmem>>
    %dma_wait3A_113 = arith.constant 0 : i32
    %dma_wait3A_114 = arith.constant 0 : i32
    %dma_wait3A_115 = tpu.memref_slice %arg4[%dma_wait3A_113, %dma_wait3A_114] : memref<10000x64xf32, #tpu.memory_space<hbm>> -> memref<10000x64xf32, #tpu.memory_space<hbm>>
    tpu.wait_indirect_dma semaphore(%arg16 : memref<!tpu.dma_semaphore, #tpu.memory_space<semaphore_mem>>) src(%dma_wait3A_115 : memref<10000x64xf32, #tpu.memory_space<hbm>>) dst(%arg12 : memref<128x64xf32, #tpu.memory_space<vmem>>)
    %sub3A_116 = arith.constant 1 : i32
    %sub3A_117 = arith.subi %select_n3A_43, %sub3A_116 : i32
    %mul3A_118 = arith.constant 4 : i32
    %mul3A_119 = arith.muli %sub3A_117, %mul3A_118 : i32
    %add3A_120 = arith.constant 2 : i32
    %add3A_121 = arith.addi %mul3A_119, %add3A_120 : i32
    %dma_start3A_122 = arith.constant 0 : i32
    %dma_start3A_123 = arith.constant 0 : i32
    %dma_start3A_124 = tpu.memref_slice %arg9[%add3A_121, %dma_start3A_122, %dma_start3A_123] : memref<128x1x128xi32, #tpu.memory_space<vmem>> -> memref<1x1x128xi32, #tpu.memory_space<vmem>>
    %dma_start3A_125 = tpu.memref_squeeze %dma_start3A_124 : memref<1x1x128xi32, #tpu.memory_space<vmem>> -> memref<128xi32, #tpu.memory_space<vmem>>
    %dma_start3A_126 = arith.constant 0 : i32
    %dma_start3A_127 = arith.constant 0 : i32
    %dma_start3A_128 = tpu.memref_slice %arg7[%dma_start3A_126, %dma_start3A_127] : memref<10112x64xf32, #tpu.memory_space<vmem_shared>> -> memref<10112x64xf32, #tpu.memory_space<vmem_shared>>
    tpu.enqueue_indirect_dma source(%arg12 : memref<128x64xf32, #tpu.memory_space<vmem>>) target(%dma_start3A_128 : memref<10112x64xf32, #tpu.memory_space<vmem_shared>>) offsets(%dma_start3A_125 : memref<128xi32, #tpu.memory_space<vmem>>) semaphore(%arg20 : memref<!tpu.dma_semaphore, #tpu.memory_space<semaphore_mem>>) {add = true}
    %dma_wait3A_129 = arith.constant 0 : i32
    %dma_wait3A_130 = tpu.memref_slice %arg8[%dma_wait3A_129] : memref<16384xi32, #tpu.memory_space<vmem>> -> memref<128xi32, #tpu.memory_space<vmem>>
    %dma_wait3A_131 = arith.constant 0 : i32
    %dma_wait3A_132 = arith.constant 0 : i32
    %dma_wait3A_133 = tpu.memref_slice %arg4[%dma_wait3A_131, %dma_wait3A_132] : memref<10000x64xf32, #tpu.memory_space<hbm>> -> memref<10000x64xf32, #tpu.memory_space<hbm>>
    tpu.wait_indirect_dma semaphore(%arg17 : memref<!tpu.dma_semaphore, #tpu.memory_space<semaphore_mem>>) src(%dma_wait3A_133 : memref<10000x64xf32, #tpu.memory_space<hbm>>) dst(%arg13 : memref<128x64xf32, #tpu.memory_space<vmem>>)
    %sub3A_134 = arith.constant 1 : i32
    %sub3A_135 = arith.subi %select_n3A_43, %sub3A_134 : i32
    %mul3A_136 = arith.constant 4 : i32
    %mul3A_137 = arith.muli %sub3A_135, %mul3A_136 : i32
    %add3A_138 = arith.constant 3 : i32
    %add3A_139 = arith.addi %mul3A_137, %add3A_138 : i32
    %dma_start3A_140 = arith.constant 0 : i32
    %dma_start3A_141 = arith.constant 0 : i32
    %dma_start3A_142 = tpu.memref_slice %arg9[%add3A_139, %dma_start3A_140, %dma_start3A_141] : memref<128x1x128xi32, #tpu.memory_space<vmem>> -> memref<1x1x128xi32, #tpu.memory_space<vmem>>
    %dma_start3A_143 = tpu.memref_squeeze %dma_start3A_142 : memref<1x1x128xi32, #tpu.memory_space<vmem>> -> memref<128xi32, #tpu.memory_space<vmem>>
    %dma_start3A_144 = arith.constant 0 : i32
    %dma_start3A_145 = arith.constant 0 : i32
    %dma_start3A_146 = tpu.memref_slice %arg7[%dma_start3A_144, %dma_start3A_145] : memref<10112x64xf32, #tpu.memory_space<vmem_shared>> -> memref<10112x64xf32, #tpu.memory_space<vmem_shared>>
    tpu.enqueue_indirect_dma source(%arg13 : memref<128x64xf32, #tpu.memory_space<vmem>>) target(%dma_start3A_146 : memref<10112x64xf32, #tpu.memory_space<vmem_shared>>) offsets(%dma_start3A_143 : memref<128xi32, #tpu.memory_space<vmem>>) semaphore(%arg21 : memref<!tpu.dma_semaphore, #tpu.memory_space<semaphore_mem>>) {add = true}
    %dma_wait3A_147 = arith.constant 0 : i32
    %dma_wait3A_148 = arith.constant 0 : i32
    %dma_wait3A_149 = arith.constant 0 : i32
    %dma_wait3A_150 = tpu.memref_slice %arg9[%dma_wait3A_147, %dma_wait3A_148, %dma_wait3A_149] : memref<128x1x128xi32, #tpu.memory_space<vmem>> -> memref<1x1x128xi32, #tpu.memory_space<vmem>>
    %dma_wait3A_151 = tpu.memref_squeeze %dma_wait3A_150 : memref<1x1x128xi32, #tpu.memory_space<vmem>> -> memref<128xi32, #tpu.memory_space<vmem>>
    %dma_wait3A_152 = arith.constant 0 : i32
    %dma_wait3A_153 = arith.constant 0 : i32
    %dma_wait3A_154 = tpu.memref_slice %arg7[%dma_wait3A_152, %dma_wait3A_153] : memref<10112x64xf32, #tpu.memory_space<vmem_shared>> -> memref<10112x64xf32, #tpu.memory_space<vmem_shared>>
    tpu.wait_indirect_dma semaphore(%arg18 : memref<!tpu.dma_semaphore, #tpu.memory_space<semaphore_mem>>) src(%arg10 : memref<128x64xf32, #tpu.memory_space<vmem>>) dst(%dma_wait3A_154 : memref<10112x64xf32, #tpu.memory_space<vmem_shared>>)
    %dma_wait3A_155 = arith.constant 0 : i32
    %dma_wait3A_156 = arith.constant 0 : i32
    %dma_wait3A_157 = arith.constant 0 : i32
    %dma_wait3A_158 = tpu.memref_slice %arg9[%dma_wait3A_155, %dma_wait3A_156, %dma_wait3A_157] : memref<128x1x128xi32, #tpu.memory_space<vmem>> -> memref<1x1x128xi32, #tpu.memory_space<vmem>>
    %dma_wait3A_159 = tpu.memref_squeeze %dma_wait3A_158 : memref<1x1x128xi32, #tpu.memory_space<vmem>> -> memref<128xi32, #tpu.memory_space<vmem>>
    %dma_wait3A_160 = arith.constant 0 : i32
    %dma_wait3A_161 = arith.constant 0 : i32
    %dma_wait3A_162 = tpu.memref_slice %arg7[%dma_wait3A_160, %dma_wait3A_161] : memref<10112x64xf32, #tpu.memory_space<vmem_shared>> -> memref<10112x64xf32, #tpu.memory_space<vmem_shared>>
    tpu.wait_indirect_dma semaphore(%arg19 : memref<!tpu.dma_semaphore, #tpu.memory_space<semaphore_mem>>) src(%arg11 : memref<128x64xf32, #tpu.memory_space<vmem>>) dst(%dma_wait3A_162 : memref<10112x64xf32, #tpu.memory_space<vmem_shared>>)
    %dma_wait3A_163 = arith.constant 0 : i32
    %dma_wait3A_164 = arith.constant 0 : i32
    %dma_wait3A_165 = arith.constant 0 : i32
    %dma_wait3A_166 = tpu.memref_slice %arg9[%dma_wait3A_163, %dma_wait3A_164, %dma_wait3A_165] : memref<128x1x128xi32, #tpu.memory_space<vmem>> -> memref<1x1x128xi32, #tpu.memory_space<vmem>>
    %dma_wait3A_167 = tpu.memref_squeeze %dma_wait3A_166 : memref<1x1x128xi32, #tpu.memory_space<vmem>> -> memref<128xi32, #tpu.memory_space<vmem>>
    %dma_wait3A_168 = arith.constant 0 : i32
    %dma_wait3A_169 = arith.constant 0 : i32
    %dma_wait3A_170 = tpu.memref_slice %arg7[%dma_wait3A_168, %dma_wait3A_169] : memref<10112x64xf32, #tpu.memory_space<vmem_shared>> -> memref<10112x64xf32, #tpu.memory_space<vmem_shared>>
    tpu.wait_indirect_dma semaphore(%arg20 : memref<!tpu.dma_semaphore, #tpu.memory_space<semaphore_mem>>) src(%arg12 : memref<128x64xf32, #tpu.memory_space<vmem>>) dst(%dma_wait3A_170 : memref<10112x64xf32, #tpu.memory_space<vmem_shared>>)
    %dma_wait3A_171 = arith.constant 0 : i32
    %dma_wait3A_172 = arith.constant 0 : i32
    %dma_wait3A_173 = arith.constant 0 : i32
    %dma_wait3A_174 = tpu.memref_slice %arg9[%dma_wait3A_171, %dma_wait3A_172, %dma_wait3A_173] : memref<128x1x128xi32, #tpu.memory_space<vmem>> -> memref<1x1x128xi32, #tpu.memory_space<vmem>>
    %dma_wait3A_175 = tpu.memref_squeeze %dma_wait3A_174 : memref<1x1x128xi32, #tpu.memory_space<vmem>> -> memref<128xi32, #tpu.memory_space<vmem>>
    %dma_wait3A_176 = arith.constant 0 : i32
    %dma_wait3A_177 = arith.constant 0 : i32
    %dma_wait3A_178 = tpu.memref_slice %arg7[%dma_wait3A_176, %dma_wait3A_177] : memref<10112x64xf32, #tpu.memory_space<vmem_shared>> -> memref<10112x64xf32, #tpu.memory_space<vmem_shared>>
    tpu.wait_indirect_dma semaphore(%arg21 : memref<!tpu.dma_semaphore, #tpu.memory_space<semaphore_mem>>) src(%arg13 : memref<128x64xf32, #tpu.memory_space<vmem>>) dst(%dma_wait3A_178 : memref<10112x64xf32, #tpu.memory_space<vmem_shared>>)
    %barrier3A_179 = arith.constant 0 : index
    tpu.barrier barrier_id(%barrier3A_179)
    "tpu.region"() ({
      %run_scoped3A = tpu.sem_alloc : memref<!tpu.dma_semaphore, #tpu.memory_space<semaphore_mem>>
      %dma_start3A_180 = arith.constant 0 : i32
      %dma_start3A_181 = tpu.memref_slice %arg6[%arg0, %mul3A_0, %dma_start3A_180] : memref<2x10112x64xf32, #tpu.memory_space<hbm>> -> memref<1x632x64xf32, #tpu.memory_space<hbm>>
      %dma_start3A_182 = tpu.memref_squeeze %dma_start3A_181 : memref<1x632x64xf32, #tpu.memory_space<hbm>> -> memref<632x64xf32, #tpu.memory_space<hbm>>
      %dma_start3A_183 = arith.constant 0 : i32
      %dma_start3A_184 = tpu.memref_slice %arg7[%mul3A_0, %dma_start3A_183] : memref<10112x64xf32, #tpu.memory_space<vmem_shared>> -> memref<632x64xf32, #tpu.memory_space<vmem_shared>>
      tpu.enqueue_dma source(%dma_start3A_184 : memref<632x64xf32, #tpu.memory_space<vmem_shared>>) target(%dma_start3A_182 : memref<632x64xf32, #tpu.memory_space<hbm>>) target_semaphore(%run_scoped3A : memref<!tpu.dma_semaphore, #tpu.memory_space<semaphore_mem>>)
      %dma_wait3A_185 = arith.constant 0 : i32
      %dma_wait3A_186 = tpu.memref_slice %arg6[%arg0, %mul3A_0, %dma_wait3A_185] : memref<2x10112x64xf32, #tpu.memory_space<hbm>> -> memref<1x632x64xf32, #tpu.memory_space<hbm>>
      %dma_wait3A_187 = tpu.memref_squeeze %dma_wait3A_186 : memref<1x632x64xf32, #tpu.memory_space<hbm>> -> memref<632x64xf32, #tpu.memory_space<hbm>>
      %dma_wait3A_188 = arith.constant 0 : i32
      %dma_wait3A_189 = tpu.memref_slice %arg7[%mul3A_0, %dma_wait3A_188] : memref<10112x64xf32, #tpu.memory_space<vmem_shared>> -> memref<632x64xf32, #tpu.memory_space<vmem_shared>>
      tpu.wait_dma2 semaphore(%run_scoped3A : memref<!tpu.dma_semaphore, #tpu.memory_space<semaphore_mem>>) src(%dma_wait3A_189 : memref<632x64xf32, #tpu.memory_space<vmem_shared>>) dst(%dma_wait3A_187 : memref<632x64xf32, #tpu.memory_space<hbm>>)
      tpu.yield
    }) : () -> ()
    return
  }
}

#map = affine_map<(d0, d1) -> (0)>
#map1 = affine_map<(d0, d1) -> (0, 0, 0)>
#map2 = affine_map<(d0, d1) -> (0, 0)>
module attributes {stable_mosaic.version = 14 : i64} {
  func.func @spmm(%arg0: i32, %arg1: i32, %arg2: memref<327680xi32, #tpu.memory_space<hbm>>, %arg3: memref<2560x1x128xi32, #tpu.memory_space<hbm>>, %arg4: memref<10112x64xf32, #tpu.memory_space<hbm>>, %arg5: memref<10112x64xf32, #tpu.memory_space<hbm>>, %arg6: memref<2x10112x64xf32, #tpu.memory_space<hbm>>, %arg7: memref<10112x64xf32, #tpu.memory_space<vmem_shared>>, %arg8: memref<16384xi32, #tpu.memory_space<vmem>>, %arg9: memref<128x1x128xi32, #tpu.memory_space<vmem>>, %arg10: memref<128x64xf32, #tpu.memory_space<vmem>>, %arg11: memref<128x64xf32, #tpu.memory_space<vmem>>, %arg12: memref<128x64xf32, #tpu.memory_space<vmem>>, %arg13: memref<128x64xf32, #tpu.memory_space<vmem>>, %arg14: memref<!tpu.dma_semaphore, #tpu.memory_space<semaphore_mem>>, %arg15: memref<!tpu.dma_semaphore, #tpu.memory_space<semaphore_mem>>, %arg16: memref<!tpu.dma_semaphore, #tpu.memory_space<semaphore_mem>>, %arg17: memref<!tpu.dma_semaphore, #tpu.memory_space<semaphore_mem>>, %arg18: memref<!tpu.dma_semaphore, #tpu.memory_space<semaphore_mem>>, %arg19: memref<!tpu.dma_semaphore, #tpu.memory_space<semaphore_mem>>, %arg20: memref<!tpu.dma_semaphore, #tpu.memory_space<semaphore_mem>>, %arg21: memref<!tpu.dma_semaphore, #tpu.memory_space<semaphore_mem>>, %arg22: memref<!tpu.dma_semaphore, #tpu.memory_space<semaphore_mem>>) attributes {dimension_semantics = [#tpu.dimension_semantics<core_parallel>, #tpu.dimension_semantics<subcore_parallel>], iteration_bounds = array<i64: 2, 16>, scalar_prefetch = 0 : i64, scratch_operands = 16 : i64, tpu.core_type = #tpu.core_type<sc_vector_subcore>, window_params = [{transform_indices = #map}, {transform_indices = #map1}, {transform_indices = #map2}, {transform_indices = #map2}, {transform_indices = #map1}]} {
    %mul3A = arith.constant 632 : i32
    %mul3A_0 = arith.muli %arg1, %mul3A : i32
    %mul3A_1 = arith.constant 128 : i32
    %mul3A_2 = arith.muli %arg1, %mul3A_1 : i32
    %mul3A_3 = arith.constant 32 : i32
    %mul3A_4 = arith.muli %arg1, %mul3A_3 : i32
    %add3A = arith.constant 2048 : i32
    %add3A_5 = arith.addi %add3A, %mul3A_4 : i32
    %eq3A = arith.constant 0 : i32
    %eq3A_6 = arith.cmpi eq, %arg0, %eq3A : i32
    %convert_element_type3A = arith.extui %eq3A_6 : i1 to i32
    %cond3A = arith.constant 0 : i32
    %cond3A_7 = arith.cmpi ne, %convert_element_type3A, %cond3A : i32
    scf.if %cond3A_7 {
      %mul3A_180 = arith.constant 128 : i32
      %mul3A_181 = arith.muli %mul3A_2, %mul3A_180 : i32
      %dma_start3A_182 = tpu.memref_slice %arg2[%mul3A_181] : memref<327680xi32, #tpu.memory_space<hbm>> -> memref<16384xi32, #tpu.memory_space<hbm>>
      %dma_start3A_183 = tpu.memref_slice %arg2[%mul3A_181] : memref<327680xi32, #tpu.memory_space<hbm>> -> memref<16384xi32, #tpu.memory_space<hbm>>
      tpu.enqueue_dma source(%dma_start3A_183 : memref<16384xi32, #tpu.memory_space<hbm>>) target(%arg8 : memref<16384xi32, #tpu.memory_space<vmem>>) target_semaphore(%arg22 : memref<!tpu.dma_semaphore, #tpu.memory_space<semaphore_mem>>)
      %dma_start3A_184 = arith.constant 0 : i32
      %dma_start3A_185 = arith.constant 0 : i32
      %dma_start3A_186 = tpu.memref_slice %arg3[%mul3A_2, %dma_start3A_184, %dma_start3A_185] : memref<2560x1x128xi32, #tpu.memory_space<hbm>> -> memref<128x1x128xi32, #tpu.memory_space<hbm>>
      %dma_start3A_187 = arith.constant 0 : i32
      %dma_start3A_188 = arith.constant 0 : i32
      %dma_start3A_189 = tpu.memref_slice %arg3[%mul3A_2, %dma_start3A_187, %dma_start3A_188] : memref<2560x1x128xi32, #tpu.memory_space<hbm>> -> memref<128x1x128xi32, #tpu.memory_space<hbm>>
      tpu.enqueue_dma source(%dma_start3A_189 : memref<128x1x128xi32, #tpu.memory_space<hbm>>) target(%arg9 : memref<128x1x128xi32, #tpu.memory_space<vmem>>) target_semaphore(%arg22 : memref<!tpu.dma_semaphore, #tpu.memory_space<semaphore_mem>>)
    } else {
    }
    %eq3A_8 = arith.constant 1 : i32
    %eq3A_9 = arith.cmpi eq, %arg0, %eq3A_8 : i32
    %convert_element_type3A_10 = arith.extui %eq3A_9 : i1 to i32
    %cond3A_11 = arith.constant 0 : i32
    %cond3A_12 = arith.cmpi ne, %convert_element_type3A_10, %cond3A_11 : i32
    scf.if %cond3A_12 {
      %mul3A_180 = arith.constant 128 : i32
      %mul3A_181 = arith.muli %add3A_5, %mul3A_180 : i32
      %dma_start3A_182 = arith.constant 0 : i32
      %dma_start3A_183 = tpu.memref_slice %arg8[%dma_start3A_182] : memref<16384xi32, #tpu.memory_space<vmem>> -> memref<4096xi32, #tpu.memory_space<vmem>>
      %dma_start3A_184 = tpu.memref_slice %arg2[%mul3A_181] : memref<327680xi32, #tpu.memory_space<hbm>> -> memref<4096xi32, #tpu.memory_space<hbm>>
      %dma_start3A_185 = arith.constant 0 : i32
      %dma_start3A_186 = tpu.memref_slice %arg8[%dma_start3A_185] : memref<16384xi32, #tpu.memory_space<vmem>> -> memref<4096xi32, #tpu.memory_space<vmem>>
      %dma_start3A_187 = tpu.memref_slice %arg2[%mul3A_181] : memref<327680xi32, #tpu.memory_space<hbm>> -> memref<4096xi32, #tpu.memory_space<hbm>>
      tpu.enqueue_dma source(%dma_start3A_187 : memref<4096xi32, #tpu.memory_space<hbm>>) target(%dma_start3A_186 : memref<4096xi32, #tpu.memory_space<vmem>>) target_semaphore(%arg22 : memref<!tpu.dma_semaphore, #tpu.memory_space<semaphore_mem>>)
      %dma_start3A_188 = arith.constant 0 : i32
      %dma_start3A_189 = arith.constant 0 : i32
      %dma_start3A_190 = arith.constant 0 : i32
      %dma_start3A_191 = tpu.memref_slice %arg9[%dma_start3A_188, %dma_start3A_189, %dma_start3A_190] : memref<128x1x128xi32, #tpu.memory_space<vmem>> -> memref<32x1x128xi32, #tpu.memory_space<vmem>>
      %dma_start3A_192 = arith.constant 0 : i32
      %dma_start3A_193 = arith.constant 0 : i32
      %dma_start3A_194 = tpu.memref_slice %arg3[%add3A_5, %dma_start3A_192, %dma_start3A_193] : memref<2560x1x128xi32, #tpu.memory_space<hbm>> -> memref<32x1x128xi32, #tpu.memory_space<hbm>>
      %dma_start3A_195 = arith.constant 0 : i32
      %dma_start3A_196 = arith.constant 0 : i32
      %dma_start3A_197 = arith.constant 0 : i32
      %dma_start3A_198 = tpu.memref_slice %arg9[%dma_start3A_195, %dma_start3A_196, %dma_start3A_197] : memref<128x1x128xi32, #tpu.memory_space<vmem>> -> memref<32x1x128xi32, #tpu.memory_space<vmem>>
      %dma_start3A_199 = arith.constant 0 : i32
      %dma_start3A_200 = arith.constant 0 : i32
      %dma_start3A_201 = tpu.memref_slice %arg3[%add3A_5, %dma_start3A_199, %dma_start3A_200] : memref<2560x1x128xi32, #tpu.memory_space<hbm>> -> memref<32x1x128xi32, #tpu.memory_space<hbm>>
      tpu.enqueue_dma source(%dma_start3A_201 : memref<32x1x128xi32, #tpu.memory_space<hbm>>) target(%dma_start3A_198 : memref<32x1x128xi32, #tpu.memory_space<vmem>>) target_semaphore(%arg22 : memref<!tpu.dma_semaphore, #tpu.memory_space<semaphore_mem>>)
    } else {
    }
    "tpu.region"() ({
      %run_scoped3A = tpu.sem_alloc : memref<!tpu.dma_semaphore, #tpu.memory_space<semaphore_mem>>
      %dma_start3A_180 = arith.constant 0 : i32
      %dma_start3A_181 = tpu.memref_slice %arg7[%mul3A_0, %dma_start3A_180] : memref<10112x64xf32, #tpu.memory_space<vmem_shared>> -> memref<632x64xf32, #tpu.memory_space<vmem_shared>>
      %dma_start3A_182 = arith.constant 0 : i32
      %dma_start3A_183 = tpu.memref_slice %arg5[%mul3A_0, %dma_start3A_182] : memref<10112x64xf32, #tpu.memory_space<hbm>> -> memref<632x64xf32, #tpu.memory_space<hbm>>
      tpu.enqueue_dma source(%dma_start3A_183 : memref<632x64xf32, #tpu.memory_space<hbm>>) target(%dma_start3A_181 : memref<632x64xf32, #tpu.memory_space<vmem_shared>>) target_semaphore(%run_scoped3A : memref<!tpu.dma_semaphore, #tpu.memory_space<semaphore_mem>>)
      %dma_wait3A_184 = arith.constant 0 : i32
      %dma_wait3A_185 = tpu.memref_slice %arg7[%mul3A_0, %dma_wait3A_184] : memref<10112x64xf32, #tpu.memory_space<vmem_shared>> -> memref<632x64xf32, #tpu.memory_space<vmem_shared>>
      %dma_wait3A_186 = arith.constant 0 : i32
      %dma_wait3A_187 = tpu.memref_slice %arg5[%mul3A_0, %dma_wait3A_186] : memref<10112x64xf32, #tpu.memory_space<hbm>> -> memref<632x64xf32, #tpu.memory_space<hbm>>
      tpu.wait_dma2 semaphore(%run_scoped3A : memref<!tpu.dma_semaphore, #tpu.memory_space<semaphore_mem>>) src(%dma_wait3A_187 : memref<632x64xf32, #tpu.memory_space<hbm>>) dst(%dma_wait3A_185 : memref<632x64xf32, #tpu.memory_space<vmem_shared>>)
      tpu.yield
    }) : () -> ()
    %eq3A_13 = arith.constant 0 : i32
    %eq3A_14 = arith.cmpi eq, %arg0, %eq3A_13 : i32
    %convert_element_type3A_15 = arith.extui %eq3A_14 : i1 to i32
    %cond3A_16 = arith.constant 0 : i32
    %cond3A_17 = arith.cmpi ne, %convert_element_type3A_15, %cond3A_16 : i32
    scf.if %cond3A_17 {
      %mul3A_180 = arith.constant 128 : i32
      %mul3A_181 = arith.muli %mul3A_2, %mul3A_180 : i32
      %dma_wait3A_182 = tpu.memref_slice %arg2[%mul3A_181] : memref<327680xi32, #tpu.memory_space<hbm>> -> memref<16384xi32, #tpu.memory_space<hbm>>
      %dma_wait3A_183 = tpu.memref_slice %arg2[%mul3A_181] : memref<327680xi32, #tpu.memory_space<hbm>> -> memref<16384xi32, #tpu.memory_space<hbm>>
      tpu.wait_dma2 semaphore(%arg22 : memref<!tpu.dma_semaphore, #tpu.memory_space<semaphore_mem>>) src(%dma_wait3A_183 : memref<16384xi32, #tpu.memory_space<hbm>>) dst(%arg8 : memref<16384xi32, #tpu.memory_space<vmem>>)
      %dma_wait3A_184 = arith.constant 0 : i32
      %dma_wait3A_185 = arith.constant 0 : i32
      %dma_wait3A_186 = tpu.memref_slice %arg3[%mul3A_2, %dma_wait3A_184, %dma_wait3A_185] : memref<2560x1x128xi32, #tpu.memory_space<hbm>> -> memref<128x1x128xi32, #tpu.memory_space<hbm>>
      %dma_wait3A_187 = arith.constant 0 : i32
      %dma_wait3A_188 = arith.constant 0 : i32
      %dma_wait3A_189 = tpu.memref_slice %arg3[%mul3A_2, %dma_wait3A_187, %dma_wait3A_188] : memref<2560x1x128xi32, #tpu.memory_space<hbm>> -> memref<128x1x128xi32, #tpu.memory_space<hbm>>
      tpu.wait_dma2 semaphore(%arg22 : memref<!tpu.dma_semaphore, #tpu.memory_space<semaphore_mem>>) src(%dma_wait3A_189 : memref<128x1x128xi32, #tpu.memory_space<hbm>>) dst(%arg9 : memref<128x1x128xi32, #tpu.memory_space<vmem>>)
    } else {
    }
    %eq3A_18 = arith.constant 1 : i32
    %eq3A_19 = arith.cmpi eq, %arg0, %eq3A_18 : i32
    %convert_element_type3A_20 = arith.extui %eq3A_19 : i1 to i32
    %cond3A_21 = arith.constant 0 : i32
    %cond3A_22 = arith.cmpi ne, %convert_element_type3A_20, %cond3A_21 : i32
    scf.if %cond3A_22 {
      %mul3A_180 = arith.constant 128 : i32
      %mul3A_181 = arith.muli %add3A_5, %mul3A_180 : i32
      %dma_wait3A_182 = arith.constant 0 : i32
      %dma_wait3A_183 = tpu.memref_slice %arg8[%dma_wait3A_182] : memref<16384xi32, #tpu.memory_space<vmem>> -> memref<4096xi32, #tpu.memory_space<vmem>>
      %dma_wait3A_184 = tpu.memref_slice %arg2[%mul3A_181] : memref<327680xi32, #tpu.memory_space<hbm>> -> memref<4096xi32, #tpu.memory_space<hbm>>
      %dma_wait3A_185 = arith.constant 0 : i32
      %dma_wait3A_186 = tpu.memref_slice %arg8[%dma_wait3A_185] : memref<16384xi32, #tpu.memory_space<vmem>> -> memref<4096xi32, #tpu.memory_space<vmem>>
      %dma_wait3A_187 = tpu.memref_slice %arg2[%mul3A_181] : memref<327680xi32, #tpu.memory_space<hbm>> -> memref<4096xi32, #tpu.memory_space<hbm>>
      tpu.wait_dma2 semaphore(%arg22 : memref<!tpu.dma_semaphore, #tpu.memory_space<semaphore_mem>>) src(%dma_wait3A_187 : memref<4096xi32, #tpu.memory_space<hbm>>) dst(%dma_wait3A_186 : memref<4096xi32, #tpu.memory_space<vmem>>)
      %dma_wait3A_188 = arith.constant 0 : i32
      %dma_wait3A_189 = arith.constant 0 : i32
      %dma_wait3A_190 = arith.constant 0 : i32
      %dma_wait3A_191 = tpu.memref_slice %arg9[%dma_wait3A_188, %dma_wait3A_189, %dma_wait3A_190] : memref<128x1x128xi32, #tpu.memory_space<vmem>> -> memref<32x1x128xi32, #tpu.memory_space<vmem>>
      %dma_wait3A_192 = arith.constant 0 : i32
      %dma_wait3A_193 = arith.constant 0 : i32
      %dma_wait3A_194 = tpu.memref_slice %arg3[%add3A_5, %dma_wait3A_192, %dma_wait3A_193] : memref<2560x1x128xi32, #tpu.memory_space<hbm>> -> memref<32x1x128xi32, #tpu.memory_space<hbm>>
      %dma_wait3A_195 = arith.constant 0 : i32
      %dma_wait3A_196 = arith.constant 0 : i32
      %dma_wait3A_197 = arith.constant 0 : i32
      %dma_wait3A_198 = tpu.memref_slice %arg9[%dma_wait3A_195, %dma_wait3A_196, %dma_wait3A_197] : memref<128x1x128xi32, #tpu.memory_space<vmem>> -> memref<32x1x128xi32, #tpu.memory_space<vmem>>
      %dma_wait3A_199 = arith.constant 0 : i32
      %dma_wait3A_200 = arith.constant 0 : i32
      %dma_wait3A_201 = tpu.memref_slice %arg3[%add3A_5, %dma_wait3A_199, %dma_wait3A_200] : memref<2560x1x128xi32, #tpu.memory_space<hbm>> -> memref<32x1x128xi32, #tpu.memory_space<hbm>>
      tpu.wait_dma2 semaphore(%arg22 : memref<!tpu.dma_semaphore, #tpu.memory_space<semaphore_mem>>) src(%dma_wait3A_201 : memref<32x1x128xi32, #tpu.memory_space<hbm>>) dst(%dma_wait3A_198 : memref<32x1x128xi32, #tpu.memory_space<vmem>>)
    } else {
    }
    %barrier3A = arith.constant 0 : index
    tpu.barrier barrier_id(%barrier3A)
    %eq3A_23 = arith.constant 0 : i32
    %eq3A_24 = arith.cmpi eq, %arg0, %eq3A_23 : i32
    %jit3A = arith.constant 128 : i32
    %jit3A_25 = arith.constant 32 : i32
    %select_n3A = arith.select %eq3A_24, %jit3A, %jit3A_25 : i32
    %jit3A_26 = arith.constant 4 : i32
    %div3A = arith.divsi %select_n3A, %jit3A_26 : i32
    %sign3A = arith.constant 0 : i32
    %sign3A_27 = arith.cmpi sgt, %select_n3A, %sign3A : i32
    %sign3A_28 = arith.extui %sign3A_27 : i1 to i32
    %sign3A_29 = arith.constant 0 : i32
    %sign3A_30 = arith.cmpi slt, %select_n3A, %sign3A_29 : i32
    %sign3A_31 = arith.extui %sign3A_30 : i1 to i32
    %sign3A_32 = arith.subi %sign3A_28, %sign3A_31 : i32
    %sign3A_33 = arith.constant 0 : i32
    %sign3A_34 = arith.cmpi sgt, %jit3A_26, %sign3A_33 : i32
    %sign3A_35 = arith.extui %sign3A_34 : i1 to i32
    %sign3A_36 = arith.constant 0 : i32
    %sign3A_37 = arith.cmpi slt, %jit3A_26, %sign3A_36 : i32
    %sign3A_38 = arith.extui %sign3A_37 : i1 to i32
    %sign3A_39 = arith.subi %sign3A_35, %sign3A_38 : i32
    %ne3A = arith.cmpi ne, %sign3A_32, %sign3A_39 : i32
    %rem3A = arith.remsi %select_n3A, %jit3A_26 : i32
    %ne3A_40 = arith.constant 0 : i32
    %ne3A_41 = arith.cmpi ne, %rem3A, %ne3A_40 : i32
    %and3A = arith.andi %ne3A, %ne3A_41 : i1
    %sub3A = arith.constant 1 : i32
    %sub3A_42 = arith.subi %div3A, %sub3A : i32
    %select_n3A_43 = arith.select %and3A, %sub3A_42, %div3A : i32
    %dma_start3A = arith.constant 0 : i32
    %dma_start3A_44 = tpu.memref_slice %arg8[%dma_start3A] : memref<16384xi32, #tpu.memory_space<vmem>> -> memref<128xi32, #tpu.memory_space<vmem>>
    %dma_start3A_45 = arith.constant 0 : i32
    %dma_start3A_46 = arith.constant 0 : i32
    %dma_start3A_47 = tpu.memref_slice %arg4[%dma_start3A_45, %dma_start3A_46] : memref<10112x64xf32, #tpu.memory_space<hbm>> -> memref<10112x64xf32, #tpu.memory_space<hbm>>
    tpu.enqueue_indirect_dma source(%dma_start3A_47 : memref<10112x64xf32, #tpu.memory_space<hbm>>) target(%arg10 : memref<128x64xf32, #tpu.memory_space<vmem>>) offsets(%dma_start3A_44 : memref<128xi32, #tpu.memory_space<vmem>>) semaphore(%arg14 : memref<!tpu.dma_semaphore, #tpu.memory_space<semaphore_mem>>)
    %dma_start3A_48 = arith.constant 128 : i32
    %dma_start3A_49 = tpu.memref_slice %arg8[%dma_start3A_48] : memref<16384xi32, #tpu.memory_space<vmem>> -> memref<128xi32, #tpu.memory_space<vmem>>
    %dma_start3A_50 = arith.constant 0 : i32
    %dma_start3A_51 = arith.constant 0 : i32
    %dma_start3A_52 = tpu.memref_slice %arg4[%dma_start3A_50, %dma_start3A_51] : memref<10112x64xf32, #tpu.memory_space<hbm>> -> memref<10112x64xf32, #tpu.memory_space<hbm>>
    tpu.enqueue_indirect_dma source(%dma_start3A_52 : memref<10112x64xf32, #tpu.memory_space<hbm>>) target(%arg11 : memref<128x64xf32, #tpu.memory_space<vmem>>) offsets(%dma_start3A_49 : memref<128xi32, #tpu.memory_space<vmem>>) semaphore(%arg15 : memref<!tpu.dma_semaphore, #tpu.memory_space<semaphore_mem>>)
    %dma_start3A_53 = arith.constant 256 : i32
    %dma_start3A_54 = tpu.memref_slice %arg8[%dma_start3A_53] : memref<16384xi32, #tpu.memory_space<vmem>> -> memref<128xi32, #tpu.memory_space<vmem>>
    %dma_start3A_55 = arith.constant 0 : i32
    %dma_start3A_56 = arith.constant 0 : i32
    %dma_start3A_57 = tpu.memref_slice %arg4[%dma_start3A_55, %dma_start3A_56] : memref<10112x64xf32, #tpu.memory_space<hbm>> -> memref<10112x64xf32, #tpu.memory_space<hbm>>
    tpu.enqueue_indirect_dma source(%dma_start3A_57 : memref<10112x64xf32, #tpu.memory_space<hbm>>) target(%arg12 : memref<128x64xf32, #tpu.memory_space<vmem>>) offsets(%dma_start3A_54 : memref<128xi32, #tpu.memory_space<vmem>>) semaphore(%arg16 : memref<!tpu.dma_semaphore, #tpu.memory_space<semaphore_mem>>)
    %dma_start3A_58 = arith.constant 384 : i32
    %dma_start3A_59 = tpu.memref_slice %arg8[%dma_start3A_58] : memref<16384xi32, #tpu.memory_space<vmem>> -> memref<128xi32, #tpu.memory_space<vmem>>
    %dma_start3A_60 = arith.constant 0 : i32
    %dma_start3A_61 = arith.constant 0 : i32
    %dma_start3A_62 = tpu.memref_slice %arg4[%dma_start3A_60, %dma_start3A_61] : memref<10112x64xf32, #tpu.memory_space<hbm>> -> memref<10112x64xf32, #tpu.memory_space<hbm>>
    tpu.enqueue_indirect_dma source(%dma_start3A_62 : memref<10112x64xf32, #tpu.memory_space<hbm>>) target(%arg13 : memref<128x64xf32, #tpu.memory_space<vmem>>) offsets(%dma_start3A_59 : memref<128xi32, #tpu.memory_space<vmem>>) semaphore(%arg17 : memref<!tpu.dma_semaphore, #tpu.memory_space<semaphore_mem>>)
    %sub3A_63 = arith.constant 1 : i32
    %sub3A_64 = arith.subi %select_n3A_43, %sub3A_63 : i32
    %while3A = arith.constant 0 : i32
    %while3A_65 = arith.constant 0 : i32
    %while3A_66 = arith.subi %sub3A_64, %while3A : i32
    %while3A_67 = arith.addi %while3A, %while3A_66 : i32
    %while3A_68 = arith.constant 1 : i32
    %while3A_69 = arith.divsi %while3A_66, %while3A_68 : i32
    %while3A_70 = arith.muli %while3A_69, %while3A_68 : i32
    %while3A_71 = arith.addi %while3A, %while3A_70 : i32
    %while3A_72 = arith.constant 1 : i32
    %while3A_73 = scf.for %while3A_180 = %while3A to %while3A_71 step %while3A_72 iter_args(%while3A_181 = %while3A_65) -> (i32)  : i32 {
      %dma_wait3A_182 = arith.constant 0 : i32
      %dma_wait3A_183 = tpu.memref_slice %arg8[%dma_wait3A_182] : memref<16384xi32, #tpu.memory_space<vmem>> -> memref<128xi32, #tpu.memory_space<vmem>>
      %dma_wait3A_184 = arith.constant 0 : i32
      %dma_wait3A_185 = arith.constant 0 : i32
      %dma_wait3A_186 = tpu.memref_slice %arg4[%dma_wait3A_184, %dma_wait3A_185] : memref<10112x64xf32, #tpu.memory_space<hbm>> -> memref<10112x64xf32, #tpu.memory_space<hbm>>
      tpu.wait_indirect_dma semaphore(%arg14 : memref<!tpu.dma_semaphore, #tpu.memory_space<semaphore_mem>>) src(%dma_wait3A_186 : memref<10112x64xf32, #tpu.memory_space<hbm>>) dst(%arg10 : memref<128x64xf32, #tpu.memory_space<vmem>>)
      %mul3A_187 = arith.constant 4 : i32
      %mul3A_188 = arith.muli %while3A_180, %mul3A_187 : i32
      %add3A_189 = arith.constant 0 : i32
      %add3A_190 = arith.addi %mul3A_188, %add3A_189 : i32
      %dma_start3A_191 = arith.constant 0 : i32
      %dma_start3A_192 = arith.constant 0 : i32
      %dma_start3A_193 = tpu.memref_slice %arg9[%add3A_190, %dma_start3A_191, %dma_start3A_192] : memref<128x1x128xi32, #tpu.memory_space<vmem>> -> memref<1x1x128xi32, #tpu.memory_space<vmem>>
      %dma_start3A_194 = tpu.memref_squeeze %dma_start3A_193 : memref<1x1x128xi32, #tpu.memory_space<vmem>> -> memref<128xi32, #tpu.memory_space<vmem>>
      %dma_start3A_195 = arith.constant 0 : i32
      %dma_start3A_196 = arith.constant 0 : i32
      %dma_start3A_197 = tpu.memref_slice %arg7[%dma_start3A_195, %dma_start3A_196] : memref<10112x64xf32, #tpu.memory_space<vmem_shared>> -> memref<10112x64xf32, #tpu.memory_space<vmem_shared>>
      tpu.enqueue_indirect_dma source(%arg10 : memref<128x64xf32, #tpu.memory_space<vmem>>) target(%dma_start3A_197 : memref<10112x64xf32, #tpu.memory_space<vmem_shared>>) offsets(%dma_start3A_194 : memref<128xi32, #tpu.memory_space<vmem>>) semaphore(%arg18 : memref<!tpu.dma_semaphore, #tpu.memory_space<semaphore_mem>>) {add = true}
      %dma_wait3A_198 = arith.constant 0 : i32
      %dma_wait3A_199 = tpu.memref_slice %arg8[%dma_wait3A_198] : memref<16384xi32, #tpu.memory_space<vmem>> -> memref<128xi32, #tpu.memory_space<vmem>>
      %dma_wait3A_200 = arith.constant 0 : i32
      %dma_wait3A_201 = arith.constant 0 : i32
      %dma_wait3A_202 = tpu.memref_slice %arg4[%dma_wait3A_200, %dma_wait3A_201] : memref<10112x64xf32, #tpu.memory_space<hbm>> -> memref<10112x64xf32, #tpu.memory_space<hbm>>
      tpu.wait_indirect_dma semaphore(%arg15 : memref<!tpu.dma_semaphore, #tpu.memory_space<semaphore_mem>>) src(%dma_wait3A_202 : memref<10112x64xf32, #tpu.memory_space<hbm>>) dst(%arg11 : memref<128x64xf32, #tpu.memory_space<vmem>>)
      %mul3A_203 = arith.constant 4 : i32
      %mul3A_204 = arith.muli %while3A_180, %mul3A_203 : i32
      %add3A_205 = arith.constant 1 : i32
      %add3A_206 = arith.addi %mul3A_204, %add3A_205 : i32
      %dma_start3A_207 = arith.constant 0 : i32
      %dma_start3A_208 = arith.constant 0 : i32
      %dma_start3A_209 = tpu.memref_slice %arg9[%add3A_206, %dma_start3A_207, %dma_start3A_208] : memref<128x1x128xi32, #tpu.memory_space<vmem>> -> memref<1x1x128xi32, #tpu.memory_space<vmem>>
      %dma_start3A_210 = tpu.memref_squeeze %dma_start3A_209 : memref<1x1x128xi32, #tpu.memory_space<vmem>> -> memref<128xi32, #tpu.memory_space<vmem>>
      %dma_start3A_211 = arith.constant 0 : i32
      %dma_start3A_212 = arith.constant 0 : i32
      %dma_start3A_213 = tpu.memref_slice %arg7[%dma_start3A_211, %dma_start3A_212] : memref<10112x64xf32, #tpu.memory_space<vmem_shared>> -> memref<10112x64xf32, #tpu.memory_space<vmem_shared>>
      tpu.enqueue_indirect_dma source(%arg11 : memref<128x64xf32, #tpu.memory_space<vmem>>) target(%dma_start3A_213 : memref<10112x64xf32, #tpu.memory_space<vmem_shared>>) offsets(%dma_start3A_210 : memref<128xi32, #tpu.memory_space<vmem>>) semaphore(%arg19 : memref<!tpu.dma_semaphore, #tpu.memory_space<semaphore_mem>>) {add = true}
      %dma_wait3A_214 = arith.constant 0 : i32
      %dma_wait3A_215 = tpu.memref_slice %arg8[%dma_wait3A_214] : memref<16384xi32, #tpu.memory_space<vmem>> -> memref<128xi32, #tpu.memory_space<vmem>>
      %dma_wait3A_216 = arith.constant 0 : i32
      %dma_wait3A_217 = arith.constant 0 : i32
      %dma_wait3A_218 = tpu.memref_slice %arg4[%dma_wait3A_216, %dma_wait3A_217] : memref<10112x64xf32, #tpu.memory_space<hbm>> -> memref<10112x64xf32, #tpu.memory_space<hbm>>
      tpu.wait_indirect_dma semaphore(%arg16 : memref<!tpu.dma_semaphore, #tpu.memory_space<semaphore_mem>>) src(%dma_wait3A_218 : memref<10112x64xf32, #tpu.memory_space<hbm>>) dst(%arg12 : memref<128x64xf32, #tpu.memory_space<vmem>>)
      %mul3A_219 = arith.constant 4 : i32
      %mul3A_220 = arith.muli %while3A_180, %mul3A_219 : i32
      %add3A_221 = arith.constant 2 : i32
      %add3A_222 = arith.addi %mul3A_220, %add3A_221 : i32
      %dma_start3A_223 = arith.constant 0 : i32
      %dma_start3A_224 = arith.constant 0 : i32
      %dma_start3A_225 = tpu.memref_slice %arg9[%add3A_222, %dma_start3A_223, %dma_start3A_224] : memref<128x1x128xi32, #tpu.memory_space<vmem>> -> memref<1x1x128xi32, #tpu.memory_space<vmem>>
      %dma_start3A_226 = tpu.memref_squeeze %dma_start3A_225 : memref<1x1x128xi32, #tpu.memory_space<vmem>> -> memref<128xi32, #tpu.memory_space<vmem>>
      %dma_start3A_227 = arith.constant 0 : i32
      %dma_start3A_228 = arith.constant 0 : i32
      %dma_start3A_229 = tpu.memref_slice %arg7[%dma_start3A_227, %dma_start3A_228] : memref<10112x64xf32, #tpu.memory_space<vmem_shared>> -> memref<10112x64xf32, #tpu.memory_space<vmem_shared>>
      tpu.enqueue_indirect_dma source(%arg12 : memref<128x64xf32, #tpu.memory_space<vmem>>) target(%dma_start3A_229 : memref<10112x64xf32, #tpu.memory_space<vmem_shared>>) offsets(%dma_start3A_226 : memref<128xi32, #tpu.memory_space<vmem>>) semaphore(%arg20 : memref<!tpu.dma_semaphore, #tpu.memory_space<semaphore_mem>>) {add = true}
      %dma_wait3A_230 = arith.constant 0 : i32
      %dma_wait3A_231 = tpu.memref_slice %arg8[%dma_wait3A_230] : memref<16384xi32, #tpu.memory_space<vmem>> -> memref<128xi32, #tpu.memory_space<vmem>>
      %dma_wait3A_232 = arith.constant 0 : i32
      %dma_wait3A_233 = arith.constant 0 : i32
      %dma_wait3A_234 = tpu.memref_slice %arg4[%dma_wait3A_232, %dma_wait3A_233] : memref<10112x64xf32, #tpu.memory_space<hbm>> -> memref<10112x64xf32, #tpu.memory_space<hbm>>
      tpu.wait_indirect_dma semaphore(%arg17 : memref<!tpu.dma_semaphore, #tpu.memory_space<semaphore_mem>>) src(%dma_wait3A_234 : memref<10112x64xf32, #tpu.memory_space<hbm>>) dst(%arg13 : memref<128x64xf32, #tpu.memory_space<vmem>>)
      %mul3A_235 = arith.constant 4 : i32
      %mul3A_236 = arith.muli %while3A_180, %mul3A_235 : i32
      %add3A_237 = arith.constant 3 : i32
      %add3A_238 = arith.addi %mul3A_236, %add3A_237 : i32
      %dma_start3A_239 = arith.constant 0 : i32
      %dma_start3A_240 = arith.constant 0 : i32
      %dma_start3A_241 = tpu.memref_slice %arg9[%add3A_238, %dma_start3A_239, %dma_start3A_240] : memref<128x1x128xi32, #tpu.memory_space<vmem>> -> memref<1x1x128xi32, #tpu.memory_space<vmem>>
      %dma_start3A_242 = tpu.memref_squeeze %dma_start3A_241 : memref<1x1x128xi32, #tpu.memory_space<vmem>> -> memref<128xi32, #tpu.memory_space<vmem>>
      %dma_start3A_243 = arith.constant 0 : i32
      %dma_start3A_244 = arith.constant 0 : i32
      %dma_start3A_245 = tpu.memref_slice %arg7[%dma_start3A_243, %dma_start3A_244] : memref<10112x64xf32, #tpu.memory_space<vmem_shared>> -> memref<10112x64xf32, #tpu.memory_space<vmem_shared>>
      tpu.enqueue_indirect_dma source(%arg13 : memref<128x64xf32, #tpu.memory_space<vmem>>) target(%dma_start3A_245 : memref<10112x64xf32, #tpu.memory_space<vmem_shared>>) offsets(%dma_start3A_242 : memref<128xi32, #tpu.memory_space<vmem>>) semaphore(%arg21 : memref<!tpu.dma_semaphore, #tpu.memory_space<semaphore_mem>>) {add = true}
      %dma_wait3A_246 = arith.constant 0 : i32
      %dma_wait3A_247 = arith.constant 0 : i32
      %dma_wait3A_248 = arith.constant 0 : i32
      %dma_wait3A_249 = tpu.memref_slice %arg9[%dma_wait3A_246, %dma_wait3A_247, %dma_wait3A_248] : memref<128x1x128xi32, #tpu.memory_space<vmem>> -> memref<1x1x128xi32, #tpu.memory_space<vmem>>
      %dma_wait3A_250 = tpu.memref_squeeze %dma_wait3A_249 : memref<1x1x128xi32, #tpu.memory_space<vmem>> -> memref<128xi32, #tpu.memory_space<vmem>>
      %dma_wait3A_251 = arith.constant 0 : i32
      %dma_wait3A_252 = arith.constant 0 : i32
      %dma_wait3A_253 = tpu.memref_slice %arg7[%dma_wait3A_251, %dma_wait3A_252] : memref<10112x64xf32, #tpu.memory_space<vmem_shared>> -> memref<10112x64xf32, #tpu.memory_space<vmem_shared>>
      tpu.wait_indirect_dma semaphore(%arg18 : memref<!tpu.dma_semaphore, #tpu.memory_space<semaphore_mem>>) src(%arg10 : memref<128x64xf32, #tpu.memory_space<vmem>>) dst(%dma_wait3A_253 : memref<10112x64xf32, #tpu.memory_space<vmem_shared>>)
      %add3A_254 = arith.constant 1 : i32
      %add3A_255 = arith.addi %while3A_180, %add3A_254 : i32
      %mul3A_256 = arith.constant 4 : i32
      %mul3A_257 = arith.muli %add3A_255, %mul3A_256 : i32
      %add3A_258 = arith.constant 0 : i32
      %add3A_259 = arith.addi %mul3A_257, %add3A_258 : i32
      %mul3A_260 = arith.constant 128 : i32
      %mul3A_261 = arith.muli %add3A_259, %mul3A_260 : i32
      %dma_start3A_262 = tpu.memref_slice %arg8[%mul3A_261] : memref<16384xi32, #tpu.memory_space<vmem>> -> memref<128xi32, #tpu.memory_space<vmem>>
      %dma_start3A_263 = arith.constant 0 : i32
      %dma_start3A_264 = arith.constant 0 : i32
      %dma_start3A_265 = tpu.memref_slice %arg4[%dma_start3A_263, %dma_start3A_264] : memref<10112x64xf32, #tpu.memory_space<hbm>> -> memref<10112x64xf32, #tpu.memory_space<hbm>>
      tpu.enqueue_indirect_dma source(%dma_start3A_265 : memref<10112x64xf32, #tpu.memory_space<hbm>>) target(%arg10 : memref<128x64xf32, #tpu.memory_space<vmem>>) offsets(%dma_start3A_262 : memref<128xi32, #tpu.memory_space<vmem>>) semaphore(%arg14 : memref<!tpu.dma_semaphore, #tpu.memory_space<semaphore_mem>>)
      %dma_wait3A_266 = arith.constant 0 : i32
      %dma_wait3A_267 = arith.constant 0 : i32
      %dma_wait3A_268 = arith.constant 0 : i32
      %dma_wait3A_269 = tpu.memref_slice %arg9[%dma_wait3A_266, %dma_wait3A_267, %dma_wait3A_268] : memref<128x1x128xi32, #tpu.memory_space<vmem>> -> memref<1x1x128xi32, #tpu.memory_space<vmem>>
      %dma_wait3A_270 = tpu.memref_squeeze %dma_wait3A_269 : memref<1x1x128xi32, #tpu.memory_space<vmem>> -> memref<128xi32, #tpu.memory_space<vmem>>
      %dma_wait3A_271 = arith.constant 0 : i32
      %dma_wait3A_272 = arith.constant 0 : i32
      %dma_wait3A_273 = tpu.memref_slice %arg7[%dma_wait3A_271, %dma_wait3A_272] : memref<10112x64xf32, #tpu.memory_space<vmem_shared>> -> memref<10112x64xf32, #tpu.memory_space<vmem_shared>>
      tpu.wait_indirect_dma semaphore(%arg19 : memref<!tpu.dma_semaphore, #tpu.memory_space<semaphore_mem>>) src(%arg11 : memref<128x64xf32, #tpu.memory_space<vmem>>) dst(%dma_wait3A_273 : memref<10112x64xf32, #tpu.memory_space<vmem_shared>>)
      %add3A_274 = arith.constant 1 : i32
      %add3A_275 = arith.addi %while3A_180, %add3A_274 : i32
      %mul3A_276 = arith.constant 4 : i32
      %mul3A_277 = arith.muli %add3A_275, %mul3A_276 : i32
      %add3A_278 = arith.constant 1 : i32
      %add3A_279 = arith.addi %mul3A_277, %add3A_278 : i32
      %mul3A_280 = arith.constant 128 : i32
      %mul3A_281 = arith.muli %add3A_279, %mul3A_280 : i32
      %dma_start3A_282 = tpu.memref_slice %arg8[%mul3A_281] : memref<16384xi32, #tpu.memory_space<vmem>> -> memref<128xi32, #tpu.memory_space<vmem>>
      %dma_start3A_283 = arith.constant 0 : i32
      %dma_start3A_284 = arith.constant 0 : i32
      %dma_start3A_285 = tpu.memref_slice %arg4[%dma_start3A_283, %dma_start3A_284] : memref<10112x64xf32, #tpu.memory_space<hbm>> -> memref<10112x64xf32, #tpu.memory_space<hbm>>
      tpu.enqueue_indirect_dma source(%dma_start3A_285 : memref<10112x64xf32, #tpu.memory_space<hbm>>) target(%arg11 : memref<128x64xf32, #tpu.memory_space<vmem>>) offsets(%dma_start3A_282 : memref<128xi32, #tpu.memory_space<vmem>>) semaphore(%arg15 : memref<!tpu.dma_semaphore, #tpu.memory_space<semaphore_mem>>)
      %dma_wait3A_286 = arith.constant 0 : i32
      %dma_wait3A_287 = arith.constant 0 : i32
      %dma_wait3A_288 = arith.constant 0 : i32
      %dma_wait3A_289 = tpu.memref_slice %arg9[%dma_wait3A_286, %dma_wait3A_287, %dma_wait3A_288] : memref<128x1x128xi32, #tpu.memory_space<vmem>> -> memref<1x1x128xi32, #tpu.memory_space<vmem>>
      %dma_wait3A_290 = tpu.memref_squeeze %dma_wait3A_289 : memref<1x1x128xi32, #tpu.memory_space<vmem>> -> memref<128xi32, #tpu.memory_space<vmem>>
      %dma_wait3A_291 = arith.constant 0 : i32
      %dma_wait3A_292 = arith.constant 0 : i32
      %dma_wait3A_293 = tpu.memref_slice %arg7[%dma_wait3A_291, %dma_wait3A_292] : memref<10112x64xf32, #tpu.memory_space<vmem_shared>> -> memref<10112x64xf32, #tpu.memory_space<vmem_shared>>
      tpu.wait_indirect_dma semaphore(%arg20 : memref<!tpu.dma_semaphore, #tpu.memory_space<semaphore_mem>>) src(%arg12 : memref<128x64xf32, #tpu.memory_space<vmem>>) dst(%dma_wait3A_293 : memref<10112x64xf32, #tpu.memory_space<vmem_shared>>)
      %add3A_294 = arith.constant 1 : i32
      %add3A_295 = arith.addi %while3A_180, %add3A_294 : i32
      %mul3A_296 = arith.constant 4 : i32
      %mul3A_297 = arith.muli %add3A_295, %mul3A_296 : i32
      %add3A_298 = arith.constant 2 : i32
      %add3A_299 = arith.addi %mul3A_297, %add3A_298 : i32
      %mul3A_300 = arith.constant 128 : i32
      %mul3A_301 = arith.muli %add3A_299, %mul3A_300 : i32
      %dma_start3A_302 = tpu.memref_slice %arg8[%mul3A_301] : memref<16384xi32, #tpu.memory_space<vmem>> -> memref<128xi32, #tpu.memory_space<vmem>>
      %dma_start3A_303 = arith.constant 0 : i32
      %dma_start3A_304 = arith.constant 0 : i32
      %dma_start3A_305 = tpu.memref_slice %arg4[%dma_start3A_303, %dma_start3A_304] : memref<10112x64xf32, #tpu.memory_space<hbm>> -> memref<10112x64xf32, #tpu.memory_space<hbm>>
      tpu.enqueue_indirect_dma source(%dma_start3A_305 : memref<10112x64xf32, #tpu.memory_space<hbm>>) target(%arg12 : memref<128x64xf32, #tpu.memory_space<vmem>>) offsets(%dma_start3A_302 : memref<128xi32, #tpu.memory_space<vmem>>) semaphore(%arg16 : memref<!tpu.dma_semaphore, #tpu.memory_space<semaphore_mem>>)
      %dma_wait3A_306 = arith.constant 0 : i32
      %dma_wait3A_307 = arith.constant 0 : i32
      %dma_wait3A_308 = arith.constant 0 : i32
      %dma_wait3A_309 = tpu.memref_slice %arg9[%dma_wait3A_306, %dma_wait3A_307, %dma_wait3A_308] : memref<128x1x128xi32, #tpu.memory_space<vmem>> -> memref<1x1x128xi32, #tpu.memory_space<vmem>>
      %dma_wait3A_310 = tpu.memref_squeeze %dma_wait3A_309 : memref<1x1x128xi32, #tpu.memory_space<vmem>> -> memref<128xi32, #tpu.memory_space<vmem>>
      %dma_wait3A_311 = arith.constant 0 : i32
      %dma_wait3A_312 = arith.constant 0 : i32
      %dma_wait3A_313 = tpu.memref_slice %arg7[%dma_wait3A_311, %dma_wait3A_312] : memref<10112x64xf32, #tpu.memory_space<vmem_shared>> -> memref<10112x64xf32, #tpu.memory_space<vmem_shared>>
      tpu.wait_indirect_dma semaphore(%arg21 : memref<!tpu.dma_semaphore, #tpu.memory_space<semaphore_mem>>) src(%arg13 : memref<128x64xf32, #tpu.memory_space<vmem>>) dst(%dma_wait3A_313 : memref<10112x64xf32, #tpu.memory_space<vmem_shared>>)
      %add3A_314 = arith.constant 1 : i32
      %add3A_315 = arith.addi %while3A_180, %add3A_314 : i32
      %mul3A_316 = arith.constant 4 : i32
      %mul3A_317 = arith.muli %add3A_315, %mul3A_316 : i32
      %add3A_318 = arith.constant 3 : i32
      %add3A_319 = arith.addi %mul3A_317, %add3A_318 : i32
      %mul3A_320 = arith.constant 128 : i32
      %mul3A_321 = arith.muli %add3A_319, %mul3A_320 : i32
      %dma_start3A_322 = tpu.memref_slice %arg8[%mul3A_321] : memref<16384xi32, #tpu.memory_space<vmem>> -> memref<128xi32, #tpu.memory_space<vmem>>
      %dma_start3A_323 = arith.constant 0 : i32
      %dma_start3A_324 = arith.constant 0 : i32
      %dma_start3A_325 = tpu.memref_slice %arg4[%dma_start3A_323, %dma_start3A_324] : memref<10112x64xf32, #tpu.memory_space<hbm>> -> memref<10112x64xf32, #tpu.memory_space<hbm>>
      tpu.enqueue_indirect_dma source(%dma_start3A_325 : memref<10112x64xf32, #tpu.memory_space<hbm>>) target(%arg13 : memref<128x64xf32, #tpu.memory_space<vmem>>) offsets(%dma_start3A_322 : memref<128xi32, #tpu.memory_space<vmem>>) semaphore(%arg17 : memref<!tpu.dma_semaphore, #tpu.memory_space<semaphore_mem>>)
      %while3A_326 = arith.constant 0 : i32
      scf.yield %while3A_326 : i32
    }
    %while3A_74 = arith.constant 1 : i32
    %while3A_75 = scf.for %while3A_180 = %while3A_71 to %while3A_67 step %while3A_74 iter_args(%while3A_181 = %while3A_73) -> (i32)  : i32 {
      %dma_wait3A_182 = arith.constant 0 : i32
      %dma_wait3A_183 = tpu.memref_slice %arg8[%dma_wait3A_182] : memref<16384xi32, #tpu.memory_space<vmem>> -> memref<128xi32, #tpu.memory_space<vmem>>
      %dma_wait3A_184 = arith.constant 0 : i32
      %dma_wait3A_185 = arith.constant 0 : i32
      %dma_wait3A_186 = tpu.memref_slice %arg4[%dma_wait3A_184, %dma_wait3A_185] : memref<10112x64xf32, #tpu.memory_space<hbm>> -> memref<10112x64xf32, #tpu.memory_space<hbm>>
      tpu.wait_indirect_dma semaphore(%arg14 : memref<!tpu.dma_semaphore, #tpu.memory_space<semaphore_mem>>) src(%dma_wait3A_186 : memref<10112x64xf32, #tpu.memory_space<hbm>>) dst(%arg10 : memref<128x64xf32, #tpu.memory_space<vmem>>)
      %mul3A_187 = arith.constant 4 : i32
      %mul3A_188 = arith.muli %while3A_180, %mul3A_187 : i32
      %add3A_189 = arith.constant 0 : i32
      %add3A_190 = arith.addi %mul3A_188, %add3A_189 : i32
      %dma_start3A_191 = arith.constant 0 : i32
      %dma_start3A_192 = arith.constant 0 : i32
      %dma_start3A_193 = tpu.memref_slice %arg9[%add3A_190, %dma_start3A_191, %dma_start3A_192] : memref<128x1x128xi32, #tpu.memory_space<vmem>> -> memref<1x1x128xi32, #tpu.memory_space<vmem>>
      %dma_start3A_194 = tpu.memref_squeeze %dma_start3A_193 : memref<1x1x128xi32, #tpu.memory_space<vmem>> -> memref<128xi32, #tpu.memory_space<vmem>>
      %dma_start3A_195 = arith.constant 0 : i32
      %dma_start3A_196 = arith.constant 0 : i32
      %dma_start3A_197 = tpu.memref_slice %arg7[%dma_start3A_195, %dma_start3A_196] : memref<10112x64xf32, #tpu.memory_space<vmem_shared>> -> memref<10112x64xf32, #tpu.memory_space<vmem_shared>>
      tpu.enqueue_indirect_dma source(%arg10 : memref<128x64xf32, #tpu.memory_space<vmem>>) target(%dma_start3A_197 : memref<10112x64xf32, #tpu.memory_space<vmem_shared>>) offsets(%dma_start3A_194 : memref<128xi32, #tpu.memory_space<vmem>>) semaphore(%arg18 : memref<!tpu.dma_semaphore, #tpu.memory_space<semaphore_mem>>) {add = true}
      %dma_wait3A_198 = arith.constant 0 : i32
      %dma_wait3A_199 = tpu.memref_slice %arg8[%dma_wait3A_198] : memref<16384xi32, #tpu.memory_space<vmem>> -> memref<128xi32, #tpu.memory_space<vmem>>
      %dma_wait3A_200 = arith.constant 0 : i32
      %dma_wait3A_201 = arith.constant 0 : i32
      %dma_wait3A_202 = tpu.memref_slice %arg4[%dma_wait3A_200, %dma_wait3A_201] : memref<10112x64xf32, #tpu.memory_space<hbm>> -> memref<10112x64xf32, #tpu.memory_space<hbm>>
      tpu.wait_indirect_dma semaphore(%arg15 : memref<!tpu.dma_semaphore, #tpu.memory_space<semaphore_mem>>) src(%dma_wait3A_202 : memref<10112x64xf32, #tpu.memory_space<hbm>>) dst(%arg11 : memref<128x64xf32, #tpu.memory_space<vmem>>)
      %mul3A_203 = arith.constant 4 : i32
      %mul3A_204 = arith.muli %while3A_180, %mul3A_203 : i32
      %add3A_205 = arith.constant 1 : i32
      %add3A_206 = arith.addi %mul3A_204, %add3A_205 : i32
      %dma_start3A_207 = arith.constant 0 : i32
      %dma_start3A_208 = arith.constant 0 : i32
      %dma_start3A_209 = tpu.memref_slice %arg9[%add3A_206, %dma_start3A_207, %dma_start3A_208] : memref<128x1x128xi32, #tpu.memory_space<vmem>> -> memref<1x1x128xi32, #tpu.memory_space<vmem>>
      %dma_start3A_210 = tpu.memref_squeeze %dma_start3A_209 : memref<1x1x128xi32, #tpu.memory_space<vmem>> -> memref<128xi32, #tpu.memory_space<vmem>>
      %dma_start3A_211 = arith.constant 0 : i32
      %dma_start3A_212 = arith.constant 0 : i32
      %dma_start3A_213 = tpu.memref_slice %arg7[%dma_start3A_211, %dma_start3A_212] : memref<10112x64xf32, #tpu.memory_space<vmem_shared>> -> memref<10112x64xf32, #tpu.memory_space<vmem_shared>>
      tpu.enqueue_indirect_dma source(%arg11 : memref<128x64xf32, #tpu.memory_space<vmem>>) target(%dma_start3A_213 : memref<10112x64xf32, #tpu.memory_space<vmem_shared>>) offsets(%dma_start3A_210 : memref<128xi32, #tpu.memory_space<vmem>>) semaphore(%arg19 : memref<!tpu.dma_semaphore, #tpu.memory_space<semaphore_mem>>) {add = true}
      %dma_wait3A_214 = arith.constant 0 : i32
      %dma_wait3A_215 = tpu.memref_slice %arg8[%dma_wait3A_214] : memref<16384xi32, #tpu.memory_space<vmem>> -> memref<128xi32, #tpu.memory_space<vmem>>
      %dma_wait3A_216 = arith.constant 0 : i32
      %dma_wait3A_217 = arith.constant 0 : i32
      %dma_wait3A_218 = tpu.memref_slice %arg4[%dma_wait3A_216, %dma_wait3A_217] : memref<10112x64xf32, #tpu.memory_space<hbm>> -> memref<10112x64xf32, #tpu.memory_space<hbm>>
      tpu.wait_indirect_dma semaphore(%arg16 : memref<!tpu.dma_semaphore, #tpu.memory_space<semaphore_mem>>) src(%dma_wait3A_218 : memref<10112x64xf32, #tpu.memory_space<hbm>>) dst(%arg12 : memref<128x64xf32, #tpu.memory_space<vmem>>)
      %mul3A_219 = arith.constant 4 : i32
      %mul3A_220 = arith.muli %while3A_180, %mul3A_219 : i32
      %add3A_221 = arith.constant 2 : i32
      %add3A_222 = arith.addi %mul3A_220, %add3A_221 : i32
      %dma_start3A_223 = arith.constant 0 : i32
      %dma_start3A_224 = arith.constant 0 : i32
      %dma_start3A_225 = tpu.memref_slice %arg9[%add3A_222, %dma_start3A_223, %dma_start3A_224] : memref<128x1x128xi32, #tpu.memory_space<vmem>> -> memref<1x1x128xi32, #tpu.memory_space<vmem>>
      %dma_start3A_226 = tpu.memref_squeeze %dma_start3A_225 : memref<1x1x128xi32, #tpu.memory_space<vmem>> -> memref<128xi32, #tpu.memory_space<vmem>>
      %dma_start3A_227 = arith.constant 0 : i32
      %dma_start3A_228 = arith.constant 0 : i32
      %dma_start3A_229 = tpu.memref_slice %arg7[%dma_start3A_227, %dma_start3A_228] : memref<10112x64xf32, #tpu.memory_space<vmem_shared>> -> memref<10112x64xf32, #tpu.memory_space<vmem_shared>>
      tpu.enqueue_indirect_dma source(%arg12 : memref<128x64xf32, #tpu.memory_space<vmem>>) target(%dma_start3A_229 : memref<10112x64xf32, #tpu.memory_space<vmem_shared>>) offsets(%dma_start3A_226 : memref<128xi32, #tpu.memory_space<vmem>>) semaphore(%arg20 : memref<!tpu.dma_semaphore, #tpu.memory_space<semaphore_mem>>) {add = true}
      %dma_wait3A_230 = arith.constant 0 : i32
      %dma_wait3A_231 = tpu.memref_slice %arg8[%dma_wait3A_230] : memref<16384xi32, #tpu.memory_space<vmem>> -> memref<128xi32, #tpu.memory_space<vmem>>
      %dma_wait3A_232 = arith.constant 0 : i32
      %dma_wait3A_233 = arith.constant 0 : i32
      %dma_wait3A_234 = tpu.memref_slice %arg4[%dma_wait3A_232, %dma_wait3A_233] : memref<10112x64xf32, #tpu.memory_space<hbm>> -> memref<10112x64xf32, #tpu.memory_space<hbm>>
      tpu.wait_indirect_dma semaphore(%arg17 : memref<!tpu.dma_semaphore, #tpu.memory_space<semaphore_mem>>) src(%dma_wait3A_234 : memref<10112x64xf32, #tpu.memory_space<hbm>>) dst(%arg13 : memref<128x64xf32, #tpu.memory_space<vmem>>)
      %mul3A_235 = arith.constant 4 : i32
      %mul3A_236 = arith.muli %while3A_180, %mul3A_235 : i32
      %add3A_237 = arith.constant 3 : i32
      %add3A_238 = arith.addi %mul3A_236, %add3A_237 : i32
      %dma_start3A_239 = arith.constant 0 : i32
      %dma_start3A_240 = arith.constant 0 : i32
      %dma_start3A_241 = tpu.memref_slice %arg9[%add3A_238, %dma_start3A_239, %dma_start3A_240] : memref<128x1x128xi32, #tpu.memory_space<vmem>> -> memref<1x1x128xi32, #tpu.memory_space<vmem>>
      %dma_start3A_242 = tpu.memref_squeeze %dma_start3A_241 : memref<1x1x128xi32, #tpu.memory_space<vmem>> -> memref<128xi32, #tpu.memory_space<vmem>>
      %dma_start3A_243 = arith.constant 0 : i32
      %dma_start3A_244 = arith.constant 0 : i32
      %dma_start3A_245 = tpu.memref_slice %arg7[%dma_start3A_243, %dma_start3A_244] : memref<10112x64xf32, #tpu.memory_space<vmem_shared>> -> memref<10112x64xf32, #tpu.memory_space<vmem_shared>>
      tpu.enqueue_indirect_dma source(%arg13 : memref<128x64xf32, #tpu.memory_space<vmem>>) target(%dma_start3A_245 : memref<10112x64xf32, #tpu.memory_space<vmem_shared>>) offsets(%dma_start3A_242 : memref<128xi32, #tpu.memory_space<vmem>>) semaphore(%arg21 : memref<!tpu.dma_semaphore, #tpu.memory_space<semaphore_mem>>) {add = true}
      %dma_wait3A_246 = arith.constant 0 : i32
      %dma_wait3A_247 = arith.constant 0 : i32
      %dma_wait3A_248 = arith.constant 0 : i32
      %dma_wait3A_249 = tpu.memref_slice %arg9[%dma_wait3A_246, %dma_wait3A_247, %dma_wait3A_248] : memref<128x1x128xi32, #tpu.memory_space<vmem>> -> memref<1x1x128xi32, #tpu.memory_space<vmem>>
      %dma_wait3A_250 = tpu.memref_squeeze %dma_wait3A_249 : memref<1x1x128xi32, #tpu.memory_space<vmem>> -> memref<128xi32, #tpu.memory_space<vmem>>
      %dma_wait3A_251 = arith.constant 0 : i32
      %dma_wait3A_252 = arith.constant 0 : i32
      %dma_wait3A_253 = tpu.memref_slice %arg7[%dma_wait3A_251, %dma_wait3A_252] : memref<10112x64xf32, #tpu.memory_space<vmem_shared>> -> memref<10112x64xf32, #tpu.memory_space<vmem_shared>>
      tpu.wait_indirect_dma semaphore(%arg18 : memref<!tpu.dma_semaphore, #tpu.memory_space<semaphore_mem>>) src(%arg10 : memref<128x64xf32, #tpu.memory_space<vmem>>) dst(%dma_wait3A_253 : memref<10112x64xf32, #tpu.memory_space<vmem_shared>>)
      %add3A_254 = arith.constant 1 : i32
      %add3A_255 = arith.addi %while3A_180, %add3A_254 : i32
      %mul3A_256 = arith.constant 4 : i32
      %mul3A_257 = arith.muli %add3A_255, %mul3A_256 : i32
      %add3A_258 = arith.constant 0 : i32
      %add3A_259 = arith.addi %mul3A_257, %add3A_258 : i32
      %mul3A_260 = arith.constant 128 : i32
      %mul3A_261 = arith.muli %add3A_259, %mul3A_260 : i32
      %dma_start3A_262 = tpu.memref_slice %arg8[%mul3A_261] : memref<16384xi32, #tpu.memory_space<vmem>> -> memref<128xi32, #tpu.memory_space<vmem>>
      %dma_start3A_263 = arith.constant 0 : i32
      %dma_start3A_264 = arith.constant 0 : i32
      %dma_start3A_265 = tpu.memref_slice %arg4[%dma_start3A_263, %dma_start3A_264] : memref<10112x64xf32, #tpu.memory_space<hbm>> -> memref<10112x64xf32, #tpu.memory_space<hbm>>
      tpu.enqueue_indirect_dma source(%dma_start3A_265 : memref<10112x64xf32, #tpu.memory_space<hbm>>) target(%arg10 : memref<128x64xf32, #tpu.memory_space<vmem>>) offsets(%dma_start3A_262 : memref<128xi32, #tpu.memory_space<vmem>>) semaphore(%arg14 : memref<!tpu.dma_semaphore, #tpu.memory_space<semaphore_mem>>)
      %dma_wait3A_266 = arith.constant 0 : i32
      %dma_wait3A_267 = arith.constant 0 : i32
      %dma_wait3A_268 = arith.constant 0 : i32
      %dma_wait3A_269 = tpu.memref_slice %arg9[%dma_wait3A_266, %dma_wait3A_267, %dma_wait3A_268] : memref<128x1x128xi32, #tpu.memory_space<vmem>> -> memref<1x1x128xi32, #tpu.memory_space<vmem>>
      %dma_wait3A_270 = tpu.memref_squeeze %dma_wait3A_269 : memref<1x1x128xi32, #tpu.memory_space<vmem>> -> memref<128xi32, #tpu.memory_space<vmem>>
      %dma_wait3A_271 = arith.constant 0 : i32
      %dma_wait3A_272 = arith.constant 0 : i32
      %dma_wait3A_273 = tpu.memref_slice %arg7[%dma_wait3A_271, %dma_wait3A_272] : memref<10112x64xf32, #tpu.memory_space<vmem_shared>> -> memref<10112x64xf32, #tpu.memory_space<vmem_shared>>
      tpu.wait_indirect_dma semaphore(%arg19 : memref<!tpu.dma_semaphore, #tpu.memory_space<semaphore_mem>>) src(%arg11 : memref<128x64xf32, #tpu.memory_space<vmem>>) dst(%dma_wait3A_273 : memref<10112x64xf32, #tpu.memory_space<vmem_shared>>)
      %add3A_274 = arith.constant 1 : i32
      %add3A_275 = arith.addi %while3A_180, %add3A_274 : i32
      %mul3A_276 = arith.constant 4 : i32
      %mul3A_277 = arith.muli %add3A_275, %mul3A_276 : i32
      %add3A_278 = arith.constant 1 : i32
      %add3A_279 = arith.addi %mul3A_277, %add3A_278 : i32
      %mul3A_280 = arith.constant 128 : i32
      %mul3A_281 = arith.muli %add3A_279, %mul3A_280 : i32
      %dma_start3A_282 = tpu.memref_slice %arg8[%mul3A_281] : memref<16384xi32, #tpu.memory_space<vmem>> -> memref<128xi32, #tpu.memory_space<vmem>>
      %dma_start3A_283 = arith.constant 0 : i32
      %dma_start3A_284 = arith.constant 0 : i32
      %dma_start3A_285 = tpu.memref_slice %arg4[%dma_start3A_283, %dma_start3A_284] : memref<10112x64xf32, #tpu.memory_space<hbm>> -> memref<10112x64xf32, #tpu.memory_space<hbm>>
      tpu.enqueue_indirect_dma source(%dma_start3A_285 : memref<10112x64xf32, #tpu.memory_space<hbm>>) target(%arg11 : memref<128x64xf32, #tpu.memory_space<vmem>>) offsets(%dma_start3A_282 : memref<128xi32, #tpu.memory_space<vmem>>) semaphore(%arg15 : memref<!tpu.dma_semaphore, #tpu.memory_space<semaphore_mem>>)
      %dma_wait3A_286 = arith.constant 0 : i32
      %dma_wait3A_287 = arith.constant 0 : i32
      %dma_wait3A_288 = arith.constant 0 : i32
      %dma_wait3A_289 = tpu.memref_slice %arg9[%dma_wait3A_286, %dma_wait3A_287, %dma_wait3A_288] : memref<128x1x128xi32, #tpu.memory_space<vmem>> -> memref<1x1x128xi32, #tpu.memory_space<vmem>>
      %dma_wait3A_290 = tpu.memref_squeeze %dma_wait3A_289 : memref<1x1x128xi32, #tpu.memory_space<vmem>> -> memref<128xi32, #tpu.memory_space<vmem>>
      %dma_wait3A_291 = arith.constant 0 : i32
      %dma_wait3A_292 = arith.constant 0 : i32
      %dma_wait3A_293 = tpu.memref_slice %arg7[%dma_wait3A_291, %dma_wait3A_292] : memref<10112x64xf32, #tpu.memory_space<vmem_shared>> -> memref<10112x64xf32, #tpu.memory_space<vmem_shared>>
      tpu.wait_indirect_dma semaphore(%arg20 : memref<!tpu.dma_semaphore, #tpu.memory_space<semaphore_mem>>) src(%arg12 : memref<128x64xf32, #tpu.memory_space<vmem>>) dst(%dma_wait3A_293 : memref<10112x64xf32, #tpu.memory_space<vmem_shared>>)
      %add3A_294 = arith.constant 1 : i32
      %add3A_295 = arith.addi %while3A_180, %add3A_294 : i32
      %mul3A_296 = arith.constant 4 : i32
      %mul3A_297 = arith.muli %add3A_295, %mul3A_296 : i32
      %add3A_298 = arith.constant 2 : i32
      %add3A_299 = arith.addi %mul3A_297, %add3A_298 : i32
      %mul3A_300 = arith.constant 128 : i32
      %mul3A_301 = arith.muli %add3A_299, %mul3A_300 : i32
      %dma_start3A_302 = tpu.memref_slice %arg8[%mul3A_301] : memref<16384xi32, #tpu.memory_space<vmem>> -> memref<128xi32, #tpu.memory_space<vmem>>
      %dma_start3A_303 = arith.constant 0 : i32
      %dma_start3A_304 = arith.constant 0 : i32
      %dma_start3A_305 = tpu.memref_slice %arg4[%dma_start3A_303, %dma_start3A_304] : memref<10112x64xf32, #tpu.memory_space<hbm>> -> memref<10112x64xf32, #tpu.memory_space<hbm>>
      tpu.enqueue_indirect_dma source(%dma_start3A_305 : memref<10112x64xf32, #tpu.memory_space<hbm>>) target(%arg12 : memref<128x64xf32, #tpu.memory_space<vmem>>) offsets(%dma_start3A_302 : memref<128xi32, #tpu.memory_space<vmem>>) semaphore(%arg16 : memref<!tpu.dma_semaphore, #tpu.memory_space<semaphore_mem>>)
      %dma_wait3A_306 = arith.constant 0 : i32
      %dma_wait3A_307 = arith.constant 0 : i32
      %dma_wait3A_308 = arith.constant 0 : i32
      %dma_wait3A_309 = tpu.memref_slice %arg9[%dma_wait3A_306, %dma_wait3A_307, %dma_wait3A_308] : memref<128x1x128xi32, #tpu.memory_space<vmem>> -> memref<1x1x128xi32, #tpu.memory_space<vmem>>
      %dma_wait3A_310 = tpu.memref_squeeze %dma_wait3A_309 : memref<1x1x128xi32, #tpu.memory_space<vmem>> -> memref<128xi32, #tpu.memory_space<vmem>>
      %dma_wait3A_311 = arith.constant 0 : i32
      %dma_wait3A_312 = arith.constant 0 : i32
      %dma_wait3A_313 = tpu.memref_slice %arg7[%dma_wait3A_311, %dma_wait3A_312] : memref<10112x64xf32, #tpu.memory_space<vmem_shared>> -> memref<10112x64xf32, #tpu.memory_space<vmem_shared>>
      tpu.wait_indirect_dma semaphore(%arg21 : memref<!tpu.dma_semaphore, #tpu.memory_space<semaphore_mem>>) src(%arg13 : memref<128x64xf32, #tpu.memory_space<vmem>>) dst(%dma_wait3A_313 : memref<10112x64xf32, #tpu.memory_space<vmem_shared>>)
      %add3A_314 = arith.constant 1 : i32
      %add3A_315 = arith.addi %while3A_180, %add3A_314 : i32
      %mul3A_316 = arith.constant 4 : i32
      %mul3A_317 = arith.muli %add3A_315, %mul3A_316 : i32
      %add3A_318 = arith.constant 3 : i32
      %add3A_319 = arith.addi %mul3A_317, %add3A_318 : i32
      %mul3A_320 = arith.constant 128 : i32
      %mul3A_321 = arith.muli %add3A_319, %mul3A_320 : i32
      %dma_start3A_322 = tpu.memref_slice %arg8[%mul3A_321] : memref<16384xi32, #tpu.memory_space<vmem>> -> memref<128xi32, #tpu.memory_space<vmem>>
      %dma_start3A_323 = arith.constant 0 : i32
      %dma_start3A_324 = arith.constant 0 : i32
      %dma_start3A_325 = tpu.memref_slice %arg4[%dma_start3A_323, %dma_start3A_324] : memref<10112x64xf32, #tpu.memory_space<hbm>> -> memref<10112x64xf32, #tpu.memory_space<hbm>>
      tpu.enqueue_indirect_dma source(%dma_start3A_325 : memref<10112x64xf32, #tpu.memory_space<hbm>>) target(%arg13 : memref<128x64xf32, #tpu.memory_space<vmem>>) offsets(%dma_start3A_322 : memref<128xi32, #tpu.memory_space<vmem>>) semaphore(%arg17 : memref<!tpu.dma_semaphore, #tpu.memory_space<semaphore_mem>>)
      %while3A_326 = arith.constant 0 : i32
      scf.yield %while3A_326 : i32
    }
    %dma_wait3A = arith.constant 0 : i32
    %dma_wait3A_76 = tpu.memref_slice %arg8[%dma_wait3A] : memref<16384xi32, #tpu.memory_space<vmem>> -> memref<128xi32, #tpu.memory_space<vmem>>
    %dma_wait3A_77 = arith.constant 0 : i32
    %dma_wait3A_78 = arith.constant 0 : i32
    %dma_wait3A_79 = tpu.memref_slice %arg4[%dma_wait3A_77, %dma_wait3A_78] : memref<10112x64xf32, #tpu.memory_space<hbm>> -> memref<10112x64xf32, #tpu.memory_space<hbm>>
    tpu.wait_indirect_dma semaphore(%arg14 : memref<!tpu.dma_semaphore, #tpu.memory_space<semaphore_mem>>) src(%dma_wait3A_79 : memref<10112x64xf32, #tpu.memory_space<hbm>>) dst(%arg10 : memref<128x64xf32, #tpu.memory_space<vmem>>)
    %sub3A_80 = arith.constant 1 : i32
    %sub3A_81 = arith.subi %select_n3A_43, %sub3A_80 : i32
    %mul3A_82 = arith.constant 4 : i32
    %mul3A_83 = arith.muli %sub3A_81, %mul3A_82 : i32
    %add3A_84 = arith.constant 0 : i32
    %add3A_85 = arith.addi %mul3A_83, %add3A_84 : i32
    %dma_start3A_86 = arith.constant 0 : i32
    %dma_start3A_87 = arith.constant 0 : i32
    %dma_start3A_88 = tpu.memref_slice %arg9[%add3A_85, %dma_start3A_86, %dma_start3A_87] : memref<128x1x128xi32, #tpu.memory_space<vmem>> -> memref<1x1x128xi32, #tpu.memory_space<vmem>>
    %dma_start3A_89 = tpu.memref_squeeze %dma_start3A_88 : memref<1x1x128xi32, #tpu.memory_space<vmem>> -> memref<128xi32, #tpu.memory_space<vmem>>
    %dma_start3A_90 = arith.constant 0 : i32
    %dma_start3A_91 = arith.constant 0 : i32
    %dma_start3A_92 = tpu.memref_slice %arg7[%dma_start3A_90, %dma_start3A_91] : memref<10112x64xf32, #tpu.memory_space<vmem_shared>> -> memref<10112x64xf32, #tpu.memory_space<vmem_shared>>
    tpu.enqueue_indirect_dma source(%arg10 : memref<128x64xf32, #tpu.memory_space<vmem>>) target(%dma_start3A_92 : memref<10112x64xf32, #tpu.memory_space<vmem_shared>>) offsets(%dma_start3A_89 : memref<128xi32, #tpu.memory_space<vmem>>) semaphore(%arg18 : memref<!tpu.dma_semaphore, #tpu.memory_space<semaphore_mem>>) {add = true}
    %dma_wait3A_93 = arith.constant 0 : i32
    %dma_wait3A_94 = tpu.memref_slice %arg8[%dma_wait3A_93] : memref<16384xi32, #tpu.memory_space<vmem>> -> memref<128xi32, #tpu.memory_space<vmem>>
    %dma_wait3A_95 = arith.constant 0 : i32
    %dma_wait3A_96 = arith.constant 0 : i32
    %dma_wait3A_97 = tpu.memref_slice %arg4[%dma_wait3A_95, %dma_wait3A_96] : memref<10112x64xf32, #tpu.memory_space<hbm>> -> memref<10112x64xf32, #tpu.memory_space<hbm>>
    tpu.wait_indirect_dma semaphore(%arg15 : memref<!tpu.dma_semaphore, #tpu.memory_space<semaphore_mem>>) src(%dma_wait3A_97 : memref<10112x64xf32, #tpu.memory_space<hbm>>) dst(%arg11 : memref<128x64xf32, #tpu.memory_space<vmem>>)
    %sub3A_98 = arith.constant 1 : i32
    %sub3A_99 = arith.subi %select_n3A_43, %sub3A_98 : i32
    %mul3A_100 = arith.constant 4 : i32
    %mul3A_101 = arith.muli %sub3A_99, %mul3A_100 : i32
    %add3A_102 = arith.constant 1 : i32
    %add3A_103 = arith.addi %mul3A_101, %add3A_102 : i32
    %dma_start3A_104 = arith.constant 0 : i32
    %dma_start3A_105 = arith.constant 0 : i32
    %dma_start3A_106 = tpu.memref_slice %arg9[%add3A_103, %dma_start3A_104, %dma_start3A_105] : memref<128x1x128xi32, #tpu.memory_space<vmem>> -> memref<1x1x128xi32, #tpu.memory_space<vmem>>
    %dma_start3A_107 = tpu.memref_squeeze %dma_start3A_106 : memref<1x1x128xi32, #tpu.memory_space<vmem>> -> memref<128xi32, #tpu.memory_space<vmem>>
    %dma_start3A_108 = arith.constant 0 : i32
    %dma_start3A_109 = arith.constant 0 : i32
    %dma_start3A_110 = tpu.memref_slice %arg7[%dma_start3A_108, %dma_start3A_109] : memref<10112x64xf32, #tpu.memory_space<vmem_shared>> -> memref<10112x64xf32, #tpu.memory_space<vmem_shared>>
    tpu.enqueue_indirect_dma source(%arg11 : memref<128x64xf32, #tpu.memory_space<vmem>>) target(%dma_start3A_110 : memref<10112x64xf32, #tpu.memory_space<vmem_shared>>) offsets(%dma_start3A_107 : memref<128xi32, #tpu.memory_space<vmem>>) semaphore(%arg19 : memref<!tpu.dma_semaphore, #tpu.memory_space<semaphore_mem>>) {add = true}
    %dma_wait3A_111 = arith.constant 0 : i32
    %dma_wait3A_112 = tpu.memref_slice %arg8[%dma_wait3A_111] : memref<16384xi32, #tpu.memory_space<vmem>> -> memref<128xi32, #tpu.memory_space<vmem>>
    %dma_wait3A_113 = arith.constant 0 : i32
    %dma_wait3A_114 = arith.constant 0 : i32
    %dma_wait3A_115 = tpu.memref_slice %arg4[%dma_wait3A_113, %dma_wait3A_114] : memref<10112x64xf32, #tpu.memory_space<hbm>> -> memref<10112x64xf32, #tpu.memory_space<hbm>>
    tpu.wait_indirect_dma semaphore(%arg16 : memref<!tpu.dma_semaphore, #tpu.memory_space<semaphore_mem>>) src(%dma_wait3A_115 : memref<10112x64xf32, #tpu.memory_space<hbm>>) dst(%arg12 : memref<128x64xf32, #tpu.memory_space<vmem>>)
    %sub3A_116 = arith.constant 1 : i32
    %sub3A_117 = arith.subi %select_n3A_43, %sub3A_116 : i32
    %mul3A_118 = arith.constant 4 : i32
    %mul3A_119 = arith.muli %sub3A_117, %mul3A_118 : i32
    %add3A_120 = arith.constant 2 : i32
    %add3A_121 = arith.addi %mul3A_119, %add3A_120 : i32
    %dma_start3A_122 = arith.constant 0 : i32
    %dma_start3A_123 = arith.constant 0 : i32
    %dma_start3A_124 = tpu.memref_slice %arg9[%add3A_121, %dma_start3A_122, %dma_start3A_123] : memref<128x1x128xi32, #tpu.memory_space<vmem>> -> memref<1x1x128xi32, #tpu.memory_space<vmem>>
    %dma_start3A_125 = tpu.memref_squeeze %dma_start3A_124 : memref<1x1x128xi32, #tpu.memory_space<vmem>> -> memref<128xi32, #tpu.memory_space<vmem>>
    %dma_start3A_126 = arith.constant 0 : i32
    %dma_start3A_127 = arith.constant 0 : i32
    %dma_start3A_128 = tpu.memref_slice %arg7[%dma_start3A_126, %dma_start3A_127] : memref<10112x64xf32, #tpu.memory_space<vmem_shared>> -> memref<10112x64xf32, #tpu.memory_space<vmem_shared>>
    tpu.enqueue_indirect_dma source(%arg12 : memref<128x64xf32, #tpu.memory_space<vmem>>) target(%dma_start3A_128 : memref<10112x64xf32, #tpu.memory_space<vmem_shared>>) offsets(%dma_start3A_125 : memref<128xi32, #tpu.memory_space<vmem>>) semaphore(%arg20 : memref<!tpu.dma_semaphore, #tpu.memory_space<semaphore_mem>>) {add = true}
    %dma_wait3A_129 = arith.constant 0 : i32
    %dma_wait3A_130 = tpu.memref_slice %arg8[%dma_wait3A_129] : memref<16384xi32, #tpu.memory_space<vmem>> -> memref<128xi32, #tpu.memory_space<vmem>>
    %dma_wait3A_131 = arith.constant 0 : i32
    %dma_wait3A_132 = arith.constant 0 : i32
    %dma_wait3A_133 = tpu.memref_slice %arg4[%dma_wait3A_131, %dma_wait3A_132] : memref<10112x64xf32, #tpu.memory_space<hbm>> -> memref<10112x64xf32, #tpu.memory_space<hbm>>
    tpu.wait_indirect_dma semaphore(%arg17 : memref<!tpu.dma_semaphore, #tpu.memory_space<semaphore_mem>>) src(%dma_wait3A_133 : memref<10112x64xf32, #tpu.memory_space<hbm>>) dst(%arg13 : memref<128x64xf32, #tpu.memory_space<vmem>>)
    %sub3A_134 = arith.constant 1 : i32
    %sub3A_135 = arith.subi %select_n3A_43, %sub3A_134 : i32
    %mul3A_136 = arith.constant 4 : i32
    %mul3A_137 = arith.muli %sub3A_135, %mul3A_136 : i32
    %add3A_138 = arith.constant 3 : i32
    %add3A_139 = arith.addi %mul3A_137, %add3A_138 : i32
    %dma_start3A_140 = arith.constant 0 : i32
    %dma_start3A_141 = arith.constant 0 : i32
    %dma_start3A_142 = tpu.memref_slice %arg9[%add3A_139, %dma_start3A_140, %dma_start3A_141] : memref<128x1x128xi32, #tpu.memory_space<vmem>> -> memref<1x1x128xi32, #tpu.memory_space<vmem>>
    %dma_start3A_143 = tpu.memref_squeeze %dma_start3A_142 : memref<1x1x128xi32, #tpu.memory_space<vmem>> -> memref<128xi32, #tpu.memory_space<vmem>>
    %dma_start3A_144 = arith.constant 0 : i32
    %dma_start3A_145 = arith.constant 0 : i32
    %dma_start3A_146 = tpu.memref_slice %arg7[%dma_start3A_144, %dma_start3A_145] : memref<10112x64xf32, #tpu.memory_space<vmem_shared>> -> memref<10112x64xf32, #tpu.memory_space<vmem_shared>>
    tpu.enqueue_indirect_dma source(%arg13 : memref<128x64xf32, #tpu.memory_space<vmem>>) target(%dma_start3A_146 : memref<10112x64xf32, #tpu.memory_space<vmem_shared>>) offsets(%dma_start3A_143 : memref<128xi32, #tpu.memory_space<vmem>>) semaphore(%arg21 : memref<!tpu.dma_semaphore, #tpu.memory_space<semaphore_mem>>) {add = true}
    %dma_wait3A_147 = arith.constant 0 : i32
    %dma_wait3A_148 = arith.constant 0 : i32
    %dma_wait3A_149 = arith.constant 0 : i32
    %dma_wait3A_150 = tpu.memref_slice %arg9[%dma_wait3A_147, %dma_wait3A_148, %dma_wait3A_149] : memref<128x1x128xi32, #tpu.memory_space<vmem>> -> memref<1x1x128xi32, #tpu.memory_space<vmem>>
    %dma_wait3A_151 = tpu.memref_squeeze %dma_wait3A_150 : memref<1x1x128xi32, #tpu.memory_space<vmem>> -> memref<128xi32, #tpu.memory_space<vmem>>
    %dma_wait3A_152 = arith.constant 0 : i32
    %dma_wait3A_153 = arith.constant 0 : i32
    %dma_wait3A_154 = tpu.memref_slice %arg7[%dma_wait3A_152, %dma_wait3A_153] : memref<10112x64xf32, #tpu.memory_space<vmem_shared>> -> memref<10112x64xf32, #tpu.memory_space<vmem_shared>>
    tpu.wait_indirect_dma semaphore(%arg18 : memref<!tpu.dma_semaphore, #tpu.memory_space<semaphore_mem>>) src(%arg10 : memref<128x64xf32, #tpu.memory_space<vmem>>) dst(%dma_wait3A_154 : memref<10112x64xf32, #tpu.memory_space<vmem_shared>>)
    %dma_wait3A_155 = arith.constant 0 : i32
    %dma_wait3A_156 = arith.constant 0 : i32
    %dma_wait3A_157 = arith.constant 0 : i32
    %dma_wait3A_158 = tpu.memref_slice %arg9[%dma_wait3A_155, %dma_wait3A_156, %dma_wait3A_157] : memref<128x1x128xi32, #tpu.memory_space<vmem>> -> memref<1x1x128xi32, #tpu.memory_space<vmem>>
    %dma_wait3A_159 = tpu.memref_squeeze %dma_wait3A_158 : memref<1x1x128xi32, #tpu.memory_space<vmem>> -> memref<128xi32, #tpu.memory_space<vmem>>
    %dma_wait3A_160 = arith.constant 0 : i32
    %dma_wait3A_161 = arith.constant 0 : i32
    %dma_wait3A_162 = tpu.memref_slice %arg7[%dma_wait3A_160, %dma_wait3A_161] : memref<10112x64xf32, #tpu.memory_space<vmem_shared>> -> memref<10112x64xf32, #tpu.memory_space<vmem_shared>>
    tpu.wait_indirect_dma semaphore(%arg19 : memref<!tpu.dma_semaphore, #tpu.memory_space<semaphore_mem>>) src(%arg11 : memref<128x64xf32, #tpu.memory_space<vmem>>) dst(%dma_wait3A_162 : memref<10112x64xf32, #tpu.memory_space<vmem_shared>>)
    %dma_wait3A_163 = arith.constant 0 : i32
    %dma_wait3A_164 = arith.constant 0 : i32
    %dma_wait3A_165 = arith.constant 0 : i32
    %dma_wait3A_166 = tpu.memref_slice %arg9[%dma_wait3A_163, %dma_wait3A_164, %dma_wait3A_165] : memref<128x1x128xi32, #tpu.memory_space<vmem>> -> memref<1x1x128xi32, #tpu.memory_space<vmem>>
    %dma_wait3A_167 = tpu.memref_squeeze %dma_wait3A_166 : memref<1x1x128xi32, #tpu.memory_space<vmem>> -> memref<128xi32, #tpu.memory_space<vmem>>
    %dma_wait3A_168 = arith.constant 0 : i32
    %dma_wait3A_169 = arith.constant 0 : i32
    %dma_wait3A_170 = tpu.memref_slice %arg7[%dma_wait3A_168, %dma_wait3A_169] : memref<10112x64xf32, #tpu.memory_space<vmem_shared>> -> memref<10112x64xf32, #tpu.memory_space<vmem_shared>>
    tpu.wait_indirect_dma semaphore(%arg20 : memref<!tpu.dma_semaphore, #tpu.memory_space<semaphore_mem>>) src(%arg12 : memref<128x64xf32, #tpu.memory_space<vmem>>) dst(%dma_wait3A_170 : memref<10112x64xf32, #tpu.memory_space<vmem_shared>>)
    %dma_wait3A_171 = arith.constant 0 : i32
    %dma_wait3A_172 = arith.constant 0 : i32
    %dma_wait3A_173 = arith.constant 0 : i32
    %dma_wait3A_174 = tpu.memref_slice %arg9[%dma_wait3A_171, %dma_wait3A_172, %dma_wait3A_173] : memref<128x1x128xi32, #tpu.memory_space<vmem>> -> memref<1x1x128xi32, #tpu.memory_space<vmem>>
    %dma_wait3A_175 = tpu.memref_squeeze %dma_wait3A_174 : memref<1x1x128xi32, #tpu.memory_space<vmem>> -> memref<128xi32, #tpu.memory_space<vmem>>
    %dma_wait3A_176 = arith.constant 0 : i32
    %dma_wait3A_177 = arith.constant 0 : i32
    %dma_wait3A_178 = tpu.memref_slice %arg7[%dma_wait3A_176, %dma_wait3A_177] : memref<10112x64xf32, #tpu.memory_space<vmem_shared>> -> memref<10112x64xf32, #tpu.memory_space<vmem_shared>>
    tpu.wait_indirect_dma semaphore(%arg21 : memref<!tpu.dma_semaphore, #tpu.memory_space<semaphore_mem>>) src(%arg13 : memref<128x64xf32, #tpu.memory_space<vmem>>) dst(%dma_wait3A_178 : memref<10112x64xf32, #tpu.memory_space<vmem_shared>>)
    %barrier3A_179 = arith.constant 0 : index
    tpu.barrier barrier_id(%barrier3A_179)
    "tpu.region"() ({
      %run_scoped3A = tpu.sem_alloc : memref<!tpu.dma_semaphore, #tpu.memory_space<semaphore_mem>>
      %dma_start3A_180 = arith.constant 0 : i32
      %dma_start3A_181 = tpu.memref_slice %arg6[%arg0, %mul3A_0, %dma_start3A_180] : memref<2x10112x64xf32, #tpu.memory_space<hbm>> -> memref<1x632x64xf32, #tpu.memory_space<hbm>>
      %dma_start3A_182 = tpu.memref_squeeze %dma_start3A_181 : memref<1x632x64xf32, #tpu.memory_space<hbm>> -> memref<632x64xf32, #tpu.memory_space<hbm>>
      %dma_start3A_183 = arith.constant 0 : i32
      %dma_start3A_184 = tpu.memref_slice %arg7[%mul3A_0, %dma_start3A_183] : memref<10112x64xf32, #tpu.memory_space<vmem_shared>> -> memref<632x64xf32, #tpu.memory_space<vmem_shared>>
      tpu.enqueue_dma source(%dma_start3A_184 : memref<632x64xf32, #tpu.memory_space<vmem_shared>>) target(%dma_start3A_182 : memref<632x64xf32, #tpu.memory_space<hbm>>) target_semaphore(%run_scoped3A : memref<!tpu.dma_semaphore, #tpu.memory_space<semaphore_mem>>)
      %dma_wait3A_185 = arith.constant 0 : i32
      %dma_wait3A_186 = tpu.memref_slice %arg6[%arg0, %mul3A_0, %dma_wait3A_185] : memref<2x10112x64xf32, #tpu.memory_space<hbm>> -> memref<1x632x64xf32, #tpu.memory_space<hbm>>
      %dma_wait3A_187 = tpu.memref_squeeze %dma_wait3A_186 : memref<1x632x64xf32, #tpu.memory_space<hbm>> -> memref<632x64xf32, #tpu.memory_space<hbm>>
      %dma_wait3A_188 = arith.constant 0 : i32
      %dma_wait3A_189 = tpu.memref_slice %arg7[%mul3A_0, %dma_wait3A_188] : memref<10112x64xf32, #tpu.memory_space<vmem_shared>> -> memref<632x64xf32, #tpu.memory_space<vmem_shared>>
      tpu.wait_dma2 semaphore(%run_scoped3A : memref<!tpu.dma_semaphore, #tpu.memory_space<semaphore_mem>>) src(%dma_wait3A_189 : memref<632x64xf32, #tpu.memory_space<vmem_shared>>) dst(%dma_wait3A_187 : memref<632x64xf32, #tpu.memory_space<hbm>>)
      tpu.yield
    }) : () -> ()
    return
  }
}

module attributes {stable_mosaic.version = 14 : i64} {
  func.func @body(%arg0: memref<2x10112x64xf32, #tpu.memory_space<vmem>>, %arg1: memref<2x10112x64xf32, #tpu.memory_space<vmem>>, %arg2: memref<64x64xf32, #tpu.memory_space<vmem>>, %arg3: memref<64x64xf32, #tpu.memory_space<vmem>>, %arg4: memref<1x64xf32, #tpu.memory_space<vmem>>, %arg5: memref<10112x64xf32, #tpu.memory_space<vmem>>) attributes {dimension_semantics = [], scalar_prefetch = 0 : i64, scratch_operands = 0 : i64, tpu.core_type = #tpu.core_type<tc>} {
    %get3A = arith.constant 0 : index
    %get3A_0 = arith.constant 0 : index
    %get3A_1 = arith.constant 0 : index
    %get3A_2 = vector.load %arg0[%get3A, %get3A_0, %get3A_1] : memref<2x10112x64xf32, #tpu.memory_space<vmem>>, vector<1x10112x64xf32>
    %get3A_3 = vector.shape_cast %get3A_2 : vector<1x10112x64xf32> to vector<10112x64xf32>
    %get3A_4 = arith.constant 1 : index
    %get3A_5 = arith.constant 0 : index
    %get3A_6 = arith.constant 0 : index
    %get3A_7 = vector.load %arg0[%get3A_4, %get3A_5, %get3A_6] : memref<2x10112x64xf32, #tpu.memory_space<vmem>>, vector<1x10112x64xf32>
    %get3A_8 = vector.shape_cast %get3A_7 : vector<1x10112x64xf32> to vector<10112x64xf32>
    %add3A = arith.addf %get3A_3, %get3A_8 : vector<10112x64xf32>
    %get3A_9 = arith.constant 0 : index
    %get3A_10 = arith.constant 0 : index
    %get3A_11 = vector.load %arg2[%get3A_9, %get3A_10] : memref<64x64xf32, #tpu.memory_space<vmem>>, vector<64x64xf32>
    %dot_general3A = arith.constant dense<0.000000e+00> : vector<10112x64xf32>
    %dot_general3A_12 = tpu.matmul %add3A, %get3A_11, %dot_general3A {dimension_numbers = #tpu.dot_dimension_numbers<[1], [0], [0], [1], [0, 0, 1, 1], [], []>, transpose_lhs_hint = false} : vector<10112x64xf32>, vector<64x64xf32>, vector<10112x64xf32> -> vector<10112x64xf32>
    %get3A_13 = arith.constant 0 : index
    %get3A_14 = arith.constant 0 : index
    %get3A_15 = arith.constant 0 : index
    %get3A_16 = vector.load %arg1[%get3A_13, %get3A_14, %get3A_15] : memref<2x10112x64xf32, #tpu.memory_space<vmem>>, vector<1x10112x64xf32>
    %get3A_17 = vector.shape_cast %get3A_16 : vector<1x10112x64xf32> to vector<10112x64xf32>
    %get3A_18 = arith.constant 1 : index
    %get3A_19 = arith.constant 0 : index
    %get3A_20 = arith.constant 0 : index
    %get3A_21 = vector.load %arg1[%get3A_18, %get3A_19, %get3A_20] : memref<2x10112x64xf32, #tpu.memory_space<vmem>>, vector<1x10112x64xf32>
    %get3A_22 = vector.shape_cast %get3A_21 : vector<1x10112x64xf32> to vector<10112x64xf32>
    %add3A_23 = arith.addf %get3A_17, %get3A_22 : vector<10112x64xf32>
    %get3A_24 = arith.constant 0 : index
    %get3A_25 = arith.constant 0 : index
    %get3A_26 = vector.load %arg3[%get3A_24, %get3A_25] : memref<64x64xf32, #tpu.memory_space<vmem>>, vector<64x64xf32>
    %dot_general3A_27 = arith.constant dense<0.000000e+00> : vector<10112x64xf32>
    %dot_general3A_28 = tpu.matmul %add3A_23, %get3A_26, %dot_general3A_27 {dimension_numbers = #tpu.dot_dimension_numbers<[1], [0], [0], [1], [0, 0, 1, 1], [], []>, transpose_lhs_hint = false} : vector<10112x64xf32>, vector<64x64xf32>, vector<10112x64xf32> -> vector<10112x64xf32>
    %add3A_29 = arith.addf %dot_general3A_12, %dot_general3A_28 : vector<10112x64xf32>
    %get3A_30 = arith.constant 0 : index
    %get3A_31 = arith.constant 0 : index
    %get3A_32 = vector.load %arg4[%get3A_30, %get3A_31] : memref<1x64xf32, #tpu.memory_space<vmem>>, vector<1x64xf32>
    %add3A_33 = vector.broadcast %get3A_32 : vector<1x64xf32> to vector<10112x64xf32>
    %add3A_34 = arith.addf %add3A_29, %add3A_33 : vector<10112x64xf32>
    %max3A = arith.constant 0.000000e+00 : f32
    %max3A_35 = vector.broadcast %max3A : f32 to vector<10112x64xf32>
    %max3A_36 = arith.maximumf %add3A_34, %max3A_35 : vector<10112x64xf32>
    %swap3A = arith.constant 0 : index
    %swap3A_37 = arith.constant 0 : index
    %swap3A_38 = vector.load %arg5[%swap3A, %swap3A_37] : memref<10112x64xf32, #tpu.memory_space<vmem>>, vector<10112x64xf32>
    tpu.vector_store %arg5[%swap3A, %swap3A_37], %max3A_36 {strides = array<i32>} : memref<10112x64xf32, #tpu.memory_space<vmem>>, vector<10112x64xf32>,
    return
  }
}

module attributes {stable_mosaic.version = 14 : i64} {
  func.func @body(%arg0: memref<2x10112x64xf32, #tpu.memory_space<vmem>>, %arg1: memref<64x64xf32, #tpu.memory_space<vmem>>, %arg2: memref<1x64xf32, #tpu.memory_space<vmem>>, %arg3: memref<10112x64xf32, #tpu.memory_space<vmem>>) attributes {dimension_semantics = [], scalar_prefetch = 0 : i64, scratch_operands = 0 : i64, tpu.core_type = #tpu.core_type<tc>} {
    %get3A = arith.constant 0 : index
    %get3A_0 = arith.constant 0 : index
    %get3A_1 = arith.constant 0 : index
    %get3A_2 = vector.load %arg0[%get3A, %get3A_0, %get3A_1] : memref<2x10112x64xf32, #tpu.memory_space<vmem>>, vector<1x10112x64xf32>
    %get3A_3 = vector.shape_cast %get3A_2 : vector<1x10112x64xf32> to vector<10112x64xf32>
    %get3A_4 = arith.constant 1 : index
    %get3A_5 = arith.constant 0 : index
    %get3A_6 = arith.constant 0 : index
    %get3A_7 = vector.load %arg0[%get3A_4, %get3A_5, %get3A_6] : memref<2x10112x64xf32, #tpu.memory_space<vmem>>, vector<1x10112x64xf32>
    %get3A_8 = vector.shape_cast %get3A_7 : vector<1x10112x64xf32> to vector<10112x64xf32>
    %add3A = arith.addf %get3A_3, %get3A_8 : vector<10112x64xf32>
    %get3A_9 = arith.constant 0 : index
    %get3A_10 = arith.constant 0 : index
    %get3A_11 = vector.load %arg1[%get3A_9, %get3A_10] : memref<64x64xf32, #tpu.memory_space<vmem>>, vector<64x64xf32>
    %dot_general3A = arith.constant dense<0.000000e+00> : vector<10112x64xf32>
    %dot_general3A_12 = tpu.matmul %add3A, %get3A_11, %dot_general3A {dimension_numbers = #tpu.dot_dimension_numbers<[1], [0], [0], [1], [0, 0, 1, 1], [], []>, transpose_lhs_hint = false} : vector<10112x64xf32>, vector<64x64xf32>, vector<10112x64xf32> -> vector<10112x64xf32>
    %get3A_13 = arith.constant 0 : index
    %get3A_14 = arith.constant 0 : index
    %get3A_15 = vector.load %arg2[%get3A_13, %get3A_14] : memref<1x64xf32, #tpu.memory_space<vmem>>, vector<1x64xf32>
    %add3A_16 = vector.broadcast %get3A_15 : vector<1x64xf32> to vector<10112x64xf32>
    %add3A_17 = arith.addf %dot_general3A_12, %add3A_16 : vector<10112x64xf32>
    %max3A = arith.constant 0.000000e+00 : f32
    %max3A_18 = vector.broadcast %max3A : f32 to vector<10112x64xf32>
    %max3A_19 = arith.maximumf %add3A_17, %max3A_18 : vector<10112x64xf32>
    %swap3A = arith.constant 0 : index
    %swap3A_20 = arith.constant 0 : index
    %swap3A_21 = vector.load %arg3[%swap3A, %swap3A_20] : memref<10112x64xf32, #tpu.memory_space<vmem>>, vector<10112x64xf32>
    tpu.vector_store %arg3[%swap3A, %swap3A_20], %max3A_19 {strides = array<i32>} : memref<10112x64xf32, #tpu.memory_space<vmem>>, vector<10112x64xf32>,
    return
  }
}

module attributes {stable_mosaic.version = 14 : i64} {
  func.func @body(%arg0: memref<2x10112x64xf32, #tpu.memory_space<vmem>>, %arg1: memref<64x16xf32, #tpu.memory_space<vmem>>, %arg2: memref<1x16xf32, #tpu.memory_space<vmem>>, %arg3: memref<10112x16xf32, #tpu.memory_space<vmem>>) attributes {dimension_semantics = [], scalar_prefetch = 0 : i64, scratch_operands = 0 : i64, tpu.core_type = #tpu.core_type<tc>} {
    %get3A = arith.constant 0 : index
    %get3A_0 = arith.constant 0 : index
    %get3A_1 = arith.constant 0 : index
    %get3A_2 = vector.load %arg0[%get3A, %get3A_0, %get3A_1] : memref<2x10112x64xf32, #tpu.memory_space<vmem>>, vector<1x10112x64xf32>
    %get3A_3 = vector.shape_cast %get3A_2 : vector<1x10112x64xf32> to vector<10112x64xf32>
    %get3A_4 = arith.constant 1 : index
    %get3A_5 = arith.constant 0 : index
    %get3A_6 = arith.constant 0 : index
    %get3A_7 = vector.load %arg0[%get3A_4, %get3A_5, %get3A_6] : memref<2x10112x64xf32, #tpu.memory_space<vmem>>, vector<1x10112x64xf32>
    %get3A_8 = vector.shape_cast %get3A_7 : vector<1x10112x64xf32> to vector<10112x64xf32>
    %add3A = arith.addf %get3A_3, %get3A_8 : vector<10112x64xf32>
    %get3A_9 = arith.constant 0 : index
    %get3A_10 = arith.constant 0 : index
    %get3A_11 = vector.load %arg1[%get3A_9, %get3A_10] : memref<64x16xf32, #tpu.memory_space<vmem>>, vector<64x16xf32>
    %dot_general3A = arith.constant dense<0.000000e+00> : vector<10112x16xf32>
    %dot_general3A_12 = tpu.matmul %add3A, %get3A_11, %dot_general3A {dimension_numbers = #tpu.dot_dimension_numbers<[1], [0], [0], [1], [0, 0, 1, 1], [], []>, precision = #tpu.contract_precision<fp32>, transpose_lhs_hint = false} : vector<10112x64xf32>, vector<64x16xf32>, vector<10112x16xf32> -> vector<10112x16xf32>
    %get3A_13 = arith.constant 0 : index
    %get3A_14 = arith.constant 0 : index
    %get3A_15 = vector.load %arg2[%get3A_13, %get3A_14] : memref<1x16xf32, #tpu.memory_space<vmem>>, vector<1x16xf32>
    %add3A_16 = vector.broadcast %get3A_15 : vector<1x16xf32> to vector<10112x16xf32>
    %add3A_17 = arith.addf %dot_general3A_12, %add3A_16 : vector<10112x16xf32>
    %custom_jvp_call3A = arith.constant 0.000000e+00 : f32
    %max3A = vector.broadcast %custom_jvp_call3A : f32 to vector<10112x16xf32>
    %max3A_18 = arith.maximumf %add3A_17, %max3A : vector<10112x16xf32>
    %sub3A = vector.broadcast %custom_jvp_call3A : f32 to vector<10112x16xf32>
    %sub3A_19 = arith.subf %add3A_17, %sub3A : vector<10112x16xf32>
    %ne3A = arith.cmpf one, %sub3A_19, %sub3A_19 : vector<10112x16xf32>
    %add3A_20 = vector.broadcast %custom_jvp_call3A : f32 to vector<10112x16xf32>
    %add3A_21 = arith.addf %add3A_17, %add3A_20 : vector<10112x16xf32>
    %abs3A = math.absf %sub3A_19 : vector<10112x16xf32>
    %neg3A = arith.constant 0.000000e+00 : f32
    %neg3A_22 = vector.broadcast %neg3A : f32 to vector<10112x16xf32>
    %neg3A_23 = arith.subf %neg3A_22, %abs3A : vector<10112x16xf32>
    %exp3A = math.exp %neg3A_23 : vector<10112x16xf32>
    %log1p3A = math.log1p %exp3A : vector<10112x16xf32>
    %add3A_24 = arith.addf %max3A_18, %log1p3A : vector<10112x16xf32>
    %select_n3A = arith.select %ne3A, %add3A_21, %add3A_24 : vector<10112x16xi1>, vector<10112x16xf32>
    %swap3A = arith.constant 0 : index
    %swap3A_25 = arith.constant 0 : index
    %swap3A_26 = vector.load %arg3[%swap3A, %swap3A_25] : memref<10112x16xf32, #tpu.memory_space<vmem>>, vector<10112x16xf32>
    tpu.vector_store %arg3[%swap3A, %swap3A_25], %select_n3A {strides = array<i32>} : memref<10112x16xf32, #tpu.memory_space<vmem>>, vector<10112x16xf32>,
    return
  }
}

</mosaic_0001>

<sc_bundles>
// kernel: kernel.12.cloned.1.call-start
scs
__scs_entry_jumppad:
0x0: {  	(pc) =	sbr.rel $0x88, $3  }
0x1: {  	(tag) =	ssettag $0x0;
	lr =	simm.s32 $0x1  }
0x2: {  	[smem:$0x3F99] =	sst lr;
	_ =	strace $0xD0000000  }
0x3: {  	_ = 	snop  }
0x4: {  	_ = 	snop  }
0x5: {  	_ = 	snop  }
0x6: {  	_ = 	snop  }
0x7: {  	_ = 	snop  }
__scs_overlays_trampoline_lowered:
0x8: {  	[smem:$0x3FA8] =	sst s0  }
0x9: {  	[smem:$0x3FA9] =	sst s1  }
0xa: {  	[smem:$0x3FAA] =	sst s2  }
0xb: {  	[smem:$0x3FAB] =	sst s3  }
0xc: {  	[smem:$0x3FAC] =	sst s4  }
0xd: {  	[smem:$0x3FAD] =	sst s5  }
0xe: {  	[smem:$0x3FAE] =	sst s6  }
0xf: {  	[smem:$0x3FAF] =	sst s7  }
0x10: {  	[smem:$0x3FB0] =	sst s8  }
0x11: {  	[smem:$0x3FB1] =	sst s9;
	s0 =	simm.s32 @!p0 $0x0  }
0x12: {  	s1 =	sld [smem:$0x3F97];
	s0 =	simm.s32 @p0 $0x1  }
0x13: {  	[smem:$0x3FB2] =	sst s0;
	s0 =	simm.s32 @!p1 $0x0  }
0x14: {  	s2 =	sld [smem:$0x3F96];
	s0 =	simm.s32 @p1 $0x1  }
0x15: {  	[smem:$0x3FB3] =	sst s0;
	s0 =	simm.s32 @!p2 $0x0  }
0x16: {  	s3 =	sld [smem:$0x3FDB];
	s0 =	simm.s32 @p2 $0x1  }
0x17: {  	s4 =	simm.s32 $0x1BF5;
	[smem:$0x3FB5] =	sst s0  }
0x18: {  	s0 =	sld [smem:$0x3F98];
	_ =	swait.ge [sflag:s4], $0x0  }
0x19: {  	s7 =	sld [smem:$0x3F99]  }
0x1a: {  	s8 =	sadd.s32 $0xFFFFE003, lr  }
0x1b: {  	s9 =	sadd.s32 $0xFFFFFEF7, lr;
	s5 =	simm.s32 $0xFFFFFFFF;
	p2 =	slt.u32 s8, $0xFFFFF086  }
0x1c: {  	p1 =	slt.u32 s9, $0xF7A;
	s5 =	simm.s32 @!p2 $0x0  }
0x1d: {  	s5 =	simm.s32 @p1 $0x1;
	p0 =	seq.s32 s7, s2  }
0x1e: {  	s7 =	smul.u32 @!p0 $0xF7A, s2;
	p2 =	seq.s32 @!p0 s5, $0x0  }
0x1f: {  	s9 =	smul.u32 $0xF7A, s1;
	s8 =	simm.s32 @!p0 $0x1BF5;
	p2 =	por !p2, p0  }
0x20: {  	[sflag:s8] =	ssyncset.s32 @!p0 $0xFFFFF086;
	s6 =	sadd.s32 @!p0 s3, s7;
	s7 =	simm.s32 @!p0 $0x108  }
0x21: {  	s3 =	sadd.s32 s3, s9;
	s6 =	sadd.s32 @!p0 $0x88, s6;
	s7 =	simm.s32 @p2 $0x1082  }
0x22: {  	[simem:s7], [sflag:s8] =	dma.local @!p0 [hbm:s6], $0xF7A  }
0x23: {  	s9 =	sor.u32 $0xD0000000, s2;
	s6 =	simm.s32 $0x108;
	_ =	swait.ge @!p0 [sflag:s8], $0x0  }
0x24: {  	s3 =	sadd.s32 $0x88, s3;
	s6 =	simm.s32 @!p1 $0x1082;
	[sflag:s4] =	ssyncset.s32 $0xFFFFF086  }
0x25: {  	[simem:s6], [sflag:s4] =	dma.local [hbm:s3], $0xF7A  }
0x26: {  	[smem:$0x3F99] =	sst s1;
	(tag) =	ssettag s2;
	_ =	strace s9  }
0x27: {  	s1 =	sld [smem:$0x3FA9]  }
0x28: {  	s2 =	sld [smem:$0x3FAA]  }
0x29: {  	s4 =	sld [smem:$0x3FAC]  }
0x2a: {  	p0 =	seq.s32 s5, $0x0;
	s5 =	sld [smem:$0x3FAD]  }
0x2b: {  	s6 =	sld [smem:$0x3FAE]  }
0x2c: {  	s7 =	sld [smem:$0x3FAF]  }
0x2d: {  	s3 =	simm.s32 $0x108;
	s8 =	sld [smem:$0x3FB0]  }
0x2e: {  	s3 =	simm.s32 @!p0 $0x1082;
	s9 =	sld [smem:$0x3FB1]  }
0x2f: {  	lr =	sadd.s32 s0, s3;
	s0 =	sld [smem:$0x3FA8]  }
0x30: {  	s3 =	sld [smem:$0x3FAB]  }
0x31: {  	[smem:$0x3FB4] =	sst s10  }
0x32: {  	s10 =	sld [smem:$0x3FB2];
	_ =	sdelay $0x3  }
0x33: {  	p0 =	seq.s32 s10, $0x1;
	s10 =	sld [smem:$0x3FB4];
	_ =	sdelay $0x3  }
0x34: {  	[smem:$0x3FB4] =	sst s10  }
0x35: {  	s10 =	sld [smem:$0x3FB3];
	_ =	sdelay $0x3  }
0x36: {  	p1 =	seq.s32 s10, $0x1;
	s10 =	sld [smem:$0x3FB4];
	_ =	sdelay $0x3  }
0x37: {  	[smem:$0x3FB4] =	sst s10  }
0x38: {  	s10 =	sld [smem:$0x3FB5]  }
0x39: {  	_ = 	snop;
	(pc) =	sbr.ind lr, $3  }
0x3a: {  	_ = 	snop  }
0x3b: {  	_ = 	snop  }
0x3c: {  	p2 =	seq.s32 s10, $0x1;
	s10 =	sld [smem:$0x3FB4]  }
0x3d: {  	_ =	shalt  }
0x3e: {  	_ =	shalt  }
0x3f: {  	_ =	shalt  }
0x40: {  	_ =	shalt  }
0x41: {  	_ =	shalt  }
0x42: {  	_ =	shalt  }
0x43: {  	_ =	shalt  }
0x44: {  	_ =	shalt  }
0x45: {  	_ =	shalt  }
0x46: {  	_ =	shalt  }
0x47: {  	_ =	shalt  }
0x48: {  	_ =	shalt  }
0x49: {  	_ =	shalt  }
0x4a: {  	_ =	shalt  }
0x4b: {  	_ =	shalt  }
0x4c: {  	_ =	shalt  }
0x4d: {  	_ =	shalt  }
0x4e: {  	_ =	shalt  }
0x4f: {  	_ =	shalt  }
0x50: {  	_ =	shalt  }
0x51: {  	_ =	shalt  }
0x52: {  	_ =	shalt  }
0x53: {  	_ =	shalt  }
0x54: {  	_ =	shalt  }
0x55: {  	_ =	shalt  }
0x56: {  	_ =	shalt  }
0x57: {  	_ =	shalt  }
0x58: {  	_ =	shalt  }
0x59: {  	_ =	shalt  }
0x5a: {  	_ =	shalt  }
0x5b: {  	_ =	shalt  }
0x5c: {  	_ =	shalt  }
0x5d: {  	_ =	shalt  }
0x5e: {  	_ =	shalt  }
0x5f: {  	_ =	shalt  }
0x60: {  	_ =	shalt  }
0x61: {  	_ =	shalt  }
0x62: {  	_ =	shalt  }
0x63: {  	_ =	shalt  }
0x64: {  	_ =	shalt  }
0x65: {  	_ =	shalt  }
0x66: {  	_ =	shalt  }
0x67: {  	_ =	shalt  }
0x68: {  	_ =	shalt  }
0x69: {  	_ =	shalt  }
0x6a: {  	_ =	shalt  }
0x6b: {  	_ =	shalt  }
0x6c: {  	_ =	shalt  }
0x6d: {  	_ =	shalt  }
0x6e: {  	_ =	shalt  }
0x6f: {  	_ =	shalt  }
0x70: {  	_ =	shalt  }
0x71: {  	_ =	shalt  }
0x72: {  	_ =	shalt  }
0x73: {  	_ =	shalt  }
0x74: {  	_ =	shalt  }
0x75: {  	_ =	shalt  }
0x76: {  	_ =	shalt  }
0x77: {  	_ =	shalt  }
0x78: {  	_ =	shalt  }
0x79: {  	_ =	shalt  }
0x7a: {  	_ =	shalt  }
0x7b: {  	_ =	shalt  }
0x7c: {  	_ =	shalt  }
0x7d: {  	_ =	shalt  }
0x7e: {  	_ =	shalt  }
0x7f: {  	_ =	shalt  }
0x80: {  	_ =	shalt  }
0x81: {  	_ =	shalt  }
0x82: {  	_ =	shalt  }
0x83: {  	_ =	shalt  }
0x84: {  	_ =	shalt  }
0x85: {  	_ =	shalt  }
0x86: {  	_ =	shalt  }
0x87: {  	_ =	shalt  }
.Lfunc_end0:
.L_simem_size_0:
called_computation.1_lowered:
.L_overlay_start_0:
0x88: {  	s2 =	sld [smem:$0x3FD9]  }
0x89: {  	s3 =	sld [smem:$0x3FFE];
	_ =	sdelay $0x1  }
0x8a: {  	s1 =	srdreg.scid  }
0x8b: {  	s0 =	sand.u32 $0x1, s1  }
0x8c: {  	s16 =	sshll.u32 s0, $0xA;
	s2 =	sadd.s32 s3, s2  }
0x8d: {  	s2 =	sadd.s32 s2, s16  }
0x8e: {  	[smem:$0x3FC0] =	sst s2  }
0x8f: {  	_ = 	snop  }
0x90: {  	(tm) =	ssettm $0x1  }
0x91: {  	s17 =	sld [smem:$0x3FFB];
	_ =	sdelay $0x3  }
0x92: {  	_ =	strace s17  }
0x93: {  	s2 =	sld [smem:$0x3FFC];
	_ =	sdelay $0x3  }
0x94: {  	_ =	strace s2  }
0x95: {  	s2 =	sld [smem:$0x3FFD];
	_ =	sdelay $0x3  }
0x96: {  	_ =	strace s2  }
0x97: {  	_ =	strace $0x8FFFFFFF  }
0x98: {  	s18 =	sld [smem:$0x3FDB];
	_ =	sdelay $0x1  }
0x99: {  	s19 =	simm.s32 $_scs_section_size  }
0x9a: {  	s4 =	simm.s32 $_size__tile_overlayer_lowered;
	s5 =	simm.s32 $_tile_overlayer_lowered  }
0x9b: {  	s22 =	simm.s32 $0x1BFF;
	s21 =	sshll.u32 s5, $0x1;
	s2 =	sadd.s32 s19, s18  }
0x9c: {  	s6 =	simm.s32 $0x0;
	s20 =	sshll.u32 s4, $0x1;
	s4 =	sadd.s32 s21, s2  }
0x9d: {  	[timem:s6], [sflag:s22] =	dma.local [hbm:s4], s20  }
0x9e: {  	_ =	swait.ge [sflag:s22], s20  }
0x9f: {  	s3 =	ssub.s32 $0x0, s20;
	[sflag:s22] =	ssyncset.done $0x0  }
0xa0: {  	[sflag:s22] =	ssyncadd.s32 s3;
	_ =	sdelay $0x1  }
0xa1: {  	s23 =	simm.s32 $0x1B8B  }
0xa2: {  	_ =	swait.ge [sflag:s23], $0x1  }
0xa3: {  	[sflag:s23] =	ssyncset.done $0x0  }
0xa4: {  	s25 =	simm.s32 $0x1B8E;
	s24 =	sld [smem:$0x3FFE];
	[sflag:s23] =	ssyncadd.s32 $0xFFFFFFFF  }
0xa5: {  	s26 =	simm.s32 $execute0_lowered;
	[smem:$0x3FD2] =	sst s25  }
0xa6: {  	s4 =	sshll.u32 s26, $0x1;
	_ =	strace $0x80000046;
	[dreg:$0x1] =	wrdreg $0xFFFFFFFF  }
0xa7: {  	s28 =	simm.s32 $_size_execute0_lowered;
	s2 =	sadd.s32 s2, s4;
	[dreg:$0x0] =	wrdreg $0x0  }
0xa8: {  	s4 =	sshll.u32 s28, $0x1;
	[dreg:$0x2] =	wrdreg s2  }
0xa9: {  	[dreg:$0x3] =	wrdreg s4  }
0xaa: {  	[dreg:$0x4] =	wrdreg $0xC0  }
0xab: {  	_ =	task [dreg:s6], $0x5FFFF  }
0xac: {  	[dreg:$0x1] =	wrdreg $0xFFFFFFFF  }
0xad: {  	[dreg:$0x0] =	wrdreg $0x60  }
0xae: {  	[dreg:$0x2] =	wrdreg s24  }
0xaf: {  	[dreg:$0x3] =	wrdreg $0x0  }
0xb0: {  	[dreg:$0x4] =	wrdreg $0xA  }
0xb1: {  	_ =	task.clear_ibuf [dreg:s6], $0x5FFFF;
	_ =	strace $0x90000046  }
0xb2: {  	s29 =	simm.s32 $0xA;
	_ =	strace $0x80000048  }
0xb3: {  	_ =	swait.ge [sflag:s29], $0x1  }
0xb4: {  	[sflag:s29] =	ssyncadd.s32 $0xFFFFFFFF  }
0xb5: {  	_ =	strace $0x90000048  }
0xb6: {  	_ =	sfence  }
0xb7: {  	s30 =	sld [smem:$0x0];
	_ =	sdelay $0x2  }
0xb8: {  	s31 =	sshll.u32 s1, $0xD;
	s1 =	sshrl.u32 s1, $0x2  }
0xb9: {  	s3 =	sand.u32 $0x4000, s31;
	s1 =	sadd.s32 s1, s30  }
0xba: {  	s0 =	sor.u32 s3, s0;
	s1 =	sshll.u32 s1, $0x11  }
0xbb: {  	s0 =	sor.u32 s1, s0  }
0xbc: {  	s0 =	sadd.s32 $0x8F2B, s0  }
0xbd: {  	[sflag:s0] =	ssyncadd.remote.s32 $0x1  }
0xbe: {  	_ =	sfence.sel $0xFFFF  }
0xbf: {  	[dreg:$0x0] =	wrdreg $0xFFFFFFFF;
	(pc) =	sbr.abs _section_cstart, $3  }
0xc0: {  	[dreg:$0x1] =	wrdreg $0xFFFFFFFF  }
0xc1: {  	_ =	task.clear_ibuf [dreg:s6], $0x2FFFF;
	_ =	strace $0x9FFFFFFF  }
0xc2: {  	(tm) =	ssettm $0x7FFFFFFF  }
0xc3: {  	_ =	shalt  }
tec
execute0_lowered:
.L_overlay_start_1:
0x0: {  	(tag) =	ssettag $0x1  }
0x1: {  	s0 =	rddreg [dreg:$0x0]  }
0x2: {  	s2 =	rddreg [dreg:$0x1]  }
0x3: {  	s14 =	stileid.u32;
	s1 =	srdreg.scid;
	s3 =	simm.s32 $0x0  }
0x4: {  	s15 =	simm.s32 $0x80;
	s17 =	simm.s32 $0x11E00;
	s19 =	simm.s32 $0x13E00  }
0x5: {  	s21 =	simm.s32 $0x15E00;
	s28 =	simm.s32 $0x4;
	s29 =	simm.s32 $0x5  }
0x6: {  	s30 =	simm.s32 $0x6;
	s31 =	simm.s32 $0x7;
	s9 =	smul.u32 $0x9E00, s14  }
0x7: {  	s1 =	sand.u32 $0x1, s1;
	[smem:$0x7FF] =	sst s3;
	s7 =	sadd.s32 $0x1F200, s0  }
0x8: {  	s8 =	sadd.s32 $0x15200, s0;
	s4 =	sadd.s32 $0x1800, s0;
	s11 =	sshll.u32 s14, $0x9  }
0x9: {  	s25 =	sshll.u32 s14, $0xB;
	s26 =	sshll.u32 s14, $0x6;
	s14 =	simm.s32 $0xA  }
0xa: {  	s5 =	smul.u32 $0x9E000, s1;
	_ =	strace $0x80000047;
	s22 =	ssub.s32 $0x2, s1  }
0xb: {  	s24 =	sor.u32 $0x8000, s11;
	p0 =	sne.s32 s1, $0x0;
	s6 =	sshrl.u32 s9, $0x3  }
0xc: {  	s23 =	sshrl.u32 s22, $0x1;
	s13 =	sadd.s32 s9, s2;
	s5 =	sadd.s32 s9, s5  }
0xd: {  	s10 =	sadd.s32 s6, s0;
	s12 =	ssub.s32 s22, s23;
	s6 =	sadd.s32 s8, s24  }
0xe: {  	s8 =	sadd.s32 s8, s25;
	s13 =	sshrl.u32 s13, $0x3;
	s23 =	simm.s32 $0x17E00  }
0xf: {  	s5 =	sshrl.u32 s5, $0x3;
	s9 =	sadd.s32 $0x29200, s10;
	s11 =	smax.u32 s12, $0x1  }
0x10: {  	s12 =	sor.u32 $0x1C0A, s26;
	s26 =	simm.s32 $0x3;
	s0 =	sadd.s32 s5, s0  }
0x11: {  	s5 =	sadd.s32 s7, s24;
	s7 =	sadd.s32 s7, s25;
	s24 =	simm.s32 $0x1  }
0x12: {  	s25 =	simm.s32 $0x2;
	s10 =	sadd.s32 $0x3CE00, s0;
	s0 =	simm.s32 $0x8  }
.LBB2_1:
0x13: {  	s1 =	simm.s32 @p0 $0x0;
	s16 =	simm.s32 @p0 $0x9E00  }
0x14: {  	[tilespmem:s16], [sflag:$0x9] =	stream.linear.gather @p0 [hbm4b:s5+s1], $0x1000, $0x38;
	[tilespmem:$0x19E00] =	vst v63  }
0x15: {  	s16 =	simm.s32 @p0 $0xDE00  }
0x16: {  	[tilespmem:s16], [sflag:$0x9] =	stream.linear.gather @p0 [hbm4b:s6+s1], $0x1000, $0x38;
	[tilespmem:$0x19E00] =	vst v63  }
0x17: {  	s1 =	simm.s32 @!p0 $0x0;
	s16 =	simm.s32 @!p0 $0x9E00  }
0x18: {  	[tilespmem:s16], [sflag:$0x9] =	stream.linear.gather @!p0 [hbm4b:s7+s1], $0x4000, $0x38;
	[tilespmem:$0x19E00] =	vst v63  }
0x19: {  	s16 =	simm.s32 @!p0 $0xDE00  }
0x1a: {  	[tilespmem:s16], [sflag:$0x9] =	stream.linear.gather @!p0 [hbm4b:s8+s1], $0x4000, $0x38;
	[tilespmem:$0x19E00] =	vst v63  }
0x1b: {  	[spmem:s13], [sflag:s12] =	dma.local [hbm:s9], $0x13C0  }
0x1c: {  	_ =	swait.ge [sflag:s14], $0x13C0  }
0x1d: {  	[sflag:s14] =	ssyncset.done $0x0  }
0x1e: {  	s1 =	simm.s32 @p0 $0x9;
	[sflag:s14] =	ssyncadd.s32 $0xFFFFEC40  }
0x1f: {  	_ =	swait.ge @p0 [sflag:s1], $0x1000  }
0x20: {  	[sflag:s1] =	ssyncset.done @p0 $0x0  }
0x21: {  	[sflag:s1] =	ssyncadd.s32 @p0 $0xFFFFF000  }
0x22: {  	_ =	swait.ge @p0 [sflag:s1], $0x1000  }
0x23: {  	[sflag:s1] =	ssyncset.done @p0 $0x0  }
0x24: {  	[sflag:s1] =	ssyncadd.s32 @p0 $0xFFFFF000;
	s1 =	simm.s32 @!p0 $0x9  }
0x25: {  	_ =	swait.ge @!p0 [sflag:s1], $0x4000  }
0x26: {  	[sflag:s1] =	ssyncset.done @!p0 $0x0  }
0x27: {  	[sflag:s1] =	ssyncadd.s32 @!p0 $0xFFFFC000  }
0x28: {  	_ =	swait.ge @!p0 [sflag:s1], $0x4000  }
0x29: {  	[sflag:s1] =	ssyncset.done @!p0 $0x0  }
0x2a: {  	[sflag:s1] =	ssyncadd.s32 @!p0 $0xFFFFC000  }
0x2b: {  	s18 =	simm.s32 $0x9E00;
	[bflag:$0x0] =	sbarrier.arrive $0xFFFF  }
0x2c: {  	[tilespmem:s17], [sflag:$0x1] =	stream.indirect.gather [hbm4b:s4+s15], $0x40, s18, s15, $0xb8;
	[tilespmem:$0x19E00] =	vst v63  }
0x2d: {  	s20 =	simm.s32 $0x9E80  }
0x2e: {  	[tilespmem:s19], [sflag:$0x2] =	stream.indirect.gather [hbm4b:s4+s15], $0x40, s20, s15, $0xb8;
	[tilespmem:$0x19E00] =	vst v63  }
0x2f: {  	s22 =	simm.s32 $0x9F00  }
0x30: {  	[tilespmem:s21], [sflag:$0x3] =	stream.indirect.gather [hbm4b:s4+s15], $0x40, s22, s15, $0xb8;
	[tilespmem:$0x19E00] =	vst v63  }
0x31: {  	s16 =	simm.s32 $0x9F80  }
0x32: {  	[tilespmem:s23], [sflag:$0x4] =	stream.indirect.gather [hbm4b:s4+s15], $0x40, s16, s15, $0xb8;
	[tilespmem:$0x19E00] =	vst v63  }
0x33: {  	_ =	swait.ge [sflag:s24], $0x2000  }
0x34: {  	[sflag:s24] =	ssyncset.done $0x0  }
0x35: {  	s18 =	simm.s32 $0xDE00;
	[sflag:s24] =	ssyncadd.s32 $0xFFFFE000  }
0x36: {  	[spmem:s2] =	stream.indirect.scatter.add.f32 [tilespmem:s17], [sflag:$0x5], $0x40, s18, s15, $0xb8;
	[tilespmem:$0x19E00] =	vst v63  }
0x37: {  	_ =	swait.ge [sflag:s25], $0x2000  }
0x38: {  	[sflag:s25] =	ssyncset.done $0x0  }
0x39: {  	s20 =	simm.s32 $0xDE80;
	[sflag:s25] =	ssyncadd.s32 $0xFFFFE000  }
0x3a: {  	[spmem:s2] =	stream.indirect.scatter.add.f32 [tilespmem:s19], [sflag:$0x6], $0x40, s20, s15, $0xb8;
	[tilespmem:$0x19E00] =	vst v63  }
0x3b: {  	_ =	swait.ge [sflag:s26], $0x2000  }
0x3c: {  	[sflag:s26] =	ssyncset.done $0x0  }
0x3d: {  	s22 =	simm.s32 $0xDF00;
	[sflag:s26] =	ssyncadd.s32 $0xFFFFE000  }
0x3e: {  	[spmem:s2] =	stream.indirect.scatter.add.f32 [tilespmem:s21], [sflag:$0x7], $0x40, s22, s15, $0xb8;
	[tilespmem:$0x19E00] =	vst v63  }
0x3f: {  	_ =	swait.ge [sflag:s28], $0x2000  }
0x40: {  	[sflag:s28] =	ssyncset.done $0x0  }
0x41: {  	s16 =	simm.s32 $0xDF80;
	[sflag:s28] =	ssyncadd.s32 $0xFFFFE000  }
0x42: {  	[spmem:s2] =	stream.indirect.scatter.add.f32 [tilespmem:s23], [sflag:$0x8], $0x40, s16, s15, $0xb8;
	[tilespmem:$0x19E00] =	vst v63  }
0x43: {  	_ =	swait.ge [sflag:s29], $0x2000  }
0x44: {  	[sflag:s29] =	ssyncset.done $0x0  }
0x45: {  	s18 =	simm.s32 $0xA000;
	[sflag:s29] =	ssyncadd.s32 $0xFFFFE000  }
0x46: {  	[tilespmem:s17], [sflag:$0x1] =	stream.indirect.gather [hbm4b:s4+s15], $0x40, s18, s15, $0xb8;
	[tilespmem:$0x19E00] =	vst v63  }
0x47: {  	_ =	swait.ge [sflag:s30], $0x2000  }
0x48: {  	s1 =	simm.s32 @!p0 $0x1F;
	[sflag:s30] =	ssyncset.done $0x0  }
0x49: {  	s1 =	simm.s32 @p0 $0x7;
	s20 =	simm.s32 $0xA080;
	[sflag:s30] =	ssyncadd.s32 $0xFFFFE000  }
0x4a: {  	[tilespmem:s19], [sflag:$0x2] =	stream.indirect.gather [hbm4b:s4+s15], $0x40, s20, s15, $0xb8;
	[tilespmem:$0x19E00] =	vst v63  }
0x4b: {  	s16 =	sshll.u32 s1, $0xB;
	_ =	swait.ge [sflag:s31], $0x2000  }
0x4c: {  	p1 =	sne.s32 s16, $0x800;
	[sflag:s31] =	ssyncset.done $0x0  }
.Ltmp0:
0x4d: {  	s22 =	simm.s32 $0xA100;
	[sflag:s31] =	ssyncadd.s32 $0xFFFFE000;
	(pc) =	sbr.rel @!p1 .LBB2_3-.Ltmp0, $4  }
0x4e: {  	[tilespmem:s21], [sflag:$0x3] =	stream.indirect.gather [hbm4b:s4+s15], $0x40, s22, s15, $0xb8;
	[tilespmem:$0x19E00] =	vst v63  }
0x4f: {  	_ =	swait.ge [sflag:s0], $0x2000  }
0x50: {  	[sflag:s0] =	ssyncset.done $0x0  }
0x51: {  	s18 =	simm.s32 $0x800;
	s20 =	simm.s32 $0xA180;
	[sflag:s0] =	ssyncadd.s32 $0xFFFFE000  }
.LBB2_2:
0x52: {  	[tilespmem:s23], [sflag:$0x4] =	stream.indirect.gather [hbm4b:s4+s15], $0x40, s20, s15, $0xb8;
	[tilespmem:$0x19E00] =	vst v63  }
0x53: {  	s20 =	smov.u32 s18;
	s18 =	sadd.s32 $0x800, s18;
	_ =	swait.ge [sflag:s24], $0x2000  }
0x54: {  	s20 =	sshra.s32 s20, $0x2;
	p1 =	sne.s32 s16, s18;
	[sflag:s24] =	ssyncset.done $0x0  }
0x55: {  	s22 =	sadd.s32 $0xDE00, s20;
	[sflag:s24] =	ssyncadd.s32 $0xFFFFE000  }
0x56: {  	[spmem:s2] =	stream.indirect.scatter.add.f32 [tilespmem:s17], [sflag:$0x5], $0x40, s22, s15, $0xb8;
	[tilespmem:$0x19E00] =	vst v63  }
0x57: {  	_ =	swait.ge [sflag:s25], $0x2000  }
0x58: {  	[sflag:s25] =	ssyncset.done $0x0  }
0x59: {  	s22 =	sadd.s32 $0xDE80, s20;
	[sflag:s25] =	ssyncadd.s32 $0xFFFFE000  }
0x5a: {  	[spmem:s2] =	stream.indirect.scatter.add.f32 [tilespmem:s19], [sflag:$0x6], $0x40, s22, s15, $0xb8;
	[tilespmem:$0x19E00] =	vst v63  }
0x5b: {  	_ =	swait.ge [sflag:s26], $0x2000  }
0x5c: {  	[sflag:s26] =	ssyncset.done $0x0  }
0x5d: {  	s22 =	sadd.s32 $0xDF00, s20;
	[sflag:s26] =	ssyncadd.s32 $0xFFFFE000  }
0x5e: {  	[spmem:s2] =	stream.indirect.scatter.add.f32 [tilespmem:s21], [sflag:$0x7], $0x40, s22, s15, $0xb8;
	[tilespmem:$0x19E00] =	vst v63  }
0x5f: {  	_ =	swait.ge [sflag:s28], $0x2000  }
0x60: {  	[sflag:s28] =	ssyncset.done $0x0  }
0x61: {  	s22 =	sadd.s32 $0xDF80, s20;
	[sflag:s28] =	ssyncadd.s32 $0xFFFFE000  }
0x62: {  	[spmem:s2] =	stream.indirect.scatter.add.f32 [tilespmem:s23], [sflag:$0x8], $0x40, s22, s15, $0xb8;
	[tilespmem:$0x19E00] =	vst v63  }
0x63: {  	_ =	swait.ge [sflag:s29], $0x2000  }
0x64: {  	[sflag:s29] =	ssyncset.done $0x0  }
0x65: {  	s22 =	sadd.s32 $0xA000, s20;
	[sflag:s29] =	ssyncadd.s32 $0xFFFFE000  }
0x66: {  	[tilespmem:s17], [sflag:$0x1] =	stream.indirect.gather [hbm4b:s4+s15], $0x40, s22, s15, $0xb8;
	[tilespmem:$0x19E00] =	vst v63  }
0x67: {  	_ =	swait.ge [sflag:s30], $0x2000  }
0x68: {  	[sflag:s30] =	ssyncset.done $0x0  }
0x69: {  	s22 =	sadd.s32 $0xA080, s20;
	[sflag:s30] =	ssyncadd.s32 $0xFFFFE000  }
0x6a: {  	[tilespmem:s19], [sflag:$0x2] =	stream.indirect.gather [hbm4b:s4+s15], $0x40, s22, s15, $0xb8;
	[tilespmem:$0x19E00] =	vst v63  }
0x6b: {  	_ =	swait.ge [sflag:s31], $0x2000  }
0x6c: {  	[sflag:s31] =	ssyncset.done $0x0  }
.Ltmp1:
0x6d: {  	s22 =	sadd.s32 $0xA100, s20;
	[sflag:s31] =	ssyncadd.s32 $0xFFFFE000;
	(pc) =	sbr.rel @p1 .LBB2_2-.Ltmp1, $4  }
0x6e: {  	[tilespmem:s21], [sflag:$0x3] =	stream.indirect.gather [hbm4b:s4+s15], $0x40, s22, s15, $0xb8;
	[tilespmem:$0x19E00] =	vst v63  }
0x6f: {  	_ =	swait.ge [sflag:s0], $0x2000  }
0x70: {  	[sflag:s0] =	ssyncset.done $0x0  }
0x71: {  	s20 =	sadd.s32 $0xA180, s20;
	[sflag:s0] =	ssyncadd.s32 $0xFFFFE000  }
.LBB2_3:
0x72: {  	[tilespmem:s23], [sflag:$0x4] =	stream.indirect.gather [hbm4b:s4+s15], $0x40, s20, s15, $0xb8;
	[tilespmem:$0x19E00] =	vst v63  }
0x73: {  	_ =	swait.ge [sflag:s24], $0x2000  }
0x74: {  	s1 =	sshll.u32 s1, $0x9;
	[sflag:s24] =	ssyncset.done $0x0  }
0x75: {  	s16 =	sadd.s32 $0xDE00, s1;
	[sflag:s24] =	ssyncadd.s32 $0xFFFFE000  }
0x76: {  	[spmem:s2] =	stream.indirect.scatter.add.f32 [tilespmem:s17], [sflag:$0x5], $0x40, s16, s15, $0xb8;
	[tilespmem:$0x19E00] =	vst v63  }
0x77: {  	_ =	swait.ge [sflag:s25], $0x2000  }
0x78: {  	[sflag:s25] =	ssyncset.done $0x0  }
0x79: {  	s20 =	sadd.s32 $0xDE80, s1;
	[sflag:s25] =	ssyncadd.s32 $0xFFFFE000  }
0x7a: {  	[spmem:s2] =	stream.indirect.scatter.add.f32 [tilespmem:s19], [sflag:$0x6], $0x40, s20, s15, $0xb8;
	[tilespmem:$0x19E00] =	vst v63  }
0x7b: {  	_ =	swait.ge [sflag:s26], $0x2000  }
0x7c: {  	[sflag:s26] =	ssyncset.done $0x0  }
0x7d: {  	s22 =	sadd.s32 $0xDF00, s1;
	[sflag:s26] =	ssyncadd.s32 $0xFFFFE000  }
0x7e: {  	[spmem:s2] =	stream.indirect.scatter.add.f32 [tilespmem:s21], [sflag:$0x7], $0x40, s22, s15, $0xb8;
	[tilespmem:$0x19E00] =	vst v63  }
0x7f: {  	_ =	swait.ge [sflag:s28], $0x2000  }
0x80: {  	[sflag:s28] =	ssyncset.done $0x0  }
0x81: {  	s1 =	sadd.s32 $0xDF80, s1;
	[sflag:s28] =	ssyncadd.s32 $0xFFFFE000  }
0x82: {  	[spmem:s2] =	stream.indirect.scatter.add.f32 [tilespmem:s23], [sflag:$0x8], $0x40, s1, s15, $0xb8;
	[tilespmem:$0x19E00] =	vst v63  }
0x83: {  	_ =	swait.ge [sflag:s29], $0x2000  }
0x84: {  	[sflag:s29] =	ssyncset.done $0x0  }
0x85: {  	[sflag:s29] =	ssyncadd.s32 $0xFFFFE000  }
0x86: {  	_ =	swait.ge [sflag:s30], $0x2000  }
0x87: {  	[sflag:s30] =	ssyncset.done $0x0  }
0x88: {  	[sflag:s30] =	ssyncadd.s32 $0xFFFFE000  }
0x89: {  	_ =	swait.ge [sflag:s31], $0x2000  }
0x8a: {  	[sflag:s31] =	ssyncset.done $0x0  }
0x8b: {  	[sflag:s31] =	ssyncadd.s32 $0xFFFFE000  }
0x8c: {  	_ =	swait.ge [sflag:s0], $0x2000  }
0x8d: {  	s3 =	sadd.s32 $0x1, s3;
	[sflag:s0] =	ssyncset.done $0x0  }
0x8e: {  	p1 =	sne.s32 s3, s11;
	[sflag:s0] =	ssyncadd.s32 $0xFFFFE000  }
.Ltmp2:
0x8f: {  	[bflag:$0x0] =	sbarrier.arrive $0xFFFF;
	(pc) =	sbr.rel @p1 .LBB2_1-.Ltmp2, $4  }
0x90: {  	[hbm:s10], [sflag:s12] =	dma.local [spmem:s13], $0x13C0  }
0x91: {  	_ =	swait.ge [sflag:s14], $0x13C0  }
0x92: {  	[sflag:s14] =	ssyncset.done $0x0  }
0x93: {  	[sflag:s14] =	ssyncadd.s32 $0xFFFFEC40  }
0x94: {  	_ =	sfence.sel $0x180000  }
0x95: {  	[bflag:$0x0] =	sbarrier.arrive $0xFFFF  }
0x96: {  	_ =	strace $0x90000047  }
0x97: {  	s0 =	stileid.u32;
	[bflag:$0x2] =	sbarrier.arrive $0xFFFF  }
0x98: {  	p0 =	sne.s32 s0, $0x0;
	s0 =	rddreg [dreg:$0x2]  }
0x99: {  	s0 =	sadd.s32 @!p0 $0x100000, s0  }
0x9a: {  	[sflag:s0] =	ssyncadd.tile.s32 @!p0 $0x1;
	_ =	shalt  }
.Lfunc_end2:
_tile_overlayer_lowered:
.L_overlay_start_2:
0x9b: {  	(tag) =	ssettag $0x2  }
0x9c: {  	s0 =	rddreg [dreg:$0x0];
	s2 =	stileid.u32  }
0x9d: {  	s1 =	rddreg [dreg:$0x1];
	p0 =	sne.s32 s2, $0x0  }
0x9e: {  	s3 =	rddreg [dreg:$0x2];
	[bflag:$0x3] =	sbarrier.arrive $0xFFFF;
	s2 =	simm.s32 @!p0 $0x1C0A  }
0x9f: {  	[timem:s3], [sflag:s2] =	dma.local @!p0 [hbm:s0], s1  }
0xa0: {  	s0 =	simm.s32 @!p0 $0xA  }
0xa1: {  	_ =	swait.ge @!p0 [sflag:s0], s1  }
0xa2: {  	s1 =	ssub.s32 @!p0 $0x0, s1;
	[sflag:s0] =	ssyncset.done @!p0 $0x0  }
0xa3: {  	[sflag:s0] =	ssyncadd.s32 @!p0 s1  }
0xa4: {  	[bflag:$0x3] =	sbarrier.arrive $0xFFFF  }
0xa5: {  	_ =	shalt  }

// kernel: kernel.15.cloned.1.call-start
scs
__scs_entry_jumppad:
0x0: {  	(pc) =	sbr.rel $0x88, $3  }
0x1: {  	(tag) =	ssettag $0x0;
	lr =	simm.s32 $0x1  }
0x2: {  	[smem:$0x3F99] =	sst lr;
	_ =	strace $0xD0000000  }
0x3: {  	_ = 	snop  }
0x4: {  	_ = 	snop  }
0x5: {  	_ = 	snop  }
0x6: {  	_ = 	snop  }
0x7: {  	_ = 	snop  }
__scs_overlays_trampoline_lowered:
0x8: {  	[smem:$0x3FA8] =	sst s0  }
0x9: {  	[smem:$0x3FA9] =	sst s1  }
0xa: {  	[smem:$0x3FAA] =	sst s2  }
0xb: {  	[smem:$0x3FAB] =	sst s3  }
0xc: {  	[smem:$0x3FAC] =	sst s4  }
0xd: {  	[smem:$0x3FAD] =	sst s5  }
0xe: {  	[smem:$0x3FAE] =	sst s6  }
0xf: {  	[smem:$0x3FAF] =	sst s7  }
0x10: {  	[smem:$0x3FB0] =	sst s8  }
0x11: {  	[smem:$0x3FB1] =	sst s9;
	s0 =	simm.s32 @!p0 $0x0  }
0x12: {  	s1 =	sld [smem:$0x3F97];
	s0 =	simm.s32 @p0 $0x1  }
0x13: {  	[smem:$0x3FB2] =	sst s0;
	s0 =	simm.s32 @!p1 $0x0  }
0x14: {  	s2 =	sld [smem:$0x3F96];
	s0 =	simm.s32 @p1 $0x1  }
0x15: {  	[smem:$0x3FB3] =	sst s0;
	s0 =	simm.s32 @!p2 $0x0  }
0x16: {  	s3 =	sld [smem:$0x3FDB];
	s0 =	simm.s32 @p2 $0x1  }
0x17: {  	s4 =	simm.s32 $0x1BF5;
	[smem:$0x3FB5] =	sst s0  }
0x18: {  	s0 =	sld [smem:$0x3F98];
	_ =	swait.ge [sflag:s4], $0x0  }
0x19: {  	s7 =	sld [smem:$0x3F99]  }
0x1a: {  	s8 =	sadd.s32 $0xFFFFE003, lr  }
0x1b: {  	s9 =	sadd.s32 $0xFFFFFEF7, lr;
	s5 =	simm.s32 $0xFFFFFFFF;
	p2 =	slt.u32 s8, $0xFFFFF086  }
0x1c: {  	p1 =	slt.u32 s9, $0xF7A;
	s5 =	simm.s32 @!p2 $0x0  }
0x1d: {  	s5 =	simm.s32 @p1 $0x1;
	p0 =	seq.s32 s7, s2  }
0x1e: {  	s7 =	smul.u32 @!p0 $0xF7A, s2;
	p2 =	seq.s32 @!p0 s5, $0x0  }
0x1f: {  	s9 =	smul.u32 $0xF7A, s1;
	s8 =	simm.s32 @!p0 $0x1BF5;
	p2 =	por !p2, p0  }
0x20: {  	[sflag:s8] =	ssyncset.s32 @!p0 $0xFFFFF086;
	s6 =	sadd.s32 @!p0 s3, s7;
	s7 =	simm.s32 @!p0 $0x108  }
0x21: {  	s3 =	sadd.s32 s3, s9;
	s6 =	sadd.s32 @!p0 $0x88, s6;
	s7 =	simm.s32 @p2 $0x1082  }
0x22: {  	[simem:s7], [sflag:s8] =	dma.local @!p0 [hbm:s6], $0xF7A  }
0x23: {  	s9 =	sor.u32 $0xD0000000, s2;
	s6 =	simm.s32 $0x108;
	_ =	swait.ge @!p0 [sflag:s8], $0x0  }
0x24: {  	s3 =	sadd.s32 $0x88, s3;
	s6 =	simm.s32 @!p1 $0x1082;
	[sflag:s4] =	ssyncset.s32 $0xFFFFF086  }
0x25: {  	[simem:s6], [sflag:s4] =	dma.local [hbm:s3], $0xF7A  }
0x26: {  	[smem:$0x3F99] =	sst s1;
	(tag) =	ssettag s2;
	_ =	strace s9  }
0x27: {  	s1 =	sld [smem:$0x3FA9]  }
0x28: {  	s2 =	sld [smem:$0x3FAA]  }
0x29: {  	s4 =	sld [smem:$0x3FAC]  }
0x2a: {  	p0 =	seq.s32 s5, $0x0;
	s5 =	sld [smem:$0x3FAD]  }
0x2b: {  	s6 =	sld [smem:$0x3FAE]  }
0x2c: {  	s7 =	sld [smem:$0x3FAF]  }
0x2d: {  	s3 =	simm.s32 $0x108;
	s8 =	sld [smem:$0x3FB0]  }
0x2e: {  	s3 =	simm.s32 @!p0 $0x1082;
	s9 =	sld [smem:$0x3FB1]  }
0x2f: {  	lr =	sadd.s32 s0, s3;
	s0 =	sld [smem:$0x3FA8]  }
0x30: {  	s3 =	sld [smem:$0x3FAB]  }
0x31: {  	[smem:$0x3FB4] =	sst s10  }
0x32: {  	s10 =	sld [smem:$0x3FB2];
	_ =	sdelay $0x3  }
0x33: {  	p0 =	seq.s32 s10, $0x1;
	s10 =	sld [smem:$0x3FB4];
	_ =	sdelay $0x3  }
0x34: {  	[smem:$0x3FB4] =	sst s10  }
0x35: {  	s10 =	sld [smem:$0x3FB3];
	_ =	sdelay $0x3  }
0x36: {  	p1 =	seq.s32 s10, $0x1;
	s10 =	sld [smem:$0x3FB4];
	_ =	sdelay $0x3  }
0x37: {  	[smem:$0x3FB4] =	sst s10  }
0x38: {  	s10 =	sld [smem:$0x3FB5]  }
0x39: {  	_ = 	snop;
	(pc) =	sbr.ind lr, $3  }
0x3a: {  	_ = 	snop  }
0x3b: {  	_ = 	snop  }
0x3c: {  	p2 =	seq.s32 s10, $0x1;
	s10 =	sld [smem:$0x3FB4]  }
0x3d: {  	_ =	shalt  }
0x3e: {  	_ =	shalt  }
0x3f: {  	_ =	shalt  }
0x40: {  	_ =	shalt  }
0x41: {  	_ =	shalt  }
0x42: {  	_ =	shalt  }
0x43: {  	_ =	shalt  }
0x44: {  	_ =	shalt  }
0x45: {  	_ =	shalt  }
0x46: {  	_ =	shalt  }
0x47: {  	_ =	shalt  }
0x48: {  	_ =	shalt  }
0x49: {  	_ =	shalt  }
0x4a: {  	_ =	shalt  }
0x4b: {  	_ =	shalt  }
0x4c: {  	_ =	shalt  }
0x4d: {  	_ =	shalt  }
0x4e: {  	_ =	shalt  }
0x4f: {  	_ =	shalt  }
0x50: {  	_ =	shalt  }
0x51: {  	_ =	shalt  }
0x52: {  	_ =	shalt  }
0x53: {  	_ =	shalt  }
0x54: {  	_ =	shalt  }
0x55: {  	_ =	shalt  }
0x56: {  	_ =	shalt  }
0x57: {  	_ =	shalt  }
0x58: {  	_ =	shalt  }
0x59: {  	_ =	shalt  }
0x5a: {  	_ =	shalt  }
0x5b: {  	_ =	shalt  }
0x5c: {  	_ =	shalt  }
0x5d: {  	_ =	shalt  }
0x5e: {  	_ =	shalt  }
0x5f: {  	_ =	shalt  }
0x60: {  	_ =	shalt  }
0x61: {  	_ =	shalt  }
0x62: {  	_ =	shalt  }
0x63: {  	_ =	shalt  }
0x64: {  	_ =	shalt  }
0x65: {  	_ =	shalt  }
0x66: {  	_ =	shalt  }
0x67: {  	_ =	shalt  }
0x68: {  	_ =	shalt  }
0x69: {  	_ =	shalt  }
0x6a: {  	_ =	shalt  }
0x6b: {  	_ =	shalt  }
0x6c: {  	_ =	shalt  }
0x6d: {  	_ =	shalt  }
0x6e: {  	_ =	shalt  }
0x6f: {  	_ =	shalt  }
0x70: {  	_ =	shalt  }
0x71: {  	_ =	shalt  }
0x72: {  	_ =	shalt  }
0x73: {  	_ =	shalt  }
0x74: {  	_ =	shalt  }
0x75: {  	_ =	shalt  }
0x76: {  	_ =	shalt  }
0x77: {  	_ =	shalt  }
0x78: {  	_ =	shalt  }
0x79: {  	_ =	shalt  }
0x7a: {  	_ =	shalt  }
0x7b: {  	_ =	shalt  }
0x7c: {  	_ =	shalt  }
0x7d: {  	_ =	shalt  }
0x7e: {  	_ =	shalt  }
0x7f: {  	_ =	shalt  }
0x80: {  	_ =	shalt  }
0x81: {  	_ =	shalt  }
0x82: {  	_ =	shalt  }
0x83: {  	_ =	shalt  }
0x84: {  	_ =	shalt  }
0x85: {  	_ =	shalt  }
0x86: {  	_ =	shalt  }
0x87: {  	_ =	shalt  }
.Lfunc_end0:
.L_simem_size_0:
called_computation.2_lowered:
.L_overlay_start_0:
0x88: {  	s2 =	sld [smem:$0x3FD9]  }
0x89: {  	s3 =	sld [smem:$0x3FFE];
	_ =	sdelay $0x1  }
0x8a: {  	s1 =	srdreg.scid  }
0x8b: {  	s0 =	sand.u32 $0x1, s1  }
0x8c: {  	s16 =	sshll.u32 s0, $0xA;
	s2 =	sadd.s32 s3, s2  }
0x8d: {  	s2 =	sadd.s32 s2, s16  }
0x8e: {  	[smem:$0x3FC0] =	sst s2  }
0x8f: {  	_ = 	snop  }
0x90: {  	(tm) =	ssettm $0x1  }
0x91: {  	s17 =	sld [smem:$0x3FFB];
	_ =	sdelay $0x3  }
0x92: {  	_ =	strace s17  }
0x93: {  	s2 =	sld [smem:$0x3FFC];
	_ =	sdelay $0x3  }
0x94: {  	_ =	strace s2  }
0x95: {  	s2 =	sld [smem:$0x3FFD];
	_ =	sdelay $0x3  }
0x96: {  	_ =	strace s2  }
0x97: {  	_ =	strace $0x8FFFFFFF  }
0x98: {  	s18 =	sld [smem:$0x3FDB];
	_ =	sdelay $0x1  }
0x99: {  	s19 =	simm.s32 $_scs_section_size  }
0x9a: {  	s4 =	simm.s32 $_size__tile_overlayer_lowered;
	s5 =	simm.s32 $_tile_overlayer_lowered  }
0x9b: {  	s22 =	simm.s32 $0x1BFF;
	s21 =	sshll.u32 s5, $0x1;
	s2 =	sadd.s32 s19, s18  }
0x9c: {  	s6 =	simm.s32 $0x0;
	s20 =	sshll.u32 s4, $0x1;
	s4 =	sadd.s32 s21, s2  }
0x9d: {  	[timem:s6], [sflag:s22] =	dma.local [hbm:s4], s20  }
0x9e: {  	_ =	swait.ge [sflag:s22], s20  }
0x9f: {  	s3 =	ssub.s32 $0x0, s20;
	[sflag:s22] =	ssyncset.done $0x0  }
0xa0: {  	[sflag:s22] =	ssyncadd.s32 s3;
	_ =	sdelay $0x1  }
0xa1: {  	s23 =	simm.s32 $0x1B8B  }
0xa2: {  	_ =	swait.ge [sflag:s23], $0x1  }
0xa3: {  	[sflag:s23] =	ssyncset.done $0x0  }
0xa4: {  	s25 =	simm.s32 $0x1B8E;
	s24 =	sld [smem:$0x3FFE];
	[sflag:s23] =	ssyncadd.s32 $0xFFFFFFFF  }
0xa5: {  	s26 =	simm.s32 $execute0_lowered;
	[smem:$0x3FD2] =	sst s25  }
0xa6: {  	s4 =	sshll.u32 s26, $0x1;
	_ =	strace $0x8000004C;
	[dreg:$0x1] =	wrdreg $0xFFFFFFFF  }
0xa7: {  	s28 =	simm.s32 $_size_execute0_lowered;
	s2 =	sadd.s32 s2, s4;
	[dreg:$0x0] =	wrdreg $0x0  }
0xa8: {  	s4 =	sshll.u32 s28, $0x1;
	[dreg:$0x2] =	wrdreg s2  }
0xa9: {  	[dreg:$0x3] =	wrdreg s4  }
0xaa: {  	[dreg:$0x4] =	wrdreg $0xC0  }
0xab: {  	_ =	task [dreg:s6], $0x5FFFF  }
0xac: {  	[dreg:$0x1] =	wrdreg $0xFFFFFFFF  }
0xad: {  	[dreg:$0x0] =	wrdreg $0x60  }
0xae: {  	[dreg:$0x2] =	wrdreg s24  }
0xaf: {  	[dreg:$0x3] =	wrdreg $0x0  }
0xb0: {  	[dreg:$0x4] =	wrdreg $0x9  }
0xb1: {  	_ =	task.clear_ibuf [dreg:s6], $0x5FFFF;
	_ =	strace $0x9000004C  }
0xb2: {  	s29 =	simm.s32 $0x9;
	_ =	strace $0x8000004E  }
0xb3: {  	_ =	swait.ge [sflag:s29], $0x1  }
0xb4: {  	[sflag:s29] =	ssyncadd.s32 $0xFFFFFFFF  }
0xb5: {  	_ =	strace $0x9000004E  }
0xb6: {  	_ =	sfence  }
0xb7: {  	s30 =	sld [smem:$0x0];
	_ =	sdelay $0x2  }
0xb8: {  	s31 =	sshll.u32 s1, $0xD;
	s1 =	sshrl.u32 s1, $0x2  }
0xb9: {  	s3 =	sand.u32 $0x4000, s31;
	s1 =	sadd.s32 s1, s30  }
0xba: {  	s0 =	sor.u32 s3, s0;
	s1 =	sshll.u32 s1, $0x11  }
0xbb: {  	s0 =	sor.u32 s1, s0  }
0xbc: {  	s0 =	sadd.s32 $0x8F2B, s0  }
0xbd: {  	[sflag:s0] =	ssyncadd.remote.s32 $0x1  }
0xbe: {  	_ =	sfence.sel $0xFFFF  }
0xbf: {  	[dreg:$0x0] =	wrdreg $0xFFFFFFFF;
	(pc) =	sbr.abs _section_cstart, $3  }
0xc0: {  	[dreg:$0x1] =	wrdreg $0xFFFFFFFF  }
0xc1: {  	_ =	task.clear_ibuf [dreg:s6], $0x2FFFF;
	_ =	strace $0x9FFFFFFF  }
0xc2: {  	(tm) =	ssettm $0x7FFFFFFF  }
0xc3: {  	_ =	shalt  }
tec
execute0_lowered:
.L_overlay_start_1:
0x0: {  	(tag) =	ssettag $0x1  }
0x1: {  	s0 =	rddreg [dreg:$0x0]  }
0x2: {  	s2 =	rddreg [dreg:$0x1]  }
0x3: {  	s14 =	stileid.u32;
	s1 =	srdreg.scid;
	s3 =	simm.s32 $0x0  }
0x4: {  	s15 =	simm.s32 $0x80;
	s17 =	simm.s32 $0x11E00;
	s19 =	simm.s32 $0x13E00  }
0x5: {  	s21 =	simm.s32 $0x15E00;
	s28 =	simm.s32 $0x4;
	s29 =	simm.s32 $0x5  }
0x6: {  	s30 =	simm.s32 $0x6;
	s31 =	simm.s32 $0x7;
	s9 =	smul.u32 $0x9E00, s14  }
0x7: {  	s1 =	sand.u32 $0x1, s1;
	[smem:$0x7FF] =	sst s3;
	s7 =	sadd.s32 $0x1F200, s0  }
0x8: {  	s8 =	sadd.s32 $0x15200, s0;
	s4 =	sadd.s32 $0x3CE00, s0;
	s11 =	sshll.u32 s14, $0x9  }
0x9: {  	s25 =	sshll.u32 s14, $0xB;
	s26 =	sshll.u32 s14, $0x6;
	s14 =	simm.s32 $0xA  }
0xa: {  	s5 =	smul.u32 $0x9E000, s1;
	_ =	strace $0x8000004D;
	s22 =	ssub.s32 $0x2, s1  }
0xb: {  	s24 =	sor.u32 $0x8000, s11;
	p0 =	sne.s32 s1, $0x0;
	s6 =	sshrl.u32 s9, $0x3  }
0xc: {  	s23 =	sshrl.u32 s22, $0x1;
	s13 =	sadd.s32 s9, s2;
	s5 =	sadd.s32 s9, s5  }
0xd: {  	s10 =	sadd.s32 s6, s0;
	s12 =	ssub.s32 s22, s23;
	s6 =	sadd.s32 s8, s24  }
0xe: {  	s8 =	sadd.s32 s8, s25;
	s13 =	sshrl.u32 s13, $0x3;
	s23 =	simm.s32 $0x17E00  }
0xf: {  	s5 =	sshrl.u32 s5, $0x3;
	s9 =	sadd.s32 $0x29200, s10;
	s11 =	smax.u32 s12, $0x1  }
0x10: {  	s12 =	sor.u32 $0x1C0A, s26;
	s26 =	simm.s32 $0x3;
	s0 =	sadd.s32 s5, s0  }
0x11: {  	s5 =	sadd.s32 s7, s24;
	s7 =	sadd.s32 s7, s25;
	s24 =	simm.s32 $0x1  }
0x12: {  	s25 =	simm.s32 $0x2;
	s10 =	sadd.s32 $0x50A00, s0;
	s0 =	simm.s32 $0x8  }
.LBB2_1:
0x13: {  	s1 =	simm.s32 @p0 $0x0;
	s16 =	simm.s32 @p0 $0x9E00  }
0x14: {  	[tilespmem:s16], [sflag:$0x9] =	stream.linear.gather @p0 [hbm4b:s5+s1], $0x1000, $0x38;
	[tilespmem:$0x19E00] =	vst v63  }
0x15: {  	s16 =	simm.s32 @p0 $0xDE00  }
0x16: {  	[tilespmem:s16], [sflag:$0x9] =	stream.linear.gather @p0 [hbm4b:s6+s1], $0x1000, $0x38;
	[tilespmem:$0x19E00] =	vst v63  }
0x17: {  	s1 =	simm.s32 @!p0 $0x0;
	s16 =	simm.s32 @!p0 $0x9E00  }
0x18: {  	[tilespmem:s16], [sflag:$0x9] =	stream.linear.gather @!p0 [hbm4b:s7+s1], $0x4000, $0x38;
	[tilespmem:$0x19E00] =	vst v63  }
0x19: {  	s16 =	simm.s32 @!p0 $0xDE00  }
0x1a: {  	[tilespmem:s16], [sflag:$0x9] =	stream.linear.gather @!p0 [hbm4b:s8+s1], $0x4000, $0x38;
	[tilespmem:$0x19E00] =	vst v63  }
0x1b: {  	[spmem:s13], [sflag:s12] =	dma.local [hbm:s9], $0x13C0  }
0x1c: {  	_ =	swait.ge [sflag:s14], $0x13C0  }
0x1d: {  	[sflag:s14] =	ssyncset.done $0x0  }
0x1e: {  	s1 =	simm.s32 @p0 $0x9;
	[sflag:s14] =	ssyncadd.s32 $0xFFFFEC40  }
0x1f: {  	_ =	swait.ge @p0 [sflag:s1], $0x1000  }
0x20: {  	[sflag:s1] =	ssyncset.done @p0 $0x0  }
0x21: {  	[sflag:s1] =	ssyncadd.s32 @p0 $0xFFFFF000  }
0x22: {  	_ =	swait.ge @p0 [sflag:s1], $0x1000  }
0x23: {  	[sflag:s1] =	ssyncset.done @p0 $0x0  }
0x24: {  	[sflag:s1] =	ssyncadd.s32 @p0 $0xFFFFF000;
	s1 =	simm.s32 @!p0 $0x9  }
0x25: {  	_ =	swait.ge @!p0 [sflag:s1], $0x4000  }
0x26: {  	[sflag:s1] =	ssyncset.done @!p0 $0x0  }
0x27: {  	[sflag:s1] =	ssyncadd.s32 @!p0 $0xFFFFC000  }
0x28: {  	_ =	swait.ge @!p0 [sflag:s1], $0x4000  }
0x29: {  	[sflag:s1] =	ssyncset.done @!p0 $0x0  }
0x2a: {  	[sflag:s1] =	ssyncadd.s32 @!p0 $0xFFFFC000  }
0x2b: {  	s18 =	simm.s32 $0x9E00;
	[bflag:$0x0] =	sbarrier.arrive $0xFFFF  }
0x2c: {  	[tilespmem:s17], [sflag:$0x1] =	stream.indirect.gather [hbm4b:s4+s15], $0x40, s18, s15, $0xb8;
	[tilespmem:$0x19E00] =	vst v63  }
0x2d: {  	s20 =	simm.s32 $0x9E80  }
0x2e: {  	[tilespmem:s19], [sflag:$0x2] =	stream.indirect.gather [hbm4b:s4+s15], $0x40, s20, s15, $0xb8;
	[tilespmem:$0x19E00] =	vst v63  }
0x2f: {  	s22 =	simm.s32 $0x9F00  }
0x30: {  	[tilespmem:s21], [sflag:$0x3] =	stream.indirect.gather [hbm4b:s4+s15], $0x40, s22, s15, $0xb8;
	[tilespmem:$0x19E00] =	vst v63  }
0x31: {  	s16 =	simm.s32 $0x9F80  }
0x32: {  	[tilespmem:s23], [sflag:$0x4] =	stream.indirect.gather [hbm4b:s4+s15], $0x40, s16, s15, $0xb8;
	[tilespmem:$0x19E00] =	vst v63  }
0x33: {  	_ =	swait.ge [sflag:s24], $0x2000  }
0x34: {  	[sflag:s24] =	ssyncset.done $0x0  }
0x35: {  	s18 =	simm.s32 $0xDE00;
	[sflag:s24] =	ssyncadd.s32 $0xFFFFE000  }
0x36: {  	[spmem:s2] =	stream.indirect.scatter.add.f32 [tilespmem:s17], [sflag:$0x5], $0x40, s18, s15, $0xb8;
	[tilespmem:$0x19E00] =	vst v63  }
0x37: {  	_ =	swait.ge [sflag:s25], $0x2000  }
0x38: {  	[sflag:s25] =	ssyncset.done $0x0  }
0x39: {  	s20 =	simm.s32 $0xDE80;
	[sflag:s25] =	ssyncadd.s32 $0xFFFFE000  }
0x3a: {  	[spmem:s2] =	stream.indirect.scatter.add.f32 [tilespmem:s19], [sflag:$0x6], $0x40, s20, s15, $0xb8;
	[tilespmem:$0x19E00] =	vst v63  }
0x3b: {  	_ =	swait.ge [sflag:s26], $0x2000  }
0x3c: {  	[sflag:s26] =	ssyncset.done $0x0  }
0x3d: {  	s22 =	simm.s32 $0xDF00;
	[sflag:s26] =	ssyncadd.s32 $0xFFFFE000  }
0x3e: {  	[spmem:s2] =	stream.indirect.scatter.add.f32 [tilespmem:s21], [sflag:$0x7], $0x40, s22, s15, $0xb8;
	[tilespmem:$0x19E00] =	vst v63  }
0x3f: {  	_ =	swait.ge [sflag:s28], $0x2000  }
0x40: {  	[sflag:s28] =	ssyncset.done $0x0  }
0x41: {  	s16 =	simm.s32 $0xDF80;
	[sflag:s28] =	ssyncadd.s32 $0xFFFFE000  }
0x42: {  	[spmem:s2] =	stream.indirect.scatter.add.f32 [tilespmem:s23], [sflag:$0x8], $0x40, s16, s15, $0xb8;
	[tilespmem:$0x19E00] =	vst v63  }
0x43: {  	_ =	swait.ge [sflag:s29], $0x2000  }
0x44: {  	[sflag:s29] =	ssyncset.done $0x0  }
0x45: {  	s18 =	simm.s32 $0xA000;
	[sflag:s29] =	ssyncadd.s32 $0xFFFFE000  }
0x46: {  	[tilespmem:s17], [sflag:$0x1] =	stream.indirect.gather [hbm4b:s4+s15], $0x40, s18, s15, $0xb8;
	[tilespmem:$0x19E00] =	vst v63  }
0x47: {  	_ =	swait.ge [sflag:s30], $0x2000  }
0x48: {  	s1 =	simm.s32 @!p0 $0x1F;
	[sflag:s30] =	ssyncset.done $0x0  }
0x49: {  	s1 =	simm.s32 @p0 $0x7;
	s20 =	simm.s32 $0xA080;
	[sflag:s30] =	ssyncadd.s32 $0xFFFFE000  }
0x4a: {  	[tilespmem:s19], [sflag:$0x2] =	stream.indirect.gather [hbm4b:s4+s15], $0x40, s20, s15, $0xb8;
	[tilespmem:$0x19E00] =	vst v63  }
0x4b: {  	s16 =	sshll.u32 s1, $0xB;
	_ =	swait.ge [sflag:s31], $0x2000  }
0x4c: {  	p1 =	sne.s32 s16, $0x800;
	[sflag:s31] =	ssyncset.done $0x0  }
.Ltmp0:
0x4d: {  	s22 =	simm.s32 $0xA100;
	[sflag:s31] =	ssyncadd.s32 $0xFFFFE000;
	(pc) =	sbr.rel @!p1 .LBB2_3-.Ltmp0, $4  }
0x4e: {  	[tilespmem:s21], [sflag:$0x3] =	stream.indirect.gather [hbm4b:s4+s15], $0x40, s22, s15, $0xb8;
	[tilespmem:$0x19E00] =	vst v63  }
0x4f: {  	_ =	swait.ge [sflag:s0], $0x2000  }
0x50: {  	[sflag:s0] =	ssyncset.done $0x0  }
0x51: {  	s18 =	simm.s32 $0x800;
	s20 =	simm.s32 $0xA180;
	[sflag:s0] =	ssyncadd.s32 $0xFFFFE000  }
.LBB2_2:
0x52: {  	[tilespmem:s23], [sflag:$0x4] =	stream.indirect.gather [hbm4b:s4+s15], $0x40, s20, s15, $0xb8;
	[tilespmem:$0x19E00] =	vst v63  }
0x53: {  	s20 =	smov.u32 s18;
	s18 =	sadd.s32 $0x800, s18;
	_ =	swait.ge [sflag:s24], $0x2000  }
0x54: {  	s20 =	sshra.s32 s20, $0x2;
	p1 =	sne.s32 s16, s18;
	[sflag:s24] =	ssyncset.done $0x0  }
0x55: {  	s22 =	sadd.s32 $0xDE00, s20;
	[sflag:s24] =	ssyncadd.s32 $0xFFFFE000  }
0x56: {  	[spmem:s2] =	stream.indirect.scatter.add.f32 [tilespmem:s17], [sflag:$0x5], $0x40, s22, s15, $0xb8;
	[tilespmem:$0x19E00] =	vst v63  }
0x57: {  	_ =	swait.ge [sflag:s25], $0x2000  }
0x58: {  	[sflag:s25] =	ssyncset.done $0x0  }
0x59: {  	s22 =	sadd.s32 $0xDE80, s20;
	[sflag:s25] =	ssyncadd.s32 $0xFFFFE000  }
0x5a: {  	[spmem:s2] =	stream.indirect.scatter.add.f32 [tilespmem:s19], [sflag:$0x6], $0x40, s22, s15, $0xb8;
	[tilespmem:$0x19E00] =	vst v63  }
0x5b: {  	_ =	swait.ge [sflag:s26], $0x2000  }
0x5c: {  	[sflag:s26] =	ssyncset.done $0x0  }
0x5d: {  	s22 =	sadd.s32 $0xDF00, s20;
	[sflag:s26] =	ssyncadd.s32 $0xFFFFE000  }
0x5e: {  	[spmem:s2] =	stream.indirect.scatter.add.f32 [tilespmem:s21], [sflag:$0x7], $0x40, s22, s15, $0xb8;
	[tilespmem:$0x19E00] =	vst v63  }
0x5f: {  	_ =	swait.ge [sflag:s28], $0x2000  }
0x60: {  	[sflag:s28] =	ssyncset.done $0x0  }
0x61: {  	s22 =	sadd.s32 $0xDF80, s20;
	[sflag:s28] =	ssyncadd.s32 $0xFFFFE000  }
0x62: {  	[spmem:s2] =	stream.indirect.scatter.add.f32 [tilespmem:s23], [sflag:$0x8], $0x40, s22, s15, $0xb8;
	[tilespmem:$0x19E00] =	vst v63  }
0x63: {  	_ =	swait.ge [sflag:s29], $0x2000  }
0x64: {  	[sflag:s29] =	ssyncset.done $0x0  }
0x65: {  	s22 =	sadd.s32 $0xA000, s20;
	[sflag:s29] =	ssyncadd.s32 $0xFFFFE000  }
0x66: {  	[tilespmem:s17], [sflag:$0x1] =	stream.indirect.gather [hbm4b:s4+s15], $0x40, s22, s15, $0xb8;
	[tilespmem:$0x19E00] =	vst v63  }
0x67: {  	_ =	swait.ge [sflag:s30], $0x2000  }
0x68: {  	[sflag:s30] =	ssyncset.done $0x0  }
0x69: {  	s22 =	sadd.s32 $0xA080, s20;
	[sflag:s30] =	ssyncadd.s32 $0xFFFFE000  }
0x6a: {  	[tilespmem:s19], [sflag:$0x2] =	stream.indirect.gather [hbm4b:s4+s15], $0x40, s22, s15, $0xb8;
	[tilespmem:$0x19E00] =	vst v63  }
0x6b: {  	_ =	swait.ge [sflag:s31], $0x2000  }
0x6c: {  	[sflag:s31] =	ssyncset.done $0x0  }
.Ltmp1:
0x6d: {  	s22 =	sadd.s32 $0xA100, s20;
	[sflag:s31] =	ssyncadd.s32 $0xFFFFE000;
	(pc) =	sbr.rel @p1 .LBB2_2-.Ltmp1, $4  }
0x6e: {  	[tilespmem:s21], [sflag:$0x3] =	stream.indirect.gather [hbm4b:s4+s15], $0x40, s22, s15, $0xb8;
	[tilespmem:$0x19E00] =	vst v63  }
0x6f: {  	_ =	swait.ge [sflag:s0], $0x2000  }
0x70: {  	[sflag:s0] =	ssyncset.done $0x0  }
0x71: {  	s20 =	sadd.s32 $0xA180, s20;
	[sflag:s0] =	ssyncadd.s32 $0xFFFFE000  }
.LBB2_3:
0x72: {  	[tilespmem:s23], [sflag:$0x4] =	stream.indirect.gather [hbm4b:s4+s15], $0x40, s20, s15, $0xb8;
	[tilespmem:$0x19E00] =	vst v63  }
0x73: {  	_ =	swait.ge [sflag:s24], $0x2000  }
0x74: {  	s1 =	sshll.u32 s1, $0x9;
	[sflag:s24] =	ssyncset.done $0x0  }
0x75: {  	s16 =	sadd.s32 $0xDE00, s1;
	[sflag:s24] =	ssyncadd.s32 $0xFFFFE000  }
0x76: {  	[spmem:s2] =	stream.indirect.scatter.add.f32 [tilespmem:s17], [sflag:$0x5], $0x40, s16, s15, $0xb8;
	[tilespmem:$0x19E00] =	vst v63  }
0x77: {  	_ =	swait.ge [sflag:s25], $0x2000  }
0x78: {  	[sflag:s25] =	ssyncset.done $0x0  }
0x79: {  	s20 =	sadd.s32 $0xDE80, s1;
	[sflag:s25] =	ssyncadd.s32 $0xFFFFE000  }
0x7a: {  	[spmem:s2] =	stream.indirect.scatter.add.f32 [tilespmem:s19], [sflag:$0x6], $0x40, s20, s15, $0xb8;
	[tilespmem:$0x19E00] =	vst v63  }
0x7b: {  	_ =	swait.ge [sflag:s26], $0x2000  }
0x7c: {  	[sflag:s26] =	ssyncset.done $0x0  }
0x7d: {  	s22 =	sadd.s32 $0xDF00, s1;
	[sflag:s26] =	ssyncadd.s32 $0xFFFFE000  }
0x7e: {  	[spmem:s2] =	stream.indirect.scatter.add.f32 [tilespmem:s21], [sflag:$0x7], $0x40, s22, s15, $0xb8;
	[tilespmem:$0x19E00] =	vst v63  }
0x7f: {  	_ =	swait.ge [sflag:s28], $0x2000  }
0x80: {  	[sflag:s28] =	ssyncset.done $0x0  }
0x81: {  	s1 =	sadd.s32 $0xDF80, s1;
	[sflag:s28] =	ssyncadd.s32 $0xFFFFE000  }
0x82: {  	[spmem:s2] =	stream.indirect.scatter.add.f32 [tilespmem:s23], [sflag:$0x8], $0x40, s1, s15, $0xb8;
	[tilespmem:$0x19E00] =	vst v63  }
0x83: {  	_ =	swait.ge [sflag:s29], $0x2000  }
0x84: {  	[sflag:s29] =	ssyncset.done $0x0  }
0x85: {  	[sflag:s29] =	ssyncadd.s32 $0xFFFFE000  }
0x86: {  	_ =	swait.ge [sflag:s30], $0x2000  }
0x87: {  	[sflag:s30] =	ssyncset.done $0x0  }
0x88: {  	[sflag:s30] =	ssyncadd.s32 $0xFFFFE000  }
0x89: {  	_ =	swait.ge [sflag:s31], $0x2000  }
0x8a: {  	[sflag:s31] =	ssyncset.done $0x0  }
0x8b: {  	[sflag:s31] =	ssyncadd.s32 $0xFFFFE000  }
0x8c: {  	_ =	swait.ge [sflag:s0], $0x2000  }
0x8d: {  	s3 =	sadd.s32 $0x1, s3;
	[sflag:s0] =	ssyncset.done $0x0  }
0x8e: {  	p1 =	sne.s32 s3, s11;
	[sflag:s0] =	ssyncadd.s32 $0xFFFFE000  }
.Ltmp2:
0x8f: {  	[bflag:$0x0] =	sbarrier.arrive $0xFFFF;
	(pc) =	sbr.rel @p1 .LBB2_1-.Ltmp2, $4  }
0x90: {  	[hbm:s10], [sflag:s12] =	dma.local [spmem:s13], $0x13C0  }
0x91: {  	_ =	swait.ge [sflag:s14], $0x13C0  }
0x92: {  	[sflag:s14] =	ssyncset.done $0x0  }
0x93: {  	[sflag:s14] =	ssyncadd.s32 $0xFFFFEC40  }
0x94: {  	_ =	sfence.sel $0x180000  }
0x95: {  	[bflag:$0x0] =	sbarrier.arrive $0xFFFF  }
0x96: {  	_ =	strace $0x9000004D  }
0x97: {  	s0 =	stileid.u32;
	[bflag:$0x2] =	sbarrier.arrive $0xFFFF  }
0x98: {  	p0 =	sne.s32 s0, $0x0;
	s0 =	rddreg [dreg:$0x2]  }
0x99: {  	s0 =	sadd.s32 @!p0 $0x100000, s0  }
0x9a: {  	[sflag:s0] =	ssyncadd.tile.s32 @!p0 $0x1;
	_ =	shalt  }
.Lfunc_end2:
_tile_overlayer_lowered:
.L_overlay_start_2:
0x9b: {  	(tag) =	ssettag $0x2  }
0x9c: {  	s0 =	rddreg [dreg:$0x0];
	s2 =	stileid.u32  }
0x9d: {  	s1 =	rddreg [dreg:$0x1];
	p0 =	sne.s32 s2, $0x0  }
0x9e: {  	s3 =	rddreg [dreg:$0x2];
	[bflag:$0x3] =	sbarrier.arrive $0xFFFF;
	s2 =	simm.s32 @!p0 $0x1C0A  }
0x9f: {  	[timem:s3], [sflag:s2] =	dma.local @!p0 [hbm:s0], s1  }
0xa0: {  	s0 =	simm.s32 @!p0 $0xA  }
0xa1: {  	_ =	swait.ge @!p0 [sflag:s0], s1  }
0xa2: {  	s1 =	ssub.s32 @!p0 $0x0, s1;
	[sflag:s0] =	ssyncset.done @!p0 $0x0  }
0xa3: {  	[sflag:s0] =	ssyncadd.s32 @!p0 s1  }
0xa4: {  	[bflag:$0x3] =	sbarrier.arrive $0xFFFF  }
0xa5: {  	_ =	shalt  }

// kernel: kernel.18.cloned.1.call-start
scs
__scs_entry_jumppad:
0x0: {  	(pc) =	sbr.rel $0x88, $3  }
0x1: {  	(tag) =	ssettag $0x0;
	lr =	simm.s32 $0x1  }
0x2: {  	[smem:$0x3F99] =	sst lr;
	_ =	strace $0xD0000000  }
0x3: {  	_ = 	snop  }
0x4: {  	_ = 	snop  }
0x5: {  	_ = 	snop  }
0x6: {  	_ = 	snop  }
0x7: {  	_ = 	snop  }
__scs_overlays_trampoline_lowered:
0x8: {  	[smem:$0x3FA8] =	sst s0  }
0x9: {  	[smem:$0x3FA9] =	sst s1  }
0xa: {  	[smem:$0x3FAA] =	sst s2  }
0xb: {  	[smem:$0x3FAB] =	sst s3  }
0xc: {  	[smem:$0x3FAC] =	sst s4  }
0xd: {  	[smem:$0x3FAD] =	sst s5  }
0xe: {  	[smem:$0x3FAE] =	sst s6  }
0xf: {  	[smem:$0x3FAF] =	sst s7  }
0x10: {  	[smem:$0x3FB0] =	sst s8  }
0x11: {  	[smem:$0x3FB1] =	sst s9;
	s0 =	simm.s32 @!p0 $0x0  }
0x12: {  	s1 =	sld [smem:$0x3F97];
	s0 =	simm.s32 @p0 $0x1  }
0x13: {  	[smem:$0x3FB2] =	sst s0;
	s0 =	simm.s32 @!p1 $0x0  }
0x14: {  	s2 =	sld [smem:$0x3F96];
	s0 =	simm.s32 @p1 $0x1  }
0x15: {  	[smem:$0x3FB3] =	sst s0;
	s0 =	simm.s32 @!p2 $0x0  }
0x16: {  	s3 =	sld [smem:$0x3FDB];
	s0 =	simm.s32 @p2 $0x1  }
0x17: {  	s4 =	simm.s32 $0x1BF5;
	[smem:$0x3FB5] =	sst s0  }
0x18: {  	s0 =	sld [smem:$0x3F98];
	_ =	swait.ge [sflag:s4], $0x0  }
0x19: {  	s7 =	sld [smem:$0x3F99]  }
0x1a: {  	s8 =	sadd.s32 $0xFFFFE003, lr  }
0x1b: {  	s9 =	sadd.s32 $0xFFFFFEF7, lr;
	s5 =	simm.s32 $0xFFFFFFFF;
	p2 =	slt.u32 s8, $0xFFFFF086  }
0x1c: {  	p1 =	slt.u32 s9, $0xF7A;
	s5 =	simm.s32 @!p2 $0x0  }
0x1d: {  	s5 =	simm.s32 @p1 $0x1;
	p0 =	seq.s32 s7, s2  }
0x1e: {  	s7 =	smul.u32 @!p0 $0xF7A, s2;
	p2 =	seq.s32 @!p0 s5, $0x0  }
0x1f: {  	s9 =	smul.u32 $0xF7A, s1;
	s8 =	simm.s32 @!p0 $0x1BF5;
	p2 =	por !p2, p0  }
0x20: {  	[sflag:s8] =	ssyncset.s32 @!p0 $0xFFFFF086;
	s6 =	sadd.s32 @!p0 s3, s7;
	s7 =	simm.s32 @!p0 $0x108  }
0x21: {  	s3 =	sadd.s32 s3, s9;
	s6 =	sadd.s32 @!p0 $0x88, s6;
	s7 =	simm.s32 @p2 $0x1082  }
0x22: {  	[simem:s7], [sflag:s8] =	dma.local @!p0 [hbm:s6], $0xF7A  }
0x23: {  	s9 =	sor.u32 $0xD0000000, s2;
	s6 =	simm.s32 $0x108;
	_ =	swait.ge @!p0 [sflag:s8], $0x0  }
0x24: {  	s3 =	sadd.s32 $0x88, s3;
	s6 =	simm.s32 @!p1 $0x1082;
	[sflag:s4] =	ssyncset.s32 $0xFFFFF086  }
0x25: {  	[simem:s6], [sflag:s4] =	dma.local [hbm:s3], $0xF7A  }
0x26: {  	[smem:$0x3F99] =	sst s1;
	(tag) =	ssettag s2;
	_ =	strace s9  }
0x27: {  	s1 =	sld [smem:$0x3FA9]  }
0x28: {  	s2 =	sld [smem:$0x3FAA]  }
0x29: {  	s4 =	sld [smem:$0x3FAC]  }
0x2a: {  	p0 =	seq.s32 s5, $0x0;
	s5 =	sld [smem:$0x3FAD]  }
0x2b: {  	s6 =	sld [smem:$0x3FAE]  }
0x2c: {  	s7 =	sld [smem:$0x3FAF]  }
0x2d: {  	s3 =	simm.s32 $0x108;
	s8 =	sld [smem:$0x3FB0]  }
0x2e: {  	s3 =	simm.s32 @!p0 $0x1082;
	s9 =	sld [smem:$0x3FB1]  }
0x2f: {  	lr =	sadd.s32 s0, s3;
	s0 =	sld [smem:$0x3FA8]  }
0x30: {  	s3 =	sld [smem:$0x3FAB]  }
0x31: {  	[smem:$0x3FB4] =	sst s10  }
0x32: {  	s10 =	sld [smem:$0x3FB2];
	_ =	sdelay $0x3  }
0x33: {  	p0 =	seq.s32 s10, $0x1;
	s10 =	sld [smem:$0x3FB4];
	_ =	sdelay $0x3  }
0x34: {  	[smem:$0x3FB4] =	sst s10  }
0x35: {  	s10 =	sld [smem:$0x3FB3];
	_ =	sdelay $0x3  }
0x36: {  	p1 =	seq.s32 s10, $0x1;
	s10 =	sld [smem:$0x3FB4];
	_ =	sdelay $0x3  }
0x37: {  	[smem:$0x3FB4] =	sst s10  }
0x38: {  	s10 =	sld [smem:$0x3FB5]  }
0x39: {  	_ = 	snop;
	(pc) =	sbr.ind lr, $3  }
0x3a: {  	_ = 	snop  }
0x3b: {  	_ = 	snop  }
0x3c: {  	p2 =	seq.s32 s10, $0x1;
	s10 =	sld [smem:$0x3FB4]  }
0x3d: {  	_ =	shalt  }
0x3e: {  	_ =	shalt  }
0x3f: {  	_ =	shalt  }
0x40: {  	_ =	shalt  }
0x41: {  	_ =	shalt  }
0x42: {  	_ =	shalt  }
0x43: {  	_ =	shalt  }
0x44: {  	_ =	shalt  }
0x45: {  	_ =	shalt  }
0x46: {  	_ =	shalt  }
0x47: {  	_ =	shalt  }
0x48: {  	_ =	shalt  }
0x49: {  	_ =	shalt  }
0x4a: {  	_ =	shalt  }
0x4b: {  	_ =	shalt  }
0x4c: {  	_ =	shalt  }
0x4d: {  	_ =	shalt  }
0x4e: {  	_ =	shalt  }
0x4f: {  	_ =	shalt  }
0x50: {  	_ =	shalt  }
0x51: {  	_ =	shalt  }
0x52: {  	_ =	shalt  }
0x53: {  	_ =	shalt  }
0x54: {  	_ =	shalt  }
0x55: {  	_ =	shalt  }
0x56: {  	_ =	shalt  }
0x57: {  	_ =	shalt  }
0x58: {  	_ =	shalt  }
0x59: {  	_ =	shalt  }
0x5a: {  	_ =	shalt  }
0x5b: {  	_ =	shalt  }
0x5c: {  	_ =	shalt  }
0x5d: {  	_ =	shalt  }
0x5e: {  	_ =	shalt  }
0x5f: {  	_ =	shalt  }
0x60: {  	_ =	shalt  }
0x61: {  	_ =	shalt  }
0x62: {  	_ =	shalt  }
0x63: {  	_ =	shalt  }
0x64: {  	_ =	shalt  }
0x65: {  	_ =	shalt  }
0x66: {  	_ =	shalt  }
0x67: {  	_ =	shalt  }
0x68: {  	_ =	shalt  }
0x69: {  	_ =	shalt  }
0x6a: {  	_ =	shalt  }
0x6b: {  	_ =	shalt  }
0x6c: {  	_ =	shalt  }
0x6d: {  	_ =	shalt  }
0x6e: {  	_ =	shalt  }
0x6f: {  	_ =	shalt  }
0x70: {  	_ =	shalt  }
0x71: {  	_ =	shalt  }
0x72: {  	_ =	shalt  }
0x73: {  	_ =	shalt  }
0x74: {  	_ =	shalt  }
0x75: {  	_ =	shalt  }
0x76: {  	_ =	shalt  }
0x77: {  	_ =	shalt  }
0x78: {  	_ =	shalt  }
0x79: {  	_ =	shalt  }
0x7a: {  	_ =	shalt  }
0x7b: {  	_ =	shalt  }
0x7c: {  	_ =	shalt  }
0x7d: {  	_ =	shalt  }
0x7e: {  	_ =	shalt  }
0x7f: {  	_ =	shalt  }
0x80: {  	_ =	shalt  }
0x81: {  	_ =	shalt  }
0x82: {  	_ =	shalt  }
0x83: {  	_ =	shalt  }
0x84: {  	_ =	shalt  }
0x85: {  	_ =	shalt  }
0x86: {  	_ =	shalt  }
0x87: {  	_ =	shalt  }
.Lfunc_end0:
.L_simem_size_0:
called_computation.3_lowered:
.L_overlay_start_0:
0x88: {  	s2 =	sld [smem:$0x3FD9]  }
0x89: {  	s3 =	sld [smem:$0x3FFE];
	_ =	sdelay $0x1  }
0x8a: {  	s1 =	srdreg.scid  }
0x8b: {  	s0 =	sand.u32 $0x1, s1  }
0x8c: {  	s16 =	sshll.u32 s0, $0xA;
	s2 =	sadd.s32 s3, s2  }
0x8d: {  	s2 =	sadd.s32 s2, s16  }
0x8e: {  	[smem:$0x3FC0] =	sst s2  }
0x8f: {  	_ = 	snop  }
0x90: {  	(tm) =	ssettm $0x1  }
0x91: {  	s17 =	sld [smem:$0x3FFB];
	_ =	sdelay $0x3  }
0x92: {  	_ =	strace s17  }
0x93: {  	s2 =	sld [smem:$0x3FFC];
	_ =	sdelay $0x3  }
0x94: {  	_ =	strace s2  }
0x95: {  	s2 =	sld [smem:$0x3FFD];
	_ =	sdelay $0x3  }
0x96: {  	_ =	strace s2  }
0x97: {  	_ =	strace $0x8FFFFFFF  }
0x98: {  	s18 =	sld [smem:$0x3FDB];
	_ =	sdelay $0x1  }
0x99: {  	s19 =	simm.s32 $_scs_section_size  }
0x9a: {  	s4 =	simm.s32 $_size__tile_overlayer_lowered;
	s5 =	simm.s32 $_tile_overlayer_lowered  }
0x9b: {  	s22 =	simm.s32 $0x1BFF;
	s21 =	sshll.u32 s5, $0x1;
	s2 =	sadd.s32 s19, s18  }
0x9c: {  	s6 =	simm.s32 $0x0;
	s20 =	sshll.u32 s4, $0x1;
	s4 =	sadd.s32 s21, s2  }
0x9d: {  	[timem:s6], [sflag:s22] =	dma.local [hbm:s4], s20  }
0x9e: {  	_ =	swait.ge [sflag:s22], s20  }
0x9f: {  	s3 =	ssub.s32 $0x0, s20;
	[sflag:s22] =	ssyncset.done $0x0  }
0xa0: {  	[sflag:s22] =	ssyncadd.s32 s3;
	_ =	sdelay $0x1  }
0xa1: {  	s23 =	simm.s32 $0x1B8B  }
0xa2: {  	_ =	swait.ge [sflag:s23], $0x1  }
0xa3: {  	[sflag:s23] =	ssyncset.done $0x0  }
0xa4: {  	s25 =	simm.s32 $0x1B8E;
	s24 =	sld [smem:$0x3FFE];
	[sflag:s23] =	ssyncadd.s32 $0xFFFFFFFF  }
0xa5: {  	s26 =	simm.s32 $execute0_lowered;
	[smem:$0x3FD2] =	sst s25  }
0xa6: {  	s4 =	sshll.u32 s26, $0x1;
	_ =	strace $0x8000004F;
	[dreg:$0x1] =	wrdreg $0xFFFFFFFF  }
0xa7: {  	s28 =	simm.s32 $_size_execute0_lowered;
	s2 =	sadd.s32 s2, s4;
	[dreg:$0x0] =	wrdreg $0x0  }
0xa8: {  	s4 =	sshll.u32 s28, $0x1;
	[dreg:$0x2] =	wrdreg s2  }
0xa9: {  	[dreg:$0x3] =	wrdreg s4  }
0xaa: {  	[dreg:$0x4] =	wrdreg $0xC0  }
0xab: {  	_ =	task [dreg:s6], $0x5FFFF  }
0xac: {  	[dreg:$0x1] =	wrdreg $0xFFFFFFFF  }
0xad: {  	[dreg:$0x0] =	wrdreg $0x60  }
0xae: {  	[dreg:$0x2] =	wrdreg s24  }
0xaf: {  	[dreg:$0x3] =	wrdreg $0x0  }
0xb0: {  	[dreg:$0x4] =	wrdreg $0x9  }
0xb1: {  	_ =	task.clear_ibuf [dreg:s6], $0x5FFFF;
	_ =	strace $0x9000004F  }
0xb2: {  	s29 =	simm.s32 $0x9;
	_ =	strace $0x80000051  }
0xb3: {  	_ =	swait.ge [sflag:s29], $0x1  }
0xb4: {  	[sflag:s29] =	ssyncadd.s32 $0xFFFFFFFF  }
0xb5: {  	_ =	strace $0x90000051  }
0xb6: {  	_ =	sfence  }
0xb7: {  	s30 =	sld [smem:$0x0];
	_ =	sdelay $0x2  }
0xb8: {  	s31 =	sshll.u32 s1, $0xD;
	s1 =	sshrl.u32 s1, $0x2  }
0xb9: {  	s3 =	sand.u32 $0x4000, s31;
	s1 =	sadd.s32 s1, s30  }
0xba: {  	s0 =	sor.u32 s3, s0;
	s1 =	sshll.u32 s1, $0x11  }
0xbb: {  	s0 =	sor.u32 s1, s0  }
0xbc: {  	s0 =	sadd.s32 $0x8F2B, s0  }
0xbd: {  	[sflag:s0] =	ssyncadd.remote.s32 $0x1  }
0xbe: {  	_ =	sfence.sel $0xFFFF  }
0xbf: {  	[dreg:$0x0] =	wrdreg $0xFFFFFFFF;
	(pc) =	sbr.abs _section_cstart, $3  }
0xc0: {  	[dreg:$0x1] =	wrdreg $0xFFFFFFFF  }
0xc1: {  	_ =	task.clear_ibuf [dreg:s6], $0x2FFFF;
	_ =	strace $0x9FFFFFFF  }
0xc2: {  	(tm) =	ssettm $0x7FFFFFFF  }
0xc3: {  	_ =	shalt  }
tec
execute0_lowered:
.L_overlay_start_1:
0x0: {  	(tag) =	ssettag $0x1  }
0x1: {  	s0 =	rddreg [dreg:$0x0]  }
0x2: {  	s2 =	rddreg [dreg:$0x1]  }
0x3: {  	s14 =	stileid.u32;
	s1 =	srdreg.scid;
	s3 =	simm.s32 $0x0  }
0x4: {  	s15 =	simm.s32 $0x80;
	s17 =	simm.s32 $0x11E00;
	s19 =	simm.s32 $0x13E00  }
0x5: {  	s21 =	simm.s32 $0x15E00;
	s28 =	simm.s32 $0x4;
	s29 =	simm.s32 $0x5  }
0x6: {  	s30 =	simm.s32 $0x6;
	s31 =	simm.s32 $0x7;
	s9 =	smul.u32 $0x9E00, s14  }
0x7: {  	s1 =	sand.u32 $0x1, s1;
	[smem:$0x7FF] =	sst s3;
	s7 =	sadd.s32 $0x1F200, s0  }
0x8: {  	s8 =	sadd.s32 $0x15200, s0;
	s4 =	sadd.s32 $0x3CE00, s0;
	s11 =	sshll.u32 s14, $0x9  }
0x9: {  	s25 =	sshll.u32 s14, $0xB;
	s26 =	sshll.u32 s14, $0x6;
	s14 =	simm.s32 $0xA  }
0xa: {  	s5 =	smul.u32 $0x9E000, s1;
	_ =	strace $0x80000050;
	s22 =	ssub.s32 $0x2, s1  }
0xb: {  	s24 =	sor.u32 $0x8000, s11;
	p0 =	sne.s32 s1, $0x0;
	s6 =	sshrl.u32 s9, $0x3  }
0xc: {  	s23 =	sshrl.u32 s22, $0x1;
	s13 =	sadd.s32 s9, s2;
	s5 =	sadd.s32 s9, s5  }
0xd: {  	s10 =	sadd.s32 s6, s0;
	s12 =	ssub.s32 s22, s23;
	s6 =	sadd.s32 s8, s24  }
0xe: {  	s8 =	sadd.s32 s8, s25;
	s13 =	sshrl.u32 s13, $0x3;
	s23 =	simm.s32 $0x17E00  }
0xf: {  	s5 =	sshrl.u32 s5, $0x3;
	s9 =	sadd.s32 $0x29200, s10;
	s11 =	smax.u32 s12, $0x1  }
0x10: {  	s12 =	sor.u32 $0x1C0A, s26;
	s26 =	simm.s32 $0x3;
	s0 =	sadd.s32 s5, s0  }
0x11: {  	s5 =	sadd.s32 s7, s24;
	s7 =	sadd.s32 s7, s25;
	s24 =	simm.s32 $0x1  }
0x12: {  	s25 =	simm.s32 $0x2;
	s10 =	sadd.s32 $0x50A00, s0;
	s0 =	simm.s32 $0x8  }
.LBB2_1:
0x13: {  	s1 =	simm.s32 @p0 $0x0;
	s16 =	simm.s32 @p0 $0x9E00  }
0x14: {  	[tilespmem:s16], [sflag:$0x9] =	stream.linear.gather @p0 [hbm4b:s5+s1], $0x1000, $0x38;
	[tilespmem:$0x19E00] =	vst v63  }
0x15: {  	s16 =	simm.s32 @p0 $0xDE00  }
0x16: {  	[tilespmem:s16], [sflag:$0x9] =	stream.linear.gather @p0 [hbm4b:s6+s1], $0x1000, $0x38;
	[tilespmem:$0x19E00] =	vst v63  }
0x17: {  	s1 =	simm.s32 @!p0 $0x0;
	s16 =	simm.s32 @!p0 $0x9E00  }
0x18: {  	[tilespmem:s16], [sflag:$0x9] =	stream.linear.gather @!p0 [hbm4b:s7+s1], $0x4000, $0x38;
	[tilespmem:$0x19E00] =	vst v63  }
0x19: {  	s16 =	simm.s32 @!p0 $0xDE00  }
0x1a: {  	[tilespmem:s16], [sflag:$0x9] =	stream.linear.gather @!p0 [hbm4b:s8+s1], $0x4000, $0x38;
	[tilespmem:$0x19E00] =	vst v63  }
0x1b: {  	[spmem:s13], [sflag:s12] =	dma.local [hbm:s9], $0x13C0  }
0x1c: {  	_ =	swait.ge [sflag:s14], $0x13C0  }
0x1d: {  	[sflag:s14] =	ssyncset.done $0x0  }
0x1e: {  	s1 =	simm.s32 @p0 $0x9;
	[sflag:s14] =	ssyncadd.s32 $0xFFFFEC40  }
0x1f: {  	_ =	swait.ge @p0 [sflag:s1], $0x1000  }
0x20: {  	[sflag:s1] =	ssyncset.done @p0 $0x0  }
0x21: {  	[sflag:s1] =	ssyncadd.s32 @p0 $0xFFFFF000  }
0x22: {  	_ =	swait.ge @p0 [sflag:s1], $0x1000  }
0x23: {  	[sflag:s1] =	ssyncset.done @p0 $0x0  }
0x24: {  	[sflag:s1] =	ssyncadd.s32 @p0 $0xFFFFF000;
	s1 =	simm.s32 @!p0 $0x9  }
0x25: {  	_ =	swait.ge @!p0 [sflag:s1], $0x4000  }
0x26: {  	[sflag:s1] =	ssyncset.done @!p0 $0x0  }
0x27: {  	[sflag:s1] =	ssyncadd.s32 @!p0 $0xFFFFC000  }
0x28: {  	_ =	swait.ge @!p0 [sflag:s1], $0x4000  }
0x29: {  	[sflag:s1] =	ssyncset.done @!p0 $0x0  }
0x2a: {  	[sflag:s1] =	ssyncadd.s32 @!p0 $0xFFFFC000  }
0x2b: {  	s18 =	simm.s32 $0x9E00;
	[bflag:$0x0] =	sbarrier.arrive $0xFFFF  }
0x2c: {  	[tilespmem:s17], [sflag:$0x1] =	stream.indirect.gather [hbm4b:s4+s15], $0x40, s18, s15, $0xb8;
	[tilespmem:$0x19E00] =	vst v63  }
0x2d: {  	s20 =	simm.s32 $0x9E80  }
0x2e: {  	[tilespmem:s19], [sflag:$0x2] =	stream.indirect.gather [hbm4b:s4+s15], $0x40, s20, s15, $0xb8;
	[tilespmem:$0x19E00] =	vst v63  }
0x2f: {  	s22 =	simm.s32 $0x9F00  }
0x30: {  	[tilespmem:s21], [sflag:$0x3] =	stream.indirect.gather [hbm4b:s4+s15], $0x40, s22, s15, $0xb8;
	[tilespmem:$0x19E00] =	vst v63  }
0x31: {  	s16 =	simm.s32 $0x9F80  }
0x32: {  	[tilespmem:s23], [sflag:$0x4] =	stream.indirect.gather [hbm4b:s4+s15], $0x40, s16, s15, $0xb8;
	[tilespmem:$0x19E00] =	vst v63  }
0x33: {  	_ =	swait.ge [sflag:s24], $0x2000  }
0x34: {  	[sflag:s24] =	ssyncset.done $0x0  }
0x35: {  	s18 =	simm.s32 $0xDE00;
	[sflag:s24] =	ssyncadd.s32 $0xFFFFE000  }
0x36: {  	[spmem:s2] =	stream.indirect.scatter.add.f32 [tilespmem:s17], [sflag:$0x5], $0x40, s18, s15, $0xb8;
	[tilespmem:$0x19E00] =	vst v63  }
0x37: {  	_ =	swait.ge [sflag:s25], $0x2000  }
0x38: {  	[sflag:s25] =	ssyncset.done $0x0  }
0x39: {  	s20 =	simm.s32 $0xDE80;
	[sflag:s25] =	ssyncadd.s32 $0xFFFFE000  }
0x3a: {  	[spmem:s2] =	stream.indirect.scatter.add.f32 [tilespmem:s19], [sflag:$0x6], $0x40, s20, s15, $0xb8;
	[tilespmem:$0x19E00] =	vst v63  }
0x3b: {  	_ =	swait.ge [sflag:s26], $0x2000  }
0x3c: {  	[sflag:s26] =	ssyncset.done $0x0  }
0x3d: {  	s22 =	simm.s32 $0xDF00;
	[sflag:s26] =	ssyncadd.s32 $0xFFFFE000  }
0x3e: {  	[spmem:s2] =	stream.indirect.scatter.add.f32 [tilespmem:s21], [sflag:$0x7], $0x40, s22, s15, $0xb8;
	[tilespmem:$0x19E00] =	vst v63  }
0x3f: {  	_ =	swait.ge [sflag:s28], $0x2000  }
0x40: {  	[sflag:s28] =	ssyncset.done $0x0  }
0x41: {  	s16 =	simm.s32 $0xDF80;
	[sflag:s28] =	ssyncadd.s32 $0xFFFFE000  }
0x42: {  	[spmem:s2] =	stream.indirect.scatter.add.f32 [tilespmem:s23], [sflag:$0x8], $0x40, s16, s15, $0xb8;
	[tilespmem:$0x19E00] =	vst v63  }
0x43: {  	_ =	swait.ge [sflag:s29], $0x2000  }
0x44: {  	[sflag:s29] =	ssyncset.done $0x0  }
0x45: {  	s18 =	simm.s32 $0xA000;
	[sflag:s29] =	ssyncadd.s32 $0xFFFFE000  }
0x46: {  	[tilespmem:s17], [sflag:$0x1] =	stream.indirect.gather [hbm4b:s4+s15], $0x40, s18, s15, $0xb8;
	[tilespmem:$0x19E00] =	vst v63  }
0x47: {  	_ =	swait.ge [sflag:s30], $0x2000  }
0x48: {  	s1 =	simm.s32 @!p0 $0x1F;
	[sflag:s30] =	ssyncset.done $0x0  }
0x49: {  	s1 =	simm.s32 @p0 $0x7;
	s20 =	simm.s32 $0xA080;
	[sflag:s30] =	ssyncadd.s32 $0xFFFFE000  }
0x4a: {  	[tilespmem:s19], [sflag:$0x2] =	stream.indirect.gather [hbm4b:s4+s15], $0x40, s20, s15, $0xb8;
	[tilespmem:$0x19E00] =	vst v63  }
0x4b: {  	s16 =	sshll.u32 s1, $0xB;
	_ =	swait.ge [sflag:s31], $0x2000  }
0x4c: {  	p1 =	sne.s32 s16, $0x800;
	[sflag:s31] =	ssyncset.done $0x0  }
.Ltmp0:
0x4d: {  	s22 =	simm.s32 $0xA100;
	[sflag:s31] =	ssyncadd.s32 $0xFFFFE000;
	(pc) =	sbr.rel @!p1 .LBB2_3-.Ltmp0, $4  }
0x4e: {  	[tilespmem:s21], [sflag:$0x3] =	stream.indirect.gather [hbm4b:s4+s15], $0x40, s22, s15, $0xb8;
	[tilespmem:$0x19E00] =	vst v63  }
0x4f: {  	_ =	swait.ge [sflag:s0], $0x2000  }
0x50: {  	[sflag:s0] =	ssyncset.done $0x0  }
0x51: {  	s18 =	simm.s32 $0x800;
	s20 =	simm.s32 $0xA180;
	[sflag:s0] =	ssyncadd.s32 $0xFFFFE000  }
.LBB2_2:
0x52: {  	[tilespmem:s23], [sflag:$0x4] =	stream.indirect.gather [hbm4b:s4+s15], $0x40, s20, s15, $0xb8;
	[tilespmem:$0x19E00] =	vst v63  }
0x53: {  	s20 =	smov.u32 s18;
	s18 =	sadd.s32 $0x800, s18;
	_ =	swait.ge [sflag:s24], $0x2000  }
0x54: {  	s20 =	sshra.s32 s20, $0x2;
	p1 =	sne.s32 s16, s18;
	[sflag:s24] =	ssyncset.done $0x0  }
0x55: {  	s22 =	sadd.s32 $0xDE00, s20;
	[sflag:s24] =	ssyncadd.s32 $0xFFFFE000  }
0x56: {  	[spmem:s2] =	stream.indirect.scatter.add.f32 [tilespmem:s17], [sflag:$0x5], $0x40, s22, s15, $0xb8;
	[tilespmem:$0x19E00] =	vst v63  }
0x57: {  	_ =	swait.ge [sflag:s25], $0x2000  }
0x58: {  	[sflag:s25] =	ssyncset.done $0x0  }
0x59: {  	s22 =	sadd.s32 $0xDE80, s20;
	[sflag:s25] =	ssyncadd.s32 $0xFFFFE000  }
0x5a: {  	[spmem:s2] =	stream.indirect.scatter.add.f32 [tilespmem:s19], [sflag:$0x6], $0x40, s22, s15, $0xb8;
	[tilespmem:$0x19E00] =	vst v63  }
0x5b: {  	_ =	swait.ge [sflag:s26], $0x2000  }
0x5c: {  	[sflag:s26] =	ssyncset.done $0x0  }
0x5d: {  	s22 =	sadd.s32 $0xDF00, s20;
	[sflag:s26] =	ssyncadd.s32 $0xFFFFE000  }
0x5e: {  	[spmem:s2] =	stream.indirect.scatter.add.f32 [tilespmem:s21], [sflag:$0x7], $0x40, s22, s15, $0xb8;
	[tilespmem:$0x19E00] =	vst v63  }
0x5f: {  	_ =	swait.ge [sflag:s28], $0x2000  }
0x60: {  	[sflag:s28] =	ssyncset.done $0x0  }
0x61: {  	s22 =	sadd.s32 $0xDF80, s20;
	[sflag:s28] =	ssyncadd.s32 $0xFFFFE000  }
0x62: {  	[spmem:s2] =	stream.indirect.scatter.add.f32 [tilespmem:s23], [sflag:$0x8], $0x40, s22, s15, $0xb8;
	[tilespmem:$0x19E00] =	vst v63  }
0x63: {  	_ =	swait.ge [sflag:s29], $0x2000  }
0x64: {  	[sflag:s29] =	ssyncset.done $0x0  }
0x65: {  	s22 =	sadd.s32 $0xA000, s20;
	[sflag:s29] =	ssyncadd.s32 $0xFFFFE000  }
0x66: {  	[tilespmem:s17], [sflag:$0x1] =	stream.indirect.gather [hbm4b:s4+s15], $0x40, s22, s15, $0xb8;
	[tilespmem:$0x19E00] =	vst v63  }
0x67: {  	_ =	swait.ge [sflag:s30], $0x2000  }
0x68: {  	[sflag:s30] =	ssyncset.done $0x0  }
0x69: {  	s22 =	sadd.s32 $0xA080, s20;
	[sflag:s30] =	ssyncadd.s32 $0xFFFFE000  }
0x6a: {  	[tilespmem:s19], [sflag:$0x2] =	stream.indirect.gather [hbm4b:s4+s15], $0x40, s22, s15, $0xb8;
	[tilespmem:$0x19E00] =	vst v63  }
0x6b: {  	_ =	swait.ge [sflag:s31], $0x2000  }
0x6c: {  	[sflag:s31] =	ssyncset.done $0x0  }
.Ltmp1:
0x6d: {  	s22 =	sadd.s32 $0xA100, s20;
	[sflag:s31] =	ssyncadd.s32 $0xFFFFE000;
	(pc) =	sbr.rel @p1 .LBB2_2-.Ltmp1, $4  }
0x6e: {  	[tilespmem:s21], [sflag:$0x3] =	stream.indirect.gather [hbm4b:s4+s15], $0x40, s22, s15, $0xb8;
	[tilespmem:$0x19E00] =	vst v63  }
0x6f: {  	_ =	swait.ge [sflag:s0], $0x2000  }
0x70: {  	[sflag:s0] =	ssyncset.done $0x0  }
0x71: {  	s20 =	sadd.s32 $0xA180, s20;
	[sflag:s0] =	ssyncadd.s32 $0xFFFFE000  }
.LBB2_3:
0x72: {  	[tilespmem:s23], [sflag:$0x4] =	stream.indirect.gather [hbm4b:s4+s15], $0x40, s20, s15, $0xb8;
	[tilespmem:$0x19E00] =	vst v63  }
0x73: {  	_ =	swait.ge [sflag:s24], $0x2000  }
0x74: {  	s1 =	sshll.u32 s1, $0x9;
	[sflag:s24] =	ssyncset.done $0x0  }
0x75: {  	s16 =	sadd.s32 $0xDE00, s1;
	[sflag:s24] =	ssyncadd.s32 $0xFFFFE000  }
0x76: {  	[spmem:s2] =	stream.indirect.scatter.add.f32 [tilespmem:s17], [sflag:$0x5], $0x40, s16, s15, $0xb8;
	[tilespmem:$0x19E00] =	vst v63  }
0x77: {  	_ =	swait.ge [sflag:s25], $0x2000  }
0x78: {  	[sflag:s25] =	ssyncset.done $0x0  }
0x79: {  	s20 =	sadd.s32 $0xDE80, s1;
	[sflag:s25] =	ssyncadd.s32 $0xFFFFE000  }
0x7a: {  	[spmem:s2] =	stream.indirect.scatter.add.f32 [tilespmem:s19], [sflag:$0x6], $0x40, s20, s15, $0xb8;
	[tilespmem:$0x19E00] =	vst v63  }
0x7b: {  	_ =	swait.ge [sflag:s26], $0x2000  }
0x7c: {  	[sflag:s26] =	ssyncset.done $0x0  }
0x7d: {  	s22 =	sadd.s32 $0xDF00, s1;
	[sflag:s26] =	ssyncadd.s32 $0xFFFFE000  }
0x7e: {  	[spmem:s2] =	stream.indirect.scatter.add.f32 [tilespmem:s21], [sflag:$0x7], $0x40, s22, s15, $0xb8;
	[tilespmem:$0x19E00] =	vst v63  }
0x7f: {  	_ =	swait.ge [sflag:s28], $0x2000  }
0x80: {  	[sflag:s28] =	ssyncset.done $0x0  }
0x81: {  	s1 =	sadd.s32 $0xDF80, s1;
	[sflag:s28] =	ssyncadd.s32 $0xFFFFE000  }
0x82: {  	[spmem:s2] =	stream.indirect.scatter.add.f32 [tilespmem:s23], [sflag:$0x8], $0x40, s1, s15, $0xb8;
	[tilespmem:$0x19E00] =	vst v63  }
0x83: {  	_ =	swait.ge [sflag:s29], $0x2000  }
0x84: {  	[sflag:s29] =	ssyncset.done $0x0  }
0x85: {  	[sflag:s29] =	ssyncadd.s32 $0xFFFFE000  }
0x86: {  	_ =	swait.ge [sflag:s30], $0x2000  }
0x87: {  	[sflag:s30] =	ssyncset.done $0x0  }
0x88: {  	[sflag:s30] =	ssyncadd.s32 $0xFFFFE000  }
0x89: {  	_ =	swait.ge [sflag:s31], $0x2000  }
0x8a: {  	[sflag:s31] =	ssyncset.done $0x0  }
0x8b: {  	[sflag:s31] =	ssyncadd.s32 $0xFFFFE000  }
0x8c: {  	_ =	swait.ge [sflag:s0], $0x2000  }
0x8d: {  	s3 =	sadd.s32 $0x1, s3;
	[sflag:s0] =	ssyncset.done $0x0  }
0x8e: {  	p1 =	sne.s32 s3, s11;
	[sflag:s0] =	ssyncadd.s32 $0xFFFFE000  }
.Ltmp2:
0x8f: {  	[bflag:$0x0] =	sbarrier.arrive $0xFFFF;
	(pc) =	sbr.rel @p1 .LBB2_1-.Ltmp2, $4  }
0x90: {  	[hbm:s10], [sflag:s12] =	dma.local [spmem:s13], $0x13C0  }
0x91: {  	_ =	swait.ge [sflag:s14], $0x13C0  }
0x92: {  	[sflag:s14] =	ssyncset.done $0x0  }
0x93: {  	[sflag:s14] =	ssyncadd.s32 $0xFFFFEC40  }
0x94: {  	_ =	sfence.sel $0x180000  }
0x95: {  	[bflag:$0x0] =	sbarrier.arrive $0xFFFF  }
0x96: {  	_ =	strace $0x90000050  }
0x97: {  	s0 =	stileid.u32;
	[bflag:$0x2] =	sbarrier.arrive $0xFFFF  }
0x98: {  	p0 =	sne.s32 s0, $0x0;
	s0 =	rddreg [dreg:$0x2]  }
0x99: {  	s0 =	sadd.s32 @!p0 $0x100000, s0  }
0x9a: {  	[sflag:s0] =	ssyncadd.tile.s32 @!p0 $0x1;
	_ =	shalt  }
.Lfunc_end2:
_tile_overlayer_lowered:
.L_overlay_start_2:
0x9b: {  	(tag) =	ssettag $0x2  }
0x9c: {  	s0 =	rddreg [dreg:$0x0];
	s2 =	stileid.u32  }
0x9d: {  	s1 =	rddreg [dreg:$0x1];
	p0 =	sne.s32 s2, $0x0  }
0x9e: {  	s3 =	rddreg [dreg:$0x2];
	[bflag:$0x3] =	sbarrier.arrive $0xFFFF;
	s2 =	simm.s32 @!p0 $0x1C0A  }
0x9f: {  	[timem:s3], [sflag:s2] =	dma.local @!p0 [hbm:s0], s1  }
0xa0: {  	s0 =	simm.s32 @!p0 $0xA  }
0xa1: {  	_ =	swait.ge @!p0 [sflag:s0], s1  }
0xa2: {  	s1 =	ssub.s32 @!p0 $0x0, s1;
	[sflag:s0] =	ssyncset.done @!p0 $0x0  }
0xa3: {  	[sflag:s0] =	ssyncadd.s32 @!p0 s1  }
0xa4: {  	[bflag:$0x3] =	sbarrier.arrive $0xFFFF  }
0xa5: {  	_ =	shalt  }

// kernel: kernel.9.cloned.1.call-start
scs
__scs_entry_jumppad:
0x0: {  	(pc) =	sbr.rel $0x88, $3  }
0x1: {  	(tag) =	ssettag $0x0;
	lr =	simm.s32 $0x1  }
0x2: {  	[smem:$0x3F99] =	sst lr;
	_ =	strace $0xD0000000  }
0x3: {  	_ = 	snop  }
0x4: {  	_ = 	snop  }
0x5: {  	_ = 	snop  }
0x6: {  	_ = 	snop  }
0x7: {  	_ = 	snop  }
__scs_overlays_trampoline_lowered:
0x8: {  	[smem:$0x3FA8] =	sst s0  }
0x9: {  	[smem:$0x3FA9] =	sst s1  }
0xa: {  	[smem:$0x3FAA] =	sst s2  }
0xb: {  	[smem:$0x3FAB] =	sst s3  }
0xc: {  	[smem:$0x3FAC] =	sst s4  }
0xd: {  	[smem:$0x3FAD] =	sst s5  }
0xe: {  	[smem:$0x3FAE] =	sst s6  }
0xf: {  	[smem:$0x3FAF] =	sst s7  }
0x10: {  	[smem:$0x3FB0] =	sst s8  }
0x11: {  	[smem:$0x3FB1] =	sst s9;
	s0 =	simm.s32 @!p0 $0x0  }
0x12: {  	s1 =	sld [smem:$0x3F97];
	s0 =	simm.s32 @p0 $0x1  }
0x13: {  	[smem:$0x3FB2] =	sst s0;
	s0 =	simm.s32 @!p1 $0x0  }
0x14: {  	s2 =	sld [smem:$0x3F96];
	s0 =	simm.s32 @p1 $0x1  }
0x15: {  	[smem:$0x3FB3] =	sst s0;
	s0 =	simm.s32 @!p2 $0x0  }
0x16: {  	s3 =	sld [smem:$0x3FDB];
	s0 =	simm.s32 @p2 $0x1  }
0x17: {  	s4 =	simm.s32 $0x1BF5;
	[smem:$0x3FB5] =	sst s0  }
0x18: {  	s0 =	sld [smem:$0x3F98];
	_ =	swait.ge [sflag:s4], $0x0  }
0x19: {  	s7 =	sld [smem:$0x3F99]  }
0x1a: {  	s8 =	sadd.s32 $0xFFFFE003, lr  }
0x1b: {  	s9 =	sadd.s32 $0xFFFFFEF7, lr;
	s5 =	simm.s32 $0xFFFFFFFF;
	p2 =	slt.u32 s8, $0xFFFFF086  }
0x1c: {  	p1 =	slt.u32 s9, $0xF7A;
	s5 =	simm.s32 @!p2 $0x0  }
0x1d: {  	s5 =	simm.s32 @p1 $0x1;
	p0 =	seq.s32 s7, s2  }
0x1e: {  	s7 =	smul.u32 @!p0 $0xF7A, s2;
	p2 =	seq.s32 @!p0 s5, $0x0  }
0x1f: {  	s9 =	smul.u32 $0xF7A, s1;
	s8 =	simm.s32 @!p0 $0x1BF5;
	p2 =	por !p2, p0  }
0x20: {  	[sflag:s8] =	ssyncset.s32 @!p0 $0xFFFFF086;
	s6 =	sadd.s32 @!p0 s3, s7;
	s7 =	simm.s32 @!p0 $0x108  }
0x21: {  	s3 =	sadd.s32 s3, s9;
	s6 =	sadd.s32 @!p0 $0x88, s6;
	s7 =	simm.s32 @p2 $0x1082  }
0x22: {  	[simem:s7], [sflag:s8] =	dma.local @!p0 [hbm:s6], $0xF7A  }
0x23: {  	s9 =	sor.u32 $0xD0000000, s2;
	s6 =	simm.s32 $0x108;
	_ =	swait.ge @!p0 [sflag:s8], $0x0  }
0x24: {  	s3 =	sadd.s32 $0x88, s3;
	s6 =	simm.s32 @!p1 $0x1082;
	[sflag:s4] =	ssyncset.s32 $0xFFFFF086  }
0x25: {  	[simem:s6], [sflag:s4] =	dma.local [hbm:s3], $0xF7A  }
0x26: {  	[smem:$0x3F99] =	sst s1;
	(tag) =	ssettag s2;
	_ =	strace s9  }
0x27: {  	s1 =	sld [smem:$0x3FA9]  }
0x28: {  	s2 =	sld [smem:$0x3FAA]  }
0x29: {  	s4 =	sld [smem:$0x3FAC]  }
0x2a: {  	p0 =	seq.s32 s5, $0x0;
	s5 =	sld [smem:$0x3FAD]  }
0x2b: {  	s6 =	sld [smem:$0x3FAE]  }
0x2c: {  	s7 =	sld [smem:$0x3FAF]  }
0x2d: {  	s3 =	simm.s32 $0x108;
	s8 =	sld [smem:$0x3FB0]  }
0x2e: {  	s3 =	simm.s32 @!p0 $0x1082;
	s9 =	sld [smem:$0x3FB1]  }
0x2f: {  	lr =	sadd.s32 s0, s3;
	s0 =	sld [smem:$0x3FA8]  }
0x30: {  	s3 =	sld [smem:$0x3FAB]  }
0x31: {  	[smem:$0x3FB4] =	sst s10  }
0x32: {  	s10 =	sld [smem:$0x3FB2];
	_ =	sdelay $0x3  }
0x33: {  	p0 =	seq.s32 s10, $0x1;
	s10 =	sld [smem:$0x3FB4];
	_ =	sdelay $0x3  }
0x34: {  	[smem:$0x3FB4] =	sst s10  }
0x35: {  	s10 =	sld [smem:$0x3FB3];
	_ =	sdelay $0x3  }
0x36: {  	p1 =	seq.s32 s10, $0x1;
	s10 =	sld [smem:$0x3FB4];
	_ =	sdelay $0x3  }
0x37: {  	[smem:$0x3FB4] =	sst s10  }
0x38: {  	s10 =	sld [smem:$0x3FB5]  }
0x39: {  	_ = 	snop;
	(pc) =	sbr.ind lr, $3  }
0x3a: {  	_ = 	snop  }
0x3b: {  	_ = 	snop  }
0x3c: {  	p2 =	seq.s32 s10, $0x1;
	s10 =	sld [smem:$0x3FB4]  }
0x3d: {  	_ =	shalt  }
0x3e: {  	_ =	shalt  }
0x3f: {  	_ =	shalt  }
0x40: {  	_ =	shalt  }
0x41: {  	_ =	shalt  }
0x42: {  	_ =	shalt  }
0x43: {  	_ =	shalt  }
0x44: {  	_ =	shalt  }
0x45: {  	_ =	shalt  }
0x46: {  	_ =	shalt  }
0x47: {  	_ =	shalt  }
0x48: {  	_ =	shalt  }
0x49: {  	_ =	shalt  }
0x4a: {  	_ =	shalt  }
0x4b: {  	_ =	shalt  }
0x4c: {  	_ =	shalt  }
0x4d: {  	_ =	shalt  }
0x4e: {  	_ =	shalt  }
0x4f: {  	_ =	shalt  }
0x50: {  	_ =	shalt  }
0x51: {  	_ =	shalt  }
0x52: {  	_ =	shalt  }
0x53: {  	_ =	shalt  }
0x54: {  	_ =	shalt  }
0x55: {  	_ =	shalt  }
0x56: {  	_ =	shalt  }
0x57: {  	_ =	shalt  }
0x58: {  	_ =	shalt  }
0x59: {  	_ =	shalt  }
0x5a: {  	_ =	shalt  }
0x5b: {  	_ =	shalt  }
0x5c: {  	_ =	shalt  }
0x5d: {  	_ =	shalt  }
0x5e: {  	_ =	shalt  }
0x5f: {  	_ =	shalt  }
0x60: {  	_ =	shalt  }
0x61: {  	_ =	shalt  }
0x62: {  	_ =	shalt  }
0x63: {  	_ =	shalt  }
0x64: {  	_ =	shalt  }
0x65: {  	_ =	shalt  }
0x66: {  	_ =	shalt  }
0x67: {  	_ =	shalt  }
0x68: {  	_ =	shalt  }
0x69: {  	_ =	shalt  }
0x6a: {  	_ =	shalt  }
0x6b: {  	_ =	shalt  }
0x6c: {  	_ =	shalt  }
0x6d: {  	_ =	shalt  }
0x6e: {  	_ =	shalt  }
0x6f: {  	_ =	shalt  }
0x70: {  	_ =	shalt  }
0x71: {  	_ =	shalt  }
0x72: {  	_ =	shalt  }
0x73: {  	_ =	shalt  }
0x74: {  	_ =	shalt  }
0x75: {  	_ =	shalt  }
0x76: {  	_ =	shalt  }
0x77: {  	_ =	shalt  }
0x78: {  	_ =	shalt  }
0x79: {  	_ =	shalt  }
0x7a: {  	_ =	shalt  }
0x7b: {  	_ =	shalt  }
0x7c: {  	_ =	shalt  }
0x7d: {  	_ =	shalt  }
0x7e: {  	_ =	shalt  }
0x7f: {  	_ =	shalt  }
0x80: {  	_ =	shalt  }
0x81: {  	_ =	shalt  }
0x82: {  	_ =	shalt  }
0x83: {  	_ =	shalt  }
0x84: {  	_ =	shalt  }
0x85: {  	_ =	shalt  }
0x86: {  	_ =	shalt  }
0x87: {  	_ =	shalt  }
.Lfunc_end0:
.L_simem_size_0:
called_computation_lowered:
.L_overlay_start_0:
0x88: {  	s2 =	sld [smem:$0x3FD9]  }
0x89: {  	s3 =	sld [smem:$0x3FFE];
	_ =	sdelay $0x1  }
0x8a: {  	s1 =	srdreg.scid  }
0x8b: {  	s0 =	sand.u32 $0x1, s1  }
0x8c: {  	s17 =	sshll.u32 s0, $0xA;
	s2 =	sadd.s32 s3, s2  }
0x8d: {  	s2 =	sadd.s32 s2, s17  }
0x8e: {  	[smem:$0x3FC0] =	sst s2  }
0x8f: {  	_ = 	snop  }
0x90: {  	(tm) =	ssettm $0x1  }
0x91: {  	s18 =	sld [smem:$0x3FFB];
	_ =	sdelay $0x3  }
0x92: {  	_ =	strace s18  }
0x93: {  	s2 =	sld [smem:$0x3FFC];
	_ =	sdelay $0x3  }
0x94: {  	_ =	strace s2  }
0x95: {  	s2 =	sld [smem:$0x3FFD];
	_ =	sdelay $0x3  }
0x96: {  	_ =	strace s2  }
0x97: {  	_ =	strace $0x8FFFFFFF  }
0x98: {  	s19 =	sld [smem:$0x3FDB];
	_ =	sdelay $0x1  }
0x99: {  	s20 =	simm.s32 $_scs_section_size  }
0x9a: {  	s4 =	simm.s32 $_size__tile_overlayer_lowered;
	s5 =	simm.s32 $_tile_overlayer_lowered  }
0x9b: {  	s6 =	simm.s32 $0x1BFF;
	s21 =	sshll.u32 s5, $0x1;
	s3 =	sadd.s32 s20, s19  }
0x9c: {  	s22 =	simm.s32 $0x0;
	s4 =	sshll.u32 s4, $0x1;
	s5 =	sadd.s32 s21, s3  }
0x9d: {  	[timem:s22], [sflag:s6] =	dma.local [hbm:s5], s4  }
0x9e: {  	_ =	swait.ge [sflag:s6], s4  }
0x9f: {  	s4 =	ssub.s32 $0x0, s4;
	[sflag:s6] =	ssyncset.done $0x0  }
0xa0: {  	[sflag:s6] =	ssyncadd.s32 s4;
	_ =	sdelay $0x1  }
0xa1: {  	s23 =	simm.s32 $0x1B8B  }
0xa2: {  	_ =	swait.ge [sflag:s23], $0x1  }
0xa3: {  	[sflag:s23] =	ssyncset.done $0x0  }
0xa4: {  	[sflag:s23] =	ssyncadd.s32 $0xFFFFFFFF  }
0xa5: {  	s4 =	sld [smem:$0x0]  }
0xa6: {  	s5 =	sand.u32 $0xFFFFFFFE, s1  }
0xa7: {  	p0 =	sne.s32 s1, s5  }
0xa8: {  	s5 =	sshll.u32 @p0 s5, $0xE  }
0xa9: {  	s5 =	sadd.s32 @p0 $0x11B8D, s5;
	s6 =	sshll.u32 @p0 s4, $0x11  }
0xaa: {  	s5 =	sor.u32 @p0 s6, s5  }
0xab: {  	[sflag:s5] =	ssyncadd.remote.s32 @p0 $0x1;
	_ =	sdelay $0x1  }
0xac: {  	s5 =	simm.s32 @p0 $0x1B8D  }
0xad: {  	_ =	swait.eq @p0 [sflag:s5], $0x1  }
0xae: {  	[sflag:s5] =	ssyncadd.s32 @p0 $0xFFFFFFFF  }
0xaf: {  	s6 =	sshll.u32 @!p0 s1, $0xE  }
0xb0: {  	s6 =	sor.u32 @!p0 $0x4000, s6;
	s5 =	simm.s32 @!p0 $0x1B8D  }
0xb1: {  	s4 =	sshll.u32 @!p0 s4, $0x11;
	s6 =	sadd.s32 @!p0 $0x11B8D, s6;
	_ =	swait.eq @!p0 [sflag:s5], $0x1  }
0xb2: {  	s4 =	sor.u32 @!p0 s4, s6;
	[sflag:s5] =	ssyncadd.s32 @!p0 $0xFFFFFFFF  }
0xb3: {  	s25 =	simm.s32 $0x1B8E;
	s24 =	sld [smem:$0x3FFE];
	[sflag:s4] =	ssyncadd.remote.s32 @!p0 $0x1  }
0xb4: {  	s26 =	simm.s32 $execute0_lowered;
	[smem:$0x3FD2] =	sst s25  }
0xb5: {  	s5 =	sshll.u32 s26, $0x1;
	_ =	strace $0x80000049;
	[dreg:$0x1] =	wrdreg $0xFFFFFFFF  }
0xb6: {  	s28 =	simm.s32 $_size_execute0_lowered;
	s3 =	sadd.s32 s3, s5;
	[dreg:$0x0] =	wrdreg $0x0  }
0xb7: {  	s5 =	sshll.u32 s28, $0x1;
	[dreg:$0x2] =	wrdreg s3  }
0xb8: {  	[dreg:$0x3] =	wrdreg s5  }
0xb9: {  	[dreg:$0x4] =	wrdreg $0xC0  }
0xba: {  	_ =	task [dreg:s22], $0x5FFFF  }
0xbb: {  	[dreg:$0x1] =	wrdreg $0xFFFFFFFF  }
0xbc: {  	[dreg:$0x0] =	wrdreg $0x60  }
0xbd: {  	[dreg:$0x2] =	wrdreg s24  }
0xbe: {  	[dreg:$0x3] =	wrdreg $0x0  }
0xbf: {  	[dreg:$0x4] =	wrdreg $0x9  }
0xc0: {  	_ =	task.clear_ibuf [dreg:s22], $0x5FFFF;
	_ =	strace $0x90000049  }
0xc1: {  	s29 =	simm.s32 $0x9;
	_ =	strace $0x8000004B  }
0xc2: {  	_ =	swait.ge [sflag:s29], $0x1  }
0xc3: {  	[sflag:s29] =	ssyncadd.s32 $0xFFFFFFFF  }
0xc4: {  	_ =	strace $0x9000004B  }
0xc5: {  	_ =	sfence  }
0xc6: {  	s30 =	sld [smem:$0x0];
	_ =	sdelay $0x2  }
0xc7: {  	s31 =	sshll.u32 s1, $0xD;
	s1 =	sshrl.u32 s1, $0x2  }
0xc8: {  	s4 =	sand.u32 $0x4000, s31;
	s1 =	sadd.s32 s1, s30  }
0xc9: {  	s0 =	sor.u32 s4, s0;
	s1 =	sshll.u32 s1, $0x11  }
0xca: {  	s0 =	sor.u32 s1, s0  }
0xcb: {  	s0 =	sadd.s32 $0x8F2B, s0  }
0xcc: {  	[sflag:s0] =	ssyncadd.remote.s32 $0x1  }
0xcd: {  	_ =	sfence.sel $0xFFFF  }
0xce: {  	[dreg:$0x0] =	wrdreg $0xFFFFFFFF;
	(pc) =	sbr.abs _section_cstart, $3  }
0xcf: {  	[dreg:$0x1] =	wrdreg $0xFFFFFFFF  }
0xd0: {  	_ =	task.clear_ibuf [dreg:s22], $0x2FFFF;
	_ =	strace $0x9FFFFFFF  }
0xd1: {  	(tm) =	ssettm $0x7FFFFFFF  }
tec
execute0_lowered:
.L_overlay_start_1:
0x0: {  	(tag) =	ssettag $0x1  }
0x1: {  	s0 =	rddreg [dreg:$0x0]  }
0x2: {  	s2 =	rddreg [dreg:$0x1]  }
0x3: {  	s14 =	stileid.u32;
	s1 =	srdreg.scid;
	s3 =	simm.s32 $0x0  }
0x4: {  	s15 =	simm.s32 $0x80;
	s17 =	simm.s32 $0x11E00;
	s19 =	simm.s32 $0x13E00  }
0x5: {  	s21 =	simm.s32 $0x15E00;
	s28 =	simm.s32 $0x4;
	s29 =	simm.s32 $0x5  }
0x6: {  	s30 =	simm.s32 $0x6;
	s31 =	simm.s32 $0x7;
	s9 =	smul.u32 $0x9E00, s14  }
0x7: {  	s1 =	sand.u32 $0x1, s1;
	[smem:$0x7FF] =	sst s3;
	s7 =	sadd.s32 $0x1F200, s0  }
0x8: {  	s8 =	sadd.s32 $0x15200, s0;
	s4 =	sadd.s32 $0x64600, s0;
	s11 =	sshll.u32 s14, $0x9  }
0x9: {  	s25 =	sshll.u32 s14, $0xB;
	s26 =	sshll.u32 s14, $0x6;
	s14 =	simm.s32 $0xA  }
0xa: {  	s5 =	smul.u32 $0x9E000, s1;
	_ =	strace $0x8000004A;
	s22 =	ssub.s32 $0x2, s1  }
0xb: {  	s24 =	sor.u32 $0x8000, s11;
	p0 =	sne.s32 s1, $0x0;
	s6 =	sshrl.u32 s9, $0x3  }
0xc: {  	s23 =	sshrl.u32 s22, $0x1;
	s13 =	sadd.s32 s9, s2;
	s5 =	sadd.s32 s9, s5  }
0xd: {  	s10 =	sadd.s32 s6, s0;
	s12 =	ssub.s32 s22, s23;
	s6 =	sadd.s32 s8, s24  }
0xe: {  	s8 =	sadd.s32 s8, s25;
	s13 =	sshrl.u32 s13, $0x3;
	s23 =	simm.s32 $0x17E00  }
0xf: {  	s5 =	sshrl.u32 s5, $0x3;
	s9 =	sadd.s32 $0x29200, s10;
	s11 =	smax.u32 s12, $0x1  }
0x10: {  	s12 =	sor.u32 $0x1C0A, s26;
	s26 =	simm.s32 $0x3;
	s0 =	sadd.s32 s5, s0  }
0x11: {  	s5 =	sadd.s32 s7, s24;
	s7 =	sadd.s32 s7, s25;
	s24 =	simm.s32 $0x1  }
0x12: {  	s25 =	simm.s32 $0x2;
	s10 =	sadd.s32 $0x78000, s0;
	s0 =	simm.s32 $0x8  }
.LBB2_1:
0x13: {  	s1 =	simm.s32 @p0 $0x0;
	s16 =	simm.s32 @p0 $0x9E00  }
0x14: {  	[tilespmem:s16], [sflag:$0x9] =	stream.linear.gather @p0 [hbm4b:s5+s1], $0x1000, $0x38;
	[tilespmem:$0x19E00] =	vst v63  }
0x15: {  	s16 =	simm.s32 @p0 $0xDE00  }
0x16: {  	[tilespmem:s16], [sflag:$0x9] =	stream.linear.gather @p0 [hbm4b:s6+s1], $0x1000, $0x38;
	[tilespmem:$0x19E00] =	vst v63  }
0x17: {  	s1 =	simm.s32 @!p0 $0x0;
	s16 =	simm.s32 @!p0 $0x9E00  }
0x18: {  	[tilespmem:s16], [sflag:$0x9] =	stream.linear.gather @!p0 [hbm4b:s7+s1], $0x4000, $0x38;
	[tilespmem:$0x19E00] =	vst v63  }
0x19: {  	s16 =	simm.s32 @!p0 $0xDE00  }
0x1a: {  	[tilespmem:s16], [sflag:$0x9] =	stream.linear.gather @!p0 [hbm4b:s8+s1], $0x4000, $0x38;
	[tilespmem:$0x19E00] =	vst v63  }
0x1b: {  	[spmem:s13], [sflag:s12] =	dma.local [hbm:s9], $0x13C0  }
0x1c: {  	_ =	swait.ge [sflag:s14], $0x13C0  }
0x1d: {  	[sflag:s14] =	ssyncset.done $0x0  }
0x1e: {  	s1 =	simm.s32 @p0 $0x9;
	[sflag:s14] =	ssyncadd.s32 $0xFFFFEC40  }
0x1f: {  	_ =	swait.ge @p0 [sflag:s1], $0x1000  }
0x20: {  	[sflag:s1] =	ssyncset.done @p0 $0x0  }
0x21: {  	[sflag:s1] =	ssyncadd.s32 @p0 $0xFFFFF000  }
0x22: {  	_ =	swait.ge @p0 [sflag:s1], $0x1000  }
0x23: {  	[sflag:s1] =	ssyncset.done @p0 $0x0  }
0x24: {  	[sflag:s1] =	ssyncadd.s32 @p0 $0xFFFFF000;
	s1 =	simm.s32 @!p0 $0x9  }
0x25: {  	_ =	swait.ge @!p0 [sflag:s1], $0x4000  }
0x26: {  	[sflag:s1] =	ssyncset.done @!p0 $0x0  }
0x27: {  	[sflag:s1] =	ssyncadd.s32 @!p0 $0xFFFFC000  }
0x28: {  	_ =	swait.ge @!p0 [sflag:s1], $0x4000  }
0x29: {  	[sflag:s1] =	ssyncset.done @!p0 $0x0  }
0x2a: {  	[sflag:s1] =	ssyncadd.s32 @!p0 $0xFFFFC000  }
0x2b: {  	s18 =	simm.s32 $0x9E00;
	[bflag:$0x0] =	sbarrier.arrive $0xFFFF  }
0x2c: {  	[tilespmem:s17], [sflag:$0x1] =	stream.indirect.gather [hbm4b:s4+s15], $0x40, s18, s15, $0xb8;
	[tilespmem:$0x19E00] =	vst v63  }
0x2d: {  	s20 =	simm.s32 $0x9E80  }
0x2e: {  	[tilespmem:s19], [sflag:$0x2] =	stream.indirect.gather [hbm4b:s4+s15], $0x40, s20, s15, $0xb8;
	[tilespmem:$0x19E00] =	vst v63  }
0x2f: {  	s22 =	simm.s32 $0x9F00  }
0x30: {  	[tilespmem:s21], [sflag:$0x3] =	stream.indirect.gather [hbm4b:s4+s15], $0x40, s22, s15, $0xb8;
	[tilespmem:$0x19E00] =	vst v63  }
0x31: {  	s16 =	simm.s32 $0x9F80  }
0x32: {  	[tilespmem:s23], [sflag:$0x4] =	stream.indirect.gather [hbm4b:s4+s15], $0x40, s16, s15, $0xb8;
	[tilespmem:$0x19E00] =	vst v63  }
0x33: {  	_ =	swait.ge [sflag:s24], $0x2000  }
0x34: {  	[sflag:s24] =	ssyncset.done $0x0  }
0x35: {  	s18 =	simm.s32 $0xDE00;
	[sflag:s24] =	ssyncadd.s32 $0xFFFFE000  }
0x36: {  	[spmem:s2] =	stream.indirect.scatter.add.f32 [tilespmem:s17], [sflag:$0x5], $0x40, s18, s15, $0xb8;
	[tilespmem:$0x19E00] =	vst v63  }
0x37: {  	_ =	swait.ge [sflag:s25], $0x2000  }
0x38: {  	[sflag:s25] =	ssyncset.done $0x0  }
0x39: {  	s20 =	simm.s32 $0xDE80;
	[sflag:s25] =	ssyncadd.s32 $0xFFFFE000  }
0x3a: {  	[spmem:s2] =	stream.indirect.scatter.add.f32 [tilespmem:s19], [sflag:$0x6], $0x40, s20, s15, $0xb8;
	[tilespmem:$0x19E00] =	vst v63  }
0x3b: {  	_ =	swait.ge [sflag:s26], $0x2000  }
0x3c: {  	[sflag:s26] =	ssyncset.done $0x0  }
0x3d: {  	s22 =	simm.s32 $0xDF00;
	[sflag:s26] =	ssyncadd.s32 $0xFFFFE000  }
0x3e: {  	[spmem:s2] =	stream.indirect.scatter.add.f32 [tilespmem:s21], [sflag:$0x7], $0x40, s22, s15, $0xb8;
	[tilespmem:$0x19E00] =	vst v63  }
0x3f: {  	_ =	swait.ge [sflag:s28], $0x2000  }
0x40: {  	[sflag:s28] =	ssyncset.done $0x0  }
0x41: {  	s16 =	simm.s32 $0xDF80;
	[sflag:s28] =	ssyncadd.s32 $0xFFFFE000  }
0x42: {  	[spmem:s2] =	stream.indirect.scatter.add.f32 [tilespmem:s23], [sflag:$0x8], $0x40, s16, s15, $0xb8;
	[tilespmem:$0x19E00] =	vst v63  }
0x43: {  	_ =	swait.ge [sflag:s29], $0x2000  }
0x44: {  	[sflag:s29] =	ssyncset.done $0x0  }
0x45: {  	s18 =	simm.s32 $0xA000;
	[sflag:s29] =	ssyncadd.s32 $0xFFFFE000  }
0x46: {  	[tilespmem:s17], [sflag:$0x1] =	stream.indirect.gather [hbm4b:s4+s15], $0x40, s18, s15, $0xb8;
	[tilespmem:$0x19E00] =	vst v63  }
0x47: {  	_ =	swait.ge [sflag:s30], $0x2000  }
0x48: {  	s1 =	simm.s32 @!p0 $0x1F;
	[sflag:s30] =	ssyncset.done $0x0  }
0x49: {  	s1 =	simm.s32 @p0 $0x7;
	s20 =	simm.s32 $0xA080;
	[sflag:s30] =	ssyncadd.s32 $0xFFFFE000  }
0x4a: {  	[tilespmem:s19], [sflag:$0x2] =	stream.indirect.gather [hbm4b:s4+s15], $0x40, s20, s15, $0xb8;
	[tilespmem:$0x19E00] =	vst v63  }
0x4b: {  	s16 =	sshll.u32 s1, $0xB;
	_ =	swait.ge [sflag:s31], $0x2000  }
0x4c: {  	p1 =	sne.s32 s16, $0x800;
	[sflag:s31] =	ssyncset.done $0x0  }
.Ltmp0:
0x4d: {  	s22 =	simm.s32 $0xA100;
	[sflag:s31] =	ssyncadd.s32 $0xFFFFE000;
	(pc) =	sbr.rel @!p1 .LBB2_3-.Ltmp0, $4  }
0x4e: {  	[tilespmem:s21], [sflag:$0x3] =	stream.indirect.gather [hbm4b:s4+s15], $0x40, s22, s15, $0xb8;
	[tilespmem:$0x19E00] =	vst v63  }
0x4f: {  	_ =	swait.ge [sflag:s0], $0x2000  }
0x50: {  	[sflag:s0] =	ssyncset.done $0x0  }
0x51: {  	s18 =	simm.s32 $0x800;
	s20 =	simm.s32 $0xA180;
	[sflag:s0] =	ssyncadd.s32 $0xFFFFE000  }
.LBB2_2:
0x52: {  	[tilespmem:s23], [sflag:$0x4] =	stream.indirect.gather [hbm4b:s4+s15], $0x40, s20, s15, $0xb8;
	[tilespmem:$0x19E00] =	vst v63  }
0x53: {  	s20 =	smov.u32 s18;
	s18 =	sadd.s32 $0x800, s18;
	_ =	swait.ge [sflag:s24], $0x2000  }
0x54: {  	s20 =	sshra.s32 s20, $0x2;
	p1 =	sne.s32 s16, s18;
	[sflag:s24] =	ssyncset.done $0x0  }
0x55: {  	s22 =	sadd.s32 $0xDE00, s20;
	[sflag:s24] =	ssyncadd.s32 $0xFFFFE000  }
0x56: {  	[spmem:s2] =	stream.indirect.scatter.add.f32 [tilespmem:s17], [sflag:$0x5], $0x40, s22, s15, $0xb8;
	[tilespmem:$0x19E00] =	vst v63  }
0x57: {  	_ =	swait.ge [sflag:s25], $0x2000  }
0x58: {  	[sflag:s25] =	ssyncset.done $0x0  }
0x59: {  	s22 =	sadd.s32 $0xDE80, s20;
	[sflag:s25] =	ssyncadd.s32 $0xFFFFE000  }
0x5a: {  	[spmem:s2] =	stream.indirect.scatter.add.f32 [tilespmem:s19], [sflag:$0x6], $0x40, s22, s15, $0xb8;
	[tilespmem:$0x19E00] =	vst v63  }
0x5b: {  	_ =	swait.ge [sflag:s26], $0x2000  }
0x5c: {  	[sflag:s26] =	ssyncset.done $0x0  }
0x5d: {  	s22 =	sadd.s32 $0xDF00, s20;
	[sflag:s26] =	ssyncadd.s32 $0xFFFFE000  }
0x5e: {  	[spmem:s2] =	stream.indirect.scatter.add.f32 [tilespmem:s21], [sflag:$0x7], $0x40, s22, s15, $0xb8;
	[tilespmem:$0x19E00] =	vst v63  }
0x5f: {  	_ =	swait.ge [sflag:s28], $0x2000  }
0x60: {  	[sflag:s28] =	ssyncset.done $0x0  }
0x61: {  	s22 =	sadd.s32 $0xDF80, s20;
	[sflag:s28] =	ssyncadd.s32 $0xFFFFE000  }
0x62: {  	[spmem:s2] =	stream.indirect.scatter.add.f32 [tilespmem:s23], [sflag:$0x8], $0x40, s22, s15, $0xb8;
	[tilespmem:$0x19E00] =	vst v63  }
0x63: {  	_ =	swait.ge [sflag:s29], $0x2000  }
0x64: {  	[sflag:s29] =	ssyncset.done $0x0  }
0x65: {  	s22 =	sadd.s32 $0xA000, s20;
	[sflag:s29] =	ssyncadd.s32 $0xFFFFE000  }
0x66: {  	[tilespmem:s17], [sflag:$0x1] =	stream.indirect.gather [hbm4b:s4+s15], $0x40, s22, s15, $0xb8;
	[tilespmem:$0x19E00] =	vst v63  }
0x67: {  	_ =	swait.ge [sflag:s30], $0x2000  }
0x68: {  	[sflag:s30] =	ssyncset.done $0x0  }
0x69: {  	s22 =	sadd.s32 $0xA080, s20;
	[sflag:s30] =	ssyncadd.s32 $0xFFFFE000  }
0x6a: {  	[tilespmem:s19], [sflag:$0x2] =	stream.indirect.gather [hbm4b:s4+s15], $0x40, s22, s15, $0xb8;
	[tilespmem:$0x19E00] =	vst v63  }
0x6b: {  	_ =	swait.ge [sflag:s31], $0x2000  }
0x6c: {  	[sflag:s31] =	ssyncset.done $0x0  }
.Ltmp1:
0x6d: {  	s22 =	sadd.s32 $0xA100, s20;
	[sflag:s31] =	ssyncadd.s32 $0xFFFFE000;
	(pc) =	sbr.rel @p1 .LBB2_2-.Ltmp1, $4  }
0x6e: {  	[tilespmem:s21], [sflag:$0x3] =	stream.indirect.gather [hbm4b:s4+s15], $0x40, s22, s15, $0xb8;
	[tilespmem:$0x19E00] =	vst v63  }
0x6f: {  	_ =	swait.ge [sflag:s0], $0x2000  }
0x70: {  	[sflag:s0] =	ssyncset.done $0x0  }
0x71: {  	s20 =	sadd.s32 $0xA180, s20;
	[sflag:s0] =	ssyncadd.s32 $0xFFFFE000  }
.LBB2_3:
0x72: {  	[tilespmem:s23], [sflag:$0x4] =	stream.indirect.gather [hbm4b:s4+s15], $0x40, s20, s15, $0xb8;
	[tilespmem:$0x19E00] =	vst v63  }
0x73: {  	_ =	swait.ge [sflag:s24], $0x2000  }
0x74: {  	s1 =	sshll.u32 s1, $0x9;
	[sflag:s24] =	ssyncset.done $0x0  }
0x75: {  	s16 =	sadd.s32 $0xDE00, s1;
	[sflag:s24] =	ssyncadd.s32 $0xFFFFE000  }
0x76: {  	[spmem:s2] =	stream.indirect.scatter.add.f32 [tilespmem:s17], [sflag:$0x5], $0x40, s16, s15, $0xb8;
	[tilespmem:$0x19E00] =	vst v63  }
0x77: {  	_ =	swait.ge [sflag:s25], $0x2000  }
0x78: {  	[sflag:s25] =	ssyncset.done $0x0  }
0x79: {  	s20 =	sadd.s32 $0xDE80, s1;
	[sflag:s25] =	ssyncadd.s32 $0xFFFFE000  }
0x7a: {  	[spmem:s2] =	stream.indirect.scatter.add.f32 [tilespmem:s19], [sflag:$0x6], $0x40, s20, s15, $0xb8;
	[tilespmem:$0x19E00] =	vst v63  }
0x7b: {  	_ =	swait.ge [sflag:s26], $0x2000  }
0x7c: {  	[sflag:s26] =	ssyncset.done $0x0  }
0x7d: {  	s22 =	sadd.s32 $0xDF00, s1;
	[sflag:s26] =	ssyncadd.s32 $0xFFFFE000  }
0x7e: {  	[spmem:s2] =	stream.indirect.scatter.add.f32 [tilespmem:s21], [sflag:$0x7], $0x40, s22, s15, $0xb8;
	[tilespmem:$0x19E00] =	vst v63  }
0x7f: {  	_ =	swait.ge [sflag:s28], $0x2000  }
0x80: {  	[sflag:s28] =	ssyncset.done $0x0  }
0x81: {  	s1 =	sadd.s32 $0xDF80, s1;
	[sflag:s28] =	ssyncadd.s32 $0xFFFFE000  }
0x82: {  	[spmem:s2] =	stream.indirect.scatter.add.f32 [tilespmem:s23], [sflag:$0x8], $0x40, s1, s15, $0xb8;
	[tilespmem:$0x19E00] =	vst v63  }
0x83: {  	_ =	swait.ge [sflag:s29], $0x2000  }
0x84: {  	[sflag:s29] =	ssyncset.done $0x0  }
0x85: {  	[sflag:s29] =	ssyncadd.s32 $0xFFFFE000  }
0x86: {  	_ =	swait.ge [sflag:s30], $0x2000  }
0x87: {  	[sflag:s30] =	ssyncset.done $0x0  }
0x88: {  	[sflag:s30] =	ssyncadd.s32 $0xFFFFE000  }
0x89: {  	_ =	swait.ge [sflag:s31], $0x2000  }
0x8a: {  	[sflag:s31] =	ssyncset.done $0x0  }
0x8b: {  	[sflag:s31] =	ssyncadd.s32 $0xFFFFE000  }
0x8c: {  	_ =	swait.ge [sflag:s0], $0x2000  }
0x8d: {  	s3 =	sadd.s32 $0x1, s3;
	[sflag:s0] =	ssyncset.done $0x0  }
0x8e: {  	p1 =	sne.s32 s3, s11;
	[sflag:s0] =	ssyncadd.s32 $0xFFFFE000  }
.Ltmp2:
0x8f: {  	[bflag:$0x0] =	sbarrier.arrive $0xFFFF;
	(pc) =	sbr.rel @p1 .LBB2_1-.Ltmp2, $4  }
0x90: {  	[hbm:s10], [sflag:s12] =	dma.local [spmem:s13], $0x13C0  }
0x91: {  	_ =	swait.ge [sflag:s14], $0x13C0  }
0x92: {  	[sflag:s14] =	ssyncset.done $0x0  }
0x93: {  	[sflag:s14] =	ssyncadd.s32 $0xFFFFEC40  }
0x94: {  	_ =	sfence.sel $0x180000  }
0x95: {  	[bflag:$0x0] =	sbarrier.arrive $0xFFFF  }
0x96: {  	_ =	strace $0x9000004A  }
0x97: {  	s0 =	stileid.u32;
	[bflag:$0x2] =	sbarrier.arrive $0xFFFF  }
0x98: {  	p0 =	sne.s32 s0, $0x0;
	s0 =	rddreg [dreg:$0x2]  }
0x99: {  	s0 =	sadd.s32 @!p0 $0x100000, s0  }
0x9a: {  	[sflag:s0] =	ssyncadd.tile.s32 @!p0 $0x1;
	_ =	shalt  }
.Lfunc_end2:
_tile_overlayer_lowered:
.L_overlay_start_2:
0x9b: {  	(tag) =	ssettag $0x2  }
0x9c: {  	s0 =	rddreg [dreg:$0x0];
	s2 =	stileid.u32  }
0x9d: {  	s1 =	rddreg [dreg:$0x1];
	p0 =	sne.s32 s2, $0x0  }
0x9e: {  	s3 =	rddreg [dreg:$0x2];
	[bflag:$0x3] =	sbarrier.arrive $0xFFFF;
	s2 =	simm.s32 @!p0 $0x1C0A  }
0x9f: {  	[timem:s3], [sflag:s2] =	dma.local @!p0 [hbm:s0], s1  }
0xa0: {  	s0 =	simm.s32 @!p0 $0xA  }
0xa1: {  	_ =	swait.ge @!p0 [sflag:s0], s1  }
0xa2: {  	s1 =	ssub.s32 @!p0 $0x0, s1;
	[sflag:s0] =	ssyncset.done @!p0 $0x0  }
0xa3: {  	[sflag:s0] =	ssyncadd.s32 @!p0 s1  }
0xa4: {  	[bflag:$0x3] =	sbarrier.arrive $0xFFFF  }
0xa5: {  	_ =	shalt  }

</sc_bundles>
